<compile_context>
chip_gen: v7x
topology: tpu7x:2x2x1
jax: 0.10.2.dev20260603
libtpu: 0.0.44.dev20260713+nightly
codegen_flags: <defaults>
</compile_context>

<pallas_src>
import functools

import jax
import jax.numpy as jnp
from jax import lax
from jax.experimental import pallas as pl
from jax.experimental.pallas import tpu as pltpu
from jax.experimental.pallas import tpu_sc as plsc

B = 8
N = 512 * 512
NC, NS, L = 2, 16, 16
NW = NC * NS
E = (B * N) // NW
CHUNK = 8192
NCHUNK = E // CHUNK
GROUPS = B // NC
WPG = NS // GROUPS
SROW = 3 * L


def _sel4(g, v0, v1, v2, v3):
    return jnp.where(g == 0, v0, jnp.where(g == 1, v1, jnp.where(g == 2, v2, v3)))


def _ohem_body(o_hbm, t_hbm, out_hbm,
               o_buf, t_buf, mbuf,
               stat_stage, stat_sh, stat_rd,
               icnt_stage, icnt_sh, icnt_rd,
               gsum_stage, gsum_sh, gsum_rd,
               row_buf, dsem0, dsem1, dsem2):
    c = lax.axis_index("c")
    s = lax.axis_index("s")
    g = s // WPG
    s_id = c * GROUPS + g
    row0 = (s % WPG) * (E // 512)
    CROWS = CHUNK // 512

    sems = (dsem0, dsem1, dsem2)
    NBUF = 3

    def start(ci):
        b = ci % NBUF
        src = (s_id, pl.ds(row0 + ci * CROWS, CROWS), slice(None))
        ho = pltpu.async_copy(o_hbm.at[src], o_buf.at[b], sems[b])
        ht = pltpu.async_copy(t_hbm.at[src], t_buf.at[b], sems[b])
        return ho, ht

    acc = tuple(jnp.zeros((L,), jnp.float32) for _ in range(3))
    handles = [start(0), start(1), None]
    for ci in range(NCHUNK):
        b = ci % NBUF
        if ci + 2 < NCHUNK:
            handles[(ci + 2) % NBUF] = start(ci + 2)
        ho, ht = handles[b]
        ho.wait()
        ht.wait()

        def chunk_body(i, accs, ci=ci, b=b):
            cntf, spos, sall = accs
            r = i // 32
            col = (i % 32) * L
            ov = o_buf[b, r, pl.ds(col, L)]
            tv = t_buf[b, r, pl.ds(col, L)]
            d = ov - tv
            lv = d * d
            pos = tv > 0.0
            bits = lax.bitcast_convert_type(lv, jnp.int32)
            mbuf[pl.ds(ci * CHUNK + i * L, L)] = jnp.where(
                pos, jnp.int32(-1), bits)
            return (cntf + jnp.where(pos, 1.0, 0.0),
                    spos + jnp.where(pos, lv, 0.0),
                    sall + lv)

        acc = plsc.parallel_loop(0, CHUNK // L, step=1, unroll=8,
                                 carry=acc)(chunk_body)

    cntf, spos, sall = acc

    stat_stage[pl.ds(0, L)] = cntf
    stat_stage[pl.ds(L, L)] = spos
    stat_stage[pl.ds(2 * L, L)] = sall
    pltpu.sync_copy(stat_stage, stat_sh.at[pl.ds(s * SROW, SROW)])
    plsc.subcore_barrier()
    pltpu.sync_copy(stat_sh, stat_rd)

    ps, sps, sas, ks, negs = [], [], [], [], []
    for gi in range(GROUPS):
        cv = jnp.zeros((L,), jnp.float32)
        sv = jnp.zeros((L,), jnp.float32)
        av = jnp.zeros((L,), jnp.float32)
        for wi in range(WPG):
            r = (gi * WPG + wi) * SROW
            cv = cv + stat_rd[pl.ds(r, L)]
            sv = sv + stat_rd[pl.ds(r + L, L)]
            av = av + stat_rd[pl.ds(r + 2 * L, L)]
        p_i = jnp.sum(cv).astype(jnp.int32)
        neg_i = N - p_i
        k0 = 3 * p_i
        k = jnp.where(k0 + p_i > N, neg_i, k0)
        ps.append(p_i)
        sps.append(jnp.sum(sv))
        sas.append(jnp.sum(av))
        ks.append(k)
        negs.append(neg_i)

    def bc(x):
        return jnp.broadcast_to(x, (L,))

    fasts, needs, pms = [], [], []
    nf = jnp.float32(N)
    for gi in range(GROUPS):
        pf = ps[gi].astype(jnp.float32)
        negf = negs[gi].astype(jnp.float32)
        pm = bc(sps[gi]) / bc(pf)
        mean_all = bc(sas[gi]) / bc(nf)
        fast = jnp.where(ks[gi] < 10, mean_all,
                         pm + bc(sas[gi] - sps[gi]) / bc(negf))
        fasts.append(fast)
        pms.append(pm)
        needs.append((ks[gi] >= 10) & (ks[gi] < negs[gi]))

    need_any = needs[0] | needs[1] | needs[2] | needs[3]
    fast_mine = _sel4(g, *fasts)

    def search_branch():
        k_mine = _sel4(g, *ks)

        def sbody(i, prefix):
            cand = prefix | (jnp.int32(1) << (30 - i))

            def cbody(j, acc):
                x = mbuf[pl.ds(j * L, L)]
                return acc + jnp.where(x >= cand, jnp.int32(1), jnp.int32(0))

            acc = lax.fori_loop(0, E // L, cbody, jnp.zeros((L,), jnp.int32))
            icnt_stage[...] = acc
            pltpu.sync_copy(icnt_stage, icnt_sh.at[pl.ds(s * L, L)])
            plsc.subcore_barrier()
            pltpu.sync_copy(icnt_sh, icnt_rd)
            plsc.subcore_barrier()
            tots = []
            for gi in range(GROUPS):
                tv = jnp.zeros((L,), jnp.int32)
                for wi in range(WPG):
                    tv = tv + icnt_rd[pl.ds((gi * WPG + wi) * L, L)]
                tots.append(jnp.sum(tv))
            tot_mine = _sel4(g, *tots)
            return jnp.where(tot_mine >= k_mine, cand, prefix)

        tau = lax.fori_loop(0, 31, sbody, jnp.int32(0))
        tauf = lax.bitcast_convert_type(tau, jnp.float32)

        def gbody(j, carry):
            accc, accs = carry
            x = mbuf[pl.ds(j * L, L)]
            gt = x > tau
            accc = accc + jnp.where(gt, jnp.int32(1), jnp.int32(0))
            accs = accs + jnp.where(gt, lax.bitcast_convert_type(x, jnp.float32), 0.0)
            return accc, accs

        accc, accs = lax.fori_loop(0, E // L, gbody,
                                   (jnp.zeros((L,), jnp.int32),
                                    jnp.zeros((L,), jnp.float32)))
        icnt_stage[...] = accc
        gsum_stage[...] = accs
        pltpu.sync_copy(icnt_stage, icnt_sh.at[pl.ds(s * L, L)])
        pltpu.sync_copy(gsum_stage, gsum_sh.at[pl.ds(s * L, L)])
        plsc.subcore_barrier()
        pltpu.sync_copy(icnt_sh, icnt_rd)
        pltpu.sync_copy(gsum_sh, gsum_rd)
        cts, sts = [], []
        for gi in range(GROUPS):
            cv = jnp.zeros((L,), jnp.int32)
            sv = jnp.zeros((L,), jnp.float32)
            for wi in range(WPG):
                r = (gi * WPG + wi) * L
                cv = cv + icnt_rd[pl.ds(r, L)]
                sv = sv + gsum_rd[pl.ds(r, L)]
            cts.append(jnp.sum(cv))
            sts.append(jnp.sum(sv))
        cnt_gt = _sel4(g, *cts).astype(jnp.float32)
        sum_gt = _sel4(g, *sts)
        kf = k_mine.astype(jnp.float32)
        topk = sum_gt + (kf - cnt_gt) * tauf
        pm_mine = _sel4(g, *pms)
        need_mine = _sel4(g, *needs)
        return jnp.where(need_mine, pm_mine + bc(topk) / bc(kf), fast_mine)

    loss_mine = lax.cond(need_any, search_branch, lambda: fast_mine)

    @pl.when(s % WPG == 0)
    def _():
        row_buf[...] = loss_mine
        pltpu.sync_copy(row_buf, out_hbm.at[pl.ds((c * GROUPS + g) * L, L)])


_ohem = functools.partial(
    pl.kernel,
    out_type=jax.ShapeDtypeStruct((B * L,), jnp.float32),
    mesh=plsc.VectorSubcoreMesh(core_axis_name="c", subcore_axis_name="s"),
    compiler_params=pltpu.CompilerParams(needs_layout_passes=False),
    scratch_types=[
        pltpu.VMEM((3, CHUNK // 512, 512), jnp.float32),
        pltpu.VMEM((3, CHUNK // 512, 512), jnp.float32),
        pltpu.VMEM((E,), jnp.int32),
        pltpu.VMEM((SROW,), jnp.float32),
        pltpu.VMEM_SHARED((NS * SROW,), jnp.float32),
        pltpu.VMEM((NS * SROW,), jnp.float32),
        pltpu.VMEM((L,), jnp.int32),
        pltpu.VMEM_SHARED((NS * L,), jnp.int32),
        pltpu.VMEM((NS * L,), jnp.int32),
        pltpu.VMEM((L,), jnp.float32),
        pltpu.VMEM_SHARED((NS * L,), jnp.float32),
        pltpu.VMEM((NS * L,), jnp.float32),
        pltpu.VMEM((L,), jnp.float32),
        pltpu.SemaphoreType.DMA,
        pltpu.SemaphoreType.DMA,
        pltpu.SemaphoreType.DMA,
    ],
)(_ohem_body)


def kernel(output_imgs, target_imgs):
    return jnp.mean(_ohem(output_imgs, target_imgs))

# --- scband reference (transcript-rebuilt; emitter-appended) ---
"""Pipeline reference for scband-mse-ohem-loss-3169685865353 (READ-ONLY COPY).

The authoritative reference and input builder live on the scoring server;
editing this copy changes nothing except your own understanding.
"""

import jax, jax.numpy as jnp
import numpy as np


def setup_inputs(seed: int = 0) -> dict:
    key = jax.random.key(seed)
    k1, k2 = jax.random.split(key)
    return {
        "output_imgs": jax.random.normal(k1, (8, 512, 512), dtype=jnp.float32),
        "target_imgs": jax.random.normal(k2, (8, 512, 512), dtype=jnp.float32),
    }


def reference(output_imgs, target_imgs):
    # Faithful port of MSE_OHEM_Loss.forward.
    # Per-sample: elementwise MSE; positives = target > 0; hard-negative
    # mining keeps top-k negative losses with k = min(3*num_pos, num_all - num_pos).
    B = output_imgs.shape[0]
    losses = []
    for i in range(B):
        o = output_imgs[i].reshape(-1)
        t = target_imgs[i].reshape(-1)
        sample_loss = (o - t) ** 2  # nn.MSELoss(reduction='none')
        pos_mask = t > 0
        num_pos = jnp.sum(pos_mask)
        num_all = o.shape[0]
        k = num_pos * 3
        k = jnp.where(k + num_pos > num_all, num_all - num_pos, k)
        positive_mean = jnp.sum(jnp.where(pos_mask, sample_loss, 0.0)) / num_pos.astype(
            sample_loss.dtype
        )
        # masked_select(negatives) + topk  ==  top_k over loss with positives set to -inf
        neg_vals = jnp.where(pos_mask, -jnp.inf, sample_loss)
        sorted_desc, _ = jax.lax.top_k(neg_vals, num_all)
        keep = jnp.arange(num_all) < k
        topk_mean = jnp.sum(jnp.where(keep, sorted_desc, 0.0)) / k.astype(
            sample_loss.dtype
        )
        losses.append(
            jnp.where(k < 10, jnp.mean(sample_loss), positive_mean + topk_mean)
        )
    return jnp.mean(jnp.stack(losses))

if __name__ == "__main__":
    import jax
    _d = setup_inputs()
    print(jax.jit(kernel)(*tuple(_d.values())))

</pallas_src>

<mosaic_0001>
#map = affine_map<(d0, d1) -> (0, 0, 0)>
#map1 = affine_map<(d0, d1) -> (0)>
module attributes {stable_mosaic.version = 14 : i64} {
  func.func @_ohem_body(%arg0: i32, %arg1: i32, %arg2: memref<8x512x512xf32, #tpu.memory_space<hbm>>, %arg3: memref<8x512x512xf32, #tpu.memory_space<hbm>>, %arg4: memref<128xf32, #tpu.memory_space<hbm>>, %arg5: memref<3x16x512xf32, #tpu.memory_space<vmem>>, %arg6: memref<3x16x512xf32, #tpu.memory_space<vmem>>, %arg7: memref<65536xi32, #tpu.memory_space<vmem>>, %arg8: memref<48xf32, #tpu.memory_space<vmem>>, %arg9: memref<768xf32, #tpu.memory_space<vmem_shared>>, %arg10: memref<768xf32, #tpu.memory_space<vmem>>, %arg11: memref<16xi32, #tpu.memory_space<vmem>>, %arg12: memref<256xi32, #tpu.memory_space<vmem_shared>>, %arg13: memref<256xi32, #tpu.memory_space<vmem>>, %arg14: memref<16xf32, #tpu.memory_space<vmem>>, %arg15: memref<256xf32, #tpu.memory_space<vmem_shared>>, %arg16: memref<256xf32, #tpu.memory_space<vmem>>, %arg17: memref<16xf32, #tpu.memory_space<vmem>>, %arg18: memref<!tpu.dma_semaphore, #tpu.memory_space<semaphore_mem>>, %arg19: memref<!tpu.dma_semaphore, #tpu.memory_space<semaphore_mem>>, %arg20: memref<!tpu.dma_semaphore, #tpu.memory_space<semaphore_mem>>) attributes {dimension_semantics = [#tpu.dimension_semantics<core_parallel>, #tpu.dimension_semantics<subcore_parallel>], iteration_bounds = array<i64: 2, 16>, scalar_prefetch = 0 : i64, scratch_operands = 16 : i64, tpu.core_type = #tpu.core_type<sc_vector_subcore>, window_params = [{transform_indices = #map}, {transform_indices = #map}, {transform_indices = #map1}]} {
    %jit3A = arith.constant 4 : i32
    %div3A = arith.divsi %arg1, %jit3A : i32
    %sign3A = arith.constant 0 : i32
    %sign3A_0 = arith.cmpi sgt, %arg1, %sign3A : i32
    %sign3A_1 = arith.extui %sign3A_0 : i1 to i32
    %sign3A_2 = arith.constant 0 : i32
    %sign3A_3 = arith.cmpi slt, %arg1, %sign3A_2 : i32
    %sign3A_4 = arith.extui %sign3A_3 : i1 to i32
    %sign3A_5 = arith.subi %sign3A_1, %sign3A_4 : i32
    %sign3A_6 = arith.constant 0 : i32
    %sign3A_7 = arith.cmpi sgt, %jit3A, %sign3A_6 : i32
    %sign3A_8 = arith.extui %sign3A_7 : i1 to i32
    %sign3A_9 = arith.constant 0 : i32
    %sign3A_10 = arith.cmpi slt, %jit3A, %sign3A_9 : i32
    %sign3A_11 = arith.extui %sign3A_10 : i1 to i32
    %sign3A_12 = arith.subi %sign3A_8, %sign3A_11 : i32
    %ne3A = arith.cmpi ne, %sign3A_5, %sign3A_12 : i32
    %rem3A = arith.remsi %arg1, %jit3A : i32
    %ne3A_13 = arith.constant 0 : i32
    %ne3A_14 = arith.cmpi ne, %rem3A, %ne3A_13 : i32
    %and3A = arith.andi %ne3A, %ne3A_14 : i1
    %sub3A = arith.constant 1 : i32
    %sub3A_15 = arith.subi %div3A, %sub3A : i32
    %select_n3A = arith.select %and3A, %sub3A_15, %div3A : i32
    %mul3A = arith.constant 4 : i32
    %mul3A_16 = arith.muli %arg0, %mul3A : i32
    %add3A = arith.addi %mul3A_16, %select_n3A : i32
    %jit3A_17 = arith.constant 4 : i32
    %eq3A = arith.constant 0 : i32
    %eq3A_18 = arith.cmpi eq, %jit3A_17, %eq3A : i32
    %jit3A_19 = arith.constant 1 : i32
    %select_n3A_20 = arith.select %eq3A_18, %jit3A_19, %jit3A_17 : i32
    %rem3A_21 = arith.remsi %arg1, %select_n3A_20 : i32
    %ne3A_22 = arith.constant 0 : i32
    %ne3A_23 = arith.cmpi ne, %rem3A_21, %ne3A_22 : i32
    %lt3A = arith.constant 0 : i32
    %lt3A_24 = arith.cmpi slt, %rem3A_21, %lt3A : i32
    %lt3A_25 = arith.constant 0 : i32
    %lt3A_26 = arith.cmpi slt, %select_n3A_20, %lt3A_25 : i32
    %ne3A_27 = arith.xori %lt3A_24, %lt3A_26 : i1
    %and3A_28 = arith.andi %ne3A_27, %ne3A_23 : i1
    %add3A_29 = arith.addi %rem3A_21, %select_n3A_20 : i32
    %select_n3A_30 = arith.select %and3A_28, %add3A_29, %rem3A_21 : i32
    %mul3A_31 = arith.constant 128 : i32
    %mul3A_32 = arith.muli %select_n3A_30, %mul3A_31 : i32
    %broadcast_in_dim3A = arith.constant 0.000000e+00 : f32
    %broadcast_in_dim3A_33 = vector.broadcast %broadcast_in_dim3A : f32 to vector<16xf32>
    %broadcast_in_dim3A_34 = arith.constant 0.000000e+00 : f32
    %broadcast_in_dim3A_35 = vector.broadcast %broadcast_in_dim3A_34 : f32 to vector<16xf32>
    %broadcast_in_dim3A_36 = arith.constant 0.000000e+00 : f32
    %broadcast_in_dim3A_37 = vector.broadcast %broadcast_in_dim3A_36 : f32 to vector<16xf32>
    %add3A_38 = arith.constant 0 : i32
    %add3A_39 = arith.addi %mul3A_32, %add3A_38 : i32
    %dma_start3A = arith.constant 0 : i32
    %dma_start3A_40 = arith.constant 0 : i32
    %dma_start3A_41 = arith.constant 0 : i32
    %dma_start3A_42 = tpu.memref_slice %arg5[%dma_start3A, %dma_start3A_40, %dma_start3A_41] : memref<3x16x512xf32, #tpu.memory_space<vmem>> -> memref<1x16x512xf32, #tpu.memory_space<vmem>>
    %dma_start3A_43 = tpu.memref_squeeze %dma_start3A_42 : memref<1x16x512xf32, #tpu.memory_space<vmem>> -> memref<16x512xf32, #tpu.memory_space<vmem>>
    %dma_start3A_44 = arith.constant 0 : i32
    %dma_start3A_45 = tpu.memref_slice %arg2[%add3A, %add3A_39, %dma_start3A_44] : memref<8x512x512xf32, #tpu.memory_space<hbm>> -> memref<1x16x512xf32, #tpu.memory_space<hbm>>
    %dma_start3A_46 = tpu.memref_squeeze %dma_start3A_45 : memref<1x16x512xf32, #tpu.memory_space<hbm>> -> memref<16x512xf32, #tpu.memory_space<hbm>>
    %dma_start3A_47 = arith.constant 0 : i32
    %dma_start3A_48 = arith.constant 0 : i32
    %dma_start3A_49 = tpu.memref_slice %arg5[%dma_start3A, %dma_start3A_47, %dma_start3A_48] : memref<3x16x512xf32, #tpu.memory_space<vmem>> -> memref<1x16x512xf32, #tpu.memory_space<vmem>>
    %dma_start3A_50 = tpu.memref_squeeze %dma_start3A_49 : memref<1x16x512xf32, #tpu.memory_space<vmem>> -> memref<16x512xf32, #tpu.memory_space<vmem>>
    %dma_start3A_51 = arith.constant 0 : i32
    %dma_start3A_52 = tpu.memref_slice %arg2[%add3A, %add3A_39, %dma_start3A_51] : memref<8x512x512xf32, #tpu.memory_space<hbm>> -> memref<1x16x512xf32, #tpu.memory_space<hbm>>
    %dma_start3A_53 = tpu.memref_squeeze %dma_start3A_52 : memref<1x16x512xf32, #tpu.memory_space<hbm>> -> memref<16x512xf32, #tpu.memory_space<hbm>>
    tpu.enqueue_dma source(%dma_start3A_53 : memref<16x512xf32, #tpu.memory_space<hbm>>) target(%dma_start3A_50 : memref<16x512xf32, #tpu.memory_space<vmem>>) target_semaphore(%arg18 : memref<!tpu.dma_semaphore, #tpu.memory_space<semaphore_mem>>)
    %dma_start3A_54 = arith.constant 0 : i32
    %dma_start3A_55 = arith.constant 0 : i32
    %dma_start3A_56 = arith.constant 0 : i32
    %dma_start3A_57 = tpu.memref_slice %arg6[%dma_start3A_54, %dma_start3A_55, %dma_start3A_56] : memref<3x16x512xf32, #tpu.memory_space<vmem>> -> memref<1x16x512xf32, #tpu.memory_space<vmem>>
    %dma_start3A_58 = tpu.memref_squeeze %dma_start3A_57 : memref<1x16x512xf32, #tpu.memory_space<vmem>> -> memref<16x512xf32, #tpu.memory_space<vmem>>
    %dma_start3A_59 = arith.constant 0 : i32
    %dma_start3A_60 = tpu.memref_slice %arg3[%add3A, %add3A_39, %dma_start3A_59] : memref<8x512x512xf32, #tpu.memory_space<hbm>> -> memref<1x16x512xf32, #tpu.memory_space<hbm>>
    %dma_start3A_61 = tpu.memref_squeeze %dma_start3A_60 : memref<1x16x512xf32, #tpu.memory_space<hbm>> -> memref<16x512xf32, #tpu.memory_space<hbm>>
    %dma_start3A_62 = arith.constant 0 : i32
    %dma_start3A_63 = arith.constant 0 : i32
    %dma_start3A_64 = tpu.memref_slice %arg6[%dma_start3A_54, %dma_start3A_62, %dma_start3A_63] : memref<3x16x512xf32, #tpu.memory_space<vmem>> -> memref<1x16x512xf32, #tpu.memory_space<vmem>>
    %dma_start3A_65 = tpu.memref_squeeze %dma_start3A_64 : memref<1x16x512xf32, #tpu.memory_space<vmem>> -> memref<16x512xf32, #tpu.memory_space<vmem>>
    %dma_start3A_66 = arith.constant 0 : i32
    %dma_start3A_67 = tpu.memref_slice %arg3[%add3A, %add3A_39, %dma_start3A_66] : memref<8x512x512xf32, #tpu.memory_space<hbm>> -> memref<1x16x512xf32, #tpu.memory_space<hbm>>
    %dma_start3A_68 = tpu.memref_squeeze %dma_start3A_67 : memref<1x16x512xf32, #tpu.memory_space<hbm>> -> memref<16x512xf32, #tpu.memory_space<hbm>>
    tpu.enqueue_dma source(%dma_start3A_68 : memref<16x512xf32, #tpu.memory_space<hbm>>) target(%dma_start3A_65 : memref<16x512xf32, #tpu.memory_space<vmem>>) target_semaphore(%arg18 : memref<!tpu.dma_semaphore, #tpu.memory_space<semaphore_mem>>)
    %add3A_69 = arith.constant 16 : i32
    %add3A_70 = arith.addi %mul3A_32, %add3A_69 : i32
    %dma_start3A_71 = arith.constant 1 : i32
    %dma_start3A_72 = arith.constant 0 : i32
    %dma_start3A_73 = arith.constant 0 : i32
    %dma_start3A_74 = tpu.memref_slice %arg5[%dma_start3A_71, %dma_start3A_72, %dma_start3A_73] : memref<3x16x512xf32, #tpu.memory_space<vmem>> -> memref<1x16x512xf32, #tpu.memory_space<vmem>>
    %dma_start3A_75 = tpu.memref_squeeze %dma_start3A_74 : memref<1x16x512xf32, #tpu.memory_space<vmem>> -> memref<16x512xf32, #tpu.memory_space<vmem>>
    %dma_start3A_76 = arith.constant 0 : i32
    %dma_start3A_77 = tpu.memref_slice %arg2[%add3A, %add3A_70, %dma_start3A_76] : memref<8x512x512xf32, #tpu.memory_space<hbm>> -> memref<1x16x512xf32, #tpu.memory_space<hbm>>
    %dma_start3A_78 = tpu.memref_squeeze %dma_start3A_77 : memref<1x16x512xf32, #tpu.memory_space<hbm>> -> memref<16x512xf32, #tpu.memory_space<hbm>>
    %dma_start3A_79 = arith.constant 0 : i32
    %dma_start3A_80 = arith.constant 0 : i32
    %dma_start3A_81 = tpu.memref_slice %arg5[%dma_start3A_71, %dma_start3A_79, %dma_start3A_80] : memref<3x16x512xf32, #tpu.memory_space<vmem>> -> memref<1x16x512xf32, #tpu.memory_space<vmem>>
    %dma_start3A_82 = tpu.memref_squeeze %dma_start3A_81 : memref<1x16x512xf32, #tpu.memory_space<vmem>> -> memref<16x512xf32, #tpu.memory_space<vmem>>
    %dma_start3A_83 = arith.constant 0 : i32
    %dma_start3A_84 = tpu.memref_slice %arg2[%add3A, %add3A_70, %dma_start3A_83] : memref<8x512x512xf32, #tpu.memory_space<hbm>> -> memref<1x16x512xf32, #tpu.memory_space<hbm>>
    %dma_start3A_85 = tpu.memref_squeeze %dma_start3A_84 : memref<1x16x512xf32, #tpu.memory_space<hbm>> -> memref<16x512xf32, #tpu.memory_space<hbm>>
    tpu.enqueue_dma source(%dma_start3A_85 : memref<16x512xf32, #tpu.memory_space<hbm>>) target(%dma_start3A_82 : memref<16x512xf32, #tpu.memory_space<vmem>>) target_semaphore(%arg19 : memref<!tpu.dma_semaphore, #tpu.memory_space<semaphore_mem>>)
    %dma_start3A_86 = arith.constant 1 : i32
    %dma_start3A_87 = arith.constant 0 : i32
    %dma_start3A_88 = arith.constant 0 : i32
    %dma_start3A_89 = tpu.memref_slice %arg6[%dma_start3A_86, %dma_start3A_87, %dma_start3A_88] : memref<3x16x512xf32, #tpu.memory_space<vmem>> -> memref<1x16x512xf32, #tpu.memory_space<vmem>>
    %dma_start3A_90 = tpu.memref_squeeze %dma_start3A_89 : memref<1x16x512xf32, #tpu.memory_space<vmem>> -> memref<16x512xf32, #tpu.memory_space<vmem>>
    %dma_start3A_91 = arith.constant 0 : i32
    %dma_start3A_92 = tpu.memref_slice %arg3[%add3A, %add3A_70, %dma_start3A_91] : memref<8x512x512xf32, #tpu.memory_space<hbm>> -> memref<1x16x512xf32, #tpu.memory_space<hbm>>
    %dma_start3A_93 = tpu.memref_squeeze %dma_start3A_92 : memref<1x16x512xf32, #tpu.memory_space<hbm>> -> memref<16x512xf32, #tpu.memory_space<hbm>>
    %dma_start3A_94 = arith.constant 0 : i32
    %dma_start3A_95 = arith.constant 0 : i32
    %dma_start3A_96 = tpu.memref_slice %arg6[%dma_start3A_86, %dma_start3A_94, %dma_start3A_95] : memref<3x16x512xf32, #tpu.memory_space<vmem>> -> memref<1x16x512xf32, #tpu.memory_space<vmem>>
    %dma_start3A_97 = tpu.memref_squeeze %dma_start3A_96 : memref<1x16x512xf32, #tpu.memory_space<vmem>> -> memref<16x512xf32, #tpu.memory_space<vmem>>
    %dma_start3A_98 = arith.constant 0 : i32
    %dma_start3A_99 = tpu.memref_slice %arg3[%add3A, %add3A_70, %dma_start3A_98] : memref<8x512x512xf32, #tpu.memory_space<hbm>> -> memref<1x16x512xf32, #tpu.memory_space<hbm>>
    %dma_start3A_100 = tpu.memref_squeeze %dma_start3A_99 : memref<1x16x512xf32, #tpu.memory_space<hbm>> -> memref<16x512xf32, #tpu.memory_space<hbm>>
    tpu.enqueue_dma source(%dma_start3A_100 : memref<16x512xf32, #tpu.memory_space<hbm>>) target(%dma_start3A_97 : memref<16x512xf32, #tpu.memory_space<vmem>>) target_semaphore(%arg19 : memref<!tpu.dma_semaphore, #tpu.memory_space<semaphore_mem>>)
    %add3A_101 = arith.constant 32 : i32
    %add3A_102 = arith.addi %mul3A_32, %add3A_101 : i32
    %dma_start3A_103 = arith.constant 2 : i32
    %dma_start3A_104 = arith.constant 0 : i32
    %dma_start3A_105 = arith.constant 0 : i32
    %dma_start3A_106 = tpu.memref_slice %arg5[%dma_start3A_103, %dma_start3A_104, %dma_start3A_105] : memref<3x16x512xf32, #tpu.memory_space<vmem>> -> memref<1x16x512xf32, #tpu.memory_space<vmem>>
    %dma_start3A_107 = tpu.memref_squeeze %dma_start3A_106 : memref<1x16x512xf32, #tpu.memory_space<vmem>> -> memref<16x512xf32, #tpu.memory_space<vmem>>
    %dma_start3A_108 = arith.constant 0 : i32
    %dma_start3A_109 = tpu.memref_slice %arg2[%add3A, %add3A_102, %dma_start3A_108] : memref<8x512x512xf32, #tpu.memory_space<hbm>> -> memref<1x16x512xf32, #tpu.memory_space<hbm>>
    %dma_start3A_110 = tpu.memref_squeeze %dma_start3A_109 : memref<1x16x512xf32, #tpu.memory_space<hbm>> -> memref<16x512xf32, #tpu.memory_space<hbm>>
    %dma_start3A_111 = arith.constant 0 : i32
    %dma_start3A_112 = arith.constant 0 : i32
    %dma_start3A_113 = tpu.memref_slice %arg5[%dma_start3A_103, %dma_start3A_111, %dma_start3A_112] : memref<3x16x512xf32, #tpu.memory_space<vmem>> -> memref<1x16x512xf32, #tpu.memory_space<vmem>>
    %dma_start3A_114 = tpu.memref_squeeze %dma_start3A_113 : memref<1x16x512xf32, #tpu.memory_space<vmem>> -> memref<16x512xf32, #tpu.memory_space<vmem>>
    %dma_start3A_115 = arith.constant 0 : i32
    %dma_start3A_116 = tpu.memref_slice %arg2[%add3A, %add3A_102, %dma_start3A_115] : memref<8x512x512xf32, #tpu.memory_space<hbm>> -> memref<1x16x512xf32, #tpu.memory_space<hbm>>
    %dma_start3A_117 = tpu.memref_squeeze %dma_start3A_116 : memref<1x16x512xf32, #tpu.memory_space<hbm>> -> memref<16x512xf32, #tpu.memory_space<hbm>>
    tpu.enqueue_dma source(%dma_start3A_117 : memref<16x512xf32, #tpu.memory_space<hbm>>) target(%dma_start3A_114 : memref<16x512xf32, #tpu.memory_space<vmem>>) target_semaphore(%arg20 : memref<!tpu.dma_semaphore, #tpu.memory_space<semaphore_mem>>)
    %dma_start3A_118 = arith.constant 2 : i32
    %dma_start3A_119 = arith.constant 0 : i32
    %dma_start3A_120 = arith.constant 0 : i32
    %dma_start3A_121 = tpu.memref_slice %arg6[%dma_start3A_118, %dma_start3A_119, %dma_start3A_120] : memref<3x16x512xf32, #tpu.memory_space<vmem>> -> memref<1x16x512xf32, #tpu.memory_space<vmem>>
    %dma_start3A_122 = tpu.memref_squeeze %dma_start3A_121 : memref<1x16x512xf32, #tpu.memory_space<vmem>> -> memref<16x512xf32, #tpu.memory_space<vmem>>
    %dma_start3A_123 = arith.constant 0 : i32
    %dma_start3A_124 = tpu.memref_slice %arg3[%add3A, %add3A_102, %dma_start3A_123] : memref<8x512x512xf32, #tpu.memory_space<hbm>> -> memref<1x16x512xf32, #tpu.memory_space<hbm>>
    %dma_start3A_125 = tpu.memref_squeeze %dma_start3A_124 : memref<1x16x512xf32, #tpu.memory_space<hbm>> -> memref<16x512xf32, #tpu.memory_space<hbm>>
    %dma_start3A_126 = arith.constant 0 : i32
    %dma_start3A_127 = arith.constant 0 : i32
    %dma_start3A_128 = tpu.memref_slice %arg6[%dma_start3A_118, %dma_start3A_126, %dma_start3A_127] : memref<3x16x512xf32, #tpu.memory_space<vmem>> -> memref<1x16x512xf32, #tpu.memory_space<vmem>>
    %dma_start3A_129 = tpu.memref_squeeze %dma_start3A_128 : memref<1x16x512xf32, #tpu.memory_space<vmem>> -> memref<16x512xf32, #tpu.memory_space<vmem>>
    %dma_start3A_130 = arith.constant 0 : i32
    %dma_start3A_131 = tpu.memref_slice %arg3[%add3A, %add3A_102, %dma_start3A_130] : memref<8x512x512xf32, #tpu.memory_space<hbm>> -> memref<1x16x512xf32, #tpu.memory_space<hbm>>
    %dma_start3A_132 = tpu.memref_squeeze %dma_start3A_131 : memref<1x16x512xf32, #tpu.memory_space<hbm>> -> memref<16x512xf32, #tpu.memory_space<hbm>>
    tpu.enqueue_dma source(%dma_start3A_132 : memref<16x512xf32, #tpu.memory_space<hbm>>) target(%dma_start3A_129 : memref<16x512xf32, #tpu.memory_space<vmem>>) target_semaphore(%arg20 : memref<!tpu.dma_semaphore, #tpu.memory_space<semaphore_mem>>)
    %dma_wait3A = arith.constant 0 : i32
    %dma_wait3A_133 = arith.constant 0 : i32
    %dma_wait3A_134 = arith.constant 0 : i32
    %dma_wait3A_135 = tpu.memref_slice %arg5[%dma_wait3A, %dma_wait3A_133, %dma_wait3A_134] : memref<3x16x512xf32, #tpu.memory_space<vmem>> -> memref<1x16x512xf32, #tpu.memory_space<vmem>>
    %dma_wait3A_136 = tpu.memref_squeeze %dma_wait3A_135 : memref<1x16x512xf32, #tpu.memory_space<vmem>> -> memref<16x512xf32, #tpu.memory_space<vmem>>
    %dma_wait3A_137 = arith.constant 0 : i32
    %dma_wait3A_138 = tpu.memref_slice %arg2[%add3A, %add3A_39, %dma_wait3A_137] : memref<8x512x512xf32, #tpu.memory_space<hbm>> -> memref<1x16x512xf32, #tpu.memory_space<hbm>>
    %dma_wait3A_139 = tpu.memref_squeeze %dma_wait3A_138 : memref<1x16x512xf32, #tpu.memory_space<hbm>> -> memref<16x512xf32, #tpu.memory_space<hbm>>
    %dma_wait3A_140 = arith.constant 0 : i32
    %dma_wait3A_141 = arith.constant 0 : i32
    %dma_wait3A_142 = tpu.memref_slice %arg5[%dma_wait3A, %dma_wait3A_140, %dma_wait3A_141] : memref<3x16x512xf32, #tpu.memory_space<vmem>> -> memref<1x16x512xf32, #tpu.memory_space<vmem>>
    %dma_wait3A_143 = tpu.memref_squeeze %dma_wait3A_142 : memref<1x16x512xf32, #tpu.memory_space<vmem>> -> memref<16x512xf32, #tpu.memory_space<vmem>>
    %dma_wait3A_144 = arith.constant 0 : i32
    %dma_wait3A_145 = tpu.memref_slice %arg2[%add3A, %add3A_39, %dma_wait3A_144] : memref<8x512x512xf32, #tpu.memory_space<hbm>> -> memref<1x16x512xf32, #tpu.memory_space<hbm>>
    %dma_wait3A_146 = tpu.memref_squeeze %dma_wait3A_145 : memref<1x16x512xf32, #tpu.memory_space<hbm>> -> memref<16x512xf32, #tpu.memory_space<hbm>>
    tpu.wait_dma2 semaphore(%arg18 : memref<!tpu.dma_semaphore, #tpu.memory_space<semaphore_mem>>) src(%dma_wait3A_146 : memref<16x512xf32, #tpu.memory_space<hbm>>) dst(%dma_wait3A_143 : memref<16x512xf32, #tpu.memory_space<vmem>>)
    %dma_wait3A_147 = arith.constant 0 : i32
    %dma_wait3A_148 = arith.constant 0 : i32
    %dma_wait3A_149 = arith.constant 0 : i32
    %dma_wait3A_150 = tpu.memref_slice %arg6[%dma_wait3A_147, %dma_wait3A_148, %dma_wait3A_149] : memref<3x16x512xf32, #tpu.memory_space<vmem>> -> memref<1x16x512xf32, #tpu.memory_space<vmem>>
    %dma_wait3A_151 = tpu.memref_squeeze %dma_wait3A_150 : memref<1x16x512xf32, #tpu.memory_space<vmem>> -> memref<16x512xf32, #tpu.memory_space<vmem>>
    %dma_wait3A_152 = arith.constant 0 : i32
    %dma_wait3A_153 = tpu.memref_slice %arg3[%add3A, %add3A_39, %dma_wait3A_152] : memref<8x512x512xf32, #tpu.memory_space<hbm>> -> memref<1x16x512xf32, #tpu.memory_space<hbm>>
    %dma_wait3A_154 = tpu.memref_squeeze %dma_wait3A_153 : memref<1x16x512xf32, #tpu.memory_space<hbm>> -> memref<16x512xf32, #tpu.memory_space<hbm>>
    %dma_wait3A_155 = arith.constant 0 : i32
    %dma_wait3A_156 = arith.constant 0 : i32
    %dma_wait3A_157 = tpu.memref_slice %arg6[%dma_wait3A_147, %dma_wait3A_155, %dma_wait3A_156] : memref<3x16x512xf32, #tpu.memory_space<vmem>> -> memref<1x16x512xf32, #tpu.memory_space<vmem>>
    %dma_wait3A_158 = tpu.memref_squeeze %dma_wait3A_157 : memref<1x16x512xf32, #tpu.memory_space<vmem>> -> memref<16x512xf32, #tpu.memory_space<vmem>>
    %dma_wait3A_159 = arith.constant 0 : i32
    %dma_wait3A_160 = tpu.memref_slice %arg3[%add3A, %add3A_39, %dma_wait3A_159] : memref<8x512x512xf32, #tpu.memory_space<hbm>> -> memref<1x16x512xf32, #tpu.memory_space<hbm>>
    %dma_wait3A_161 = tpu.memref_squeeze %dma_wait3A_160 : memref<1x16x512xf32, #tpu.memory_space<hbm>> -> memref<16x512xf32, #tpu.memory_space<hbm>>
    tpu.wait_dma2 semaphore(%arg18 : memref<!tpu.dma_semaphore, #tpu.memory_space<semaphore_mem>>) src(%dma_wait3A_161 : memref<16x512xf32, #tpu.memory_space<hbm>>) dst(%dma_wait3A_158 : memref<16x512xf32, #tpu.memory_space<vmem>>)
    %parallel_loop3A = arith.constant 0 : i32
    %parallel_loop3A_162 = arith.constant 512 : i32
    %parallel_loop3A_163 = arith.constant 1 : i32
    %parallel_loop3A_164:3 = scf.for %parallel_loop3A_936 = %parallel_loop3A to %parallel_loop3A_162 step %parallel_loop3A_163 iter_args(%parallel_loop3A_937 = %broadcast_in_dim3A_33, %parallel_loop3A_938 = %broadcast_in_dim3A_35, %parallel_loop3A_939 = %broadcast_in_dim3A_37) -> (vector<16xf32>, vector<16xf32>, vector<16xf32>)  : i32 {
      %parallel_loop3A_940 = arith.constant 32 : i32
      %parallel_loop3A_941 = arith.divsi %parallel_loop3A_936, %parallel_loop3A_940 : i32
      %parallel_loop3A_942 = arith.constant 0 : i32
      %parallel_loop3A_943 = arith.cmpi sgt, %parallel_loop3A_936, %parallel_loop3A_942 : i32
      %parallel_loop3A_944 = arith.extui %parallel_loop3A_943 : i1 to i32
      %parallel_loop3A_945 = arith.constant 0 : i32
      %parallel_loop3A_946 = arith.cmpi slt, %parallel_loop3A_936, %parallel_loop3A_945 : i32
      %parallel_loop3A_947 = arith.extui %parallel_loop3A_946 : i1 to i32
      %parallel_loop3A_948 = arith.subi %parallel_loop3A_944, %parallel_loop3A_947 : i32
      %parallel_loop3A_949 = arith.constant 0 : i32
      %parallel_loop3A_950 = arith.cmpi sgt, %parallel_loop3A_940, %parallel_loop3A_949 : i32
      %parallel_loop3A_951 = arith.extui %parallel_loop3A_950 : i1 to i32
      %parallel_loop3A_952 = arith.constant 0 : i32
      %parallel_loop3A_953 = arith.cmpi slt, %parallel_loop3A_940, %parallel_loop3A_952 : i32
      %parallel_loop3A_954 = arith.extui %parallel_loop3A_953 : i1 to i32
      %parallel_loop3A_955 = arith.subi %parallel_loop3A_951, %parallel_loop3A_954 : i32
      %parallel_loop3A_956 = arith.cmpi ne, %parallel_loop3A_948, %parallel_loop3A_955 : i32
      %parallel_loop3A_957 = arith.remsi %parallel_loop3A_936, %parallel_loop3A_940 : i32
      %parallel_loop3A_958 = arith.constant 0 : i32
      %parallel_loop3A_959 = arith.cmpi ne, %parallel_loop3A_957, %parallel_loop3A_958 : i32
      %parallel_loop3A_960 = arith.andi %parallel_loop3A_956, %parallel_loop3A_959 : i1
      %parallel_loop3A_961 = arith.constant 1 : i32
      %parallel_loop3A_962 = arith.subi %parallel_loop3A_941, %parallel_loop3A_961 : i32
      %parallel_loop3A_963 = arith.select %parallel_loop3A_960, %parallel_loop3A_962, %parallel_loop3A_941 : i32
      %parallel_loop3A_964 = arith.constant 32 : i32
      %parallel_loop3A_965 = arith.constant 0 : i32
      %parallel_loop3A_966 = arith.cmpi eq, %parallel_loop3A_964, %parallel_loop3A_965 : i32
      %parallel_loop3A_967 = arith.constant 1 : i32
      %parallel_loop3A_968 = arith.select %parallel_loop3A_966, %parallel_loop3A_967, %parallel_loop3A_964 : i32
      %parallel_loop3A_969 = arith.remsi %parallel_loop3A_936, %parallel_loop3A_968 : i32
      %parallel_loop3A_970 = arith.constant 0 : i32
      %parallel_loop3A_971 = arith.cmpi ne, %parallel_loop3A_969, %parallel_loop3A_970 : i32
      %parallel_loop3A_972 = arith.constant 0 : i32
      %parallel_loop3A_973 = arith.cmpi slt, %parallel_loop3A_969, %parallel_loop3A_972 : i32
      %parallel_loop3A_974 = arith.constant 0 : i32
      %parallel_loop3A_975 = arith.cmpi slt, %parallel_loop3A_968, %parallel_loop3A_974 : i32
      %parallel_loop3A_976 = arith.xori %parallel_loop3A_973, %parallel_loop3A_975 : i1
      %parallel_loop3A_977 = arith.andi %parallel_loop3A_976, %parallel_loop3A_971 : i1
      %parallel_loop3A_978 = arith.addi %parallel_loop3A_969, %parallel_loop3A_968 : i32
      %parallel_loop3A_979 = arith.select %parallel_loop3A_977, %parallel_loop3A_978, %parallel_loop3A_969 : i32
      %parallel_loop3A_980 = arith.constant 16 : i32
      %parallel_loop3A_981 = arith.muli %parallel_loop3A_979, %parallel_loop3A_980 : i32
      %parallel_loop3A_982 = arith.constant 0 : i32
      %parallel_loop3A_983 = arith.index_cast %parallel_loop3A_982 : i32 to index
      %parallel_loop3A_984 = arith.index_cast %parallel_loop3A_963 : i32 to index
      %parallel_loop3A_985 = arith.index_cast %parallel_loop3A_981 : i32 to index
      %parallel_loop3A_986 = tpu.vector_load %arg5[%parallel_loop3A_983, %parallel_loop3A_984, %parallel_loop3A_985] {strides = array<i32>} : memref<3x16x512xf32, #tpu.memory_space<vmem>>, vector<16xf32>,
      %parallel_loop3A_987 = arith.constant 0 : i32
      %parallel_loop3A_988 = arith.index_cast %parallel_loop3A_987 : i32 to index
      %parallel_loop3A_989 = arith.index_cast %parallel_loop3A_963 : i32 to index
      %parallel_loop3A_990 = arith.index_cast %parallel_loop3A_981 : i32 to index
      %parallel_loop3A_991 = tpu.vector_load %arg6[%parallel_loop3A_988, %parallel_loop3A_989, %parallel_loop3A_990] {strides = array<i32>} : memref<3x16x512xf32, #tpu.memory_space<vmem>>, vector<16xf32>,
      %parallel_loop3A_992 = arith.subf %parallel_loop3A_986, %parallel_loop3A_991 : vector<16xf32>
      %parallel_loop3A_993 = arith.mulf %parallel_loop3A_992, %parallel_loop3A_992 : vector<16xf32>
      %parallel_loop3A_994 = arith.constant 0.000000e+00 : f32
      %parallel_loop3A_995 = vector.broadcast %parallel_loop3A_994 : f32 to vector<16xf32>
      %parallel_loop3A_996 = arith.cmpf ogt, %parallel_loop3A_991, %parallel_loop3A_995 : vector<16xf32>
      %parallel_loop3A_997 = tpu.bitcast %parallel_loop3A_993 : vector<16xf32> -> vector<16xi32>
      %parallel_loop3A_998 = arith.constant -1 : i32
      %parallel_loop3A_999 = vector.broadcast %parallel_loop3A_998 : i32 to vector<16xi32>
      %parallel_loop3A_1000 = arith.select %parallel_loop3A_996, %parallel_loop3A_999, %parallel_loop3A_997 : vector<16xi1>, vector<16xi32>
      %parallel_loop3A_1001 = arith.constant 16 : i32
      %parallel_loop3A_1002 = arith.muli %parallel_loop3A_936, %parallel_loop3A_1001 : i32
      %parallel_loop3A_1003 = arith.constant 0 : i32
      %parallel_loop3A_1004 = arith.addi %parallel_loop3A_1003, %parallel_loop3A_1002 : i32
      %parallel_loop3A_1005 = arith.index_cast %parallel_loop3A_1004 : i32 to index
      %parallel_loop3A_1006 = tpu.vector_load %arg7[%parallel_loop3A_1005] {strides = array<i32>} : memref<65536xi32, #tpu.memory_space<vmem>>, vector<16xi32>,
      tpu.vector_store %arg7[%parallel_loop3A_1005], %parallel_loop3A_1000 {strides = array<i32>} : memref<65536xi32, #tpu.memory_space<vmem>>, vector<16xi32>,
      %parallel_loop3A_1007 = arith.constant 1.000000e+00 : f32
      %parallel_loop3A_1008 = arith.constant 0.000000e+00 : f32
      %parallel_loop3A_1009 = vector.broadcast %parallel_loop3A_1007 : f32 to vector<16xf32>
      %parallel_loop3A_1010 = vector.broadcast %parallel_loop3A_1008 : f32 to vector<16xf32>
      %parallel_loop3A_1011 = arith.select %parallel_loop3A_996, %parallel_loop3A_1009, %parallel_loop3A_1010 : vector<16xi1>, vector<16xf32>
      %parallel_loop3A_1012 = arith.addf %parallel_loop3A_937, %parallel_loop3A_1011 : vector<16xf32>
      %parallel_loop3A_1013 = arith.constant 0.000000e+00 : f32
      %parallel_loop3A_1014 = vector.broadcast %parallel_loop3A_1013 : f32 to vector<16xf32>
      %parallel_loop3A_1015 = arith.select %parallel_loop3A_996, %parallel_loop3A_993, %parallel_loop3A_1014 : vector<16xi1>, vector<16xf32>
      %parallel_loop3A_1016 = arith.addf %parallel_loop3A_938, %parallel_loop3A_1015 : vector<16xf32>
      %parallel_loop3A_1017 = arith.addf %parallel_loop3A_939, %parallel_loop3A_993 : vector<16xf32>
      scf.yield %parallel_loop3A_1012, %parallel_loop3A_1016, %parallel_loop3A_1017 : vector<16xf32>, vector<16xf32>, vector<16xf32>
    } {sc.loop_unroll_factor = 8 : i64, sc.parallel_access}
    %add3A_165 = arith.constant 48 : i32
    %add3A_166 = arith.addi %mul3A_32, %add3A_165 : i32
    %dma_start3A_167 = arith.constant 0 : i32
    %dma_start3A_168 = arith.constant 0 : i32
    %dma_start3A_169 = arith.constant 0 : i32
    %dma_start3A_170 = tpu.memref_slice %arg5[%dma_start3A_167, %dma_start3A_168, %dma_start3A_169] : memref<3x16x512xf32, #tpu.memory_space<vmem>> -> memref<1x16x512xf32, #tpu.memory_space<vmem>>
    %dma_start3A_171 = tpu.memref_squeeze %dma_start3A_170 : memref<1x16x512xf32, #tpu.memory_space<vmem>> -> memref<16x512xf32, #tpu.memory_space<vmem>>
    %dma_start3A_172 = arith.constant 0 : i32
    %dma_start3A_173 = tpu.memref_slice %arg2[%add3A, %add3A_166, %dma_start3A_172] : memref<8x512x512xf32, #tpu.memory_space<hbm>> -> memref<1x16x512xf32, #tpu.memory_space<hbm>>
    %dma_start3A_174 = tpu.memref_squeeze %dma_start3A_173 : memref<1x16x512xf32, #tpu.memory_space<hbm>> -> memref<16x512xf32, #tpu.memory_space<hbm>>
    %dma_start3A_175 = arith.constant 0 : i32
    %dma_start3A_176 = arith.constant 0 : i32
    %dma_start3A_177 = tpu.memref_slice %arg5[%dma_start3A_167, %dma_start3A_175, %dma_start3A_176] : memref<3x16x512xf32, #tpu.memory_space<vmem>> -> memref<1x16x512xf32, #tpu.memory_space<vmem>>
    %dma_start3A_178 = tpu.memref_squeeze %dma_start3A_177 : memref<1x16x512xf32, #tpu.memory_space<vmem>> -> memref<16x512xf32, #tpu.memory_space<vmem>>
    %dma_start3A_179 = arith.constant 0 : i32
    %dma_start3A_180 = tpu.memref_slice %arg2[%add3A, %add3A_166, %dma_start3A_179] : memref<8x512x512xf32, #tpu.memory_space<hbm>> -> memref<1x16x512xf32, #tpu.memory_space<hbm>>
    %dma_start3A_181 = tpu.memref_squeeze %dma_start3A_180 : memref<1x16x512xf32, #tpu.memory_space<hbm>> -> memref<16x512xf32, #tpu.memory_space<hbm>>
    tpu.enqueue_dma source(%dma_start3A_181 : memref<16x512xf32, #tpu.memory_space<hbm>>) target(%dma_start3A_178 : memref<16x512xf32, #tpu.memory_space<vmem>>) target_semaphore(%arg18 : memref<!tpu.dma_semaphore, #tpu.memory_space<semaphore_mem>>)
    %dma_start3A_182 = arith.constant 0 : i32
    %dma_start3A_183 = arith.constant 0 : i32
    %dma_start3A_184 = arith.constant 0 : i32
    %dma_start3A_185 = tpu.memref_slice %arg6[%dma_start3A_182, %dma_start3A_183, %dma_start3A_184] : memref<3x16x512xf32, #tpu.memory_space<vmem>> -> memref<1x16x512xf32, #tpu.memory_space<vmem>>
    %dma_start3A_186 = tpu.memref_squeeze %dma_start3A_185 : memref<1x16x512xf32, #tpu.memory_space<vmem>> -> memref<16x512xf32, #tpu.memory_space<vmem>>
    %dma_start3A_187 = arith.constant 0 : i32
    %dma_start3A_188 = tpu.memref_slice %arg3[%add3A, %add3A_166, %dma_start3A_187] : memref<8x512x512xf32, #tpu.memory_space<hbm>> -> memref<1x16x512xf32, #tpu.memory_space<hbm>>
    %dma_start3A_189 = tpu.memref_squeeze %dma_start3A_188 : memref<1x16x512xf32, #tpu.memory_space<hbm>> -> memref<16x512xf32, #tpu.memory_space<hbm>>
    %dma_start3A_190 = arith.constant 0 : i32
    %dma_start3A_191 = arith.constant 0 : i32
    %dma_start3A_192 = tpu.memref_slice %arg6[%dma_start3A_182, %dma_start3A_190, %dma_start3A_191] : memref<3x16x512xf32, #tpu.memory_space<vmem>> -> memref<1x16x512xf32, #tpu.memory_space<vmem>>
    %dma_start3A_193 = tpu.memref_squeeze %dma_start3A_192 : memref<1x16x512xf32, #tpu.memory_space<vmem>> -> memref<16x512xf32, #tpu.memory_space<vmem>>
    %dma_start3A_194 = arith.constant 0 : i32
    %dma_start3A_195 = tpu.memref_slice %arg3[%add3A, %add3A_166, %dma_start3A_194] : memref<8x512x512xf32, #tpu.memory_space<hbm>> -> memref<1x16x512xf32, #tpu.memory_space<hbm>>
    %dma_start3A_196 = tpu.memref_squeeze %dma_start3A_195 : memref<1x16x512xf32, #tpu.memory_space<hbm>> -> memref<16x512xf32, #tpu.memory_space<hbm>>
    tpu.enqueue_dma source(%dma_start3A_196 : memref<16x512xf32, #tpu.memory_space<hbm>>) target(%dma_start3A_193 : memref<16x512xf32, #tpu.memory_space<vmem>>) target_semaphore(%arg18 : memref<!tpu.dma_semaphore, #tpu.memory_space<semaphore_mem>>)
    %dma_wait3A_197 = arith.constant 1 : i32
    %dma_wait3A_198 = arith.constant 0 : i32
    %dma_wait3A_199 = arith.constant 0 : i32
    %dma_wait3A_200 = tpu.memref_slice %arg5[%dma_wait3A_197, %dma_wait3A_198, %dma_wait3A_199] : memref<3x16x512xf32, #tpu.memory_space<vmem>> -> memref<1x16x512xf32, #tpu.memory_space<vmem>>
    %dma_wait3A_201 = tpu.memref_squeeze %dma_wait3A_200 : memref<1x16x512xf32, #tpu.memory_space<vmem>> -> memref<16x512xf32, #tpu.memory_space<vmem>>
    %dma_wait3A_202 = arith.constant 0 : i32
    %dma_wait3A_203 = tpu.memref_slice %arg2[%add3A, %add3A_70, %dma_wait3A_202] : memref<8x512x512xf32, #tpu.memory_space<hbm>> -> memref<1x16x512xf32, #tpu.memory_space<hbm>>
    %dma_wait3A_204 = tpu.memref_squeeze %dma_wait3A_203 : memref<1x16x512xf32, #tpu.memory_space<hbm>> -> memref<16x512xf32, #tpu.memory_space<hbm>>
    %dma_wait3A_205 = arith.constant 0 : i32
    %dma_wait3A_206 = arith.constant 0 : i32
    %dma_wait3A_207 = tpu.memref_slice %arg5[%dma_wait3A_197, %dma_wait3A_205, %dma_wait3A_206] : memref<3x16x512xf32, #tpu.memory_space<vmem>> -> memref<1x16x512xf32, #tpu.memory_space<vmem>>
    %dma_wait3A_208 = tpu.memref_squeeze %dma_wait3A_207 : memref<1x16x512xf32, #tpu.memory_space<vmem>> -> memref<16x512xf32, #tpu.memory_space<vmem>>
    %dma_wait3A_209 = arith.constant 0 : i32
    %dma_wait3A_210 = tpu.memref_slice %arg2[%add3A, %add3A_70, %dma_wait3A_209] : memref<8x512x512xf32, #tpu.memory_space<hbm>> -> memref<1x16x512xf32, #tpu.memory_space<hbm>>
    %dma_wait3A_211 = tpu.memref_squeeze %dma_wait3A_210 : memref<1x16x512xf32, #tpu.memory_space<hbm>> -> memref<16x512xf32, #tpu.memory_space<hbm>>
    tpu.wait_dma2 semaphore(%arg19 : memref<!tpu.dma_semaphore, #tpu.memory_space<semaphore_mem>>) src(%dma_wait3A_211 : memref<16x512xf32, #tpu.memory_space<hbm>>) dst(%dma_wait3A_208 : memref<16x512xf32, #tpu.memory_space<vmem>>)
    %dma_wait3A_212 = arith.constant 1 : i32
    %dma_wait3A_213 = arith.constant 0 : i32
    %dma_wait3A_214 = arith.constant 0 : i32
    %dma_wait3A_215 = tpu.memref_slice %arg6[%dma_wait3A_212, %dma_wait3A_213, %dma_wait3A_214] : memref<3x16x512xf32, #tpu.memory_space<vmem>> -> memref<1x16x512xf32, #tpu.memory_space<vmem>>
    %dma_wait3A_216 = tpu.memref_squeeze %dma_wait3A_215 : memref<1x16x512xf32, #tpu.memory_space<vmem>> -> memref<16x512xf32, #tpu.memory_space<vmem>>
    %dma_wait3A_217 = arith.constant 0 : i32
    %dma_wait3A_218 = tpu.memref_slice %arg3[%add3A, %add3A_70, %dma_wait3A_217] : memref<8x512x512xf32, #tpu.memory_space<hbm>> -> memref<1x16x512xf32, #tpu.memory_space<hbm>>
    %dma_wait3A_219 = tpu.memref_squeeze %dma_wait3A_218 : memref<1x16x512xf32, #tpu.memory_space<hbm>> -> memref<16x512xf32, #tpu.memory_space<hbm>>
    %dma_wait3A_220 = arith.constant 0 : i32
    %dma_wait3A_221 = arith.constant 0 : i32
    %dma_wait3A_222 = tpu.memref_slice %arg6[%dma_wait3A_212, %dma_wait3A_220, %dma_wait3A_221] : memref<3x16x512xf32, #tpu.memory_space<vmem>> -> memref<1x16x512xf32, #tpu.memory_space<vmem>>
    %dma_wait3A_223 = tpu.memref_squeeze %dma_wait3A_222 : memref<1x16x512xf32, #tpu.memory_space<vmem>> -> memref<16x512xf32, #tpu.memory_space<vmem>>
    %dma_wait3A_224 = arith.constant 0 : i32
    %dma_wait3A_225 = tpu.memref_slice %arg3[%add3A, %add3A_70, %dma_wait3A_224] : memref<8x512x512xf32, #tpu.memory_space<hbm>> -> memref<1x16x512xf32, #tpu.memory_space<hbm>>
    %dma_wait3A_226 = tpu.memref_squeeze %dma_wait3A_225 : memref<1x16x512xf32, #tpu.memory_space<hbm>> -> memref<16x512xf32, #tpu.memory_space<hbm>>
    tpu.wait_dma2 semaphore(%arg19 : memref<!tpu.dma_semaphore, #tpu.memory_space<semaphore_mem>>) src(%dma_wait3A_226 : memref<16x512xf32, #tpu.memory_space<hbm>>) dst(%dma_wait3A_223 : memref<16x512xf32, #tpu.memory_space<vmem>>)
    %parallel_loop3A_227 = arith.constant 0 : i32
    %parallel_loop3A_228 = arith.constant 512 : i32
    %parallel_loop3A_229 = arith.constant 1 : i32
    %parallel_loop3A_230:3 = scf.for %parallel_loop3A_936 = %parallel_loop3A_227 to %parallel_loop3A_228 step %parallel_loop3A_229 iter_args(%parallel_loop3A_937 = %parallel_loop3A_164#0, %parallel_loop3A_938 = %parallel_loop3A_164#1, %parallel_loop3A_939 = %parallel_loop3A_164#2) -> (vector<16xf32>, vector<16xf32>, vector<16xf32>)  : i32 {
      %parallel_loop3A_940 = arith.constant 32 : i32
      %parallel_loop3A_941 = arith.divsi %parallel_loop3A_936, %parallel_loop3A_940 : i32
      %parallel_loop3A_942 = arith.constant 0 : i32
      %parallel_loop3A_943 = arith.cmpi sgt, %parallel_loop3A_936, %parallel_loop3A_942 : i32
      %parallel_loop3A_944 = arith.extui %parallel_loop3A_943 : i1 to i32
      %parallel_loop3A_945 = arith.constant 0 : i32
      %parallel_loop3A_946 = arith.cmpi slt, %parallel_loop3A_936, %parallel_loop3A_945 : i32
      %parallel_loop3A_947 = arith.extui %parallel_loop3A_946 : i1 to i32
      %parallel_loop3A_948 = arith.subi %parallel_loop3A_944, %parallel_loop3A_947 : i32
      %parallel_loop3A_949 = arith.constant 0 : i32
      %parallel_loop3A_950 = arith.cmpi sgt, %parallel_loop3A_940, %parallel_loop3A_949 : i32
      %parallel_loop3A_951 = arith.extui %parallel_loop3A_950 : i1 to i32
      %parallel_loop3A_952 = arith.constant 0 : i32
      %parallel_loop3A_953 = arith.cmpi slt, %parallel_loop3A_940, %parallel_loop3A_952 : i32
      %parallel_loop3A_954 = arith.extui %parallel_loop3A_953 : i1 to i32
      %parallel_loop3A_955 = arith.subi %parallel_loop3A_951, %parallel_loop3A_954 : i32
      %parallel_loop3A_956 = arith.cmpi ne, %parallel_loop3A_948, %parallel_loop3A_955 : i32
      %parallel_loop3A_957 = arith.remsi %parallel_loop3A_936, %parallel_loop3A_940 : i32
      %parallel_loop3A_958 = arith.constant 0 : i32
      %parallel_loop3A_959 = arith.cmpi ne, %parallel_loop3A_957, %parallel_loop3A_958 : i32
      %parallel_loop3A_960 = arith.andi %parallel_loop3A_956, %parallel_loop3A_959 : i1
      %parallel_loop3A_961 = arith.constant 1 : i32
      %parallel_loop3A_962 = arith.subi %parallel_loop3A_941, %parallel_loop3A_961 : i32
      %parallel_loop3A_963 = arith.select %parallel_loop3A_960, %parallel_loop3A_962, %parallel_loop3A_941 : i32
      %parallel_loop3A_964 = arith.constant 32 : i32
      %parallel_loop3A_965 = arith.constant 0 : i32
      %parallel_loop3A_966 = arith.cmpi eq, %parallel_loop3A_964, %parallel_loop3A_965 : i32
      %parallel_loop3A_967 = arith.constant 1 : i32
      %parallel_loop3A_968 = arith.select %parallel_loop3A_966, %parallel_loop3A_967, %parallel_loop3A_964 : i32
      %parallel_loop3A_969 = arith.remsi %parallel_loop3A_936, %parallel_loop3A_968 : i32
      %parallel_loop3A_970 = arith.constant 0 : i32
      %parallel_loop3A_971 = arith.cmpi ne, %parallel_loop3A_969, %parallel_loop3A_970 : i32
      %parallel_loop3A_972 = arith.constant 0 : i32
      %parallel_loop3A_973 = arith.cmpi slt, %parallel_loop3A_969, %parallel_loop3A_972 : i32
      %parallel_loop3A_974 = arith.constant 0 : i32
      %parallel_loop3A_975 = arith.cmpi slt, %parallel_loop3A_968, %parallel_loop3A_974 : i32
      %parallel_loop3A_976 = arith.xori %parallel_loop3A_973, %parallel_loop3A_975 : i1
      %parallel_loop3A_977 = arith.andi %parallel_loop3A_976, %parallel_loop3A_971 : i1
      %parallel_loop3A_978 = arith.addi %parallel_loop3A_969, %parallel_loop3A_968 : i32
      %parallel_loop3A_979 = arith.select %parallel_loop3A_977, %parallel_loop3A_978, %parallel_loop3A_969 : i32
      %parallel_loop3A_980 = arith.constant 16 : i32
      %parallel_loop3A_981 = arith.muli %parallel_loop3A_979, %parallel_loop3A_980 : i32
      %parallel_loop3A_982 = arith.constant 1 : i32
      %parallel_loop3A_983 = arith.index_cast %parallel_loop3A_982 : i32 to index
      %parallel_loop3A_984 = arith.index_cast %parallel_loop3A_963 : i32 to index
      %parallel_loop3A_985 = arith.index_cast %parallel_loop3A_981 : i32 to index
      %parallel_loop3A_986 = tpu.vector_load %arg5[%parallel_loop3A_983, %parallel_loop3A_984, %parallel_loop3A_985] {strides = array<i32>} : memref<3x16x512xf32, #tpu.memory_space<vmem>>, vector<16xf32>,
      %parallel_loop3A_987 = arith.constant 1 : i32
      %parallel_loop3A_988 = arith.index_cast %parallel_loop3A_987 : i32 to index
      %parallel_loop3A_989 = arith.index_cast %parallel_loop3A_963 : i32 to index
      %parallel_loop3A_990 = arith.index_cast %parallel_loop3A_981 : i32 to index
      %parallel_loop3A_991 = tpu.vector_load %arg6[%parallel_loop3A_988, %parallel_loop3A_989, %parallel_loop3A_990] {strides = array<i32>} : memref<3x16x512xf32, #tpu.memory_space<vmem>>, vector<16xf32>,
      %parallel_loop3A_992 = arith.subf %parallel_loop3A_986, %parallel_loop3A_991 : vector<16xf32>
      %parallel_loop3A_993 = arith.mulf %parallel_loop3A_992, %parallel_loop3A_992 : vector<16xf32>
      %parallel_loop3A_994 = arith.constant 0.000000e+00 : f32
      %parallel_loop3A_995 = vector.broadcast %parallel_loop3A_994 : f32 to vector<16xf32>
      %parallel_loop3A_996 = arith.cmpf ogt, %parallel_loop3A_991, %parallel_loop3A_995 : vector<16xf32>
      %parallel_loop3A_997 = tpu.bitcast %parallel_loop3A_993 : vector<16xf32> -> vector<16xi32>
      %parallel_loop3A_998 = arith.constant -1 : i32
      %parallel_loop3A_999 = vector.broadcast %parallel_loop3A_998 : i32 to vector<16xi32>
      %parallel_loop3A_1000 = arith.select %parallel_loop3A_996, %parallel_loop3A_999, %parallel_loop3A_997 : vector<16xi1>, vector<16xi32>
      %parallel_loop3A_1001 = arith.constant 16 : i32
      %parallel_loop3A_1002 = arith.muli %parallel_loop3A_936, %parallel_loop3A_1001 : i32
      %parallel_loop3A_1003 = arith.constant 8192 : i32
      %parallel_loop3A_1004 = arith.addi %parallel_loop3A_1003, %parallel_loop3A_1002 : i32
      %parallel_loop3A_1005 = arith.index_cast %parallel_loop3A_1004 : i32 to index
      %parallel_loop3A_1006 = tpu.vector_load %arg7[%parallel_loop3A_1005] {strides = array<i32>} : memref<65536xi32, #tpu.memory_space<vmem>>, vector<16xi32>,
      tpu.vector_store %arg7[%parallel_loop3A_1005], %parallel_loop3A_1000 {strides = array<i32>} : memref<65536xi32, #tpu.memory_space<vmem>>, vector<16xi32>,
      %parallel_loop3A_1007 = arith.constant 1.000000e+00 : f32
      %parallel_loop3A_1008 = arith.constant 0.000000e+00 : f32
      %parallel_loop3A_1009 = vector.broadcast %parallel_loop3A_1007 : f32 to vector<16xf32>
      %parallel_loop3A_1010 = vector.broadcast %parallel_loop3A_1008 : f32 to vector<16xf32>
      %parallel_loop3A_1011 = arith.select %parallel_loop3A_996, %parallel_loop3A_1009, %parallel_loop3A_1010 : vector<16xi1>, vector<16xf32>
      %parallel_loop3A_1012 = arith.addf %parallel_loop3A_937, %parallel_loop3A_1011 : vector<16xf32>
      %parallel_loop3A_1013 = arith.constant 0.000000e+00 : f32
      %parallel_loop3A_1014 = vector.broadcast %parallel_loop3A_1013 : f32 to vector<16xf32>
      %parallel_loop3A_1015 = arith.select %parallel_loop3A_996, %parallel_loop3A_993, %parallel_loop3A_1014 : vector<16xi1>, vector<16xf32>
      %parallel_loop3A_1016 = arith.addf %parallel_loop3A_938, %parallel_loop3A_1015 : vector<16xf32>
      %parallel_loop3A_1017 = arith.addf %parallel_loop3A_939, %parallel_loop3A_993 : vector<16xf32>
      scf.yield %parallel_loop3A_1012, %parallel_loop3A_1016, %parallel_loop3A_1017 : vector<16xf32>, vector<16xf32>, vector<16xf32>
    } {sc.loop_unroll_factor = 8 : i64, sc.parallel_access}
    %add3A_231 = arith.constant 64 : i32
    %add3A_232 = arith.addi %mul3A_32, %add3A_231 : i32
    %dma_start3A_233 = arith.constant 1 : i32
    %dma_start3A_234 = arith.constant 0 : i32
    %dma_start3A_235 = arith.constant 0 : i32
    %dma_start3A_236 = tpu.memref_slice %arg5[%dma_start3A_233, %dma_start3A_234, %dma_start3A_235] : memref<3x16x512xf32, #tpu.memory_space<vmem>> -> memref<1x16x512xf32, #tpu.memory_space<vmem>>
    %dma_start3A_237 = tpu.memref_squeeze %dma_start3A_236 : memref<1x16x512xf32, #tpu.memory_space<vmem>> -> memref<16x512xf32, #tpu.memory_space<vmem>>
    %dma_start3A_238 = arith.constant 0 : i32
    %dma_start3A_239 = tpu.memref_slice %arg2[%add3A, %add3A_232, %dma_start3A_238] : memref<8x512x512xf32, #tpu.memory_space<hbm>> -> memref<1x16x512xf32, #tpu.memory_space<hbm>>
    %dma_start3A_240 = tpu.memref_squeeze %dma_start3A_239 : memref<1x16x512xf32, #tpu.memory_space<hbm>> -> memref<16x512xf32, #tpu.memory_space<hbm>>
    %dma_start3A_241 = arith.constant 0 : i32
    %dma_start3A_242 = arith.constant 0 : i32
    %dma_start3A_243 = tpu.memref_slice %arg5[%dma_start3A_233, %dma_start3A_241, %dma_start3A_242] : memref<3x16x512xf32, #tpu.memory_space<vmem>> -> memref<1x16x512xf32, #tpu.memory_space<vmem>>
    %dma_start3A_244 = tpu.memref_squeeze %dma_start3A_243 : memref<1x16x512xf32, #tpu.memory_space<vmem>> -> memref<16x512xf32, #tpu.memory_space<vmem>>
    %dma_start3A_245 = arith.constant 0 : i32
    %dma_start3A_246 = tpu.memref_slice %arg2[%add3A, %add3A_232, %dma_start3A_245] : memref<8x512x512xf32, #tpu.memory_space<hbm>> -> memref<1x16x512xf32, #tpu.memory_space<hbm>>
    %dma_start3A_247 = tpu.memref_squeeze %dma_start3A_246 : memref<1x16x512xf32, #tpu.memory_space<hbm>> -> memref<16x512xf32, #tpu.memory_space<hbm>>
    tpu.enqueue_dma source(%dma_start3A_247 : memref<16x512xf32, #tpu.memory_space<hbm>>) target(%dma_start3A_244 : memref<16x512xf32, #tpu.memory_space<vmem>>) target_semaphore(%arg19 : memref<!tpu.dma_semaphore, #tpu.memory_space<semaphore_mem>>)
    %dma_start3A_248 = arith.constant 1 : i32
    %dma_start3A_249 = arith.constant 0 : i32
    %dma_start3A_250 = arith.constant 0 : i32
    %dma_start3A_251 = tpu.memref_slice %arg6[%dma_start3A_248, %dma_start3A_249, %dma_start3A_250] : memref<3x16x512xf32, #tpu.memory_space<vmem>> -> memref<1x16x512xf32, #tpu.memory_space<vmem>>
    %dma_start3A_252 = tpu.memref_squeeze %dma_start3A_251 : memref<1x16x512xf32, #tpu.memory_space<vmem>> -> memref<16x512xf32, #tpu.memory_space<vmem>>
    %dma_start3A_253 = arith.constant 0 : i32
    %dma_start3A_254 = tpu.memref_slice %arg3[%add3A, %add3A_232, %dma_start3A_253] : memref<8x512x512xf32, #tpu.memory_space<hbm>> -> memref<1x16x512xf32, #tpu.memory_space<hbm>>
    %dma_start3A_255 = tpu.memref_squeeze %dma_start3A_254 : memref<1x16x512xf32, #tpu.memory_space<hbm>> -> memref<16x512xf32, #tpu.memory_space<hbm>>
    %dma_start3A_256 = arith.constant 0 : i32
    %dma_start3A_257 = arith.constant 0 : i32
    %dma_start3A_258 = tpu.memref_slice %arg6[%dma_start3A_248, %dma_start3A_256, %dma_start3A_257] : memref<3x16x512xf32, #tpu.memory_space<vmem>> -> memref<1x16x512xf32, #tpu.memory_space<vmem>>
    %dma_start3A_259 = tpu.memref_squeeze %dma_start3A_258 : memref<1x16x512xf32, #tpu.memory_space<vmem>> -> memref<16x512xf32, #tpu.memory_space<vmem>>
    %dma_start3A_260 = arith.constant 0 : i32
    %dma_start3A_261 = tpu.memref_slice %arg3[%add3A, %add3A_232, %dma_start3A_260] : memref<8x512x512xf32, #tpu.memory_space<hbm>> -> memref<1x16x512xf32, #tpu.memory_space<hbm>>
    %dma_start3A_262 = tpu.memref_squeeze %dma_start3A_261 : memref<1x16x512xf32, #tpu.memory_space<hbm>> -> memref<16x512xf32, #tpu.memory_space<hbm>>
    tpu.enqueue_dma source(%dma_start3A_262 : memref<16x512xf32, #tpu.memory_space<hbm>>) target(%dma_start3A_259 : memref<16x512xf32, #tpu.memory_space<vmem>>) target_semaphore(%arg19 : memref<!tpu.dma_semaphore, #tpu.memory_space<semaphore_mem>>)
    %dma_wait3A_263 = arith.constant 2 : i32
    %dma_wait3A_264 = arith.constant 0 : i32
    %dma_wait3A_265 = arith.constant 0 : i32
    %dma_wait3A_266 = tpu.memref_slice %arg5[%dma_wait3A_263, %dma_wait3A_264, %dma_wait3A_265] : memref<3x16x512xf32, #tpu.memory_space<vmem>> -> memref<1x16x512xf32, #tpu.memory_space<vmem>>
    %dma_wait3A_267 = tpu.memref_squeeze %dma_wait3A_266 : memref<1x16x512xf32, #tpu.memory_space<vmem>> -> memref<16x512xf32, #tpu.memory_space<vmem>>
    %dma_wait3A_268 = arith.constant 0 : i32
    %dma_wait3A_269 = tpu.memref_slice %arg2[%add3A, %add3A_102, %dma_wait3A_268] : memref<8x512x512xf32, #tpu.memory_space<hbm>> -> memref<1x16x512xf32, #tpu.memory_space<hbm>>
    %dma_wait3A_270 = tpu.memref_squeeze %dma_wait3A_269 : memref<1x16x512xf32, #tpu.memory_space<hbm>> -> memref<16x512xf32, #tpu.memory_space<hbm>>
    %dma_wait3A_271 = arith.constant 0 : i32
    %dma_wait3A_272 = arith.constant 0 : i32
    %dma_wait3A_273 = tpu.memref_slice %arg5[%dma_wait3A_263, %dma_wait3A_271, %dma_wait3A_272] : memref<3x16x512xf32, #tpu.memory_space<vmem>> -> memref<1x16x512xf32, #tpu.memory_space<vmem>>
    %dma_wait3A_274 = tpu.memref_squeeze %dma_wait3A_273 : memref<1x16x512xf32, #tpu.memory_space<vmem>> -> memref<16x512xf32, #tpu.memory_space<vmem>>
    %dma_wait3A_275 = arith.constant 0 : i32
    %dma_wait3A_276 = tpu.memref_slice %arg2[%add3A, %add3A_102, %dma_wait3A_275] : memref<8x512x512xf32, #tpu.memory_space<hbm>> -> memref<1x16x512xf32, #tpu.memory_space<hbm>>
    %dma_wait3A_277 = tpu.memref_squeeze %dma_wait3A_276 : memref<1x16x512xf32, #tpu.memory_space<hbm>> -> memref<16x512xf32, #tpu.memory_space<hbm>>
    tpu.wait_dma2 semaphore(%arg20 : memref<!tpu.dma_semaphore, #tpu.memory_space<semaphore_mem>>) src(%dma_wait3A_277 : memref<16x512xf32, #tpu.memory_space<hbm>>) dst(%dma_wait3A_274 : memref<16x512xf32, #tpu.memory_space<vmem>>)
    %dma_wait3A_278 = arith.constant 2 : i32
    %dma_wait3A_279 = arith.constant 0 : i32
    %dma_wait3A_280 = arith.constant 0 : i32
    %dma_wait3A_281 = tpu.memref_slice %arg6[%dma_wait3A_278, %dma_wait3A_279, %dma_wait3A_280] : memref<3x16x512xf32, #tpu.memory_space<vmem>> -> memref<1x16x512xf32, #tpu.memory_space<vmem>>
    %dma_wait3A_282 = tpu.memref_squeeze %dma_wait3A_281 : memref<1x16x512xf32, #tpu.memory_space<vmem>> -> memref<16x512xf32, #tpu.memory_space<vmem>>
    %dma_wait3A_283 = arith.constant 0 : i32
    %dma_wait3A_284 = tpu.memref_slice %arg3[%add3A, %add3A_102, %dma_wait3A_283] : memref<8x512x512xf32, #tpu.memory_space<hbm>> -> memref<1x16x512xf32, #tpu.memory_space<hbm>>
    %dma_wait3A_285 = tpu.memref_squeeze %dma_wait3A_284 : memref<1x16x512xf32, #tpu.memory_space<hbm>> -> memref<16x512xf32, #tpu.memory_space<hbm>>
    %dma_wait3A_286 = arith.constant 0 : i32
    %dma_wait3A_287 = arith.constant 0 : i32
    %dma_wait3A_288 = tpu.memref_slice %arg6[%dma_wait3A_278, %dma_wait3A_286, %dma_wait3A_287] : memref<3x16x512xf32, #tpu.memory_space<vmem>> -> memref<1x16x512xf32, #tpu.memory_space<vmem>>
    %dma_wait3A_289 = tpu.memref_squeeze %dma_wait3A_288 : memref<1x16x512xf32, #tpu.memory_space<vmem>> -> memref<16x512xf32, #tpu.memory_space<vmem>>
    %dma_wait3A_290 = arith.constant 0 : i32
    %dma_wait3A_291 = tpu.memref_slice %arg3[%add3A, %add3A_102, %dma_wait3A_290] : memref<8x512x512xf32, #tpu.memory_space<hbm>> -> memref<1x16x512xf32, #tpu.memory_space<hbm>>
    %dma_wait3A_292 = tpu.memref_squeeze %dma_wait3A_291 : memref<1x16x512xf32, #tpu.memory_space<hbm>> -> memref<16x512xf32, #tpu.memory_space<hbm>>
    tpu.wait_dma2 semaphore(%arg20 : memref<!tpu.dma_semaphore, #tpu.memory_space<semaphore_mem>>) src(%dma_wait3A_292 : memref<16x512xf32, #tpu.memory_space<hbm>>) dst(%dma_wait3A_289 : memref<16x512xf32, #tpu.memory_space<vmem>>)
    %parallel_loop3A_293 = arith.constant 0 : i32
    %parallel_loop3A_294 = arith.constant 512 : i32
    %parallel_loop3A_295 = arith.constant 1 : i32
    %parallel_loop3A_296:3 = scf.for %parallel_loop3A_936 = %parallel_loop3A_293 to %parallel_loop3A_294 step %parallel_loop3A_295 iter_args(%parallel_loop3A_937 = %parallel_loop3A_230#0, %parallel_loop3A_938 = %parallel_loop3A_230#1, %parallel_loop3A_939 = %parallel_loop3A_230#2) -> (vector<16xf32>, vector<16xf32>, vector<16xf32>)  : i32 {
      %parallel_loop3A_940 = arith.constant 32 : i32
      %parallel_loop3A_941 = arith.divsi %parallel_loop3A_936, %parallel_loop3A_940 : i32
      %parallel_loop3A_942 = arith.constant 0 : i32
      %parallel_loop3A_943 = arith.cmpi sgt, %parallel_loop3A_936, %parallel_loop3A_942 : i32
      %parallel_loop3A_944 = arith.extui %parallel_loop3A_943 : i1 to i32
      %parallel_loop3A_945 = arith.constant 0 : i32
      %parallel_loop3A_946 = arith.cmpi slt, %parallel_loop3A_936, %parallel_loop3A_945 : i32
      %parallel_loop3A_947 = arith.extui %parallel_loop3A_946 : i1 to i32
      %parallel_loop3A_948 = arith.subi %parallel_loop3A_944, %parallel_loop3A_947 : i32
      %parallel_loop3A_949 = arith.constant 0 : i32
      %parallel_loop3A_950 = arith.cmpi sgt, %parallel_loop3A_940, %parallel_loop3A_949 : i32
      %parallel_loop3A_951 = arith.extui %parallel_loop3A_950 : i1 to i32
      %parallel_loop3A_952 = arith.constant 0 : i32
      %parallel_loop3A_953 = arith.cmpi slt, %parallel_loop3A_940, %parallel_loop3A_952 : i32
      %parallel_loop3A_954 = arith.extui %parallel_loop3A_953 : i1 to i32
      %parallel_loop3A_955 = arith.subi %parallel_loop3A_951, %parallel_loop3A_954 : i32
      %parallel_loop3A_956 = arith.cmpi ne, %parallel_loop3A_948, %parallel_loop3A_955 : i32
      %parallel_loop3A_957 = arith.remsi %parallel_loop3A_936, %parallel_loop3A_940 : i32
      %parallel_loop3A_958 = arith.constant 0 : i32
      %parallel_loop3A_959 = arith.cmpi ne, %parallel_loop3A_957, %parallel_loop3A_958 : i32
      %parallel_loop3A_960 = arith.andi %parallel_loop3A_956, %parallel_loop3A_959 : i1
      %parallel_loop3A_961 = arith.constant 1 : i32
      %parallel_loop3A_962 = arith.subi %parallel_loop3A_941, %parallel_loop3A_961 : i32
      %parallel_loop3A_963 = arith.select %parallel_loop3A_960, %parallel_loop3A_962, %parallel_loop3A_941 : i32
      %parallel_loop3A_964 = arith.constant 32 : i32
      %parallel_loop3A_965 = arith.constant 0 : i32
      %parallel_loop3A_966 = arith.cmpi eq, %parallel_loop3A_964, %parallel_loop3A_965 : i32
      %parallel_loop3A_967 = arith.constant 1 : i32
      %parallel_loop3A_968 = arith.select %parallel_loop3A_966, %parallel_loop3A_967, %parallel_loop3A_964 : i32
      %parallel_loop3A_969 = arith.remsi %parallel_loop3A_936, %parallel_loop3A_968 : i32
      %parallel_loop3A_970 = arith.constant 0 : i32
      %parallel_loop3A_971 = arith.cmpi ne, %parallel_loop3A_969, %parallel_loop3A_970 : i32
      %parallel_loop3A_972 = arith.constant 0 : i32
      %parallel_loop3A_973 = arith.cmpi slt, %parallel_loop3A_969, %parallel_loop3A_972 : i32
      %parallel_loop3A_974 = arith.constant 0 : i32
      %parallel_loop3A_975 = arith.cmpi slt, %parallel_loop3A_968, %parallel_loop3A_974 : i32
      %parallel_loop3A_976 = arith.xori %parallel_loop3A_973, %parallel_loop3A_975 : i1
      %parallel_loop3A_977 = arith.andi %parallel_loop3A_976, %parallel_loop3A_971 : i1
      %parallel_loop3A_978 = arith.addi %parallel_loop3A_969, %parallel_loop3A_968 : i32
      %parallel_loop3A_979 = arith.select %parallel_loop3A_977, %parallel_loop3A_978, %parallel_loop3A_969 : i32
      %parallel_loop3A_980 = arith.constant 16 : i32
      %parallel_loop3A_981 = arith.muli %parallel_loop3A_979, %parallel_loop3A_980 : i32
      %parallel_loop3A_982 = arith.constant 2 : i32
      %parallel_loop3A_983 = arith.index_cast %parallel_loop3A_982 : i32 to index
      %parallel_loop3A_984 = arith.index_cast %parallel_loop3A_963 : i32 to index
      %parallel_loop3A_985 = arith.index_cast %parallel_loop3A_981 : i32 to index
      %parallel_loop3A_986 = tpu.vector_load %arg5[%parallel_loop3A_983, %parallel_loop3A_984, %parallel_loop3A_985] {strides = array<i32>} : memref<3x16x512xf32, #tpu.memory_space<vmem>>, vector<16xf32>,
      %parallel_loop3A_987 = arith.constant 2 : i32
      %parallel_loop3A_988 = arith.index_cast %parallel_loop3A_987 : i32 to index
      %parallel_loop3A_989 = arith.index_cast %parallel_loop3A_963 : i32 to index
      %parallel_loop3A_990 = arith.index_cast %parallel_loop3A_981 : i32 to index
      %parallel_loop3A_991 = tpu.vector_load %arg6[%parallel_loop3A_988, %parallel_loop3A_989, %parallel_loop3A_990] {strides = array<i32>} : memref<3x16x512xf32, #tpu.memory_space<vmem>>, vector<16xf32>,
      %parallel_loop3A_992 = arith.subf %parallel_loop3A_986, %parallel_loop3A_991 : vector<16xf32>
      %parallel_loop3A_993 = arith.mulf %parallel_loop3A_992, %parallel_loop3A_992 : vector<16xf32>
      %parallel_loop3A_994 = arith.constant 0.000000e+00 : f32
      %parallel_loop3A_995 = vector.broadcast %parallel_loop3A_994 : f32 to vector<16xf32>
      %parallel_loop3A_996 = arith.cmpf ogt, %parallel_loop3A_991, %parallel_loop3A_995 : vector<16xf32>
      %parallel_loop3A_997 = tpu.bitcast %parallel_loop3A_993 : vector<16xf32> -> vector<16xi32>
      %parallel_loop3A_998 = arith.constant -1 : i32
      %parallel_loop3A_999 = vector.broadcast %parallel_loop3A_998 : i32 to vector<16xi32>
      %parallel_loop3A_1000 = arith.select %parallel_loop3A_996, %parallel_loop3A_999, %parallel_loop3A_997 : vector<16xi1>, vector<16xi32>
      %parallel_loop3A_1001 = arith.constant 16 : i32
      %parallel_loop3A_1002 = arith.muli %parallel_loop3A_936, %parallel_loop3A_1001 : i32
      %parallel_loop3A_1003 = arith.constant 16384 : i32
      %parallel_loop3A_1004 = arith.addi %parallel_loop3A_1003, %parallel_loop3A_1002 : i32
      %parallel_loop3A_1005 = arith.index_cast %parallel_loop3A_1004 : i32 to index
      %parallel_loop3A_1006 = tpu.vector_load %arg7[%parallel_loop3A_1005] {strides = array<i32>} : memref<65536xi32, #tpu.memory_space<vmem>>, vector<16xi32>,
      tpu.vector_store %arg7[%parallel_loop3A_1005], %parallel_loop3A_1000 {strides = array<i32>} : memref<65536xi32, #tpu.memory_space<vmem>>, vector<16xi32>,
      %parallel_loop3A_1007 = arith.constant 1.000000e+00 : f32
      %parallel_loop3A_1008 = arith.constant 0.000000e+00 : f32
      %parallel_loop3A_1009 = vector.broadcast %parallel_loop3A_1007 : f32 to vector<16xf32>
      %parallel_loop3A_1010 = vector.broadcast %parallel_loop3A_1008 : f32 to vector<16xf32>
      %parallel_loop3A_1011 = arith.select %parallel_loop3A_996, %parallel_loop3A_1009, %parallel_loop3A_1010 : vector<16xi1>, vector<16xf32>
      %parallel_loop3A_1012 = arith.addf %parallel_loop3A_937, %parallel_loop3A_1011 : vector<16xf32>
      %parallel_loop3A_1013 = arith.constant 0.000000e+00 : f32
      %parallel_loop3A_1014 = vector.broadcast %parallel_loop3A_1013 : f32 to vector<16xf32>
      %parallel_loop3A_1015 = arith.select %parallel_loop3A_996, %parallel_loop3A_993, %parallel_loop3A_1014 : vector<16xi1>, vector<16xf32>
      %parallel_loop3A_1016 = arith.addf %parallel_loop3A_938, %parallel_loop3A_1015 : vector<16xf32>
      %parallel_loop3A_1017 = arith.addf %parallel_loop3A_939, %parallel_loop3A_993 : vector<16xf32>
      scf.yield %parallel_loop3A_1012, %parallel_loop3A_1016, %parallel_loop3A_1017 : vector<16xf32>, vector<16xf32>, vector<16xf32>
    } {sc.loop_unroll_factor = 8 : i64, sc.parallel_access}
    %add3A_297 = arith.constant 80 : i32
    %add3A_298 = arith.addi %mul3A_32, %add3A_297 : i32
    %dma_start3A_299 = arith.constant 2 : i32
    %dma_start3A_300 = arith.constant 0 : i32
    %dma_start3A_301 = arith.constant 0 : i32
    %dma_start3A_302 = tpu.memref_slice %arg5[%dma_start3A_299, %dma_start3A_300, %dma_start3A_301] : memref<3x16x512xf32, #tpu.memory_space<vmem>> -> memref<1x16x512xf32, #tpu.memory_space<vmem>>
    %dma_start3A_303 = tpu.memref_squeeze %dma_start3A_302 : memref<1x16x512xf32, #tpu.memory_space<vmem>> -> memref<16x512xf32, #tpu.memory_space<vmem>>
    %dma_start3A_304 = arith.constant 0 : i32
    %dma_start3A_305 = tpu.memref_slice %arg2[%add3A, %add3A_298, %dma_start3A_304] : memref<8x512x512xf32, #tpu.memory_space<hbm>> -> memref<1x16x512xf32, #tpu.memory_space<hbm>>
    %dma_start3A_306 = tpu.memref_squeeze %dma_start3A_305 : memref<1x16x512xf32, #tpu.memory_space<hbm>> -> memref<16x512xf32, #tpu.memory_space<hbm>>
    %dma_start3A_307 = arith.constant 0 : i32
    %dma_start3A_308 = arith.constant 0 : i32
    %dma_start3A_309 = tpu.memref_slice %arg5[%dma_start3A_299, %dma_start3A_307, %dma_start3A_308] : memref<3x16x512xf32, #tpu.memory_space<vmem>> -> memref<1x16x512xf32, #tpu.memory_space<vmem>>
    %dma_start3A_310 = tpu.memref_squeeze %dma_start3A_309 : memref<1x16x512xf32, #tpu.memory_space<vmem>> -> memref<16x512xf32, #tpu.memory_space<vmem>>
    %dma_start3A_311 = arith.constant 0 : i32
    %dma_start3A_312 = tpu.memref_slice %arg2[%add3A, %add3A_298, %dma_start3A_311] : memref<8x512x512xf32, #tpu.memory_space<hbm>> -> memref<1x16x512xf32, #tpu.memory_space<hbm>>
    %dma_start3A_313 = tpu.memref_squeeze %dma_start3A_312 : memref<1x16x512xf32, #tpu.memory_space<hbm>> -> memref<16x512xf32, #tpu.memory_space<hbm>>
    tpu.enqueue_dma source(%dma_start3A_313 : memref<16x512xf32, #tpu.memory_space<hbm>>) target(%dma_start3A_310 : memref<16x512xf32, #tpu.memory_space<vmem>>) target_semaphore(%arg20 : memref<!tpu.dma_semaphore, #tpu.memory_space<semaphore_mem>>)
    %dma_start3A_314 = arith.constant 2 : i32
    %dma_start3A_315 = arith.constant 0 : i32
    %dma_start3A_316 = arith.constant 0 : i32
    %dma_start3A_317 = tpu.memref_slice %arg6[%dma_start3A_314, %dma_start3A_315, %dma_start3A_316] : memref<3x16x512xf32, #tpu.memory_space<vmem>> -> memref<1x16x512xf32, #tpu.memory_space<vmem>>
    %dma_start3A_318 = tpu.memref_squeeze %dma_start3A_317 : memref<1x16x512xf32, #tpu.memory_space<vmem>> -> memref<16x512xf32, #tpu.memory_space<vmem>>
    %dma_start3A_319 = arith.constant 0 : i32
    %dma_start3A_320 = tpu.memref_slice %arg3[%add3A, %add3A_298, %dma_start3A_319] : memref<8x512x512xf32, #tpu.memory_space<hbm>> -> memref<1x16x512xf32, #tpu.memory_space<hbm>>
    %dma_start3A_321 = tpu.memref_squeeze %dma_start3A_320 : memref<1x16x512xf32, #tpu.memory_space<hbm>> -> memref<16x512xf32, #tpu.memory_space<hbm>>
    %dma_start3A_322 = arith.constant 0 : i32
    %dma_start3A_323 = arith.constant 0 : i32
    %dma_start3A_324 = tpu.memref_slice %arg6[%dma_start3A_314, %dma_start3A_322, %dma_start3A_323] : memref<3x16x512xf32, #tpu.memory_space<vmem>> -> memref<1x16x512xf32, #tpu.memory_space<vmem>>
    %dma_start3A_325 = tpu.memref_squeeze %dma_start3A_324 : memref<1x16x512xf32, #tpu.memory_space<vmem>> -> memref<16x512xf32, #tpu.memory_space<vmem>>
    %dma_start3A_326 = arith.constant 0 : i32
    %dma_start3A_327 = tpu.memref_slice %arg3[%add3A, %add3A_298, %dma_start3A_326] : memref<8x512x512xf32, #tpu.memory_space<hbm>> -> memref<1x16x512xf32, #tpu.memory_space<hbm>>
    %dma_start3A_328 = tpu.memref_squeeze %dma_start3A_327 : memref<1x16x512xf32, #tpu.memory_space<hbm>> -> memref<16x512xf32, #tpu.memory_space<hbm>>
    tpu.enqueue_dma source(%dma_start3A_328 : memref<16x512xf32, #tpu.memory_space<hbm>>) target(%dma_start3A_325 : memref<16x512xf32, #tpu.memory_space<vmem>>) target_semaphore(%arg20 : memref<!tpu.dma_semaphore, #tpu.memory_space<semaphore_mem>>)
    %dma_wait3A_329 = arith.constant 0 : i32
    %dma_wait3A_330 = arith.constant 0 : i32
    %dma_wait3A_331 = arith.constant 0 : i32
    %dma_wait3A_332 = tpu.memref_slice %arg5[%dma_wait3A_329, %dma_wait3A_330, %dma_wait3A_331] : memref<3x16x512xf32, #tpu.memory_space<vmem>> -> memref<1x16x512xf32, #tpu.memory_space<vmem>>
    %dma_wait3A_333 = tpu.memref_squeeze %dma_wait3A_332 : memref<1x16x512xf32, #tpu.memory_space<vmem>> -> memref<16x512xf32, #tpu.memory_space<vmem>>
    %dma_wait3A_334 = arith.constant 0 : i32
    %dma_wait3A_335 = tpu.memref_slice %arg2[%add3A, %add3A_166, %dma_wait3A_334] : memref<8x512x512xf32, #tpu.memory_space<hbm>> -> memref<1x16x512xf32, #tpu.memory_space<hbm>>
    %dma_wait3A_336 = tpu.memref_squeeze %dma_wait3A_335 : memref<1x16x512xf32, #tpu.memory_space<hbm>> -> memref<16x512xf32, #tpu.memory_space<hbm>>
    %dma_wait3A_337 = arith.constant 0 : i32
    %dma_wait3A_338 = arith.constant 0 : i32
    %dma_wait3A_339 = tpu.memref_slice %arg5[%dma_wait3A_329, %dma_wait3A_337, %dma_wait3A_338] : memref<3x16x512xf32, #tpu.memory_space<vmem>> -> memref<1x16x512xf32, #tpu.memory_space<vmem>>
    %dma_wait3A_340 = tpu.memref_squeeze %dma_wait3A_339 : memref<1x16x512xf32, #tpu.memory_space<vmem>> -> memref<16x512xf32, #tpu.memory_space<vmem>>
    %dma_wait3A_341 = arith.constant 0 : i32
    %dma_wait3A_342 = tpu.memref_slice %arg2[%add3A, %add3A_166, %dma_wait3A_341] : memref<8x512x512xf32, #tpu.memory_space<hbm>> -> memref<1x16x512xf32, #tpu.memory_space<hbm>>
    %dma_wait3A_343 = tpu.memref_squeeze %dma_wait3A_342 : memref<1x16x512xf32, #tpu.memory_space<hbm>> -> memref<16x512xf32, #tpu.memory_space<hbm>>
    tpu.wait_dma2 semaphore(%arg18 : memref<!tpu.dma_semaphore, #tpu.memory_space<semaphore_mem>>) src(%dma_wait3A_343 : memref<16x512xf32, #tpu.memory_space<hbm>>) dst(%dma_wait3A_340 : memref<16x512xf32, #tpu.memory_space<vmem>>)
    %dma_wait3A_344 = arith.constant 0 : i32
    %dma_wait3A_345 = arith.constant 0 : i32
    %dma_wait3A_346 = arith.constant 0 : i32
    %dma_wait3A_347 = tpu.memref_slice %arg6[%dma_wait3A_344, %dma_wait3A_345, %dma_wait3A_346] : memref<3x16x512xf32, #tpu.memory_space<vmem>> -> memref<1x16x512xf32, #tpu.memory_space<vmem>>
    %dma_wait3A_348 = tpu.memref_squeeze %dma_wait3A_347 : memref<1x16x512xf32, #tpu.memory_space<vmem>> -> memref<16x512xf32, #tpu.memory_space<vmem>>
    %dma_wait3A_349 = arith.constant 0 : i32
    %dma_wait3A_350 = tpu.memref_slice %arg3[%add3A, %add3A_166, %dma_wait3A_349] : memref<8x512x512xf32, #tpu.memory_space<hbm>> -> memref<1x16x512xf32, #tpu.memory_space<hbm>>
    %dma_wait3A_351 = tpu.memref_squeeze %dma_wait3A_350 : memref<1x16x512xf32, #tpu.memory_space<hbm>> -> memref<16x512xf32, #tpu.memory_space<hbm>>
    %dma_wait3A_352 = arith.constant 0 : i32
    %dma_wait3A_353 = arith.constant 0 : i32
    %dma_wait3A_354 = tpu.memref_slice %arg6[%dma_wait3A_344, %dma_wait3A_352, %dma_wait3A_353] : memref<3x16x512xf32, #tpu.memory_space<vmem>> -> memref<1x16x512xf32, #tpu.memory_space<vmem>>
    %dma_wait3A_355 = tpu.memref_squeeze %dma_wait3A_354 : memref<1x16x512xf32, #tpu.memory_space<vmem>> -> memref<16x512xf32, #tpu.memory_space<vmem>>
    %dma_wait3A_356 = arith.constant 0 : i32
    %dma_wait3A_357 = tpu.memref_slice %arg3[%add3A, %add3A_166, %dma_wait3A_356] : memref<8x512x512xf32, #tpu.memory_space<hbm>> -> memref<1x16x512xf32, #tpu.memory_space<hbm>>
    %dma_wait3A_358 = tpu.memref_squeeze %dma_wait3A_357 : memref<1x16x512xf32, #tpu.memory_space<hbm>> -> memref<16x512xf32, #tpu.memory_space<hbm>>
    tpu.wait_dma2 semaphore(%arg18 : memref<!tpu.dma_semaphore, #tpu.memory_space<semaphore_mem>>) src(%dma_wait3A_358 : memref<16x512xf32, #tpu.memory_space<hbm>>) dst(%dma_wait3A_355 : memref<16x512xf32, #tpu.memory_space<vmem>>)
    %parallel_loop3A_359 = arith.constant 0 : i32
    %parallel_loop3A_360 = arith.constant 512 : i32
    %parallel_loop3A_361 = arith.constant 1 : i32
    %parallel_loop3A_362:3 = scf.for %parallel_loop3A_936 = %parallel_loop3A_359 to %parallel_loop3A_360 step %parallel_loop3A_361 iter_args(%parallel_loop3A_937 = %parallel_loop3A_296#0, %parallel_loop3A_938 = %parallel_loop3A_296#1, %parallel_loop3A_939 = %parallel_loop3A_296#2) -> (vector<16xf32>, vector<16xf32>, vector<16xf32>)  : i32 {
      %parallel_loop3A_940 = arith.constant 32 : i32
      %parallel_loop3A_941 = arith.divsi %parallel_loop3A_936, %parallel_loop3A_940 : i32
      %parallel_loop3A_942 = arith.constant 0 : i32
      %parallel_loop3A_943 = arith.cmpi sgt, %parallel_loop3A_936, %parallel_loop3A_942 : i32
      %parallel_loop3A_944 = arith.extui %parallel_loop3A_943 : i1 to i32
      %parallel_loop3A_945 = arith.constant 0 : i32
      %parallel_loop3A_946 = arith.cmpi slt, %parallel_loop3A_936, %parallel_loop3A_945 : i32
      %parallel_loop3A_947 = arith.extui %parallel_loop3A_946 : i1 to i32
      %parallel_loop3A_948 = arith.subi %parallel_loop3A_944, %parallel_loop3A_947 : i32
      %parallel_loop3A_949 = arith.constant 0 : i32
      %parallel_loop3A_950 = arith.cmpi sgt, %parallel_loop3A_940, %parallel_loop3A_949 : i32
      %parallel_loop3A_951 = arith.extui %parallel_loop3A_950 : i1 to i32
      %parallel_loop3A_952 = arith.constant 0 : i32
      %parallel_loop3A_953 = arith.cmpi slt, %parallel_loop3A_940, %parallel_loop3A_952 : i32
      %parallel_loop3A_954 = arith.extui %parallel_loop3A_953 : i1 to i32
      %parallel_loop3A_955 = arith.subi %parallel_loop3A_951, %parallel_loop3A_954 : i32
      %parallel_loop3A_956 = arith.cmpi ne, %parallel_loop3A_948, %parallel_loop3A_955 : i32
      %parallel_loop3A_957 = arith.remsi %parallel_loop3A_936, %parallel_loop3A_940 : i32
      %parallel_loop3A_958 = arith.constant 0 : i32
      %parallel_loop3A_959 = arith.cmpi ne, %parallel_loop3A_957, %parallel_loop3A_958 : i32
      %parallel_loop3A_960 = arith.andi %parallel_loop3A_956, %parallel_loop3A_959 : i1
      %parallel_loop3A_961 = arith.constant 1 : i32
      %parallel_loop3A_962 = arith.subi %parallel_loop3A_941, %parallel_loop3A_961 : i32
      %parallel_loop3A_963 = arith.select %parallel_loop3A_960, %parallel_loop3A_962, %parallel_loop3A_941 : i32
      %parallel_loop3A_964 = arith.constant 32 : i32
      %parallel_loop3A_965 = arith.constant 0 : i32
      %parallel_loop3A_966 = arith.cmpi eq, %parallel_loop3A_964, %parallel_loop3A_965 : i32
      %parallel_loop3A_967 = arith.constant 1 : i32
      %parallel_loop3A_968 = arith.select %parallel_loop3A_966, %parallel_loop3A_967, %parallel_loop3A_964 : i32
      %parallel_loop3A_969 = arith.remsi %parallel_loop3A_936, %parallel_loop3A_968 : i32
      %parallel_loop3A_970 = arith.constant 0 : i32
      %parallel_loop3A_971 = arith.cmpi ne, %parallel_loop3A_969, %parallel_loop3A_970 : i32
      %parallel_loop3A_972 = arith.constant 0 : i32
      %parallel_loop3A_973 = arith.cmpi slt, %parallel_loop3A_969, %parallel_loop3A_972 : i32
      %parallel_loop3A_974 = arith.constant 0 : i32
      %parallel_loop3A_975 = arith.cmpi slt, %parallel_loop3A_968, %parallel_loop3A_974 : i32
      %parallel_loop3A_976 = arith.xori %parallel_loop3A_973, %parallel_loop3A_975 : i1
      %parallel_loop3A_977 = arith.andi %parallel_loop3A_976, %parallel_loop3A_971 : i1
      %parallel_loop3A_978 = arith.addi %parallel_loop3A_969, %parallel_loop3A_968 : i32
      %parallel_loop3A_979 = arith.select %parallel_loop3A_977, %parallel_loop3A_978, %parallel_loop3A_969 : i32
      %parallel_loop3A_980 = arith.constant 16 : i32
      %parallel_loop3A_981 = arith.muli %parallel_loop3A_979, %parallel_loop3A_980 : i32
      %parallel_loop3A_982 = arith.constant 0 : i32
      %parallel_loop3A_983 = arith.index_cast %parallel_loop3A_982 : i32 to index
      %parallel_loop3A_984 = arith.index_cast %parallel_loop3A_963 : i32 to index
      %parallel_loop3A_985 = arith.index_cast %parallel_loop3A_981 : i32 to index
      %parallel_loop3A_986 = tpu.vector_load %arg5[%parallel_loop3A_983, %parallel_loop3A_984, %parallel_loop3A_985] {strides = array<i32>} : memref<3x16x512xf32, #tpu.memory_space<vmem>>, vector<16xf32>,
      %parallel_loop3A_987 = arith.constant 0 : i32
      %parallel_loop3A_988 = arith.index_cast %parallel_loop3A_987 : i32 to index
      %parallel_loop3A_989 = arith.index_cast %parallel_loop3A_963 : i32 to index
      %parallel_loop3A_990 = arith.index_cast %parallel_loop3A_981 : i32 to index
      %parallel_loop3A_991 = tpu.vector_load %arg6[%parallel_loop3A_988, %parallel_loop3A_989, %parallel_loop3A_990] {strides = array<i32>} : memref<3x16x512xf32, #tpu.memory_space<vmem>>, vector<16xf32>,
      %parallel_loop3A_992 = arith.subf %parallel_loop3A_986, %parallel_loop3A_991 : vector<16xf32>
      %parallel_loop3A_993 = arith.mulf %parallel_loop3A_992, %parallel_loop3A_992 : vector<16xf32>
      %parallel_loop3A_994 = arith.constant 0.000000e+00 : f32
      %parallel_loop3A_995 = vector.broadcast %parallel_loop3A_994 : f32 to vector<16xf32>
      %parallel_loop3A_996 = arith.cmpf ogt, %parallel_loop3A_991, %parallel_loop3A_995 : vector<16xf32>
      %parallel_loop3A_997 = tpu.bitcast %parallel_loop3A_993 : vector<16xf32> -> vector<16xi32>
      %parallel_loop3A_998 = arith.constant -1 : i32
      %parallel_loop3A_999 = vector.broadcast %parallel_loop3A_998 : i32 to vector<16xi32>
      %parallel_loop3A_1000 = arith.select %parallel_loop3A_996, %parallel_loop3A_999, %parallel_loop3A_997 : vector<16xi1>, vector<16xi32>
      %parallel_loop3A_1001 = arith.constant 16 : i32
      %parallel_loop3A_1002 = arith.muli %parallel_loop3A_936, %parallel_loop3A_1001 : i32
      %parallel_loop3A_1003 = arith.constant 24576 : i32
      %parallel_loop3A_1004 = arith.addi %parallel_loop3A_1003, %parallel_loop3A_1002 : i32
      %parallel_loop3A_1005 = arith.index_cast %parallel_loop3A_1004 : i32 to index
      %parallel_loop3A_1006 = tpu.vector_load %arg7[%parallel_loop3A_1005] {strides = array<i32>} : memref<65536xi32, #tpu.memory_space<vmem>>, vector<16xi32>,
      tpu.vector_store %arg7[%parallel_loop3A_1005], %parallel_loop3A_1000 {strides = array<i32>} : memref<65536xi32, #tpu.memory_space<vmem>>, vector<16xi32>,
      %parallel_loop3A_1007 = arith.constant 1.000000e+00 : f32
      %parallel_loop3A_1008 = arith.constant 0.000000e+00 : f32
      %parallel_loop3A_1009 = vector.broadcast %parallel_loop3A_1007 : f32 to vector<16xf32>
      %parallel_loop3A_1010 = vector.broadcast %parallel_loop3A_1008 : f32 to vector<16xf32>
      %parallel_loop3A_1011 = arith.select %parallel_loop3A_996, %parallel_loop3A_1009, %parallel_loop3A_1010 : vector<16xi1>, vector<16xf32>
      %parallel_loop3A_1012 = arith.addf %parallel_loop3A_937, %parallel_loop3A_1011 : vector<16xf32>
      %parallel_loop3A_1013 = arith.constant 0.000000e+00 : f32
      %parallel_loop3A_1014 = vector.broadcast %parallel_loop3A_1013 : f32 to vector<16xf32>
      %parallel_loop3A_1015 = arith.select %parallel_loop3A_996, %parallel_loop3A_993, %parallel_loop3A_1014 : vector<16xi1>, vector<16xf32>
      %parallel_loop3A_1016 = arith.addf %parallel_loop3A_938, %parallel_loop3A_1015 : vector<16xf32>
      %parallel_loop3A_1017 = arith.addf %parallel_loop3A_939, %parallel_loop3A_993 : vector<16xf32>
      scf.yield %parallel_loop3A_1012, %parallel_loop3A_1016, %parallel_loop3A_1017 : vector<16xf32>, vector<16xf32>, vector<16xf32>
    } {sc.loop_unroll_factor = 8 : i64, sc.parallel_access}
    %add3A_363 = arith.constant 96 : i32
    %add3A_364 = arith.addi %mul3A_32, %add3A_363 : i32
    %dma_start3A_365 = arith.constant 0 : i32
    %dma_start3A_366 = arith.constant 0 : i32
    %dma_start3A_367 = arith.constant 0 : i32
    %dma_start3A_368 = tpu.memref_slice %arg5[%dma_start3A_365, %dma_start3A_366, %dma_start3A_367] : memref<3x16x512xf32, #tpu.memory_space<vmem>> -> memref<1x16x512xf32, #tpu.memory_space<vmem>>
    %dma_start3A_369 = tpu.memref_squeeze %dma_start3A_368 : memref<1x16x512xf32, #tpu.memory_space<vmem>> -> memref<16x512xf32, #tpu.memory_space<vmem>>
    %dma_start3A_370 = arith.constant 0 : i32
    %dma_start3A_371 = tpu.memref_slice %arg2[%add3A, %add3A_364, %dma_start3A_370] : memref<8x512x512xf32, #tpu.memory_space<hbm>> -> memref<1x16x512xf32, #tpu.memory_space<hbm>>
    %dma_start3A_372 = tpu.memref_squeeze %dma_start3A_371 : memref<1x16x512xf32, #tpu.memory_space<hbm>> -> memref<16x512xf32, #tpu.memory_space<hbm>>
    %dma_start3A_373 = arith.constant 0 : i32
    %dma_start3A_374 = arith.constant 0 : i32
    %dma_start3A_375 = tpu.memref_slice %arg5[%dma_start3A_365, %dma_start3A_373, %dma_start3A_374] : memref<3x16x512xf32, #tpu.memory_space<vmem>> -> memref<1x16x512xf32, #tpu.memory_space<vmem>>
    %dma_start3A_376 = tpu.memref_squeeze %dma_start3A_375 : memref<1x16x512xf32, #tpu.memory_space<vmem>> -> memref<16x512xf32, #tpu.memory_space<vmem>>
    %dma_start3A_377 = arith.constant 0 : i32
    %dma_start3A_378 = tpu.memref_slice %arg2[%add3A, %add3A_364, %dma_start3A_377] : memref<8x512x512xf32, #tpu.memory_space<hbm>> -> memref<1x16x512xf32, #tpu.memory_space<hbm>>
    %dma_start3A_379 = tpu.memref_squeeze %dma_start3A_378 : memref<1x16x512xf32, #tpu.memory_space<hbm>> -> memref<16x512xf32, #tpu.memory_space<hbm>>
    tpu.enqueue_dma source(%dma_start3A_379 : memref<16x512xf32, #tpu.memory_space<hbm>>) target(%dma_start3A_376 : memref<16x512xf32, #tpu.memory_space<vmem>>) target_semaphore(%arg18 : memref<!tpu.dma_semaphore, #tpu.memory_space<semaphore_mem>>)
    %dma_start3A_380 = arith.constant 0 : i32
    %dma_start3A_381 = arith.constant 0 : i32
    %dma_start3A_382 = arith.constant 0 : i32
    %dma_start3A_383 = tpu.memref_slice %arg6[%dma_start3A_380, %dma_start3A_381, %dma_start3A_382] : memref<3x16x512xf32, #tpu.memory_space<vmem>> -> memref<1x16x512xf32, #tpu.memory_space<vmem>>
    %dma_start3A_384 = tpu.memref_squeeze %dma_start3A_383 : memref<1x16x512xf32, #tpu.memory_space<vmem>> -> memref<16x512xf32, #tpu.memory_space<vmem>>
    %dma_start3A_385 = arith.constant 0 : i32
    %dma_start3A_386 = tpu.memref_slice %arg3[%add3A, %add3A_364, %dma_start3A_385] : memref<8x512x512xf32, #tpu.memory_space<hbm>> -> memref<1x16x512xf32, #tpu.memory_space<hbm>>
    %dma_start3A_387 = tpu.memref_squeeze %dma_start3A_386 : memref<1x16x512xf32, #tpu.memory_space<hbm>> -> memref<16x512xf32, #tpu.memory_space<hbm>>
    %dma_start3A_388 = arith.constant 0 : i32
    %dma_start3A_389 = arith.constant 0 : i32
    %dma_start3A_390 = tpu.memref_slice %arg6[%dma_start3A_380, %dma_start3A_388, %dma_start3A_389] : memref<3x16x512xf32, #tpu.memory_space<vmem>> -> memref<1x16x512xf32, #tpu.memory_space<vmem>>
    %dma_start3A_391 = tpu.memref_squeeze %dma_start3A_390 : memref<1x16x512xf32, #tpu.memory_space<vmem>> -> memref<16x512xf32, #tpu.memory_space<vmem>>
    %dma_start3A_392 = arith.constant 0 : i32
    %dma_start3A_393 = tpu.memref_slice %arg3[%add3A, %add3A_364, %dma_start3A_392] : memref<8x512x512xf32, #tpu.memory_space<hbm>> -> memref<1x16x512xf32, #tpu.memory_space<hbm>>
    %dma_start3A_394 = tpu.memref_squeeze %dma_start3A_393 : memref<1x16x512xf32, #tpu.memory_space<hbm>> -> memref<16x512xf32, #tpu.memory_space<hbm>>
    tpu.enqueue_dma source(%dma_start3A_394 : memref<16x512xf32, #tpu.memory_space<hbm>>) target(%dma_start3A_391 : memref<16x512xf32, #tpu.memory_space<vmem>>) target_semaphore(%arg18 : memref<!tpu.dma_semaphore, #tpu.memory_space<semaphore_mem>>)
    %dma_wait3A_395 = arith.constant 1 : i32
    %dma_wait3A_396 = arith.constant 0 : i32
    %dma_wait3A_397 = arith.constant 0 : i32
    %dma_wait3A_398 = tpu.memref_slice %arg5[%dma_wait3A_395, %dma_wait3A_396, %dma_wait3A_397] : memref<3x16x512xf32, #tpu.memory_space<vmem>> -> memref<1x16x512xf32, #tpu.memory_space<vmem>>
    %dma_wait3A_399 = tpu.memref_squeeze %dma_wait3A_398 : memref<1x16x512xf32, #tpu.memory_space<vmem>> -> memref<16x512xf32, #tpu.memory_space<vmem>>
    %dma_wait3A_400 = arith.constant 0 : i32
    %dma_wait3A_401 = tpu.memref_slice %arg2[%add3A, %add3A_232, %dma_wait3A_400] : memref<8x512x512xf32, #tpu.memory_space<hbm>> -> memref<1x16x512xf32, #tpu.memory_space<hbm>>
    %dma_wait3A_402 = tpu.memref_squeeze %dma_wait3A_401 : memref<1x16x512xf32, #tpu.memory_space<hbm>> -> memref<16x512xf32, #tpu.memory_space<hbm>>
    %dma_wait3A_403 = arith.constant 0 : i32
    %dma_wait3A_404 = arith.constant 0 : i32
    %dma_wait3A_405 = tpu.memref_slice %arg5[%dma_wait3A_395, %dma_wait3A_403, %dma_wait3A_404] : memref<3x16x512xf32, #tpu.memory_space<vmem>> -> memref<1x16x512xf32, #tpu.memory_space<vmem>>
    %dma_wait3A_406 = tpu.memref_squeeze %dma_wait3A_405 : memref<1x16x512xf32, #tpu.memory_space<vmem>> -> memref<16x512xf32, #tpu.memory_space<vmem>>
    %dma_wait3A_407 = arith.constant 0 : i32
    %dma_wait3A_408 = tpu.memref_slice %arg2[%add3A, %add3A_232, %dma_wait3A_407] : memref<8x512x512xf32, #tpu.memory_space<hbm>> -> memref<1x16x512xf32, #tpu.memory_space<hbm>>
    %dma_wait3A_409 = tpu.memref_squeeze %dma_wait3A_408 : memref<1x16x512xf32, #tpu.memory_space<hbm>> -> memref<16x512xf32, #tpu.memory_space<hbm>>
    tpu.wait_dma2 semaphore(%arg19 : memref<!tpu.dma_semaphore, #tpu.memory_space<semaphore_mem>>) src(%dma_wait3A_409 : memref<16x512xf32, #tpu.memory_space<hbm>>) dst(%dma_wait3A_406 : memref<16x512xf32, #tpu.memory_space<vmem>>)
    %dma_wait3A_410 = arith.constant 1 : i32
    %dma_wait3A_411 = arith.constant 0 : i32
    %dma_wait3A_412 = arith.constant 0 : i32
    %dma_wait3A_413 = tpu.memref_slice %arg6[%dma_wait3A_410, %dma_wait3A_411, %dma_wait3A_412] : memref<3x16x512xf32, #tpu.memory_space<vmem>> -> memref<1x16x512xf32, #tpu.memory_space<vmem>>
    %dma_wait3A_414 = tpu.memref_squeeze %dma_wait3A_413 : memref<1x16x512xf32, #tpu.memory_space<vmem>> -> memref<16x512xf32, #tpu.memory_space<vmem>>
    %dma_wait3A_415 = arith.constant 0 : i32
    %dma_wait3A_416 = tpu.memref_slice %arg3[%add3A, %add3A_232, %dma_wait3A_415] : memref<8x512x512xf32, #tpu.memory_space<hbm>> -> memref<1x16x512xf32, #tpu.memory_space<hbm>>
    %dma_wait3A_417 = tpu.memref_squeeze %dma_wait3A_416 : memref<1x16x512xf32, #tpu.memory_space<hbm>> -> memref<16x512xf32, #tpu.memory_space<hbm>>
    %dma_wait3A_418 = arith.constant 0 : i32
    %dma_wait3A_419 = arith.constant 0 : i32
    %dma_wait3A_420 = tpu.memref_slice %arg6[%dma_wait3A_410, %dma_wait3A_418, %dma_wait3A_419] : memref<3x16x512xf32, #tpu.memory_space<vmem>> -> memref<1x16x512xf32, #tpu.memory_space<vmem>>
    %dma_wait3A_421 = tpu.memref_squeeze %dma_wait3A_420 : memref<1x16x512xf32, #tpu.memory_space<vmem>> -> memref<16x512xf32, #tpu.memory_space<vmem>>
    %dma_wait3A_422 = arith.constant 0 : i32
    %dma_wait3A_423 = tpu.memref_slice %arg3[%add3A, %add3A_232, %dma_wait3A_422] : memref<8x512x512xf32, #tpu.memory_space<hbm>> -> memref<1x16x512xf32, #tpu.memory_space<hbm>>
    %dma_wait3A_424 = tpu.memref_squeeze %dma_wait3A_423 : memref<1x16x512xf32, #tpu.memory_space<hbm>> -> memref<16x512xf32, #tpu.memory_space<hbm>>
    tpu.wait_dma2 semaphore(%arg19 : memref<!tpu.dma_semaphore, #tpu.memory_space<semaphore_mem>>) src(%dma_wait3A_424 : memref<16x512xf32, #tpu.memory_space<hbm>>) dst(%dma_wait3A_421 : memref<16x512xf32, #tpu.memory_space<vmem>>)
    %parallel_loop3A_425 = arith.constant 0 : i32
    %parallel_loop3A_426 = arith.constant 512 : i32
    %parallel_loop3A_427 = arith.constant 1 : i32
    %parallel_loop3A_428:3 = scf.for %parallel_loop3A_936 = %parallel_loop3A_425 to %parallel_loop3A_426 step %parallel_loop3A_427 iter_args(%parallel_loop3A_937 = %parallel_loop3A_362#0, %parallel_loop3A_938 = %parallel_loop3A_362#1, %parallel_loop3A_939 = %parallel_loop3A_362#2) -> (vector<16xf32>, vector<16xf32>, vector<16xf32>)  : i32 {
      %parallel_loop3A_940 = arith.constant 32 : i32
      %parallel_loop3A_941 = arith.divsi %parallel_loop3A_936, %parallel_loop3A_940 : i32
      %parallel_loop3A_942 = arith.constant 0 : i32
      %parallel_loop3A_943 = arith.cmpi sgt, %parallel_loop3A_936, %parallel_loop3A_942 : i32
      %parallel_loop3A_944 = arith.extui %parallel_loop3A_943 : i1 to i32
      %parallel_loop3A_945 = arith.constant 0 : i32
      %parallel_loop3A_946 = arith.cmpi slt, %parallel_loop3A_936, %parallel_loop3A_945 : i32
      %parallel_loop3A_947 = arith.extui %parallel_loop3A_946 : i1 to i32
      %parallel_loop3A_948 = arith.subi %parallel_loop3A_944, %parallel_loop3A_947 : i32
      %parallel_loop3A_949 = arith.constant 0 : i32
      %parallel_loop3A_950 = arith.cmpi sgt, %parallel_loop3A_940, %parallel_loop3A_949 : i32
      %parallel_loop3A_951 = arith.extui %parallel_loop3A_950 : i1 to i32
      %parallel_loop3A_952 = arith.constant 0 : i32
      %parallel_loop3A_953 = arith.cmpi slt, %parallel_loop3A_940, %parallel_loop3A_952 : i32
      %parallel_loop3A_954 = arith.extui %parallel_loop3A_953 : i1 to i32
      %parallel_loop3A_955 = arith.subi %parallel_loop3A_951, %parallel_loop3A_954 : i32
      %parallel_loop3A_956 = arith.cmpi ne, %parallel_loop3A_948, %parallel_loop3A_955 : i32
      %parallel_loop3A_957 = arith.remsi %parallel_loop3A_936, %parallel_loop3A_940 : i32
      %parallel_loop3A_958 = arith.constant 0 : i32
      %parallel_loop3A_959 = arith.cmpi ne, %parallel_loop3A_957, %parallel_loop3A_958 : i32
      %parallel_loop3A_960 = arith.andi %parallel_loop3A_956, %parallel_loop3A_959 : i1
      %parallel_loop3A_961 = arith.constant 1 : i32
      %parallel_loop3A_962 = arith.subi %parallel_loop3A_941, %parallel_loop3A_961 : i32
      %parallel_loop3A_963 = arith.select %parallel_loop3A_960, %parallel_loop3A_962, %parallel_loop3A_941 : i32
      %parallel_loop3A_964 = arith.constant 32 : i32
      %parallel_loop3A_965 = arith.constant 0 : i32
      %parallel_loop3A_966 = arith.cmpi eq, %parallel_loop3A_964, %parallel_loop3A_965 : i32
      %parallel_loop3A_967 = arith.constant 1 : i32
      %parallel_loop3A_968 = arith.select %parallel_loop3A_966, %parallel_loop3A_967, %parallel_loop3A_964 : i32
      %parallel_loop3A_969 = arith.remsi %parallel_loop3A_936, %parallel_loop3A_968 : i32
      %parallel_loop3A_970 = arith.constant 0 : i32
      %parallel_loop3A_971 = arith.cmpi ne, %parallel_loop3A_969, %parallel_loop3A_970 : i32
      %parallel_loop3A_972 = arith.constant 0 : i32
      %parallel_loop3A_973 = arith.cmpi slt, %parallel_loop3A_969, %parallel_loop3A_972 : i32
      %parallel_loop3A_974 = arith.constant 0 : i32
      %parallel_loop3A_975 = arith.cmpi slt, %parallel_loop3A_968, %parallel_loop3A_974 : i32
      %parallel_loop3A_976 = arith.xori %parallel_loop3A_973, %parallel_loop3A_975 : i1
      %parallel_loop3A_977 = arith.andi %parallel_loop3A_976, %parallel_loop3A_971 : i1
      %parallel_loop3A_978 = arith.addi %parallel_loop3A_969, %parallel_loop3A_968 : i32
      %parallel_loop3A_979 = arith.select %parallel_loop3A_977, %parallel_loop3A_978, %parallel_loop3A_969 : i32
      %parallel_loop3A_980 = arith.constant 16 : i32
      %parallel_loop3A_981 = arith.muli %parallel_loop3A_979, %parallel_loop3A_980 : i32
      %parallel_loop3A_982 = arith.constant 1 : i32
      %parallel_loop3A_983 = arith.index_cast %parallel_loop3A_982 : i32 to index
      %parallel_loop3A_984 = arith.index_cast %parallel_loop3A_963 : i32 to index
      %parallel_loop3A_985 = arith.index_cast %parallel_loop3A_981 : i32 to index
      %parallel_loop3A_986 = tpu.vector_load %arg5[%parallel_loop3A_983, %parallel_loop3A_984, %parallel_loop3A_985] {strides = array<i32>} : memref<3x16x512xf32, #tpu.memory_space<vmem>>, vector<16xf32>,
      %parallel_loop3A_987 = arith.constant 1 : i32
      %parallel_loop3A_988 = arith.index_cast %parallel_loop3A_987 : i32 to index
      %parallel_loop3A_989 = arith.index_cast %parallel_loop3A_963 : i32 to index
      %parallel_loop3A_990 = arith.index_cast %parallel_loop3A_981 : i32 to index
      %parallel_loop3A_991 = tpu.vector_load %arg6[%parallel_loop3A_988, %parallel_loop3A_989, %parallel_loop3A_990] {strides = array<i32>} : memref<3x16x512xf32, #tpu.memory_space<vmem>>, vector<16xf32>,
      %parallel_loop3A_992 = arith.subf %parallel_loop3A_986, %parallel_loop3A_991 : vector<16xf32>
      %parallel_loop3A_993 = arith.mulf %parallel_loop3A_992, %parallel_loop3A_992 : vector<16xf32>
      %parallel_loop3A_994 = arith.constant 0.000000e+00 : f32
      %parallel_loop3A_995 = vector.broadcast %parallel_loop3A_994 : f32 to vector<16xf32>
      %parallel_loop3A_996 = arith.cmpf ogt, %parallel_loop3A_991, %parallel_loop3A_995 : vector<16xf32>
      %parallel_loop3A_997 = tpu.bitcast %parallel_loop3A_993 : vector<16xf32> -> vector<16xi32>
      %parallel_loop3A_998 = arith.constant -1 : i32
      %parallel_loop3A_999 = vector.broadcast %parallel_loop3A_998 : i32 to vector<16xi32>
      %parallel_loop3A_1000 = arith.select %parallel_loop3A_996, %parallel_loop3A_999, %parallel_loop3A_997 : vector<16xi1>, vector<16xi32>
      %parallel_loop3A_1001 = arith.constant 16 : i32
      %parallel_loop3A_1002 = arith.muli %parallel_loop3A_936, %parallel_loop3A_1001 : i32
      %parallel_loop3A_1003 = arith.constant 32768 : i32
      %parallel_loop3A_1004 = arith.addi %parallel_loop3A_1003, %parallel_loop3A_1002 : i32
      %parallel_loop3A_1005 = arith.index_cast %parallel_loop3A_1004 : i32 to index
      %parallel_loop3A_1006 = tpu.vector_load %arg7[%parallel_loop3A_1005] {strides = array<i32>} : memref<65536xi32, #tpu.memory_space<vmem>>, vector<16xi32>,
      tpu.vector_store %arg7[%parallel_loop3A_1005], %parallel_loop3A_1000 {strides = array<i32>} : memref<65536xi32, #tpu.memory_space<vmem>>, vector<16xi32>,
      %parallel_loop3A_1007 = arith.constant 1.000000e+00 : f32
      %parallel_loop3A_1008 = arith.constant 0.000000e+00 : f32
      %parallel_loop3A_1009 = vector.broadcast %parallel_loop3A_1007 : f32 to vector<16xf32>
      %parallel_loop3A_1010 = vector.broadcast %parallel_loop3A_1008 : f32 to vector<16xf32>
      %parallel_loop3A_1011 = arith.select %parallel_loop3A_996, %parallel_loop3A_1009, %parallel_loop3A_1010 : vector<16xi1>, vector<16xf32>
      %parallel_loop3A_1012 = arith.addf %parallel_loop3A_937, %parallel_loop3A_1011 : vector<16xf32>
      %parallel_loop3A_1013 = arith.constant 0.000000e+00 : f32
      %parallel_loop3A_1014 = vector.broadcast %parallel_loop3A_1013 : f32 to vector<16xf32>
      %parallel_loop3A_1015 = arith.select %parallel_loop3A_996, %parallel_loop3A_993, %parallel_loop3A_1014 : vector<16xi1>, vector<16xf32>
      %parallel_loop3A_1016 = arith.addf %parallel_loop3A_938, %parallel_loop3A_1015 : vector<16xf32>
      %parallel_loop3A_1017 = arith.addf %parallel_loop3A_939, %parallel_loop3A_993 : vector<16xf32>
      scf.yield %parallel_loop3A_1012, %parallel_loop3A_1016, %parallel_loop3A_1017 : vector<16xf32>, vector<16xf32>, vector<16xf32>
    } {sc.loop_unroll_factor = 8 : i64, sc.parallel_access}
    %add3A_429 = arith.constant 112 : i32
    %add3A_430 = arith.addi %mul3A_32, %add3A_429 : i32
    %dma_start3A_431 = arith.constant 1 : i32
    %dma_start3A_432 = arith.constant 0 : i32
    %dma_start3A_433 = arith.constant 0 : i32
    %dma_start3A_434 = tpu.memref_slice %arg5[%dma_start3A_431, %dma_start3A_432, %dma_start3A_433] : memref<3x16x512xf32, #tpu.memory_space<vmem>> -> memref<1x16x512xf32, #tpu.memory_space<vmem>>
    %dma_start3A_435 = tpu.memref_squeeze %dma_start3A_434 : memref<1x16x512xf32, #tpu.memory_space<vmem>> -> memref<16x512xf32, #tpu.memory_space<vmem>>
    %dma_start3A_436 = arith.constant 0 : i32
    %dma_start3A_437 = tpu.memref_slice %arg2[%add3A, %add3A_430, %dma_start3A_436] : memref<8x512x512xf32, #tpu.memory_space<hbm>> -> memref<1x16x512xf32, #tpu.memory_space<hbm>>
    %dma_start3A_438 = tpu.memref_squeeze %dma_start3A_437 : memref<1x16x512xf32, #tpu.memory_space<hbm>> -> memref<16x512xf32, #tpu.memory_space<hbm>>
    %dma_start3A_439 = arith.constant 0 : i32
    %dma_start3A_440 = arith.constant 0 : i32
    %dma_start3A_441 = tpu.memref_slice %arg5[%dma_start3A_431, %dma_start3A_439, %dma_start3A_440] : memref<3x16x512xf32, #tpu.memory_space<vmem>> -> memref<1x16x512xf32, #tpu.memory_space<vmem>>
    %dma_start3A_442 = tpu.memref_squeeze %dma_start3A_441 : memref<1x16x512xf32, #tpu.memory_space<vmem>> -> memref<16x512xf32, #tpu.memory_space<vmem>>
    %dma_start3A_443 = arith.constant 0 : i32
    %dma_start3A_444 = tpu.memref_slice %arg2[%add3A, %add3A_430, %dma_start3A_443] : memref<8x512x512xf32, #tpu.memory_space<hbm>> -> memref<1x16x512xf32, #tpu.memory_space<hbm>>
    %dma_start3A_445 = tpu.memref_squeeze %dma_start3A_444 : memref<1x16x512xf32, #tpu.memory_space<hbm>> -> memref<16x512xf32, #tpu.memory_space<hbm>>
    tpu.enqueue_dma source(%dma_start3A_445 : memref<16x512xf32, #tpu.memory_space<hbm>>) target(%dma_start3A_442 : memref<16x512xf32, #tpu.memory_space<vmem>>) target_semaphore(%arg19 : memref<!tpu.dma_semaphore, #tpu.memory_space<semaphore_mem>>)
    %dma_start3A_446 = arith.constant 1 : i32
    %dma_start3A_447 = arith.constant 0 : i32
    %dma_start3A_448 = arith.constant 0 : i32
    %dma_start3A_449 = tpu.memref_slice %arg6[%dma_start3A_446, %dma_start3A_447, %dma_start3A_448] : memref<3x16x512xf32, #tpu.memory_space<vmem>> -> memref<1x16x512xf32, #tpu.memory_space<vmem>>
    %dma_start3A_450 = tpu.memref_squeeze %dma_start3A_449 : memref<1x16x512xf32, #tpu.memory_space<vmem>> -> memref<16x512xf32, #tpu.memory_space<vmem>>
    %dma_start3A_451 = arith.constant 0 : i32
    %dma_start3A_452 = tpu.memref_slice %arg3[%add3A, %add3A_430, %dma_start3A_451] : memref<8x512x512xf32, #tpu.memory_space<hbm>> -> memref<1x16x512xf32, #tpu.memory_space<hbm>>
    %dma_start3A_453 = tpu.memref_squeeze %dma_start3A_452 : memref<1x16x512xf32, #tpu.memory_space<hbm>> -> memref<16x512xf32, #tpu.memory_space<hbm>>
    %dma_start3A_454 = arith.constant 0 : i32
    %dma_start3A_455 = arith.constant 0 : i32
    %dma_start3A_456 = tpu.memref_slice %arg6[%dma_start3A_446, %dma_start3A_454, %dma_start3A_455] : memref<3x16x512xf32, #tpu.memory_space<vmem>> -> memref<1x16x512xf32, #tpu.memory_space<vmem>>
    %dma_start3A_457 = tpu.memref_squeeze %dma_start3A_456 : memref<1x16x512xf32, #tpu.memory_space<vmem>> -> memref<16x512xf32, #tpu.memory_space<vmem>>
    %dma_start3A_458 = arith.constant 0 : i32
    %dma_start3A_459 = tpu.memref_slice %arg3[%add3A, %add3A_430, %dma_start3A_458] : memref<8x512x512xf32, #tpu.memory_space<hbm>> -> memref<1x16x512xf32, #tpu.memory_space<hbm>>
    %dma_start3A_460 = tpu.memref_squeeze %dma_start3A_459 : memref<1x16x512xf32, #tpu.memory_space<hbm>> -> memref<16x512xf32, #tpu.memory_space<hbm>>
    tpu.enqueue_dma source(%dma_start3A_460 : memref<16x512xf32, #tpu.memory_space<hbm>>) target(%dma_start3A_457 : memref<16x512xf32, #tpu.memory_space<vmem>>) target_semaphore(%arg19 : memref<!tpu.dma_semaphore, #tpu.memory_space<semaphore_mem>>)
    %dma_wait3A_461 = arith.constant 2 : i32
    %dma_wait3A_462 = arith.constant 0 : i32
    %dma_wait3A_463 = arith.constant 0 : i32
    %dma_wait3A_464 = tpu.memref_slice %arg5[%dma_wait3A_461, %dma_wait3A_462, %dma_wait3A_463] : memref<3x16x512xf32, #tpu.memory_space<vmem>> -> memref<1x16x512xf32, #tpu.memory_space<vmem>>
    %dma_wait3A_465 = tpu.memref_squeeze %dma_wait3A_464 : memref<1x16x512xf32, #tpu.memory_space<vmem>> -> memref<16x512xf32, #tpu.memory_space<vmem>>
    %dma_wait3A_466 = arith.constant 0 : i32
    %dma_wait3A_467 = tpu.memref_slice %arg2[%add3A, %add3A_298, %dma_wait3A_466] : memref<8x512x512xf32, #tpu.memory_space<hbm>> -> memref<1x16x512xf32, #tpu.memory_space<hbm>>
    %dma_wait3A_468 = tpu.memref_squeeze %dma_wait3A_467 : memref<1x16x512xf32, #tpu.memory_space<hbm>> -> memref<16x512xf32, #tpu.memory_space<hbm>>
    %dma_wait3A_469 = arith.constant 0 : i32
    %dma_wait3A_470 = arith.constant 0 : i32
    %dma_wait3A_471 = tpu.memref_slice %arg5[%dma_wait3A_461, %dma_wait3A_469, %dma_wait3A_470] : memref<3x16x512xf32, #tpu.memory_space<vmem>> -> memref<1x16x512xf32, #tpu.memory_space<vmem>>
    %dma_wait3A_472 = tpu.memref_squeeze %dma_wait3A_471 : memref<1x16x512xf32, #tpu.memory_space<vmem>> -> memref<16x512xf32, #tpu.memory_space<vmem>>
    %dma_wait3A_473 = arith.constant 0 : i32
    %dma_wait3A_474 = tpu.memref_slice %arg2[%add3A, %add3A_298, %dma_wait3A_473] : memref<8x512x512xf32, #tpu.memory_space<hbm>> -> memref<1x16x512xf32, #tpu.memory_space<hbm>>
    %dma_wait3A_475 = tpu.memref_squeeze %dma_wait3A_474 : memref<1x16x512xf32, #tpu.memory_space<hbm>> -> memref<16x512xf32, #tpu.memory_space<hbm>>
    tpu.wait_dma2 semaphore(%arg20 : memref<!tpu.dma_semaphore, #tpu.memory_space<semaphore_mem>>) src(%dma_wait3A_475 : memref<16x512xf32, #tpu.memory_space<hbm>>) dst(%dma_wait3A_472 : memref<16x512xf32, #tpu.memory_space<vmem>>)
    %dma_wait3A_476 = arith.constant 2 : i32
    %dma_wait3A_477 = arith.constant 0 : i32
    %dma_wait3A_478 = arith.constant 0 : i32
    %dma_wait3A_479 = tpu.memref_slice %arg6[%dma_wait3A_476, %dma_wait3A_477, %dma_wait3A_478] : memref<3x16x512xf32, #tpu.memory_space<vmem>> -> memref<1x16x512xf32, #tpu.memory_space<vmem>>
    %dma_wait3A_480 = tpu.memref_squeeze %dma_wait3A_479 : memref<1x16x512xf32, #tpu.memory_space<vmem>> -> memref<16x512xf32, #tpu.memory_space<vmem>>
    %dma_wait3A_481 = arith.constant 0 : i32
    %dma_wait3A_482 = tpu.memref_slice %arg3[%add3A, %add3A_298, %dma_wait3A_481] : memref<8x512x512xf32, #tpu.memory_space<hbm>> -> memref<1x16x512xf32, #tpu.memory_space<hbm>>
    %dma_wait3A_483 = tpu.memref_squeeze %dma_wait3A_482 : memref<1x16x512xf32, #tpu.memory_space<hbm>> -> memref<16x512xf32, #tpu.memory_space<hbm>>
    %dma_wait3A_484 = arith.constant 0 : i32
    %dma_wait3A_485 = arith.constant 0 : i32
    %dma_wait3A_486 = tpu.memref_slice %arg6[%dma_wait3A_476, %dma_wait3A_484, %dma_wait3A_485] : memref<3x16x512xf32, #tpu.memory_space<vmem>> -> memref<1x16x512xf32, #tpu.memory_space<vmem>>
    %dma_wait3A_487 = tpu.memref_squeeze %dma_wait3A_486 : memref<1x16x512xf32, #tpu.memory_space<vmem>> -> memref<16x512xf32, #tpu.memory_space<vmem>>
    %dma_wait3A_488 = arith.constant 0 : i32
    %dma_wait3A_489 = tpu.memref_slice %arg3[%add3A, %add3A_298, %dma_wait3A_488] : memref<8x512x512xf32, #tpu.memory_space<hbm>> -> memref<1x16x512xf32, #tpu.memory_space<hbm>>
    %dma_wait3A_490 = tpu.memref_squeeze %dma_wait3A_489 : memref<1x16x512xf32, #tpu.memory_space<hbm>> -> memref<16x512xf32, #tpu.memory_space<hbm>>
    tpu.wait_dma2 semaphore(%arg20 : memref<!tpu.dma_semaphore, #tpu.memory_space<semaphore_mem>>) src(%dma_wait3A_490 : memref<16x512xf32, #tpu.memory_space<hbm>>) dst(%dma_wait3A_487 : memref<16x512xf32, #tpu.memory_space<vmem>>)
    %parallel_loop3A_491 = arith.constant 0 : i32
    %parallel_loop3A_492 = arith.constant 512 : i32
    %parallel_loop3A_493 = arith.constant 1 : i32
    %parallel_loop3A_494:3 = scf.for %parallel_loop3A_936 = %parallel_loop3A_491 to %parallel_loop3A_492 step %parallel_loop3A_493 iter_args(%parallel_loop3A_937 = %parallel_loop3A_428#0, %parallel_loop3A_938 = %parallel_loop3A_428#1, %parallel_loop3A_939 = %parallel_loop3A_428#2) -> (vector<16xf32>, vector<16xf32>, vector<16xf32>)  : i32 {
      %parallel_loop3A_940 = arith.constant 32 : i32
      %parallel_loop3A_941 = arith.divsi %parallel_loop3A_936, %parallel_loop3A_940 : i32
      %parallel_loop3A_942 = arith.constant 0 : i32
      %parallel_loop3A_943 = arith.cmpi sgt, %parallel_loop3A_936, %parallel_loop3A_942 : i32
      %parallel_loop3A_944 = arith.extui %parallel_loop3A_943 : i1 to i32
      %parallel_loop3A_945 = arith.constant 0 : i32
      %parallel_loop3A_946 = arith.cmpi slt, %parallel_loop3A_936, %parallel_loop3A_945 : i32
      %parallel_loop3A_947 = arith.extui %parallel_loop3A_946 : i1 to i32
      %parallel_loop3A_948 = arith.subi %parallel_loop3A_944, %parallel_loop3A_947 : i32
      %parallel_loop3A_949 = arith.constant 0 : i32
      %parallel_loop3A_950 = arith.cmpi sgt, %parallel_loop3A_940, %parallel_loop3A_949 : i32
      %parallel_loop3A_951 = arith.extui %parallel_loop3A_950 : i1 to i32
      %parallel_loop3A_952 = arith.constant 0 : i32
      %parallel_loop3A_953 = arith.cmpi slt, %parallel_loop3A_940, %parallel_loop3A_952 : i32
      %parallel_loop3A_954 = arith.extui %parallel_loop3A_953 : i1 to i32
      %parallel_loop3A_955 = arith.subi %parallel_loop3A_951, %parallel_loop3A_954 : i32
      %parallel_loop3A_956 = arith.cmpi ne, %parallel_loop3A_948, %parallel_loop3A_955 : i32
      %parallel_loop3A_957 = arith.remsi %parallel_loop3A_936, %parallel_loop3A_940 : i32
      %parallel_loop3A_958 = arith.constant 0 : i32
      %parallel_loop3A_959 = arith.cmpi ne, %parallel_loop3A_957, %parallel_loop3A_958 : i32
      %parallel_loop3A_960 = arith.andi %parallel_loop3A_956, %parallel_loop3A_959 : i1
      %parallel_loop3A_961 = arith.constant 1 : i32
      %parallel_loop3A_962 = arith.subi %parallel_loop3A_941, %parallel_loop3A_961 : i32
      %parallel_loop3A_963 = arith.select %parallel_loop3A_960, %parallel_loop3A_962, %parallel_loop3A_941 : i32
      %parallel_loop3A_964 = arith.constant 32 : i32
      %parallel_loop3A_965 = arith.constant 0 : i32
      %parallel_loop3A_966 = arith.cmpi eq, %parallel_loop3A_964, %parallel_loop3A_965 : i32
      %parallel_loop3A_967 = arith.constant 1 : i32
      %parallel_loop3A_968 = arith.select %parallel_loop3A_966, %parallel_loop3A_967, %parallel_loop3A_964 : i32
      %parallel_loop3A_969 = arith.remsi %parallel_loop3A_936, %parallel_loop3A_968 : i32
      %parallel_loop3A_970 = arith.constant 0 : i32
      %parallel_loop3A_971 = arith.cmpi ne, %parallel_loop3A_969, %parallel_loop3A_970 : i32
      %parallel_loop3A_972 = arith.constant 0 : i32
      %parallel_loop3A_973 = arith.cmpi slt, %parallel_loop3A_969, %parallel_loop3A_972 : i32
      %parallel_loop3A_974 = arith.constant 0 : i32
      %parallel_loop3A_975 = arith.cmpi slt, %parallel_loop3A_968, %parallel_loop3A_974 : i32
      %parallel_loop3A_976 = arith.xori %parallel_loop3A_973, %parallel_loop3A_975 : i1
      %parallel_loop3A_977 = arith.andi %parallel_loop3A_976, %parallel_loop3A_971 : i1
      %parallel_loop3A_978 = arith.addi %parallel_loop3A_969, %parallel_loop3A_968 : i32
      %parallel_loop3A_979 = arith.select %parallel_loop3A_977, %parallel_loop3A_978, %parallel_loop3A_969 : i32
      %parallel_loop3A_980 = arith.constant 16 : i32
      %parallel_loop3A_981 = arith.muli %parallel_loop3A_979, %parallel_loop3A_980 : i32
      %parallel_loop3A_982 = arith.constant 2 : i32
      %parallel_loop3A_983 = arith.index_cast %parallel_loop3A_982 : i32 to index
      %parallel_loop3A_984 = arith.index_cast %parallel_loop3A_963 : i32 to index
      %parallel_loop3A_985 = arith.index_cast %parallel_loop3A_981 : i32 to index
      %parallel_loop3A_986 = tpu.vector_load %arg5[%parallel_loop3A_983, %parallel_loop3A_984, %parallel_loop3A_985] {strides = array<i32>} : memref<3x16x512xf32, #tpu.memory_space<vmem>>, vector<16xf32>,
      %parallel_loop3A_987 = arith.constant 2 : i32
      %parallel_loop3A_988 = arith.index_cast %parallel_loop3A_987 : i32 to index
      %parallel_loop3A_989 = arith.index_cast %parallel_loop3A_963 : i32 to index
      %parallel_loop3A_990 = arith.index_cast %parallel_loop3A_981 : i32 to index
      %parallel_loop3A_991 = tpu.vector_load %arg6[%parallel_loop3A_988, %parallel_loop3A_989, %parallel_loop3A_990] {strides = array<i32>} : memref<3x16x512xf32, #tpu.memory_space<vmem>>, vector<16xf32>,
      %parallel_loop3A_992 = arith.subf %parallel_loop3A_986, %parallel_loop3A_991 : vector<16xf32>
      %parallel_loop3A_993 = arith.mulf %parallel_loop3A_992, %parallel_loop3A_992 : vector<16xf32>
      %parallel_loop3A_994 = arith.constant 0.000000e+00 : f32
      %parallel_loop3A_995 = vector.broadcast %parallel_loop3A_994 : f32 to vector<16xf32>
      %parallel_loop3A_996 = arith.cmpf ogt, %parallel_loop3A_991, %parallel_loop3A_995 : vector<16xf32>
      %parallel_loop3A_997 = tpu.bitcast %parallel_loop3A_993 : vector<16xf32> -> vector<16xi32>
      %parallel_loop3A_998 = arith.constant -1 : i32
      %parallel_loop3A_999 = vector.broadcast %parallel_loop3A_998 : i32 to vector<16xi32>
      %parallel_loop3A_1000 = arith.select %parallel_loop3A_996, %parallel_loop3A_999, %parallel_loop3A_997 : vector<16xi1>, vector<16xi32>
      %parallel_loop3A_1001 = arith.constant 16 : i32
      %parallel_loop3A_1002 = arith.muli %parallel_loop3A_936, %parallel_loop3A_1001 : i32
      %parallel_loop3A_1003 = arith.constant 40960 : i32
      %parallel_loop3A_1004 = arith.addi %parallel_loop3A_1003, %parallel_loop3A_1002 : i32
      %parallel_loop3A_1005 = arith.index_cast %parallel_loop3A_1004 : i32 to index
      %parallel_loop3A_1006 = tpu.vector_load %arg7[%parallel_loop3A_1005] {strides = array<i32>} : memref<65536xi32, #tpu.memory_space<vmem>>, vector<16xi32>,
      tpu.vector_store %arg7[%parallel_loop3A_1005], %parallel_loop3A_1000 {strides = array<i32>} : memref<65536xi32, #tpu.memory_space<vmem>>, vector<16xi32>,
      %parallel_loop3A_1007 = arith.constant 1.000000e+00 : f32
      %parallel_loop3A_1008 = arith.constant 0.000000e+00 : f32
      %parallel_loop3A_1009 = vector.broadcast %parallel_loop3A_1007 : f32 to vector<16xf32>
      %parallel_loop3A_1010 = vector.broadcast %parallel_loop3A_1008 : f32 to vector<16xf32>
      %parallel_loop3A_1011 = arith.select %parallel_loop3A_996, %parallel_loop3A_1009, %parallel_loop3A_1010 : vector<16xi1>, vector<16xf32>
      %parallel_loop3A_1012 = arith.addf %parallel_loop3A_937, %parallel_loop3A_1011 : vector<16xf32>
      %parallel_loop3A_1013 = arith.constant 0.000000e+00 : f32
      %parallel_loop3A_1014 = vector.broadcast %parallel_loop3A_1013 : f32 to vector<16xf32>
      %parallel_loop3A_1015 = arith.select %parallel_loop3A_996, %parallel_loop3A_993, %parallel_loop3A_1014 : vector<16xi1>, vector<16xf32>
      %parallel_loop3A_1016 = arith.addf %parallel_loop3A_938, %parallel_loop3A_1015 : vector<16xf32>
      %parallel_loop3A_1017 = arith.addf %parallel_loop3A_939, %parallel_loop3A_993 : vector<16xf32>
      scf.yield %parallel_loop3A_1012, %parallel_loop3A_1016, %parallel_loop3A_1017 : vector<16xf32>, vector<16xf32>, vector<16xf32>
    } {sc.loop_unroll_factor = 8 : i64, sc.parallel_access}
    %dma_wait3A_495 = arith.constant 0 : i32
    %dma_wait3A_496 = arith.constant 0 : i32
    %dma_wait3A_497 = arith.constant 0 : i32
    %dma_wait3A_498 = tpu.memref_slice %arg5[%dma_wait3A_495, %dma_wait3A_496, %dma_wait3A_497] : memref<3x16x512xf32, #tpu.memory_space<vmem>> -> memref<1x16x512xf32, #tpu.memory_space<vmem>>
    %dma_wait3A_499 = tpu.memref_squeeze %dma_wait3A_498 : memref<1x16x512xf32, #tpu.memory_space<vmem>> -> memref<16x512xf32, #tpu.memory_space<vmem>>
    %dma_wait3A_500 = arith.constant 0 : i32
    %dma_wait3A_501 = tpu.memref_slice %arg2[%add3A, %add3A_364, %dma_wait3A_500] : memref<8x512x512xf32, #tpu.memory_space<hbm>> -> memref<1x16x512xf32, #tpu.memory_space<hbm>>
    %dma_wait3A_502 = tpu.memref_squeeze %dma_wait3A_501 : memref<1x16x512xf32, #tpu.memory_space<hbm>> -> memref<16x512xf32, #tpu.memory_space<hbm>>
    %dma_wait3A_503 = arith.constant 0 : i32
    %dma_wait3A_504 = arith.constant 0 : i32
    %dma_wait3A_505 = tpu.memref_slice %arg5[%dma_wait3A_495, %dma_wait3A_503, %dma_wait3A_504] : memref<3x16x512xf32, #tpu.memory_space<vmem>> -> memref<1x16x512xf32, #tpu.memory_space<vmem>>
    %dma_wait3A_506 = tpu.memref_squeeze %dma_wait3A_505 : memref<1x16x512xf32, #tpu.memory_space<vmem>> -> memref<16x512xf32, #tpu.memory_space<vmem>>
    %dma_wait3A_507 = arith.constant 0 : i32
    %dma_wait3A_508 = tpu.memref_slice %arg2[%add3A, %add3A_364, %dma_wait3A_507] : memref<8x512x512xf32, #tpu.memory_space<hbm>> -> memref<1x16x512xf32, #tpu.memory_space<hbm>>
    %dma_wait3A_509 = tpu.memref_squeeze %dma_wait3A_508 : memref<1x16x512xf32, #tpu.memory_space<hbm>> -> memref<16x512xf32, #tpu.memory_space<hbm>>
    tpu.wait_dma2 semaphore(%arg18 : memref<!tpu.dma_semaphore, #tpu.memory_space<semaphore_mem>>) src(%dma_wait3A_509 : memref<16x512xf32, #tpu.memory_space<hbm>>) dst(%dma_wait3A_506 : memref<16x512xf32, #tpu.memory_space<vmem>>)
    %dma_wait3A_510 = arith.constant 0 : i32
    %dma_wait3A_511 = arith.constant 0 : i32
    %dma_wait3A_512 = arith.constant 0 : i32
    %dma_wait3A_513 = tpu.memref_slice %arg6[%dma_wait3A_510, %dma_wait3A_511, %dma_wait3A_512] : memref<3x16x512xf32, #tpu.memory_space<vmem>> -> memref<1x16x512xf32, #tpu.memory_space<vmem>>
    %dma_wait3A_514 = tpu.memref_squeeze %dma_wait3A_513 : memref<1x16x512xf32, #tpu.memory_space<vmem>> -> memref<16x512xf32, #tpu.memory_space<vmem>>
    %dma_wait3A_515 = arith.constant 0 : i32
    %dma_wait3A_516 = tpu.memref_slice %arg3[%add3A, %add3A_364, %dma_wait3A_515] : memref<8x512x512xf32, #tpu.memory_space<hbm>> -> memref<1x16x512xf32, #tpu.memory_space<hbm>>
    %dma_wait3A_517 = tpu.memref_squeeze %dma_wait3A_516 : memref<1x16x512xf32, #tpu.memory_space<hbm>> -> memref<16x512xf32, #tpu.memory_space<hbm>>
    %dma_wait3A_518 = arith.constant 0 : i32
    %dma_wait3A_519 = arith.constant 0 : i32
    %dma_wait3A_520 = tpu.memref_slice %arg6[%dma_wait3A_510, %dma_wait3A_518, %dma_wait3A_519] : memref<3x16x512xf32, #tpu.memory_space<vmem>> -> memref<1x16x512xf32, #tpu.memory_space<vmem>>
    %dma_wait3A_521 = tpu.memref_squeeze %dma_wait3A_520 : memref<1x16x512xf32, #tpu.memory_space<vmem>> -> memref<16x512xf32, #tpu.memory_space<vmem>>
    %dma_wait3A_522 = arith.constant 0 : i32
    %dma_wait3A_523 = tpu.memref_slice %arg3[%add3A, %add3A_364, %dma_wait3A_522] : memref<8x512x512xf32, #tpu.memory_space<hbm>> -> memref<1x16x512xf32, #tpu.memory_space<hbm>>
    %dma_wait3A_524 = tpu.memref_squeeze %dma_wait3A_523 : memref<1x16x512xf32, #tpu.memory_space<hbm>> -> memref<16x512xf32, #tpu.memory_space<hbm>>
    tpu.wait_dma2 semaphore(%arg18 : memref<!tpu.dma_semaphore, #tpu.memory_space<semaphore_mem>>) src(%dma_wait3A_524 : memref<16x512xf32, #tpu.memory_space<hbm>>) dst(%dma_wait3A_521 : memref<16x512xf32, #tpu.memory_space<vmem>>)
    %parallel_loop3A_525 = arith.constant 0 : i32
    %parallel_loop3A_526 = arith.constant 512 : i32
    %parallel_loop3A_527 = arith.constant 1 : i32
    %parallel_loop3A_528:3 = scf.for %parallel_loop3A_936 = %parallel_loop3A_525 to %parallel_loop3A_526 step %parallel_loop3A_527 iter_args(%parallel_loop3A_937 = %parallel_loop3A_494#0, %parallel_loop3A_938 = %parallel_loop3A_494#1, %parallel_loop3A_939 = %parallel_loop3A_494#2) -> (vector<16xf32>, vector<16xf32>, vector<16xf32>)  : i32 {
      %parallel_loop3A_940 = arith.constant 32 : i32
      %parallel_loop3A_941 = arith.divsi %parallel_loop3A_936, %parallel_loop3A_940 : i32
      %parallel_loop3A_942 = arith.constant 0 : i32
      %parallel_loop3A_943 = arith.cmpi sgt, %parallel_loop3A_936, %parallel_loop3A_942 : i32
      %parallel_loop3A_944 = arith.extui %parallel_loop3A_943 : i1 to i32
      %parallel_loop3A_945 = arith.constant 0 : i32
      %parallel_loop3A_946 = arith.cmpi slt, %parallel_loop3A_936, %parallel_loop3A_945 : i32
      %parallel_loop3A_947 = arith.extui %parallel_loop3A_946 : i1 to i32
      %parallel_loop3A_948 = arith.subi %parallel_loop3A_944, %parallel_loop3A_947 : i32
      %parallel_loop3A_949 = arith.constant 0 : i32
      %parallel_loop3A_950 = arith.cmpi sgt, %parallel_loop3A_940, %parallel_loop3A_949 : i32
      %parallel_loop3A_951 = arith.extui %parallel_loop3A_950 : i1 to i32
      %parallel_loop3A_952 = arith.constant 0 : i32
      %parallel_loop3A_953 = arith.cmpi slt, %parallel_loop3A_940, %parallel_loop3A_952 : i32
      %parallel_loop3A_954 = arith.extui %parallel_loop3A_953 : i1 to i32
      %parallel_loop3A_955 = arith.subi %parallel_loop3A_951, %parallel_loop3A_954 : i32
      %parallel_loop3A_956 = arith.cmpi ne, %parallel_loop3A_948, %parallel_loop3A_955 : i32
      %parallel_loop3A_957 = arith.remsi %parallel_loop3A_936, %parallel_loop3A_940 : i32
      %parallel_loop3A_958 = arith.constant 0 : i32
      %parallel_loop3A_959 = arith.cmpi ne, %parallel_loop3A_957, %parallel_loop3A_958 : i32
      %parallel_loop3A_960 = arith.andi %parallel_loop3A_956, %parallel_loop3A_959 : i1
      %parallel_loop3A_961 = arith.constant 1 : i32
      %parallel_loop3A_962 = arith.subi %parallel_loop3A_941, %parallel_loop3A_961 : i32
      %parallel_loop3A_963 = arith.select %parallel_loop3A_960, %parallel_loop3A_962, %parallel_loop3A_941 : i32
      %parallel_loop3A_964 = arith.constant 32 : i32
      %parallel_loop3A_965 = arith.constant 0 : i32
      %parallel_loop3A_966 = arith.cmpi eq, %parallel_loop3A_964, %parallel_loop3A_965 : i32
      %parallel_loop3A_967 = arith.constant 1 : i32
      %parallel_loop3A_968 = arith.select %parallel_loop3A_966, %parallel_loop3A_967, %parallel_loop3A_964 : i32
      %parallel_loop3A_969 = arith.remsi %parallel_loop3A_936, %parallel_loop3A_968 : i32
      %parallel_loop3A_970 = arith.constant 0 : i32
      %parallel_loop3A_971 = arith.cmpi ne, %parallel_loop3A_969, %parallel_loop3A_970 : i32
      %parallel_loop3A_972 = arith.constant 0 : i32
      %parallel_loop3A_973 = arith.cmpi slt, %parallel_loop3A_969, %parallel_loop3A_972 : i32
      %parallel_loop3A_974 = arith.constant 0 : i32
      %parallel_loop3A_975 = arith.cmpi slt, %parallel_loop3A_968, %parallel_loop3A_974 : i32
      %parallel_loop3A_976 = arith.xori %parallel_loop3A_973, %parallel_loop3A_975 : i1
      %parallel_loop3A_977 = arith.andi %parallel_loop3A_976, %parallel_loop3A_971 : i1
      %parallel_loop3A_978 = arith.addi %parallel_loop3A_969, %parallel_loop3A_968 : i32
      %parallel_loop3A_979 = arith.select %parallel_loop3A_977, %parallel_loop3A_978, %parallel_loop3A_969 : i32
      %parallel_loop3A_980 = arith.constant 16 : i32
      %parallel_loop3A_981 = arith.muli %parallel_loop3A_979, %parallel_loop3A_980 : i32
      %parallel_loop3A_982 = arith.constant 0 : i32
      %parallel_loop3A_983 = arith.index_cast %parallel_loop3A_982 : i32 to index
      %parallel_loop3A_984 = arith.index_cast %parallel_loop3A_963 : i32 to index
      %parallel_loop3A_985 = arith.index_cast %parallel_loop3A_981 : i32 to index
      %parallel_loop3A_986 = tpu.vector_load %arg5[%parallel_loop3A_983, %parallel_loop3A_984, %parallel_loop3A_985] {strides = array<i32>} : memref<3x16x512xf32, #tpu.memory_space<vmem>>, vector<16xf32>,
      %parallel_loop3A_987 = arith.constant 0 : i32
      %parallel_loop3A_988 = arith.index_cast %parallel_loop3A_987 : i32 to index
      %parallel_loop3A_989 = arith.index_cast %parallel_loop3A_963 : i32 to index
      %parallel_loop3A_990 = arith.index_cast %parallel_loop3A_981 : i32 to index
      %parallel_loop3A_991 = tpu.vector_load %arg6[%parallel_loop3A_988, %parallel_loop3A_989, %parallel_loop3A_990] {strides = array<i32>} : memref<3x16x512xf32, #tpu.memory_space<vmem>>, vector<16xf32>,
      %parallel_loop3A_992 = arith.subf %parallel_loop3A_986, %parallel_loop3A_991 : vector<16xf32>
      %parallel_loop3A_993 = arith.mulf %parallel_loop3A_992, %parallel_loop3A_992 : vector<16xf32>
      %parallel_loop3A_994 = arith.constant 0.000000e+00 : f32
      %parallel_loop3A_995 = vector.broadcast %parallel_loop3A_994 : f32 to vector<16xf32>
      %parallel_loop3A_996 = arith.cmpf ogt, %parallel_loop3A_991, %parallel_loop3A_995 : vector<16xf32>
      %parallel_loop3A_997 = tpu.bitcast %parallel_loop3A_993 : vector<16xf32> -> vector<16xi32>
      %parallel_loop3A_998 = arith.constant -1 : i32
      %parallel_loop3A_999 = vector.broadcast %parallel_loop3A_998 : i32 to vector<16xi32>
      %parallel_loop3A_1000 = arith.select %parallel_loop3A_996, %parallel_loop3A_999, %parallel_loop3A_997 : vector<16xi1>, vector<16xi32>
      %parallel_loop3A_1001 = arith.constant 16 : i32
      %parallel_loop3A_1002 = arith.muli %parallel_loop3A_936, %parallel_loop3A_1001 : i32
      %parallel_loop3A_1003 = arith.constant 49152 : i32
      %parallel_loop3A_1004 = arith.addi %parallel_loop3A_1003, %parallel_loop3A_1002 : i32
      %parallel_loop3A_1005 = arith.index_cast %parallel_loop3A_1004 : i32 to index
      %parallel_loop3A_1006 = tpu.vector_load %arg7[%parallel_loop3A_1005] {strides = array<i32>} : memref<65536xi32, #tpu.memory_space<vmem>>, vector<16xi32>,
      tpu.vector_store %arg7[%parallel_loop3A_1005], %parallel_loop3A_1000 {strides = array<i32>} : memref<65536xi32, #tpu.memory_space<vmem>>, vector<16xi32>,
      %parallel_loop3A_1007 = arith.constant 1.000000e+00 : f32
      %parallel_loop3A_1008 = arith.constant 0.000000e+00 : f32
      %parallel_loop3A_1009 = vector.broadcast %parallel_loop3A_1007 : f32 to vector<16xf32>
      %parallel_loop3A_1010 = vector.broadcast %parallel_loop3A_1008 : f32 to vector<16xf32>
      %parallel_loop3A_1011 = arith.select %parallel_loop3A_996, %parallel_loop3A_1009, %parallel_loop3A_1010 : vector<16xi1>, vector<16xf32>
      %parallel_loop3A_1012 = arith.addf %parallel_loop3A_937, %parallel_loop3A_1011 : vector<16xf32>
      %parallel_loop3A_1013 = arith.constant 0.000000e+00 : f32
      %parallel_loop3A_1014 = vector.broadcast %parallel_loop3A_1013 : f32 to vector<16xf32>
      %parallel_loop3A_1015 = arith.select %parallel_loop3A_996, %parallel_loop3A_993, %parallel_loop3A_1014 : vector<16xi1>, vector<16xf32>
      %parallel_loop3A_1016 = arith.addf %parallel_loop3A_938, %parallel_loop3A_1015 : vector<16xf32>
      %parallel_loop3A_1017 = arith.addf %parallel_loop3A_939, %parallel_loop3A_993 : vector<16xf32>
      scf.yield %parallel_loop3A_1012, %parallel_loop3A_1016, %parallel_loop3A_1017 : vector<16xf32>, vector<16xf32>, vector<16xf32>
    } {sc.loop_unroll_factor = 8 : i64, sc.parallel_access}
    %dma_wait3A_529 = arith.constant 1 : i32
    %dma_wait3A_530 = arith.constant 0 : i32
    %dma_wait3A_531 = arith.constant 0 : i32
    %dma_wait3A_532 = tpu.memref_slice %arg5[%dma_wait3A_529, %dma_wait3A_530, %dma_wait3A_531] : memref<3x16x512xf32, #tpu.memory_space<vmem>> -> memref<1x16x512xf32, #tpu.memory_space<vmem>>
    %dma_wait3A_533 = tpu.memref_squeeze %dma_wait3A_532 : memref<1x16x512xf32, #tpu.memory_space<vmem>> -> memref<16x512xf32, #tpu.memory_space<vmem>>
    %dma_wait3A_534 = arith.constant 0 : i32
    %dma_wait3A_535 = tpu.memref_slice %arg2[%add3A, %add3A_430, %dma_wait3A_534] : memref<8x512x512xf32, #tpu.memory_space<hbm>> -> memref<1x16x512xf32, #tpu.memory_space<hbm>>
    %dma_wait3A_536 = tpu.memref_squeeze %dma_wait3A_535 : memref<1x16x512xf32, #tpu.memory_space<hbm>> -> memref<16x512xf32, #tpu.memory_space<hbm>>
    %dma_wait3A_537 = arith.constant 0 : i32
    %dma_wait3A_538 = arith.constant 0 : i32
    %dma_wait3A_539 = tpu.memref_slice %arg5[%dma_wait3A_529, %dma_wait3A_537, %dma_wait3A_538] : memref<3x16x512xf32, #tpu.memory_space<vmem>> -> memref<1x16x512xf32, #tpu.memory_space<vmem>>
    %dma_wait3A_540 = tpu.memref_squeeze %dma_wait3A_539 : memref<1x16x512xf32, #tpu.memory_space<vmem>> -> memref<16x512xf32, #tpu.memory_space<vmem>>
    %dma_wait3A_541 = arith.constant 0 : i32
    %dma_wait3A_542 = tpu.memref_slice %arg2[%add3A, %add3A_430, %dma_wait3A_541] : memref<8x512x512xf32, #tpu.memory_space<hbm>> -> memref<1x16x512xf32, #tpu.memory_space<hbm>>
    %dma_wait3A_543 = tpu.memref_squeeze %dma_wait3A_542 : memref<1x16x512xf32, #tpu.memory_space<hbm>> -> memref<16x512xf32, #tpu.memory_space<hbm>>
    tpu.wait_dma2 semaphore(%arg19 : memref<!tpu.dma_semaphore, #tpu.memory_space<semaphore_mem>>) src(%dma_wait3A_543 : memref<16x512xf32, #tpu.memory_space<hbm>>) dst(%dma_wait3A_540 : memref<16x512xf32, #tpu.memory_space<vmem>>)
    %dma_wait3A_544 = arith.constant 1 : i32
    %dma_wait3A_545 = arith.constant 0 : i32
    %dma_wait3A_546 = arith.constant 0 : i32
    %dma_wait3A_547 = tpu.memref_slice %arg6[%dma_wait3A_544, %dma_wait3A_545, %dma_wait3A_546] : memref<3x16x512xf32, #tpu.memory_space<vmem>> -> memref<1x16x512xf32, #tpu.memory_space<vmem>>
    %dma_wait3A_548 = tpu.memref_squeeze %dma_wait3A_547 : memref<1x16x512xf32, #tpu.memory_space<vmem>> -> memref<16x512xf32, #tpu.memory_space<vmem>>
    %dma_wait3A_549 = arith.constant 0 : i32
    %dma_wait3A_550 = tpu.memref_slice %arg3[%add3A, %add3A_430, %dma_wait3A_549] : memref<8x512x512xf32, #tpu.memory_space<hbm>> -> memref<1x16x512xf32, #tpu.memory_space<hbm>>
    %dma_wait3A_551 = tpu.memref_squeeze %dma_wait3A_550 : memref<1x16x512xf32, #tpu.memory_space<hbm>> -> memref<16x512xf32, #tpu.memory_space<hbm>>
    %dma_wait3A_552 = arith.constant 0 : i32
    %dma_wait3A_553 = arith.constant 0 : i32
    %dma_wait3A_554 = tpu.memref_slice %arg6[%dma_wait3A_544, %dma_wait3A_552, %dma_wait3A_553] : memref<3x16x512xf32, #tpu.memory_space<vmem>> -> memref<1x16x512xf32, #tpu.memory_space<vmem>>
    %dma_wait3A_555 = tpu.memref_squeeze %dma_wait3A_554 : memref<1x16x512xf32, #tpu.memory_space<vmem>> -> memref<16x512xf32, #tpu.memory_space<vmem>>
    %dma_wait3A_556 = arith.constant 0 : i32
    %dma_wait3A_557 = tpu.memref_slice %arg3[%add3A, %add3A_430, %dma_wait3A_556] : memref<8x512x512xf32, #tpu.memory_space<hbm>> -> memref<1x16x512xf32, #tpu.memory_space<hbm>>
    %dma_wait3A_558 = tpu.memref_squeeze %dma_wait3A_557 : memref<1x16x512xf32, #tpu.memory_space<hbm>> -> memref<16x512xf32, #tpu.memory_space<hbm>>
    tpu.wait_dma2 semaphore(%arg19 : memref<!tpu.dma_semaphore, #tpu.memory_space<semaphore_mem>>) src(%dma_wait3A_558 : memref<16x512xf32, #tpu.memory_space<hbm>>) dst(%dma_wait3A_555 : memref<16x512xf32, #tpu.memory_space<vmem>>)
    %parallel_loop3A_559 = arith.constant 0 : i32
    %parallel_loop3A_560 = arith.constant 512 : i32
    %parallel_loop3A_561 = arith.constant 1 : i32
    %parallel_loop3A_562:3 = scf.for %parallel_loop3A_936 = %parallel_loop3A_559 to %parallel_loop3A_560 step %parallel_loop3A_561 iter_args(%parallel_loop3A_937 = %parallel_loop3A_528#0, %parallel_loop3A_938 = %parallel_loop3A_528#1, %parallel_loop3A_939 = %parallel_loop3A_528#2) -> (vector<16xf32>, vector<16xf32>, vector<16xf32>)  : i32 {
      %parallel_loop3A_940 = arith.constant 32 : i32
      %parallel_loop3A_941 = arith.divsi %parallel_loop3A_936, %parallel_loop3A_940 : i32
      %parallel_loop3A_942 = arith.constant 0 : i32
      %parallel_loop3A_943 = arith.cmpi sgt, %parallel_loop3A_936, %parallel_loop3A_942 : i32
      %parallel_loop3A_944 = arith.extui %parallel_loop3A_943 : i1 to i32
      %parallel_loop3A_945 = arith.constant 0 : i32
      %parallel_loop3A_946 = arith.cmpi slt, %parallel_loop3A_936, %parallel_loop3A_945 : i32
      %parallel_loop3A_947 = arith.extui %parallel_loop3A_946 : i1 to i32
      %parallel_loop3A_948 = arith.subi %parallel_loop3A_944, %parallel_loop3A_947 : i32
      %parallel_loop3A_949 = arith.constant 0 : i32
      %parallel_loop3A_950 = arith.cmpi sgt, %parallel_loop3A_940, %parallel_loop3A_949 : i32
      %parallel_loop3A_951 = arith.extui %parallel_loop3A_950 : i1 to i32
      %parallel_loop3A_952 = arith.constant 0 : i32
      %parallel_loop3A_953 = arith.cmpi slt, %parallel_loop3A_940, %parallel_loop3A_952 : i32
      %parallel_loop3A_954 = arith.extui %parallel_loop3A_953 : i1 to i32
      %parallel_loop3A_955 = arith.subi %parallel_loop3A_951, %parallel_loop3A_954 : i32
      %parallel_loop3A_956 = arith.cmpi ne, %parallel_loop3A_948, %parallel_loop3A_955 : i32
      %parallel_loop3A_957 = arith.remsi %parallel_loop3A_936, %parallel_loop3A_940 : i32
      %parallel_loop3A_958 = arith.constant 0 : i32
      %parallel_loop3A_959 = arith.cmpi ne, %parallel_loop3A_957, %parallel_loop3A_958 : i32
      %parallel_loop3A_960 = arith.andi %parallel_loop3A_956, %parallel_loop3A_959 : i1
      %parallel_loop3A_961 = arith.constant 1 : i32
      %parallel_loop3A_962 = arith.subi %parallel_loop3A_941, %parallel_loop3A_961 : i32
      %parallel_loop3A_963 = arith.select %parallel_loop3A_960, %parallel_loop3A_962, %parallel_loop3A_941 : i32
      %parallel_loop3A_964 = arith.constant 32 : i32
      %parallel_loop3A_965 = arith.constant 0 : i32
      %parallel_loop3A_966 = arith.cmpi eq, %parallel_loop3A_964, %parallel_loop3A_965 : i32
      %parallel_loop3A_967 = arith.constant 1 : i32
      %parallel_loop3A_968 = arith.select %parallel_loop3A_966, %parallel_loop3A_967, %parallel_loop3A_964 : i32
      %parallel_loop3A_969 = arith.remsi %parallel_loop3A_936, %parallel_loop3A_968 : i32
      %parallel_loop3A_970 = arith.constant 0 : i32
      %parallel_loop3A_971 = arith.cmpi ne, %parallel_loop3A_969, %parallel_loop3A_970 : i32
      %parallel_loop3A_972 = arith.constant 0 : i32
      %parallel_loop3A_973 = arith.cmpi slt, %parallel_loop3A_969, %parallel_loop3A_972 : i32
      %parallel_loop3A_974 = arith.constant 0 : i32
      %parallel_loop3A_975 = arith.cmpi slt, %parallel_loop3A_968, %parallel_loop3A_974 : i32
      %parallel_loop3A_976 = arith.xori %parallel_loop3A_973, %parallel_loop3A_975 : i1
      %parallel_loop3A_977 = arith.andi %parallel_loop3A_976, %parallel_loop3A_971 : i1
      %parallel_loop3A_978 = arith.addi %parallel_loop3A_969, %parallel_loop3A_968 : i32
      %parallel_loop3A_979 = arith.select %parallel_loop3A_977, %parallel_loop3A_978, %parallel_loop3A_969 : i32
      %parallel_loop3A_980 = arith.constant 16 : i32
      %parallel_loop3A_981 = arith.muli %parallel_loop3A_979, %parallel_loop3A_980 : i32
      %parallel_loop3A_982 = arith.constant 1 : i32
      %parallel_loop3A_983 = arith.index_cast %parallel_loop3A_982 : i32 to index
      %parallel_loop3A_984 = arith.index_cast %parallel_loop3A_963 : i32 to index
      %parallel_loop3A_985 = arith.index_cast %parallel_loop3A_981 : i32 to index
      %parallel_loop3A_986 = tpu.vector_load %arg5[%parallel_loop3A_983, %parallel_loop3A_984, %parallel_loop3A_985] {strides = array<i32>} : memref<3x16x512xf32, #tpu.memory_space<vmem>>, vector<16xf32>,
      %parallel_loop3A_987 = arith.constant 1 : i32
      %parallel_loop3A_988 = arith.index_cast %parallel_loop3A_987 : i32 to index
      %parallel_loop3A_989 = arith.index_cast %parallel_loop3A_963 : i32 to index
      %parallel_loop3A_990 = arith.index_cast %parallel_loop3A_981 : i32 to index
      %parallel_loop3A_991 = tpu.vector_load %arg6[%parallel_loop3A_988, %parallel_loop3A_989, %parallel_loop3A_990] {strides = array<i32>} : memref<3x16x512xf32, #tpu.memory_space<vmem>>, vector<16xf32>,
      %parallel_loop3A_992 = arith.subf %parallel_loop3A_986, %parallel_loop3A_991 : vector<16xf32>
      %parallel_loop3A_993 = arith.mulf %parallel_loop3A_992, %parallel_loop3A_992 : vector<16xf32>
      %parallel_loop3A_994 = arith.constant 0.000000e+00 : f32
      %parallel_loop3A_995 = vector.broadcast %parallel_loop3A_994 : f32 to vector<16xf32>
      %parallel_loop3A_996 = arith.cmpf ogt, %parallel_loop3A_991, %parallel_loop3A_995 : vector<16xf32>
      %parallel_loop3A_997 = tpu.bitcast %parallel_loop3A_993 : vector<16xf32> -> vector<16xi32>
      %parallel_loop3A_998 = arith.constant -1 : i32
      %parallel_loop3A_999 = vector.broadcast %parallel_loop3A_998 : i32 to vector<16xi32>
      %parallel_loop3A_1000 = arith.select %parallel_loop3A_996, %parallel_loop3A_999, %parallel_loop3A_997 : vector<16xi1>, vector<16xi32>
      %parallel_loop3A_1001 = arith.constant 16 : i32
      %parallel_loop3A_1002 = arith.muli %parallel_loop3A_936, %parallel_loop3A_1001 : i32
      %parallel_loop3A_1003 = arith.constant 57344 : i32
      %parallel_loop3A_1004 = arith.addi %parallel_loop3A_1003, %parallel_loop3A_1002 : i32
      %parallel_loop3A_1005 = arith.index_cast %parallel_loop3A_1004 : i32 to index
      %parallel_loop3A_1006 = tpu.vector_load %arg7[%parallel_loop3A_1005] {strides = array<i32>} : memref<65536xi32, #tpu.memory_space<vmem>>, vector<16xi32>,
      tpu.vector_store %arg7[%parallel_loop3A_1005], %parallel_loop3A_1000 {strides = array<i32>} : memref<65536xi32, #tpu.memory_space<vmem>>, vector<16xi32>,
      %parallel_loop3A_1007 = arith.constant 1.000000e+00 : f32
      %parallel_loop3A_1008 = arith.constant 0.000000e+00 : f32
      %parallel_loop3A_1009 = vector.broadcast %parallel_loop3A_1007 : f32 to vector<16xf32>
      %parallel_loop3A_1010 = vector.broadcast %parallel_loop3A_1008 : f32 to vector<16xf32>
      %parallel_loop3A_1011 = arith.select %parallel_loop3A_996, %parallel_loop3A_1009, %parallel_loop3A_1010 : vector<16xi1>, vector<16xf32>
      %parallel_loop3A_1012 = arith.addf %parallel_loop3A_937, %parallel_loop3A_1011 : vector<16xf32>
      %parallel_loop3A_1013 = arith.constant 0.000000e+00 : f32
      %parallel_loop3A_1014 = vector.broadcast %parallel_loop3A_1013 : f32 to vector<16xf32>
      %parallel_loop3A_1015 = arith.select %parallel_loop3A_996, %parallel_loop3A_993, %parallel_loop3A_1014 : vector<16xi1>, vector<16xf32>
      %parallel_loop3A_1016 = arith.addf %parallel_loop3A_938, %parallel_loop3A_1015 : vector<16xf32>
      %parallel_loop3A_1017 = arith.addf %parallel_loop3A_939, %parallel_loop3A_993 : vector<16xf32>
      scf.yield %parallel_loop3A_1012, %parallel_loop3A_1016, %parallel_loop3A_1017 : vector<16xf32>, vector<16xf32>, vector<16xf32>
    } {sc.loop_unroll_factor = 8 : i64, sc.parallel_access}
    %swap3A = arith.constant 0 : index
    %swap3A_563 = tpu.vector_load %arg8[%swap3A] {strides = array<i32>} : memref<48xf32, #tpu.memory_space<vmem>>, vector<16xf32>,
    tpu.vector_store %arg8[%swap3A], %parallel_loop3A_562#0 {strides = array<i32>} : memref<48xf32, #tpu.memory_space<vmem>>, vector<16xf32>,
    %swap3A_564 = arith.constant 16 : index
    %swap3A_565 = tpu.vector_load %arg8[%swap3A_564] {strides = array<i32>} : memref<48xf32, #tpu.memory_space<vmem>>, vector<16xf32>,
    tpu.vector_store %arg8[%swap3A_564], %parallel_loop3A_562#1 {strides = array<i32>} : memref<48xf32, #tpu.memory_space<vmem>>, vector<16xf32>,
    %swap3A_566 = arith.constant 32 : index
    %swap3A_567 = tpu.vector_load %arg8[%swap3A_566] {strides = array<i32>} : memref<48xf32, #tpu.memory_space<vmem>>, vector<16xf32>,
    tpu.vector_store %arg8[%swap3A_566], %parallel_loop3A_562#2 {strides = array<i32>} : memref<48xf32, #tpu.memory_space<vmem>>, vector<16xf32>,
    %mul3A_568 = arith.constant 48 : i32
    %mul3A_569 = arith.muli %arg1, %mul3A_568 : i32
    "tpu.region"() ({
      %run_scoped3A = tpu.sem_alloc : memref<!tpu.dma_semaphore, #tpu.memory_space<semaphore_mem>>
      %dma_start3A_936 = tpu.memref_slice %arg9[%mul3A_569] : memref<768xf32, #tpu.memory_space<vmem_shared>> -> memref<48xf32, #tpu.memory_space<vmem_shared>>
      %dma_start3A_937 = tpu.memref_slice %arg9[%mul3A_569] : memref<768xf32, #tpu.memory_space<vmem_shared>> -> memref<48xf32, #tpu.memory_space<vmem_shared>>
      tpu.enqueue_dma source(%arg8 : memref<48xf32, #tpu.memory_space<vmem>>) target(%dma_start3A_937 : memref<48xf32, #tpu.memory_space<vmem_shared>>) target_semaphore(%run_scoped3A : memref<!tpu.dma_semaphore, #tpu.memory_space<semaphore_mem>>)
      %dma_wait3A_938 = tpu.memref_slice %arg9[%mul3A_569] : memref<768xf32, #tpu.memory_space<vmem_shared>> -> memref<48xf32, #tpu.memory_space<vmem_shared>>
      %dma_wait3A_939 = tpu.memref_slice %arg9[%mul3A_569] : memref<768xf32, #tpu.memory_space<vmem_shared>> -> memref<48xf32, #tpu.memory_space<vmem_shared>>
      tpu.wait_dma2 semaphore(%run_scoped3A : memref<!tpu.dma_semaphore, #tpu.memory_space<semaphore_mem>>) src(%arg8 : memref<48xf32, #tpu.memory_space<vmem>>) dst(%dma_wait3A_939 : memref<48xf32, #tpu.memory_space<vmem_shared>>)
      tpu.yield
    }) : () -> ()
    %barrier3A = arith.constant 0 : index
    tpu.barrier barrier_id(%barrier3A)
    "tpu.region"() ({
      %run_scoped3A = tpu.sem_alloc : memref<!tpu.dma_semaphore, #tpu.memory_space<semaphore_mem>>
      tpu.enqueue_dma source(%arg9 : memref<768xf32, #tpu.memory_space<vmem_shared>>) target(%arg10 : memref<768xf32, #tpu.memory_space<vmem>>) target_semaphore(%run_scoped3A : memref<!tpu.dma_semaphore, #tpu.memory_space<semaphore_mem>>)
      tpu.wait_dma2 semaphore(%run_scoped3A : memref<!tpu.dma_semaphore, #tpu.memory_space<semaphore_mem>>) src(%arg9 : memref<768xf32, #tpu.memory_space<vmem_shared>>) dst(%arg10 : memref<768xf32, #tpu.memory_space<vmem>>)
      tpu.yield
    }) : () -> ()
    %broadcast_in_dim3A_570 = arith.constant 0.000000e+00 : f32
    %broadcast_in_dim3A_571 = vector.broadcast %broadcast_in_dim3A_570 : f32 to vector<16xf32>
    %broadcast_in_dim3A_572 = arith.constant 0.000000e+00 : f32
    %broadcast_in_dim3A_573 = vector.broadcast %broadcast_in_dim3A_572 : f32 to vector<16xf32>
    %broadcast_in_dim3A_574 = arith.constant 0.000000e+00 : f32
    %broadcast_in_dim3A_575 = vector.broadcast %broadcast_in_dim3A_574 : f32 to vector<16xf32>
    %get3A = arith.constant 0 : index
    %get3A_576 = tpu.vector_load %arg10[%get3A] {strides = array<i32>} : memref<768xf32, #tpu.memory_space<vmem>>, vector<16xf32>,
    %add3A_577 = arith.addf %broadcast_in_dim3A_571, %get3A_576 : vector<16xf32>
    %get3A_578 = arith.constant 16 : index
    %get3A_579 = tpu.vector_load %arg10[%get3A_578] {strides = array<i32>} : memref<768xf32, #tpu.memory_space<vmem>>, vector<16xf32>,
    %add3A_580 = arith.addf %broadcast_in_dim3A_573, %get3A_579 : vector<16xf32>
    %get3A_581 = arith.constant 32 : index
    %get3A_582 = tpu.vector_load %arg10[%get3A_581] {strides = array<i32>} : memref<768xf32, #tpu.memory_space<vmem>>, vector<16xf32>,
    %add3A_583 = arith.addf %broadcast_in_dim3A_575, %get3A_582 : vector<16xf32>
    %get3A_584 = arith.constant 48 : index
    %get3A_585 = tpu.vector_load %arg10[%get3A_584] {strides = array<i32>} : memref<768xf32, #tpu.memory_space<vmem>>, vector<16xf32>,
    %add3A_586 = arith.addf %add3A_577, %get3A_585 : vector<16xf32>
    %get3A_587 = arith.constant 64 : index
    %get3A_588 = tpu.vector_load %arg10[%get3A_587] {strides = array<i32>} : memref<768xf32, #tpu.memory_space<vmem>>, vector<16xf32>,
    %add3A_589 = arith.addf %add3A_580, %get3A_588 : vector<16xf32>
    %get3A_590 = arith.constant 80 : index
    %get3A_591 = tpu.vector_load %arg10[%get3A_590] {strides = array<i32>} : memref<768xf32, #tpu.memory_space<vmem>>, vector<16xf32>,
    %add3A_592 = arith.addf %add3A_583, %get3A_591 : vector<16xf32>
    %get3A_593 = arith.constant 96 : index
    %get3A_594 = tpu.vector_load %arg10[%get3A_593] {strides = array<i32>} : memref<768xf32, #tpu.memory_space<vmem>>, vector<16xf32>,
    %add3A_595 = arith.addf %add3A_586, %get3A_594 : vector<16xf32>
    %get3A_596 = arith.constant 112 : index
    %get3A_597 = tpu.vector_load %arg10[%get3A_596] {strides = array<i32>} : memref<768xf32, #tpu.memory_space<vmem>>, vector<16xf32>,
    %add3A_598 = arith.addf %add3A_589, %get3A_597 : vector<16xf32>
    %get3A_599 = arith.constant 128 : index
    %get3A_600 = tpu.vector_load %arg10[%get3A_599] {strides = array<i32>} : memref<768xf32, #tpu.memory_space<vmem>>, vector<16xf32>,
    %add3A_601 = arith.addf %add3A_592, %get3A_600 : vector<16xf32>
    %get3A_602 = arith.constant 144 : index
    %get3A_603 = tpu.vector_load %arg10[%get3A_602] {strides = array<i32>} : memref<768xf32, #tpu.memory_space<vmem>>, vector<16xf32>,
    %add3A_604 = arith.addf %add3A_595, %get3A_603 : vector<16xf32>
    %get3A_605 = arith.constant 160 : index
    %get3A_606 = tpu.vector_load %arg10[%get3A_605] {strides = array<i32>} : memref<768xf32, #tpu.memory_space<vmem>>, vector<16xf32>,
    %add3A_607 = arith.addf %add3A_598, %get3A_606 : vector<16xf32>
    %get3A_608 = arith.constant 176 : index
    %get3A_609 = tpu.vector_load %arg10[%get3A_608] {strides = array<i32>} : memref<768xf32, #tpu.memory_space<vmem>>, vector<16xf32>,
    %add3A_610 = arith.addf %add3A_601, %get3A_609 : vector<16xf32>
    %reduce_sum3A = arith.constant true
    %reduce_sum3A_611 = vector.broadcast %reduce_sum3A : i1 to vector<16xi1>
    %reduce_sum3A_612 = tpu.scan <sum>, %add3A_604 masked %reduce_sum3A_611 : vector<16xf32>, vector<16xi1> -> vector<16xf32>
    %reduce_sum3A_613 = vector.extract %reduce_sum3A_612[15] : f32 from vector<16xf32>
    %convert_element_type3A = arith.fptosi %reduce_sum3A_613 : f32 to i32
    %sub3A_614 = arith.constant 262144 : i32
    %sub3A_615 = arith.subi %sub3A_614, %convert_element_type3A : i32
    %mul3A_616 = arith.constant 3 : i32
    %mul3A_617 = arith.muli %mul3A_616, %convert_element_type3A : i32
    %add3A_618 = arith.addi %mul3A_617, %convert_element_type3A : i32
    %gt3A = arith.constant 262144 : i32
    %gt3A_619 = arith.cmpi sgt, %add3A_618, %gt3A : i32
    %select_n3A_620 = arith.select %gt3A_619, %sub3A_615, %mul3A_617 : i32
    %reduce_sum3A_621 = arith.constant true
    %reduce_sum3A_622 = vector.broadcast %reduce_sum3A_621 : i1 to vector<16xi1>
    %reduce_sum3A_623 = tpu.scan <sum>, %add3A_607 masked %reduce_sum3A_622 : vector<16xf32>, vector<16xi1> -> vector<16xf32>
    %reduce_sum3A_624 = vector.extract %reduce_sum3A_623[15] : f32 from vector<16xf32>
    %reduce_sum3A_625 = arith.constant true
    %reduce_sum3A_626 = vector.broadcast %reduce_sum3A_625 : i1 to vector<16xi1>
    %reduce_sum3A_627 = tpu.scan <sum>, %add3A_610 masked %reduce_sum3A_626 : vector<16xf32>, vector<16xi1> -> vector<16xf32>
    %reduce_sum3A_628 = vector.extract %reduce_sum3A_627[15] : f32 from vector<16xf32>
    %broadcast_in_dim3A_629 = arith.constant 0.000000e+00 : f32
    %broadcast_in_dim3A_630 = vector.broadcast %broadcast_in_dim3A_629 : f32 to vector<16xf32>
    %broadcast_in_dim3A_631 = arith.constant 0.000000e+00 : f32
    %broadcast_in_dim3A_632 = vector.broadcast %broadcast_in_dim3A_631 : f32 to vector<16xf32>
    %broadcast_in_dim3A_633 = arith.constant 0.000000e+00 : f32
    %broadcast_in_dim3A_634 = vector.broadcast %broadcast_in_dim3A_633 : f32 to vector<16xf32>
    %get3A_635 = arith.constant 192 : index
    %get3A_636 = tpu.vector_load %arg10[%get3A_635] {strides = array<i32>} : memref<768xf32, #tpu.memory_space<vmem>>, vector<16xf32>,
    %add3A_637 = arith.addf %broadcast_in_dim3A_630, %get3A_636 : vector<16xf32>
    %get3A_638 = arith.constant 208 : index
    %get3A_639 = tpu.vector_load %arg10[%get3A_638] {strides = array<i32>} : memref<768xf32, #tpu.memory_space<vmem>>, vector<16xf32>,
    %add3A_640 = arith.addf %broadcast_in_dim3A_632, %get3A_639 : vector<16xf32>
    %get3A_641 = arith.constant 224 : index
    %get3A_642 = tpu.vector_load %arg10[%get3A_641] {strides = array<i32>} : memref<768xf32, #tpu.memory_space<vmem>>, vector<16xf32>,
    %add3A_643 = arith.addf %broadcast_in_dim3A_634, %get3A_642 : vector<16xf32>
    %get3A_644 = arith.constant 240 : index
    %get3A_645 = tpu.vector_load %arg10[%get3A_644] {strides = array<i32>} : memref<768xf32, #tpu.memory_space<vmem>>, vector<16xf32>,
    %add3A_646 = arith.addf %add3A_637, %get3A_645 : vector<16xf32>
    %get3A_647 = arith.constant 256 : index
    %get3A_648 = tpu.vector_load %arg10[%get3A_647] {strides = array<i32>} : memref<768xf32, #tpu.memory_space<vmem>>, vector<16xf32>,
    %add3A_649 = arith.addf %add3A_640, %get3A_648 : vector<16xf32>
    %get3A_650 = arith.constant 272 : index
    %get3A_651 = tpu.vector_load %arg10[%get3A_650] {strides = array<i32>} : memref<768xf32, #tpu.memory_space<vmem>>, vector<16xf32>,
    %add3A_652 = arith.addf %add3A_643, %get3A_651 : vector<16xf32>
    %get3A_653 = arith.constant 288 : index
    %get3A_654 = tpu.vector_load %arg10[%get3A_653] {strides = array<i32>} : memref<768xf32, #tpu.memory_space<vmem>>, vector<16xf32>,
    %add3A_655 = arith.addf %add3A_646, %get3A_654 : vector<16xf32>
    %get3A_656 = arith.constant 304 : index
    %get3A_657 = tpu.vector_load %arg10[%get3A_656] {strides = array<i32>} : memref<768xf32, #tpu.memory_space<vmem>>, vector<16xf32>,
    %add3A_658 = arith.addf %add3A_649, %get3A_657 : vector<16xf32>
    %get3A_659 = arith.constant 320 : index
    %get3A_660 = tpu.vector_load %arg10[%get3A_659] {strides = array<i32>} : memref<768xf32, #tpu.memory_space<vmem>>, vector<16xf32>,
    %add3A_661 = arith.addf %add3A_652, %get3A_660 : vector<16xf32>
    %get3A_662 = arith.constant 336 : index
    %get3A_663 = tpu.vector_load %arg10[%get3A_662] {strides = array<i32>} : memref<768xf32, #tpu.memory_space<vmem>>, vector<16xf32>,
    %add3A_664 = arith.addf %add3A_655, %get3A_663 : vector<16xf32>
    %get3A_665 = arith.constant 352 : index
    %get3A_666 = tpu.vector_load %arg10[%get3A_665] {strides = array<i32>} : memref<768xf32, #tpu.memory_space<vmem>>, vector<16xf32>,
    %add3A_667 = arith.addf %add3A_658, %get3A_666 : vector<16xf32>
    %get3A_668 = arith.constant 368 : index
    %get3A_669 = tpu.vector_load %arg10[%get3A_668] {strides = array<i32>} : memref<768xf32, #tpu.memory_space<vmem>>, vector<16xf32>,
    %add3A_670 = arith.addf %add3A_661, %get3A_669 : vector<16xf32>
    %reduce_sum3A_671 = arith.constant true
    %reduce_sum3A_672 = vector.broadcast %reduce_sum3A_671 : i1 to vector<16xi1>
    %reduce_sum3A_673 = tpu.scan <sum>, %add3A_664 masked %reduce_sum3A_672 : vector<16xf32>, vector<16xi1> -> vector<16xf32>
    %reduce_sum3A_674 = vector.extract %reduce_sum3A_673[15] : f32 from vector<16xf32>
    %convert_element_type3A_675 = arith.fptosi %reduce_sum3A_674 : f32 to i32
    %sub3A_676 = arith.constant 262144 : i32
    %sub3A_677 = arith.subi %sub3A_676, %convert_element_type3A_675 : i32
    %mul3A_678 = arith.constant 3 : i32
    %mul3A_679 = arith.muli %mul3A_678, %convert_element_type3A_675 : i32
    %add3A_680 = arith.addi %mul3A_679, %convert_element_type3A_675 : i32
    %gt3A_681 = arith.constant 262144 : i32
    %gt3A_682 = arith.cmpi sgt, %add3A_680, %gt3A_681 : i32
    %select_n3A_683 = arith.select %gt3A_682, %sub3A_677, %mul3A_679 : i32
    %reduce_sum3A_684 = arith.constant true
    %reduce_sum3A_685 = vector.broadcast %reduce_sum3A_684 : i1 to vector<16xi1>
    %reduce_sum3A_686 = tpu.scan <sum>, %add3A_667 masked %reduce_sum3A_685 : vector<16xf32>, vector<16xi1> -> vector<16xf32>
    %reduce_sum3A_687 = vector.extract %reduce_sum3A_686[15] : f32 from vector<16xf32>
    %reduce_sum3A_688 = arith.constant true
    %reduce_sum3A_689 = vector.broadcast %reduce_sum3A_688 : i1 to vector<16xi1>
    %reduce_sum3A_690 = tpu.scan <sum>, %add3A_670 masked %reduce_sum3A_689 : vector<16xf32>, vector<16xi1> -> vector<16xf32>
    %reduce_sum3A_691 = vector.extract %reduce_sum3A_690[15] : f32 from vector<16xf32>
    %broadcast_in_dim3A_692 = arith.constant 0.000000e+00 : f32
    %broadcast_in_dim3A_693 = vector.broadcast %broadcast_in_dim3A_692 : f32 to vector<16xf32>
    %broadcast_in_dim3A_694 = arith.constant 0.000000e+00 : f32
    %broadcast_in_dim3A_695 = vector.broadcast %broadcast_in_dim3A_694 : f32 to vector<16xf32>
    %broadcast_in_dim3A_696 = arith.constant 0.000000e+00 : f32
    %broadcast_in_dim3A_697 = vector.broadcast %broadcast_in_dim3A_696 : f32 to vector<16xf32>
    %get3A_698 = arith.constant 384 : index
    %get3A_699 = tpu.vector_load %arg10[%get3A_698] {strides = array<i32>} : memref<768xf32, #tpu.memory_space<vmem>>, vector<16xf32>,
    %add3A_700 = arith.addf %broadcast_in_dim3A_693, %get3A_699 : vector<16xf32>
    %get3A_701 = arith.constant 400 : index
    %get3A_702 = tpu.vector_load %arg10[%get3A_701] {strides = array<i32>} : memref<768xf32, #tpu.memory_space<vmem>>, vector<16xf32>,
    %add3A_703 = arith.addf %broadcast_in_dim3A_695, %get3A_702 : vector<16xf32>
    %get3A_704 = arith.constant 416 : index
    %get3A_705 = tpu.vector_load %arg10[%get3A_704] {strides = array<i32>} : memref<768xf32, #tpu.memory_space<vmem>>, vector<16xf32>,
    %add3A_706 = arith.addf %broadcast_in_dim3A_697, %get3A_705 : vector<16xf32>
    %get3A_707 = arith.constant 432 : index
    %get3A_708 = tpu.vector_load %arg10[%get3A_707] {strides = array<i32>} : memref<768xf32, #tpu.memory_space<vmem>>, vector<16xf32>,
    %add3A_709 = arith.addf %add3A_700, %get3A_708 : vector<16xf32>
    %get3A_710 = arith.constant 448 : index
    %get3A_711 = tpu.vector_load %arg10[%get3A_710] {strides = array<i32>} : memref<768xf32, #tpu.memory_space<vmem>>, vector<16xf32>,
    %add3A_712 = arith.addf %add3A_703, %get3A_711 : vector<16xf32>
    %get3A_713 = arith.constant 464 : index
    %get3A_714 = tpu.vector_load %arg10[%get3A_713] {strides = array<i32>} : memref<768xf32, #tpu.memory_space<vmem>>, vector<16xf32>,
    %add3A_715 = arith.addf %add3A_706, %get3A_714 : vector<16xf32>
    %get3A_716 = arith.constant 480 : index
    %get3A_717 = tpu.vector_load %arg10[%get3A_716] {strides = array<i32>} : memref<768xf32, #tpu.memory_space<vmem>>, vector<16xf32>,
    %add3A_718 = arith.addf %add3A_709, %get3A_717 : vector<16xf32>
    %get3A_719 = arith.constant 496 : index
    %get3A_720 = tpu.vector_load %arg10[%get3A_719] {strides = array<i32>} : memref<768xf32, #tpu.memory_space<vmem>>, vector<16xf32>,
    %add3A_721 = arith.addf %add3A_712, %get3A_720 : vector<16xf32>
    %get3A_722 = arith.constant 512 : index
    %get3A_723 = tpu.vector_load %arg10[%get3A_722] {strides = array<i32>} : memref<768xf32, #tpu.memory_space<vmem>>, vector<16xf32>,
    %add3A_724 = arith.addf %add3A_715, %get3A_723 : vector<16xf32>
    %get3A_725 = arith.constant 528 : index
    %get3A_726 = tpu.vector_load %arg10[%get3A_725] {strides = array<i32>} : memref<768xf32, #tpu.memory_space<vmem>>, vector<16xf32>,
    %add3A_727 = arith.addf %add3A_718, %get3A_726 : vector<16xf32>
    %get3A_728 = arith.constant 544 : index
    %get3A_729 = tpu.vector_load %arg10[%get3A_728] {strides = array<i32>} : memref<768xf32, #tpu.memory_space<vmem>>, vector<16xf32>,
    %add3A_730 = arith.addf %add3A_721, %get3A_729 : vector<16xf32>
    %get3A_731 = arith.constant 560 : index
    %get3A_732 = tpu.vector_load %arg10[%get3A_731] {strides = array<i32>} : memref<768xf32, #tpu.memory_space<vmem>>, vector<16xf32>,
    %add3A_733 = arith.addf %add3A_724, %get3A_732 : vector<16xf32>
    %reduce_sum3A_734 = arith.constant true
    %reduce_sum3A_735 = vector.broadcast %reduce_sum3A_734 : i1 to vector<16xi1>
    %reduce_sum3A_736 = tpu.scan <sum>, %add3A_727 masked %reduce_sum3A_735 : vector<16xf32>, vector<16xi1> -> vector<16xf32>
    %reduce_sum3A_737 = vector.extract %reduce_sum3A_736[15] : f32 from vector<16xf32>
    %convert_element_type3A_738 = arith.fptosi %reduce_sum3A_737 : f32 to i32
    %sub3A_739 = arith.constant 262144 : i32
    %sub3A_740 = arith.subi %sub3A_739, %convert_element_type3A_738 : i32
    %mul3A_741 = arith.constant 3 : i32
    %mul3A_742 = arith.muli %mul3A_741, %convert_element_type3A_738 : i32
    %add3A_743 = arith.addi %mul3A_742, %convert_element_type3A_738 : i32
    %gt3A_744 = arith.constant 262144 : i32
    %gt3A_745 = arith.cmpi sgt, %add3A_743, %gt3A_744 : i32
    %select_n3A_746 = arith.select %gt3A_745, %sub3A_740, %mul3A_742 : i32
    %reduce_sum3A_747 = arith.constant true
    %reduce_sum3A_748 = vector.broadcast %reduce_sum3A_747 : i1 to vector<16xi1>
    %reduce_sum3A_749 = tpu.scan <sum>, %add3A_730 masked %reduce_sum3A_748 : vector<16xf32>, vector<16xi1> -> vector<16xf32>
    %reduce_sum3A_750 = vector.extract %reduce_sum3A_749[15] : f32 from vector<16xf32>
    %reduce_sum3A_751 = arith.constant true
    %reduce_sum3A_752 = vector.broadcast %reduce_sum3A_751 : i1 to vector<16xi1>
    %reduce_sum3A_753 = tpu.scan <sum>, %add3A_733 masked %reduce_sum3A_752 : vector<16xf32>, vector<16xi1> -> vector<16xf32>
    %reduce_sum3A_754 = vector.extract %reduce_sum3A_753[15] : f32 from vector<16xf32>
    %broadcast_in_dim3A_755 = arith.constant 0.000000e+00 : f32
    %broadcast_in_dim3A_756 = vector.broadcast %broadcast_in_dim3A_755 : f32 to vector<16xf32>
    %broadcast_in_dim3A_757 = arith.constant 0.000000e+00 : f32
    %broadcast_in_dim3A_758 = vector.broadcast %broadcast_in_dim3A_757 : f32 to vector<16xf32>
    %broadcast_in_dim3A_759 = arith.constant 0.000000e+00 : f32
    %broadcast_in_dim3A_760 = vector.broadcast %broadcast_in_dim3A_759 : f32 to vector<16xf32>
    %get3A_761 = arith.constant 576 : index
    %get3A_762 = tpu.vector_load %arg10[%get3A_761] {strides = array<i32>} : memref<768xf32, #tpu.memory_space<vmem>>, vector<16xf32>,
    %add3A_763 = arith.addf %broadcast_in_dim3A_756, %get3A_762 : vector<16xf32>
    %get3A_764 = arith.constant 592 : index
    %get3A_765 = tpu.vector_load %arg10[%get3A_764] {strides = array<i32>} : memref<768xf32, #tpu.memory_space<vmem>>, vector<16xf32>,
    %add3A_766 = arith.addf %broadcast_in_dim3A_758, %get3A_765 : vector<16xf32>
    %get3A_767 = arith.constant 608 : index
    %get3A_768 = tpu.vector_load %arg10[%get3A_767] {strides = array<i32>} : memref<768xf32, #tpu.memory_space<vmem>>, vector<16xf32>,
    %add3A_769 = arith.addf %broadcast_in_dim3A_760, %get3A_768 : vector<16xf32>
    %get3A_770 = arith.constant 624 : index
    %get3A_771 = tpu.vector_load %arg10[%get3A_770] {strides = array<i32>} : memref<768xf32, #tpu.memory_space<vmem>>, vector<16xf32>,
    %add3A_772 = arith.addf %add3A_763, %get3A_771 : vector<16xf32>
    %get3A_773 = arith.constant 640 : index
    %get3A_774 = tpu.vector_load %arg10[%get3A_773] {strides = array<i32>} : memref<768xf32, #tpu.memory_space<vmem>>, vector<16xf32>,
    %add3A_775 = arith.addf %add3A_766, %get3A_774 : vector<16xf32>
    %get3A_776 = arith.constant 656 : index
    %get3A_777 = tpu.vector_load %arg10[%get3A_776] {strides = array<i32>} : memref<768xf32, #tpu.memory_space<vmem>>, vector<16xf32>,
    %add3A_778 = arith.addf %add3A_769, %get3A_777 : vector<16xf32>
    %get3A_779 = arith.constant 672 : index
    %get3A_780 = tpu.vector_load %arg10[%get3A_779] {strides = array<i32>} : memref<768xf32, #tpu.memory_space<vmem>>, vector<16xf32>,
    %add3A_781 = arith.addf %add3A_772, %get3A_780 : vector<16xf32>
    %get3A_782 = arith.constant 688 : index
    %get3A_783 = tpu.vector_load %arg10[%get3A_782] {strides = array<i32>} : memref<768xf32, #tpu.memory_space<vmem>>, vector<16xf32>,
    %add3A_784 = arith.addf %add3A_775, %get3A_783 : vector<16xf32>
    %get3A_785 = arith.constant 704 : index
    %get3A_786 = tpu.vector_load %arg10[%get3A_785] {strides = array<i32>} : memref<768xf32, #tpu.memory_space<vmem>>, vector<16xf32>,
    %add3A_787 = arith.addf %add3A_778, %get3A_786 : vector<16xf32>
    %get3A_788 = arith.constant 720 : index
    %get3A_789 = tpu.vector_load %arg10[%get3A_788] {strides = array<i32>} : memref<768xf32, #tpu.memory_space<vmem>>, vector<16xf32>,
    %add3A_790 = arith.addf %add3A_781, %get3A_789 : vector<16xf32>
    %get3A_791 = arith.constant 736 : index
    %get3A_792 = tpu.vector_load %arg10[%get3A_791] {strides = array<i32>} : memref<768xf32, #tpu.memory_space<vmem>>, vector<16xf32>,
    %add3A_793 = arith.addf %add3A_784, %get3A_792 : vector<16xf32>
    %get3A_794 = arith.constant 752 : index
    %get3A_795 = tpu.vector_load %arg10[%get3A_794] {strides = array<i32>} : memref<768xf32, #tpu.memory_space<vmem>>, vector<16xf32>,
    %add3A_796 = arith.addf %add3A_787, %get3A_795 : vector<16xf32>
    %reduce_sum3A_797 = arith.constant true
    %reduce_sum3A_798 = vector.broadcast %reduce_sum3A_797 : i1 to vector<16xi1>
    %reduce_sum3A_799 = tpu.scan <sum>, %add3A_790 masked %reduce_sum3A_798 : vector<16xf32>, vector<16xi1> -> vector<16xf32>
    %reduce_sum3A_800 = vector.extract %reduce_sum3A_799[15] : f32 from vector<16xf32>
    %convert_element_type3A_801 = arith.fptosi %reduce_sum3A_800 : f32 to i32
    %sub3A_802 = arith.constant 262144 : i32
    %sub3A_803 = arith.subi %sub3A_802, %convert_element_type3A_801 : i32
    %mul3A_804 = arith.constant 3 : i32
    %mul3A_805 = arith.muli %mul3A_804, %convert_element_type3A_801 : i32
    %add3A_806 = arith.addi %mul3A_805, %convert_element_type3A_801 : i32
    %gt3A_807 = arith.constant 262144 : i32
    %gt3A_808 = arith.cmpi sgt, %add3A_806, %gt3A_807 : i32
    %select_n3A_809 = arith.select %gt3A_808, %sub3A_803, %mul3A_805 : i32
    %reduce_sum3A_810 = arith.constant true
    %reduce_sum3A_811 = vector.broadcast %reduce_sum3A_810 : i1 to vector<16xi1>
    %reduce_sum3A_812 = tpu.scan <sum>, %add3A_793 masked %reduce_sum3A_811 : vector<16xf32>, vector<16xi1> -> vector<16xf32>
    %reduce_sum3A_813 = vector.extract %reduce_sum3A_812[15] : f32 from vector<16xf32>
    %reduce_sum3A_814 = arith.constant true
    %reduce_sum3A_815 = vector.broadcast %reduce_sum3A_814 : i1 to vector<16xi1>
    %reduce_sum3A_816 = tpu.scan <sum>, %add3A_796 masked %reduce_sum3A_815 : vector<16xf32>, vector<16xi1> -> vector<16xf32>
    %reduce_sum3A_817 = vector.extract %reduce_sum3A_816[15] : f32 from vector<16xf32>
    %convert_element_type3A_818 = arith.sitofp %convert_element_type3A : i32 to f32
    %convert_element_type3A_819 = arith.sitofp %sub3A_615 : i32 to f32
    %broadcast_in_dim3A_820 = vector.broadcast %reduce_sum3A_624 : f32 to vector<16xf32>
    %broadcast_in_dim3A_821 = vector.broadcast %convert_element_type3A_818 : f32 to vector<16xf32>
    %div3A_822 = arith.divf %broadcast_in_dim3A_820, %broadcast_in_dim3A_821 : vector<16xf32>
    %broadcast_in_dim3A_823 = vector.broadcast %reduce_sum3A_628 : f32 to vector<16xf32>
    %broadcast_in_dim3A_824 = arith.constant 2.621440e+05 : f32
    %broadcast_in_dim3A_825 = vector.broadcast %broadcast_in_dim3A_824 : f32 to vector<16xf32>
    %div3A_826 = arith.divf %broadcast_in_dim3A_823, %broadcast_in_dim3A_825 : vector<16xf32>
    %lt3A_827 = arith.constant 10 : i32
    %lt3A_828 = arith.cmpi slt, %select_n3A_620, %lt3A_827 : i32
    %sub3A_829 = arith.subf %reduce_sum3A_628, %reduce_sum3A_624 : f32
    %broadcast_in_dim3A_830 = vector.broadcast %sub3A_829 : f32 to vector<16xf32>
    %broadcast_in_dim3A_831 = vector.broadcast %convert_element_type3A_819 : f32 to vector<16xf32>
    %div3A_832 = arith.divf %broadcast_in_dim3A_830, %broadcast_in_dim3A_831 : vector<16xf32>
    %add3A_833 = arith.addf %div3A_822, %div3A_832 : vector<16xf32>
    %select_n3A_834 = arith.select %lt3A_828, %div3A_826, %add3A_833 : vector<16xf32>
    %ge3A = arith.constant 10 : i32
    %ge3A_835 = arith.cmpi sge, %select_n3A_620, %ge3A : i32
    %lt3A_836 = arith.cmpi slt, %select_n3A_620, %sub3A_615 : i32
    %and3A_837 = arith.andi %ge3A_835, %lt3A_836 : i1
    %convert_element_type3A_838 = arith.sitofp %convert_element_type3A_675 : i32 to f32
    %convert_element_type3A_839 = arith.sitofp %sub3A_677 : i32 to f32
    %broadcast_in_dim3A_840 = vector.broadcast %reduce_sum3A_687 : f32 to vector<16xf32>
    %broadcast_in_dim3A_841 = vector.broadcast %convert_element_type3A_838 : f32 to vector<16xf32>
    %div3A_842 = arith.divf %broadcast_in_dim3A_840, %broadcast_in_dim3A_841 : vector<16xf32>
    %broadcast_in_dim3A_843 = vector.broadcast %reduce_sum3A_691 : f32 to vector<16xf32>
    %broadcast_in_dim3A_844 = arith.constant 2.621440e+05 : f32
    %broadcast_in_dim3A_845 = vector.broadcast %broadcast_in_dim3A_844 : f32 to vector<16xf32>
    %div3A_846 = arith.divf %broadcast_in_dim3A_843, %broadcast_in_dim3A_845 : vector<16xf32>
    %lt3A_847 = arith.constant 10 : i32
    %lt3A_848 = arith.cmpi slt, %select_n3A_683, %lt3A_847 : i32
    %sub3A_849 = arith.subf %reduce_sum3A_691, %reduce_sum3A_687 : f32
    %broadcast_in_dim3A_850 = vector.broadcast %sub3A_849 : f32 to vector<16xf32>
    %broadcast_in_dim3A_851 = vector.broadcast %convert_element_type3A_839 : f32 to vector<16xf32>
    %div3A_852 = arith.divf %broadcast_in_dim3A_850, %broadcast_in_dim3A_851 : vector<16xf32>
    %add3A_853 = arith.addf %div3A_842, %div3A_852 : vector<16xf32>
    %select_n3A_854 = arith.select %lt3A_848, %div3A_846, %add3A_853 : vector<16xf32>
    %ge3A_855 = arith.constant 10 : i32
    %ge3A_856 = arith.cmpi sge, %select_n3A_683, %ge3A_855 : i32
    %lt3A_857 = arith.cmpi slt, %select_n3A_683, %sub3A_677 : i32
    %and3A_858 = arith.andi %ge3A_856, %lt3A_857 : i1
    %convert_element_type3A_859 = arith.sitofp %convert_element_type3A_738 : i32 to f32
    %convert_element_type3A_860 = arith.sitofp %sub3A_740 : i32 to f32
    %broadcast_in_dim3A_861 = vector.broadcast %reduce_sum3A_750 : f32 to vector<16xf32>
    %broadcast_in_dim3A_862 = vector.broadcast %convert_element_type3A_859 : f32 to vector<16xf32>
    %div3A_863 = arith.divf %broadcast_in_dim3A_861, %broadcast_in_dim3A_862 : vector<16xf32>
    %broadcast_in_dim3A_864 = vector.broadcast %reduce_sum3A_754 : f32 to vector<16xf32>
    %broadcast_in_dim3A_865 = arith.constant 2.621440e+05 : f32
    %broadcast_in_dim3A_866 = vector.broadcast %broadcast_in_dim3A_865 : f32 to vector<16xf32>
    %div3A_867 = arith.divf %broadcast_in_dim3A_864, %broadcast_in_dim3A_866 : vector<16xf32>
    %lt3A_868 = arith.constant 10 : i32
    %lt3A_869 = arith.cmpi slt, %select_n3A_746, %lt3A_868 : i32
    %sub3A_870 = arith.subf %reduce_sum3A_754, %reduce_sum3A_750 : f32
    %broadcast_in_dim3A_871 = vector.broadcast %sub3A_870 : f32 to vector<16xf32>
    %broadcast_in_dim3A_872 = vector.broadcast %convert_element_type3A_860 : f32 to vector<16xf32>
    %div3A_873 = arith.divf %broadcast_in_dim3A_871, %broadcast_in_dim3A_872 : vector<16xf32>
    %add3A_874 = arith.addf %div3A_863, %div3A_873 : vector<16xf32>
    %select_n3A_875 = arith.select %lt3A_869, %div3A_867, %add3A_874 : vector<16xf32>
    %ge3A_876 = arith.constant 10 : i32
    %ge3A_877 = arith.cmpi sge, %select_n3A_746, %ge3A_876 : i32
    %lt3A_878 = arith.cmpi slt, %select_n3A_746, %sub3A_740 : i32
    %and3A_879 = arith.andi %ge3A_877, %lt3A_878 : i1
    %convert_element_type3A_880 = arith.sitofp %convert_element_type3A_801 : i32 to f32
    %convert_element_type3A_881 = arith.sitofp %sub3A_803 : i32 to f32
    %broadcast_in_dim3A_882 = vector.broadcast %reduce_sum3A_813 : f32 to vector<16xf32>
    %broadcast_in_dim3A_883 = vector.broadcast %convert_element_type3A_880 : f32 to vector<16xf32>
    %div3A_884 = arith.divf %broadcast_in_dim3A_882, %broadcast_in_dim3A_883 : vector<16xf32>
    %broadcast_in_dim3A_885 = vector.broadcast %reduce_sum3A_817 : f32 to vector<16xf32>
    %broadcast_in_dim3A_886 = arith.constant 2.621440e+05 : f32
    %broadcast_in_dim3A_887 = vector.broadcast %broadcast_in_dim3A_886 : f32 to vector<16xf32>
    %div3A_888 = arith.divf %broadcast_in_dim3A_885, %broadcast_in_dim3A_887 : vector<16xf32>
    %lt3A_889 = arith.constant 10 : i32
    %lt3A_890 = arith.cmpi slt, %select_n3A_809, %lt3A_889 : i32
    %sub3A_891 = arith.subf %reduce_sum3A_817, %reduce_sum3A_813 : f32
    %broadcast_in_dim3A_892 = vector.broadcast %sub3A_891 : f32 to vector<16xf32>
    %broadcast_in_dim3A_893 = vector.broadcast %convert_element_type3A_881 : f32 to vector<16xf32>
    %div3A_894 = arith.divf %broadcast_in_dim3A_892, %broadcast_in_dim3A_893 : vector<16xf32>
    %add3A_895 = arith.addf %div3A_884, %div3A_894 : vector<16xf32>
    %select_n3A_896 = arith.select %lt3A_890, %div3A_888, %add3A_895 : vector<16xf32>
    %ge3A_897 = arith.constant 10 : i32
    %ge3A_898 = arith.cmpi sge, %select_n3A_809, %ge3A_897 : i32
    %lt3A_899 = arith.cmpi slt, %select_n3A_809, %sub3A_803 : i32
    %and3A_900 = arith.andi %ge3A_898, %lt3A_899 : i1
    %or3A = arith.ori %and3A_837, %and3A_858 : i1
    %or3A_901 = arith.ori %or3A, %and3A_879 : i1
    %or3A_902 = arith.ori %or3A_901, %and3A_900 : i1
    %eq3A_903 = arith.constant 0 : i32
    %eq3A_904 = arith.cmpi eq, %select_n3A, %eq3A_903 : i32
    %eq3A_905 = arith.constant 1 : i32
    %eq3A_906 = arith.cmpi eq, %select_n3A, %eq3A_905 : i32
    %eq3A_907 = arith.constant 2 : i32
    %eq3A_908 = arith.cmpi eq, %select_n3A, %eq3A_907 : i32
    %select_n3A_909 = arith.select %eq3A_908, %select_n3A_875, %select_n3A_896 : vector<16xf32>
    %select_n3A_910 = arith.select %eq3A_906, %select_n3A_854, %select_n3A_909 : vector<16xf32>
    %select_n3A_911 = arith.select %eq3A_904, %select_n3A_834, %select_n3A_910 : vector<16xf32>
    %convert_element_type3A_912 = arith.extui %or3A_902 : i1 to i32
    %cond3A = arith.constant 0 : i32
    %cond3A_913 = arith.cmpi ne, %convert_element_type3A_912, %cond3A : i32
    %cond3A_914 = scf.if %cond3A_913 -> (vector<16xf32>) {
      %eq3A_936 = arith.constant 0 : i32
      %eq3A_937 = arith.cmpi eq, %select_n3A, %eq3A_936 : i32
      %eq3A_938 = arith.constant 1 : i32
      %eq3A_939 = arith.cmpi eq, %select_n3A, %eq3A_938 : i32
      %eq3A_940 = arith.constant 2 : i32
      %eq3A_941 = arith.cmpi eq, %select_n3A, %eq3A_940 : i32
      %select_n3A_942 = arith.select %eq3A_941, %select_n3A_746, %select_n3A_809 : i32
      %select_n3A_943 = arith.select %eq3A_939, %select_n3A_683, %select_n3A_942 : i32
      %select_n3A_944 = arith.select %eq3A_937, %select_n3A_620, %select_n3A_943 : i32
      %scan3A = arith.constant 0 : i32
      %scan3A_945 = arith.constant 0 : i32
      %scan3A_946 = arith.constant 31 : i32
      %scan3A_947 = arith.addi %scan3A_945, %scan3A_946 : i32
      %scan3A_948 = arith.constant 1 : i32
      %scan3A_949 = scf.for %scan3A_1160 = %scan3A_945 to %scan3A_947 step %scan3A_948 iter_args(%scan3A_1161 = %scan3A) -> (i32)  : i32 {
        %sub3A_1162 = arith.constant 30 : i32
        %sub3A_1163 = arith.subi %sub3A_1162, %scan3A_1160 : i32
        %shift_left3A = arith.constant 1 : i32
        %shift_left3A_1164 = arith.shli %shift_left3A, %sub3A_1163 : i32
        %or3A_1165 = arith.ori %scan3A_1161, %shift_left3A_1164 : i32
        %broadcast_in_dim3A_1166 = arith.constant 0 : i32
        %broadcast_in_dim3A_1167 = vector.broadcast %broadcast_in_dim3A_1166 : i32 to vector<16xi32>
        %scan3A_1168 = arith.constant 0 : i32
        %scan3A_1169 = arith.constant 4096 : i32
        %scan3A_1170 = arith.addi %scan3A_1168, %scan3A_1169 : i32
        %scan3A_1171 = arith.constant 1 : i32
        %scan3A_1172 = scf.for %scan3A_1263 = %scan3A_1168 to %scan3A_1170 step %scan3A_1171 iter_args(%scan3A_1264 = %broadcast_in_dim3A_1167) -> (vector<16xi32>)  : i32 {
          %mul3A_1265 = arith.constant 16 : i32
          %mul3A_1266 = arith.muli %scan3A_1263, %mul3A_1265 : i32
          %get3A_1267 = arith.index_cast %mul3A_1266 : i32 to index
          %get3A_1268 = tpu.vector_load %arg7[%get3A_1267] {strides = array<i32>} : memref<65536xi32, #tpu.memory_space<vmem>>, vector<16xi32>,
          %ge3A_1269 = vector.broadcast %or3A_1165 : i32 to vector<16xi32>
          %ge3A_1270 = arith.cmpi sge, %get3A_1268, %ge3A_1269 : vector<16xi32>
          %jit3A_1271 = arith.constant 1 : i32
          %jit3A_1272 = arith.constant 0 : i32
          %broadcast_in_dim3A_1273 = vector.broadcast %jit3A_1271 : i32 to vector<16xi32>
          %broadcast_in_dim3A_1274 = vector.broadcast %jit3A_1272 : i32 to vector<16xi32>
          %select_n3A_1275 = arith.select %ge3A_1270, %broadcast_in_dim3A_1273, %broadcast_in_dim3A_1274 : vector<16xi1>, vector<16xi32>
          %add3A_1276 = arith.addi %scan3A_1264, %select_n3A_1275 : vector<16xi32>
          scf.yield %add3A_1276 : vector<16xi32>
        }
        %scan3A_1173 = arith.constant 4096 : i32
        %swap3A_1174 = arith.constant 0 : index
        %swap3A_1175 = tpu.vector_load %arg11[%swap3A_1174] {strides = array<i32>} : memref<16xi32, #tpu.memory_space<vmem>>, vector<16xi32>,
        tpu.vector_store %arg11[%swap3A_1174], %scan3A_1172 {strides = array<i32>} : memref<16xi32, #tpu.memory_space<vmem>>, vector<16xi32>,
        %mul3A_1176 = arith.constant 16 : i32
        %mul3A_1177 = arith.muli %arg1, %mul3A_1176 : i32
        "tpu.region"() ({
          %run_scoped3A = tpu.sem_alloc : memref<!tpu.dma_semaphore, #tpu.memory_space<semaphore_mem>>
          %dma_start3A_1263 = tpu.memref_slice %arg12[%mul3A_1177] : memref<256xi32, #tpu.memory_space<vmem_shared>> -> memref<16xi32, #tpu.memory_space<vmem_shared>>
          %dma_start3A_1264 = tpu.memref_slice %arg12[%mul3A_1177] : memref<256xi32, #tpu.memory_space<vmem_shared>> -> memref<16xi32, #tpu.memory_space<vmem_shared>>
          tpu.enqueue_dma source(%arg11 : memref<16xi32, #tpu.memory_space<vmem>>) target(%dma_start3A_1264 : memref<16xi32, #tpu.memory_space<vmem_shared>>) target_semaphore(%run_scoped3A : memref<!tpu.dma_semaphore, #tpu.memory_space<semaphore_mem>>)
          %dma_wait3A_1265 = tpu.memref_slice %arg12[%mul3A_1177] : memref<256xi32, #tpu.memory_space<vmem_shared>> -> memref<16xi32, #tpu.memory_space<vmem_shared>>
          %dma_wait3A_1266 = tpu.memref_slice %arg12[%mul3A_1177] : memref<256xi32, #tpu.memory_space<vmem_shared>> -> memref<16xi32, #tpu.memory_space<vmem_shared>>
          tpu.wait_dma2 semaphore(%run_scoped3A : memref<!tpu.dma_semaphore, #tpu.memory_space<semaphore_mem>>) src(%arg11 : memref<16xi32, #tpu.memory_space<vmem>>) dst(%dma_wait3A_1266 : memref<16xi32, #tpu.memory_space<vmem_shared>>)
          tpu.yield
        }) : () -> ()
        %barrier3A_1178 = arith.constant 0 : index
        tpu.barrier barrier_id(%barrier3A_1178)
        "tpu.region"() ({
          %run_scoped3A = tpu.sem_alloc : memref<!tpu.dma_semaphore, #tpu.memory_space<semaphore_mem>>
          tpu.enqueue_dma source(%arg12 : memref<256xi32, #tpu.memory_space<vmem_shared>>) target(%arg13 : memref<256xi32, #tpu.memory_space<vmem>>) target_semaphore(%run_scoped3A : memref<!tpu.dma_semaphore, #tpu.memory_space<semaphore_mem>>)
          tpu.wait_dma2 semaphore(%run_scoped3A : memref<!tpu.dma_semaphore, #tpu.memory_space<semaphore_mem>>) src(%arg12 : memref<256xi32, #tpu.memory_space<vmem_shared>>) dst(%arg13 : memref<256xi32, #tpu.memory_space<vmem>>)
          tpu.yield
        }) : () -> ()
        %barrier3A_1179 = arith.constant 0 : index
        tpu.barrier barrier_id(%barrier3A_1179)
        %broadcast_in_dim3A_1180 = arith.constant 0 : i32
        %broadcast_in_dim3A_1181 = vector.broadcast %broadcast_in_dim3A_1180 : i32 to vector<16xi32>
        %get3A_1182 = arith.constant 0 : index
        %get3A_1183 = tpu.vector_load %arg13[%get3A_1182] {strides = array<i32>} : memref<256xi32, #tpu.memory_space<vmem>>, vector<16xi32>,
        %add3A_1184 = arith.addi %broadcast_in_dim3A_1181, %get3A_1183 : vector<16xi32>
        %get3A_1185 = arith.constant 16 : index
        %get3A_1186 = tpu.vector_load %arg13[%get3A_1185] {strides = array<i32>} : memref<256xi32, #tpu.memory_space<vmem>>, vector<16xi32>,
        %add3A_1187 = arith.addi %add3A_1184, %get3A_1186 : vector<16xi32>
        %get3A_1188 = arith.constant 32 : index
        %get3A_1189 = tpu.vector_load %arg13[%get3A_1188] {strides = array<i32>} : memref<256xi32, #tpu.memory_space<vmem>>, vector<16xi32>,
        %add3A_1190 = arith.addi %add3A_1187, %get3A_1189 : vector<16xi32>
        %get3A_1191 = arith.constant 48 : index
        %get3A_1192 = tpu.vector_load %arg13[%get3A_1191] {strides = array<i32>} : memref<256xi32, #tpu.memory_space<vmem>>, vector<16xi32>,
        %add3A_1193 = arith.addi %add3A_1190, %get3A_1192 : vector<16xi32>
        %reduce_sum3A_1194 = arith.constant true
        %reduce_sum3A_1195 = vector.broadcast %reduce_sum3A_1194 : i1 to vector<16xi1>
        %reduce_sum3A_1196 = tpu.scan <sum>, %add3A_1193 masked %reduce_sum3A_1195 : vector<16xi32>, vector<16xi1> -> vector<16xi32>
        %reduce_sum3A_1197 = vector.extract %reduce_sum3A_1196[15] : i32 from vector<16xi32>
        %broadcast_in_dim3A_1198 = arith.constant 0 : i32
        %broadcast_in_dim3A_1199 = vector.broadcast %broadcast_in_dim3A_1198 : i32 to vector<16xi32>
        %get3A_1200 = arith.constant 64 : index
        %get3A_1201 = tpu.vector_load %arg13[%get3A_1200] {strides = array<i32>} : memref<256xi32, #tpu.memory_space<vmem>>, vector<16xi32>,
        %add3A_1202 = arith.addi %broadcast_in_dim3A_1199, %get3A_1201 : vector<16xi32>
        %get3A_1203 = arith.constant 80 : index
        %get3A_1204 = tpu.vector_load %arg13[%get3A_1203] {strides = array<i32>} : memref<256xi32, #tpu.memory_space<vmem>>, vector<16xi32>,
        %add3A_1205 = arith.addi %add3A_1202, %get3A_1204 : vector<16xi32>
        %get3A_1206 = arith.constant 96 : index
        %get3A_1207 = tpu.vector_load %arg13[%get3A_1206] {strides = array<i32>} : memref<256xi32, #tpu.memory_space<vmem>>, vector<16xi32>,
        %add3A_1208 = arith.addi %add3A_1205, %get3A_1207 : vector<16xi32>
        %get3A_1209 = arith.constant 112 : index
        %get3A_1210 = tpu.vector_load %arg13[%get3A_1209] {strides = array<i32>} : memref<256xi32, #tpu.memory_space<vmem>>, vector<16xi32>,
        %add3A_1211 = arith.addi %add3A_1208, %get3A_1210 : vector<16xi32>
        %reduce_sum3A_1212 = arith.constant true
        %reduce_sum3A_1213 = vector.broadcast %reduce_sum3A_1212 : i1 to vector<16xi1>
        %reduce_sum3A_1214 = tpu.scan <sum>, %add3A_1211 masked %reduce_sum3A_1213 : vector<16xi32>, vector<16xi1> -> vector<16xi32>
        %reduce_sum3A_1215 = vector.extract %reduce_sum3A_1214[15] : i32 from vector<16xi32>
        %broadcast_in_dim3A_1216 = arith.constant 0 : i32
        %broadcast_in_dim3A_1217 = vector.broadcast %broadcast_in_dim3A_1216 : i32 to vector<16xi32>
        %get3A_1218 = arith.constant 128 : index
        %get3A_1219 = tpu.vector_load %arg13[%get3A_1218] {strides = array<i32>} : memref<256xi32, #tpu.memory_space<vmem>>, vector<16xi32>,
        %add3A_1220 = arith.addi %broadcast_in_dim3A_1217, %get3A_1219 : vector<16xi32>
        %get3A_1221 = arith.constant 144 : index
        %get3A_1222 = tpu.vector_load %arg13[%get3A_1221] {strides = array<i32>} : memref<256xi32, #tpu.memory_space<vmem>>, vector<16xi32>,
        %add3A_1223 = arith.addi %add3A_1220, %get3A_1222 : vector<16xi32>
        %get3A_1224 = arith.constant 160 : index
        %get3A_1225 = tpu.vector_load %arg13[%get3A_1224] {strides = array<i32>} : memref<256xi32, #tpu.memory_space<vmem>>, vector<16xi32>,
        %add3A_1226 = arith.addi %add3A_1223, %get3A_1225 : vector<16xi32>
        %get3A_1227 = arith.constant 176 : index
        %get3A_1228 = tpu.vector_load %arg13[%get3A_1227] {strides = array<i32>} : memref<256xi32, #tpu.memory_space<vmem>>, vector<16xi32>,
        %add3A_1229 = arith.addi %add3A_1226, %get3A_1228 : vector<16xi32>
        %reduce_sum3A_1230 = arith.constant true
        %reduce_sum3A_1231 = vector.broadcast %reduce_sum3A_1230 : i1 to vector<16xi1>
        %reduce_sum3A_1232 = tpu.scan <sum>, %add3A_1229 masked %reduce_sum3A_1231 : vector<16xi32>, vector<16xi1> -> vector<16xi32>
        %reduce_sum3A_1233 = vector.extract %reduce_sum3A_1232[15] : i32 from vector<16xi32>
        %broadcast_in_dim3A_1234 = arith.constant 0 : i32
        %broadcast_in_dim3A_1235 = vector.broadcast %broadcast_in_dim3A_1234 : i32 to vector<16xi32>
        %get3A_1236 = arith.constant 192 : index
        %get3A_1237 = tpu.vector_load %arg13[%get3A_1236] {strides = array<i32>} : memref<256xi32, #tpu.memory_space<vmem>>, vector<16xi32>,
        %add3A_1238 = arith.addi %broadcast_in_dim3A_1235, %get3A_1237 : vector<16xi32>
        %get3A_1239 = arith.constant 208 : index
        %get3A_1240 = tpu.vector_load %arg13[%get3A_1239] {strides = array<i32>} : memref<256xi32, #tpu.memory_space<vmem>>, vector<16xi32>,
        %add3A_1241 = arith.addi %add3A_1238, %get3A_1240 : vector<16xi32>
        %get3A_1242 = arith.constant 224 : index
        %get3A_1243 = tpu.vector_load %arg13[%get3A_1242] {strides = array<i32>} : memref<256xi32, #tpu.memory_space<vmem>>, vector<16xi32>,
        %add3A_1244 = arith.addi %add3A_1241, %get3A_1243 : vector<16xi32>
        %get3A_1245 = arith.constant 240 : index
        %get3A_1246 = tpu.vector_load %arg13[%get3A_1245] {strides = array<i32>} : memref<256xi32, #tpu.memory_space<vmem>>, vector<16xi32>,
        %add3A_1247 = arith.addi %add3A_1244, %get3A_1246 : vector<16xi32>
        %reduce_sum3A_1248 = arith.constant true
        %reduce_sum3A_1249 = vector.broadcast %reduce_sum3A_1248 : i1 to vector<16xi1>
        %reduce_sum3A_1250 = tpu.scan <sum>, %add3A_1247 masked %reduce_sum3A_1249 : vector<16xi32>, vector<16xi1> -> vector<16xi32>
        %reduce_sum3A_1251 = vector.extract %reduce_sum3A_1250[15] : i32 from vector<16xi32>
        %eq3A_1252 = arith.constant 0 : i32
        %eq3A_1253 = arith.cmpi eq, %select_n3A, %eq3A_1252 : i32
        %eq3A_1254 = arith.constant 1 : i32
        %eq3A_1255 = arith.cmpi eq, %select_n3A, %eq3A_1254 : i32
        %eq3A_1256 = arith.constant 2 : i32
        %eq3A_1257 = arith.cmpi eq, %select_n3A, %eq3A_1256 : i32
        %select_n3A_1258 = arith.select %eq3A_1257, %reduce_sum3A_1233, %reduce_sum3A_1251 : i32
        %select_n3A_1259 = arith.select %eq3A_1255, %reduce_sum3A_1215, %select_n3A_1258 : i32
        %select_n3A_1260 = arith.select %eq3A_1253, %reduce_sum3A_1197, %select_n3A_1259 : i32
        %ge3A_1261 = arith.cmpi sge, %select_n3A_1260, %select_n3A_944 : i32
        %select_n3A_1262 = arith.select %ge3A_1261, %or3A_1165, %scan3A_1161 : i32
        scf.yield %select_n3A_1262 : i32
      }
      %scan3A_950 = arith.constant 31 : i32
      %bitcast_convert_type3A = arith.bitcast %scan3A_949 : i32 to f32
      %broadcast_in_dim3A_951 = arith.constant 0 : i32
      %broadcast_in_dim3A_952 = vector.broadcast %broadcast_in_dim3A_951 : i32 to vector<16xi32>
      %broadcast_in_dim3A_953 = arith.constant 0.000000e+00 : f32
      %broadcast_in_dim3A_954 = vector.broadcast %broadcast_in_dim3A_953 : f32 to vector<16xf32>
      %scan3A_955 = arith.constant 0 : i32
      %scan3A_956 = arith.constant 4096 : i32
      %scan3A_957 = arith.addi %scan3A_955, %scan3A_956 : i32
      %scan3A_958 = arith.constant 1 : i32
      %scan3A_959:2 = scf.for %scan3A_1160 = %scan3A_955 to %scan3A_957 step %scan3A_958 iter_args(%scan3A_1161 = %broadcast_in_dim3A_952, %scan3A_1162 = %broadcast_in_dim3A_954) -> (vector<16xi32>, vector<16xf32>)  : i32 {
        %mul3A_1163 = arith.constant 16 : i32
        %mul3A_1164 = arith.muli %scan3A_1160, %mul3A_1163 : i32
        %get3A_1165 = arith.index_cast %mul3A_1164 : i32 to index
        %get3A_1166 = tpu.vector_load %arg7[%get3A_1165] {strides = array<i32>} : memref<65536xi32, #tpu.memory_space<vmem>>, vector<16xi32>,
        %gt3A_1167 = vector.broadcast %scan3A_949 : i32 to vector<16xi32>
        %gt3A_1168 = arith.cmpi sgt, %get3A_1166, %gt3A_1167 : vector<16xi32>
        %jit3A_1169 = arith.constant 1 : i32
        %jit3A_1170 = arith.constant 0 : i32
        %broadcast_in_dim3A_1171 = vector.broadcast %jit3A_1169 : i32 to vector<16xi32>
        %broadcast_in_dim3A_1172 = vector.broadcast %jit3A_1170 : i32 to vector<16xi32>
        %select_n3A_1173 = arith.select %gt3A_1168, %broadcast_in_dim3A_1171, %broadcast_in_dim3A_1172 : vector<16xi1>, vector<16xi32>
        %add3A_1174 = arith.addi %scan3A_1161, %select_n3A_1173 : vector<16xi32>
        %bitcast_convert_type3A_1175 = tpu.bitcast %get3A_1166 : vector<16xi32> -> vector<16xf32>
        %jit3A_1176 = arith.constant 0.000000e+00 : f32
        %broadcast_in_dim3A_1177 = vector.broadcast %jit3A_1176 : f32 to vector<16xf32>
        %select_n3A_1178 = arith.select %gt3A_1168, %bitcast_convert_type3A_1175, %broadcast_in_dim3A_1177 : vector<16xi1>, vector<16xf32>
        %add3A_1179 = arith.addf %scan3A_1162, %select_n3A_1178 : vector<16xf32>
        scf.yield %add3A_1174, %add3A_1179 : vector<16xi32>, vector<16xf32>
      }
      %scan3A_960 = arith.constant 4096 : i32
      %swap3A_961 = arith.constant 0 : index
      %swap3A_962 = tpu.vector_load %arg11[%swap3A_961] {strides = array<i32>} : memref<16xi32, #tpu.memory_space<vmem>>, vector<16xi32>,
      tpu.vector_store %arg11[%swap3A_961], %scan3A_959#0 {strides = array<i32>} : memref<16xi32, #tpu.memory_space<vmem>>, vector<16xi32>,
      %swap3A_963 = arith.constant 0 : index
      %swap3A_964 = tpu.vector_load %arg14[%swap3A_963] {strides = array<i32>} : memref<16xf32, #tpu.memory_space<vmem>>, vector<16xf32>,
      tpu.vector_store %arg14[%swap3A_963], %scan3A_959#1 {strides = array<i32>} : memref<16xf32, #tpu.memory_space<vmem>>, vector<16xf32>,
      %mul3A_965 = arith.constant 16 : i32
      %mul3A_966 = arith.muli %arg1, %mul3A_965 : i32
      "tpu.region"() ({
        %run_scoped3A = tpu.sem_alloc : memref<!tpu.dma_semaphore, #tpu.memory_space<semaphore_mem>>
        %dma_start3A_1160 = tpu.memref_slice %arg12[%mul3A_966] : memref<256xi32, #tpu.memory_space<vmem_shared>> -> memref<16xi32, #tpu.memory_space<vmem_shared>>
        %dma_start3A_1161 = tpu.memref_slice %arg12[%mul3A_966] : memref<256xi32, #tpu.memory_space<vmem_shared>> -> memref<16xi32, #tpu.memory_space<vmem_shared>>
        tpu.enqueue_dma source(%arg11 : memref<16xi32, #tpu.memory_space<vmem>>) target(%dma_start3A_1161 : memref<16xi32, #tpu.memory_space<vmem_shared>>) target_semaphore(%run_scoped3A : memref<!tpu.dma_semaphore, #tpu.memory_space<semaphore_mem>>)
        %dma_wait3A_1162 = tpu.memref_slice %arg12[%mul3A_966] : memref<256xi32, #tpu.memory_space<vmem_shared>> -> memref<16xi32, #tpu.memory_space<vmem_shared>>
        %dma_wait3A_1163 = tpu.memref_slice %arg12[%mul3A_966] : memref<256xi32, #tpu.memory_space<vmem_shared>> -> memref<16xi32, #tpu.memory_space<vmem_shared>>
        tpu.wait_dma2 semaphore(%run_scoped3A : memref<!tpu.dma_semaphore, #tpu.memory_space<semaphore_mem>>) src(%arg11 : memref<16xi32, #tpu.memory_space<vmem>>) dst(%dma_wait3A_1163 : memref<16xi32, #tpu.memory_space<vmem_shared>>)
        tpu.yield
      }) : () -> ()
      %mul3A_967 = arith.constant 16 : i32
      %mul3A_968 = arith.muli %arg1, %mul3A_967 : i32
      "tpu.region"() ({
        %run_scoped3A = tpu.sem_alloc : memref<!tpu.dma_semaphore, #tpu.memory_space<semaphore_mem>>
        %dma_start3A_1160 = tpu.memref_slice %arg15[%mul3A_968] : memref<256xf32, #tpu.memory_space<vmem_shared>> -> memref<16xf32, #tpu.memory_space<vmem_shared>>
        %dma_start3A_1161 = tpu.memref_slice %arg15[%mul3A_968] : memref<256xf32, #tpu.memory_space<vmem_shared>> -> memref<16xf32, #tpu.memory_space<vmem_shared>>
        tpu.enqueue_dma source(%arg14 : memref<16xf32, #tpu.memory_space<vmem>>) target(%dma_start3A_1161 : memref<16xf32, #tpu.memory_space<vmem_shared>>) target_semaphore(%run_scoped3A : memref<!tpu.dma_semaphore, #tpu.memory_space<semaphore_mem>>)
        %dma_wait3A_1162 = tpu.memref_slice %arg15[%mul3A_968] : memref<256xf32, #tpu.memory_space<vmem_shared>> -> memref<16xf32, #tpu.memory_space<vmem_shared>>
        %dma_wait3A_1163 = tpu.memref_slice %arg15[%mul3A_968] : memref<256xf32, #tpu.memory_space<vmem_shared>> -> memref<16xf32, #tpu.memory_space<vmem_shared>>
        tpu.wait_dma2 semaphore(%run_scoped3A : memref<!tpu.dma_semaphore, #tpu.memory_space<semaphore_mem>>) src(%arg14 : memref<16xf32, #tpu.memory_space<vmem>>) dst(%dma_wait3A_1163 : memref<16xf32, #tpu.memory_space<vmem_shared>>)
        tpu.yield
      }) : () -> ()
      %barrier3A_969 = arith.constant 0 : index
      tpu.barrier barrier_id(%barrier3A_969)
      "tpu.region"() ({
        %run_scoped3A = tpu.sem_alloc : memref<!tpu.dma_semaphore, #tpu.memory_space<semaphore_mem>>
        tpu.enqueue_dma source(%arg12 : memref<256xi32, #tpu.memory_space<vmem_shared>>) target(%arg13 : memref<256xi32, #tpu.memory_space<vmem>>) target_semaphore(%run_scoped3A : memref<!tpu.dma_semaphore, #tpu.memory_space<semaphore_mem>>)
        tpu.wait_dma2 semaphore(%run_scoped3A : memref<!tpu.dma_semaphore, #tpu.memory_space<semaphore_mem>>) src(%arg12 : memref<256xi32, #tpu.memory_space<vmem_shared>>) dst(%arg13 : memref<256xi32, #tpu.memory_space<vmem>>)
        tpu.yield
      }) : () -> ()
      "tpu.region"() ({
        %run_scoped3A = tpu.sem_alloc : memref<!tpu.dma_semaphore, #tpu.memory_space<semaphore_mem>>
        tpu.enqueue_dma source(%arg15 : memref<256xf32, #tpu.memory_space<vmem_shared>>) target(%arg16 : memref<256xf32, #tpu.memory_space<vmem>>) target_semaphore(%run_scoped3A : memref<!tpu.dma_semaphore, #tpu.memory_space<semaphore_mem>>)
        tpu.wait_dma2 semaphore(%run_scoped3A : memref<!tpu.dma_semaphore, #tpu.memory_space<semaphore_mem>>) src(%arg15 : memref<256xf32, #tpu.memory_space<vmem_shared>>) dst(%arg16 : memref<256xf32, #tpu.memory_space<vmem>>)
        tpu.yield
      }) : () -> ()
      %broadcast_in_dim3A_970 = arith.constant 0 : i32
      %broadcast_in_dim3A_971 = vector.broadcast %broadcast_in_dim3A_970 : i32 to vector<16xi32>
      %broadcast_in_dim3A_972 = arith.constant 0.000000e+00 : f32
      %broadcast_in_dim3A_973 = vector.broadcast %broadcast_in_dim3A_972 : f32 to vector<16xf32>
      %get3A_974 = arith.constant 0 : index
      %get3A_975 = tpu.vector_load %arg13[%get3A_974] {strides = array<i32>} : memref<256xi32, #tpu.memory_space<vmem>>, vector<16xi32>,
      %add3A_976 = arith.addi %broadcast_in_dim3A_971, %get3A_975 : vector<16xi32>
      %get3A_977 = arith.constant 0 : index
      %get3A_978 = tpu.vector_load %arg16[%get3A_977] {strides = array<i32>} : memref<256xf32, #tpu.memory_space<vmem>>, vector<16xf32>,
      %add3A_979 = arith.addf %broadcast_in_dim3A_973, %get3A_978 : vector<16xf32>
      %get3A_980 = arith.constant 16 : index
      %get3A_981 = tpu.vector_load %arg13[%get3A_980] {strides = array<i32>} : memref<256xi32, #tpu.memory_space<vmem>>, vector<16xi32>,
      %add3A_982 = arith.addi %add3A_976, %get3A_981 : vector<16xi32>
      %get3A_983 = arith.constant 16 : index
      %get3A_984 = tpu.vector_load %arg16[%get3A_983] {strides = array<i32>} : memref<256xf32, #tpu.memory_space<vmem>>, vector<16xf32>,
      %add3A_985 = arith.addf %add3A_979, %get3A_984 : vector<16xf32>
      %get3A_986 = arith.constant 32 : index
      %get3A_987 = tpu.vector_load %arg13[%get3A_986] {strides = array<i32>} : memref<256xi32, #tpu.memory_space<vmem>>, vector<16xi32>,
      %add3A_988 = arith.addi %add3A_982, %get3A_987 : vector<16xi32>
      %get3A_989 = arith.constant 32 : index
      %get3A_990 = tpu.vector_load %arg16[%get3A_989] {strides = array<i32>} : memref<256xf32, #tpu.memory_space<vmem>>, vector<16xf32>,
      %add3A_991 = arith.addf %add3A_985, %get3A_990 : vector<16xf32>
      %get3A_992 = arith.constant 48 : index
      %get3A_993 = tpu.vector_load %arg13[%get3A_992] {strides = array<i32>} : memref<256xi32, #tpu.memory_space<vmem>>, vector<16xi32>,
      %add3A_994 = arith.addi %add3A_988, %get3A_993 : vector<16xi32>
      %get3A_995 = arith.constant 48 : index
      %get3A_996 = tpu.vector_load %arg16[%get3A_995] {strides = array<i32>} : memref<256xf32, #tpu.memory_space<vmem>>, vector<16xf32>,
      %add3A_997 = arith.addf %add3A_991, %get3A_996 : vector<16xf32>
      %reduce_sum3A_998 = arith.constant true
      %reduce_sum3A_999 = vector.broadcast %reduce_sum3A_998 : i1 to vector<16xi1>
      %reduce_sum3A_1000 = tpu.scan <sum>, %add3A_994 masked %reduce_sum3A_999 : vector<16xi32>, vector<16xi1> -> vector<16xi32>
      %reduce_sum3A_1001 = vector.extract %reduce_sum3A_1000[15] : i32 from vector<16xi32>
      %reduce_sum3A_1002 = arith.constant true
      %reduce_sum3A_1003 = vector.broadcast %reduce_sum3A_1002 : i1 to vector<16xi1>
      %reduce_sum3A_1004 = tpu.scan <sum>, %add3A_997 masked %reduce_sum3A_1003 : vector<16xf32>, vector<16xi1> -> vector<16xf32>
      %reduce_sum3A_1005 = vector.extract %reduce_sum3A_1004[15] : f32 from vector<16xf32>
      %broadcast_in_dim3A_1006 = arith.constant 0 : i32
      %broadcast_in_dim3A_1007 = vector.broadcast %broadcast_in_dim3A_1006 : i32 to vector<16xi32>
      %broadcast_in_dim3A_1008 = arith.constant 0.000000e+00 : f32
      %broadcast_in_dim3A_1009 = vector.broadcast %broadcast_in_dim3A_1008 : f32 to vector<16xf32>
      %get3A_1010 = arith.constant 64 : index
      %get3A_1011 = tpu.vector_load %arg13[%get3A_1010] {strides = array<i32>} : memref<256xi32, #tpu.memory_space<vmem>>, vector<16xi32>,
      %add3A_1012 = arith.addi %broadcast_in_dim3A_1007, %get3A_1011 : vector<16xi32>
      %get3A_1013 = arith.constant 64 : index
      %get3A_1014 = tpu.vector_load %arg16[%get3A_1013] {strides = array<i32>} : memref<256xf32, #tpu.memory_space<vmem>>, vector<16xf32>,
      %add3A_1015 = arith.addf %broadcast_in_dim3A_1009, %get3A_1014 : vector<16xf32>
      %get3A_1016 = arith.constant 80 : index
      %get3A_1017 = tpu.vector_load %arg13[%get3A_1016] {strides = array<i32>} : memref<256xi32, #tpu.memory_space<vmem>>, vector<16xi32>,
      %add3A_1018 = arith.addi %add3A_1012, %get3A_1017 : vector<16xi32>
      %get3A_1019 = arith.constant 80 : index
      %get3A_1020 = tpu.vector_load %arg16[%get3A_1019] {strides = array<i32>} : memref<256xf32, #tpu.memory_space<vmem>>, vector<16xf32>,
      %add3A_1021 = arith.addf %add3A_1015, %get3A_1020 : vector<16xf32>
      %get3A_1022 = arith.constant 96 : index
      %get3A_1023 = tpu.vector_load %arg13[%get3A_1022] {strides = array<i32>} : memref<256xi32, #tpu.memory_space<vmem>>, vector<16xi32>,
      %add3A_1024 = arith.addi %add3A_1018, %get3A_1023 : vector<16xi32>
      %get3A_1025 = arith.constant 96 : index
      %get3A_1026 = tpu.vector_load %arg16[%get3A_1025] {strides = array<i32>} : memref<256xf32, #tpu.memory_space<vmem>>, vector<16xf32>,
      %add3A_1027 = arith.addf %add3A_1021, %get3A_1026 : vector<16xf32>
      %get3A_1028 = arith.constant 112 : index
      %get3A_1029 = tpu.vector_load %arg13[%get3A_1028] {strides = array<i32>} : memref<256xi32, #tpu.memory_space<vmem>>, vector<16xi32>,
      %add3A_1030 = arith.addi %add3A_1024, %get3A_1029 : vector<16xi32>
      %get3A_1031 = arith.constant 112 : index
      %get3A_1032 = tpu.vector_load %arg16[%get3A_1031] {strides = array<i32>} : memref<256xf32, #tpu.memory_space<vmem>>, vector<16xf32>,
      %add3A_1033 = arith.addf %add3A_1027, %get3A_1032 : vector<16xf32>
      %reduce_sum3A_1034 = arith.constant true
      %reduce_sum3A_1035 = vector.broadcast %reduce_sum3A_1034 : i1 to vector<16xi1>
      %reduce_sum3A_1036 = tpu.scan <sum>, %add3A_1030 masked %reduce_sum3A_1035 : vector<16xi32>, vector<16xi1> -> vector<16xi32>
      %reduce_sum3A_1037 = vector.extract %reduce_sum3A_1036[15] : i32 from vector<16xi32>
      %reduce_sum3A_1038 = arith.constant true
      %reduce_sum3A_1039 = vector.broadcast %reduce_sum3A_1038 : i1 to vector<16xi1>
      %reduce_sum3A_1040 = tpu.scan <sum>, %add3A_1033 masked %reduce_sum3A_1039 : vector<16xf32>, vector<16xi1> -> vector<16xf32>
      %reduce_sum3A_1041 = vector.extract %reduce_sum3A_1040[15] : f32 from vector<16xf32>
      %broadcast_in_dim3A_1042 = arith.constant 0 : i32
      %broadcast_in_dim3A_1043 = vector.broadcast %broadcast_in_dim3A_1042 : i32 to vector<16xi32>
      %broadcast_in_dim3A_1044 = arith.constant 0.000000e+00 : f32
      %broadcast_in_dim3A_1045 = vector.broadcast %broadcast_in_dim3A_1044 : f32 to vector<16xf32>
      %get3A_1046 = arith.constant 128 : index
      %get3A_1047 = tpu.vector_load %arg13[%get3A_1046] {strides = array<i32>} : memref<256xi32, #tpu.memory_space<vmem>>, vector<16xi32>,
      %add3A_1048 = arith.addi %broadcast_in_dim3A_1043, %get3A_1047 : vector<16xi32>
      %get3A_1049 = arith.constant 128 : index
      %get3A_1050 = tpu.vector_load %arg16[%get3A_1049] {strides = array<i32>} : memref<256xf32, #tpu.memory_space<vmem>>, vector<16xf32>,
      %add3A_1051 = arith.addf %broadcast_in_dim3A_1045, %get3A_1050 : vector<16xf32>
      %get3A_1052 = arith.constant 144 : index
      %get3A_1053 = tpu.vector_load %arg13[%get3A_1052] {strides = array<i32>} : memref<256xi32, #tpu.memory_space<vmem>>, vector<16xi32>,
      %add3A_1054 = arith.addi %add3A_1048, %get3A_1053 : vector<16xi32>
      %get3A_1055 = arith.constant 144 : index
      %get3A_1056 = tpu.vector_load %arg16[%get3A_1055] {strides = array<i32>} : memref<256xf32, #tpu.memory_space<vmem>>, vector<16xf32>,
      %add3A_1057 = arith.addf %add3A_1051, %get3A_1056 : vector<16xf32>
      %get3A_1058 = arith.constant 160 : index
      %get3A_1059 = tpu.vector_load %arg13[%get3A_1058] {strides = array<i32>} : memref<256xi32, #tpu.memory_space<vmem>>, vector<16xi32>,
      %add3A_1060 = arith.addi %add3A_1054, %get3A_1059 : vector<16xi32>
      %get3A_1061 = arith.constant 160 : index
      %get3A_1062 = tpu.vector_load %arg16[%get3A_1061] {strides = array<i32>} : memref<256xf32, #tpu.memory_space<vmem>>, vector<16xf32>,
      %add3A_1063 = arith.addf %add3A_1057, %get3A_1062 : vector<16xf32>
      %get3A_1064 = arith.constant 176 : index
      %get3A_1065 = tpu.vector_load %arg13[%get3A_1064] {strides = array<i32>} : memref<256xi32, #tpu.memory_space<vmem>>, vector<16xi32>,
      %add3A_1066 = arith.addi %add3A_1060, %get3A_1065 : vector<16xi32>
      %get3A_1067 = arith.constant 176 : index
      %get3A_1068 = tpu.vector_load %arg16[%get3A_1067] {strides = array<i32>} : memref<256xf32, #tpu.memory_space<vmem>>, vector<16xf32>,
      %add3A_1069 = arith.addf %add3A_1063, %get3A_1068 : vector<16xf32>
      %reduce_sum3A_1070 = arith.constant true
      %reduce_sum3A_1071 = vector.broadcast %reduce_sum3A_1070 : i1 to vector<16xi1>
      %reduce_sum3A_1072 = tpu.scan <sum>, %add3A_1066 masked %reduce_sum3A_1071 : vector<16xi32>, vector<16xi1> -> vector<16xi32>
      %reduce_sum3A_1073 = vector.extract %reduce_sum3A_1072[15] : i32 from vector<16xi32>
      %reduce_sum3A_1074 = arith.constant true
      %reduce_sum3A_1075 = vector.broadcast %reduce_sum3A_1074 : i1 to vector<16xi1>
      %reduce_sum3A_1076 = tpu.scan <sum>, %add3A_1069 masked %reduce_sum3A_1075 : vector<16xf32>, vector<16xi1> -> vector<16xf32>
      %reduce_sum3A_1077 = vector.extract %reduce_sum3A_1076[15] : f32 from vector<16xf32>
      %broadcast_in_dim3A_1078 = arith.constant 0 : i32
      %broadcast_in_dim3A_1079 = vector.broadcast %broadcast_in_dim3A_1078 : i32 to vector<16xi32>
      %broadcast_in_dim3A_1080 = arith.constant 0.000000e+00 : f32
      %broadcast_in_dim3A_1081 = vector.broadcast %broadcast_in_dim3A_1080 : f32 to vector<16xf32>
      %get3A_1082 = arith.constant 192 : index
      %get3A_1083 = tpu.vector_load %arg13[%get3A_1082] {strides = array<i32>} : memref<256xi32, #tpu.memory_space<vmem>>, vector<16xi32>,
      %add3A_1084 = arith.addi %broadcast_in_dim3A_1079, %get3A_1083 : vector<16xi32>
      %get3A_1085 = arith.constant 192 : index
      %get3A_1086 = tpu.vector_load %arg16[%get3A_1085] {strides = array<i32>} : memref<256xf32, #tpu.memory_space<vmem>>, vector<16xf32>,
      %add3A_1087 = arith.addf %broadcast_in_dim3A_1081, %get3A_1086 : vector<16xf32>
      %get3A_1088 = arith.constant 208 : index
      %get3A_1089 = tpu.vector_load %arg13[%get3A_1088] {strides = array<i32>} : memref<256xi32, #tpu.memory_space<vmem>>, vector<16xi32>,
      %add3A_1090 = arith.addi %add3A_1084, %get3A_1089 : vector<16xi32>
      %get3A_1091 = arith.constant 208 : index
      %get3A_1092 = tpu.vector_load %arg16[%get3A_1091] {strides = array<i32>} : memref<256xf32, #tpu.memory_space<vmem>>, vector<16xf32>,
      %add3A_1093 = arith.addf %add3A_1087, %get3A_1092 : vector<16xf32>
      %get3A_1094 = arith.constant 224 : index
      %get3A_1095 = tpu.vector_load %arg13[%get3A_1094] {strides = array<i32>} : memref<256xi32, #tpu.memory_space<vmem>>, vector<16xi32>,
      %add3A_1096 = arith.addi %add3A_1090, %get3A_1095 : vector<16xi32>
      %get3A_1097 = arith.constant 224 : index
      %get3A_1098 = tpu.vector_load %arg16[%get3A_1097] {strides = array<i32>} : memref<256xf32, #tpu.memory_space<vmem>>, vector<16xf32>,
      %add3A_1099 = arith.addf %add3A_1093, %get3A_1098 : vector<16xf32>
      %get3A_1100 = arith.constant 240 : index
      %get3A_1101 = tpu.vector_load %arg13[%get3A_1100] {strides = array<i32>} : memref<256xi32, #tpu.memory_space<vmem>>, vector<16xi32>,
      %add3A_1102 = arith.addi %add3A_1096, %get3A_1101 : vector<16xi32>
      %get3A_1103 = arith.constant 240 : index
      %get3A_1104 = tpu.vector_load %arg16[%get3A_1103] {strides = array<i32>} : memref<256xf32, #tpu.memory_space<vmem>>, vector<16xf32>,
      %add3A_1105 = arith.addf %add3A_1099, %get3A_1104 : vector<16xf32>
      %reduce_sum3A_1106 = arith.constant true
      %reduce_sum3A_1107 = vector.broadcast %reduce_sum3A_1106 : i1 to vector<16xi1>
      %reduce_sum3A_1108 = tpu.scan <sum>, %add3A_1102 masked %reduce_sum3A_1107 : vector<16xi32>, vector<16xi1> -> vector<16xi32>
      %reduce_sum3A_1109 = vector.extract %reduce_sum3A_1108[15] : i32 from vector<16xi32>
      %reduce_sum3A_1110 = arith.constant true
      %reduce_sum3A_1111 = vector.broadcast %reduce_sum3A_1110 : i1 to vector<16xi1>
      %reduce_sum3A_1112 = tpu.scan <sum>, %add3A_1105 masked %reduce_sum3A_1111 : vector<16xf32>, vector<16xi1> -> vector<16xf32>
      %reduce_sum3A_1113 = vector.extract %reduce_sum3A_1112[15] : f32 from vector<16xf32>
      %eq3A_1114 = arith.constant 0 : i32
      %eq3A_1115 = arith.cmpi eq, %select_n3A, %eq3A_1114 : i32
      %eq3A_1116 = arith.constant 1 : i32
      %eq3A_1117 = arith.cmpi eq, %select_n3A, %eq3A_1116 : i32
      %eq3A_1118 = arith.constant 2 : i32
      %eq3A_1119 = arith.cmpi eq, %select_n3A, %eq3A_1118 : i32
      %select_n3A_1120 = arith.select %eq3A_1119, %reduce_sum3A_1073, %reduce_sum3A_1109 : i32
      %select_n3A_1121 = arith.select %eq3A_1117, %reduce_sum3A_1037, %select_n3A_1120 : i32
      %select_n3A_1122 = arith.select %eq3A_1115, %reduce_sum3A_1001, %select_n3A_1121 : i32
      %convert_element_type3A_1123 = arith.sitofp %select_n3A_1122 : i32 to f32
      %eq3A_1124 = arith.constant 0 : i32
      %eq3A_1125 = arith.cmpi eq, %select_n3A, %eq3A_1124 : i32
      %eq3A_1126 = arith.constant 1 : i32
      %eq3A_1127 = arith.cmpi eq, %select_n3A, %eq3A_1126 : i32
      %eq3A_1128 = arith.constant 2 : i32
      %eq3A_1129 = arith.cmpi eq, %select_n3A, %eq3A_1128 : i32
      %select_n3A_1130 = arith.select %eq3A_1129, %reduce_sum3A_1077, %reduce_sum3A_1113 : f32
      %select_n3A_1131 = arith.select %eq3A_1127, %reduce_sum3A_1041, %select_n3A_1130 : f32
      %select_n3A_1132 = arith.select %eq3A_1125, %reduce_sum3A_1005, %select_n3A_1131 : f32
      %convert_element_type3A_1133 = arith.sitofp %select_n3A_944 : i32 to f32
      %sub3A_1134 = arith.subf %convert_element_type3A_1133, %convert_element_type3A_1123 : f32
      %mul3A_1135 = arith.mulf %sub3A_1134, %bitcast_convert_type3A : f32
      %add3A_1136 = arith.addf %select_n3A_1132, %mul3A_1135 : f32
      %eq3A_1137 = arith.constant 0 : i32
      %eq3A_1138 = arith.cmpi eq, %select_n3A, %eq3A_1137 : i32
      %eq3A_1139 = arith.constant 1 : i32
      %eq3A_1140 = arith.cmpi eq, %select_n3A, %eq3A_1139 : i32
      %eq3A_1141 = arith.constant 2 : i32
      %eq3A_1142 = arith.cmpi eq, %select_n3A, %eq3A_1141 : i32
      %select_n3A_1143 = arith.select %eq3A_1142, %div3A_863, %div3A_884 : vector<16xf32>
      %select_n3A_1144 = arith.select %eq3A_1140, %div3A_842, %select_n3A_1143 : vector<16xf32>
      %select_n3A_1145 = arith.select %eq3A_1138, %div3A_822, %select_n3A_1144 : vector<16xf32>
      %eq3A_1146 = arith.constant 0 : i32
      %eq3A_1147 = arith.cmpi eq, %select_n3A, %eq3A_1146 : i32
      %eq3A_1148 = arith.constant 1 : i32
      %eq3A_1149 = arith.cmpi eq, %select_n3A, %eq3A_1148 : i32
      %eq3A_1150 = arith.constant 2 : i32
      %eq3A_1151 = arith.cmpi eq, %select_n3A, %eq3A_1150 : i32
      %select_n3A_1152 = arith.select %eq3A_1151, %and3A_879, %and3A_900 : i1
      %select_n3A_1153 = arith.select %eq3A_1149, %and3A_858, %select_n3A_1152 : i1
      %select_n3A_1154 = arith.select %eq3A_1147, %and3A_837, %select_n3A_1153 : i1
      %broadcast_in_dim3A_1155 = vector.broadcast %add3A_1136 : f32 to vector<16xf32>
      %broadcast_in_dim3A_1156 = vector.broadcast %convert_element_type3A_1133 : f32 to vector<16xf32>
      %div3A_1157 = arith.divf %broadcast_in_dim3A_1155, %broadcast_in_dim3A_1156 : vector<16xf32>
      %add3A_1158 = arith.addf %select_n3A_1145, %div3A_1157 : vector<16xf32>
      %select_n3A_1159 = arith.select %select_n3A_1154, %add3A_1158, %select_n3A_911 : vector<16xf32>
      scf.yield %select_n3A_1159 : vector<16xf32>
    } else {
      scf.yield %select_n3A_911 : vector<16xf32>
    }
    %jit3A_915 = arith.constant 4 : i32
    %eq3A_916 = arith.constant 0 : i32
    %eq3A_917 = arith.cmpi eq, %jit3A_915, %eq3A_916 : i32
    %jit3A_918 = arith.constant 1 : i32
    %select_n3A_919 = arith.select %eq3A_917, %jit3A_918, %jit3A_915 : i32
    %rem3A_920 = arith.remsi %arg1, %select_n3A_919 : i32
    %ne3A_921 = arith.constant 0 : i32
    %ne3A_922 = arith.cmpi ne, %rem3A_920, %ne3A_921 : i32
    %lt3A_923 = arith.constant 0 : i32
    %lt3A_924 = arith.cmpi slt, %rem3A_920, %lt3A_923 : i32
    %lt3A_925 = arith.constant 0 : i32
    %lt3A_926 = arith.cmpi slt, %select_n3A_919, %lt3A_925 : i32
    %ne3A_927 = arith.xori %lt3A_924, %lt3A_926 : i1
    %and3A_928 = arith.andi %ne3A_927, %ne3A_922 : i1
    %add3A_929 = arith.addi %rem3A_920, %select_n3A_919 : i32
    %select_n3A_930 = arith.select %and3A_928, %add3A_929, %rem3A_920 : i32
    %eq3A_931 = arith.constant 0 : i32
    %eq3A_932 = arith.cmpi eq, %select_n3A_930, %eq3A_931 : i32
    %convert_element_type3A_933 = arith.extui %eq3A_932 : i1 to i32
    %cond3A_934 = arith.constant 0 : i32
    %cond3A_935 = arith.cmpi ne, %convert_element_type3A_933, %cond3A_934 : i32
    scf.if %cond3A_935 {
      %swap3A_936 = arith.constant 0 : index
      %swap3A_937 = tpu.vector_load %arg17[%swap3A_936] {strides = array<i32>} : memref<16xf32, #tpu.memory_space<vmem>>, vector<16xf32>,
      tpu.vector_store %arg17[%swap3A_936], %cond3A_914 {strides = array<i32>} : memref<16xf32, #tpu.memory_space<vmem>>, vector<16xf32>,
      %mul3A_938 = arith.constant 4 : i32
      %mul3A_939 = arith.muli %arg0, %mul3A_938 : i32
      %add3A_940 = arith.addi %mul3A_939, %select_n3A : i32
      %mul3A_941 = arith.constant 16 : i32
      %mul3A_942 = arith.muli %add3A_940, %mul3A_941 : i32
      "tpu.region"() ({
        %run_scoped3A = tpu.sem_alloc : memref<!tpu.dma_semaphore, #tpu.memory_space<semaphore_mem>>
        %dma_start3A_943 = tpu.memref_slice %arg4[%mul3A_942] : memref<128xf32, #tpu.memory_space<hbm>> -> memref<16xf32, #tpu.memory_space<hbm>>
        %dma_start3A_944 = tpu.memref_slice %arg4[%mul3A_942] : memref<128xf32, #tpu.memory_space<hbm>> -> memref<16xf32, #tpu.memory_space<hbm>>
        tpu.enqueue_dma source(%arg17 : memref<16xf32, #tpu.memory_space<vmem>>) target(%dma_start3A_944 : memref<16xf32, #tpu.memory_space<hbm>>) target_semaphore(%run_scoped3A : memref<!tpu.dma_semaphore, #tpu.memory_space<semaphore_mem>>)
        %dma_wait3A_945 = tpu.memref_slice %arg4[%mul3A_942] : memref<128xf32, #tpu.memory_space<hbm>> -> memref<16xf32, #tpu.memory_space<hbm>>
        %dma_wait3A_946 = tpu.memref_slice %arg4[%mul3A_942] : memref<128xf32, #tpu.memory_space<hbm>> -> memref<16xf32, #tpu.memory_space<hbm>>
        tpu.wait_dma2 semaphore(%run_scoped3A : memref<!tpu.dma_semaphore, #tpu.memory_space<semaphore_mem>>) src(%arg17 : memref<16xf32, #tpu.memory_space<vmem>>) dst(%dma_wait3A_946 : memref<16xf32, #tpu.memory_space<hbm>>)
        tpu.yield
      }) : () -> ()
    } else {
    }
    return
  }
}

</mosaic_0001>

<sc_bundles>
// kernel: kernel.3.cloned.1.call-start
scs
__scs_entry_jumppad:
0x0: {  	(pc) =	sbr.rel $0x88, $3  }
0x1: {  	(tag) =	ssettag $0x0;
	lr =	simm.s32 $0x1  }
0x2: {  	[smem:$0x3F9F] =	sst lr;
	_ =	strace $0xD0000000  }
0x3: {  	_ = 	snop  }
0x4: {  	_ = 	snop  }
0x5: {  	_ = 	snop  }
0x6: {  	_ = 	snop  }
0x7: {  	_ = 	snop  }
__scs_overlays_trampoline_lowered:
0x8: {  	[smem:$0x3FAE] =	sst s0  }
0x9: {  	[smem:$0x3FAF] =	sst s1  }
0xa: {  	[smem:$0x3FB0] =	sst s2  }
0xb: {  	[smem:$0x3FB1] =	sst s3  }
0xc: {  	[smem:$0x3FB2] =	sst s4  }
0xd: {  	[smem:$0x3FB3] =	sst s5  }
0xe: {  	[smem:$0x3FB4] =	sst s6  }
0xf: {  	[smem:$0x3FB5] =	sst s7  }
0x10: {  	[smem:$0x3FB6] =	sst s8  }
0x11: {  	[smem:$0x3FB7] =	sst s9;
	s0 =	simm.s32 @!p0 $0x0  }
0x12: {  	s1 =	sld [smem:$0x3F9D];
	s0 =	simm.s32 @p0 $0x1  }
0x13: {  	[smem:$0x3FB8] =	sst s0;
	s0 =	simm.s32 @!p1 $0x0  }
0x14: {  	s2 =	sld [smem:$0x3F9C];
	s0 =	simm.s32 @p1 $0x1  }
0x15: {  	[smem:$0x3FB9] =	sst s0;
	s0 =	simm.s32 @!p2 $0x0  }
0x16: {  	s3 =	sld [smem:$0x3FDB];
	s0 =	simm.s32 @p2 $0x1  }
0x17: {  	s4 =	simm.s32 $0x1BF5;
	[smem:$0x3FBB] =	sst s0  }
0x18: {  	s0 =	sld [smem:$0x3F9E];
	_ =	swait.ge [sflag:s4], $0x0  }
0x19: {  	s7 =	sld [smem:$0x3F9F]  }
0x1a: {  	s8 =	sadd.s32 $0xFFFFE003, lr  }
0x1b: {  	s9 =	sadd.s32 $0xFFFFFEF7, lr;
	s5 =	simm.s32 $0xFFFFFFFF;
	p2 =	slt.u32 s8, $0xFFFFF086  }
0x1c: {  	p1 =	slt.u32 s9, $0xF7A;
	s5 =	simm.s32 @!p2 $0x0  }
0x1d: {  	s5 =	simm.s32 @p1 $0x1;
	p0 =	seq.s32 s7, s2  }
0x1e: {  	s7 =	smul.u32 @!p0 $0xF7A, s2;
	p2 =	seq.s32 @!p0 s5, $0x0  }
0x1f: {  	s9 =	smul.u32 $0xF7A, s1;
	s8 =	simm.s32 @!p0 $0x1BF5;
	p2 =	por !p2, p0  }
0x20: {  	[sflag:s8] =	ssyncset.s32 @!p0 $0xFFFFF086;
	s6 =	sadd.s32 @!p0 s3, s7;
	s7 =	simm.s32 @!p0 $0x108  }
0x21: {  	s3 =	sadd.s32 s3, s9;
	s6 =	sadd.s32 @!p0 $0x88, s6;
	s7 =	simm.s32 @p2 $0x1082  }
0x22: {  	[simem:s7], [sflag:s8] =	dma.local @!p0 [hbm:s6], $0xF7A  }
0x23: {  	s9 =	sor.u32 $0xD0000000, s2;
	s6 =	simm.s32 $0x108;
	_ =	swait.ge @!p0 [sflag:s8], $0x0  }
0x24: {  	s3 =	sadd.s32 $0x88, s3;
	s6 =	simm.s32 @!p1 $0x1082;
	[sflag:s4] =	ssyncset.s32 $0xFFFFF086  }
0x25: {  	[simem:s6], [sflag:s4] =	dma.local [hbm:s3], $0xF7A  }
0x26: {  	[smem:$0x3F9F] =	sst s1;
	(tag) =	ssettag s2;
	_ =	strace s9  }
0x27: {  	s1 =	sld [smem:$0x3FAF]  }
0x28: {  	s2 =	sld [smem:$0x3FB0]  }
0x29: {  	s4 =	sld [smem:$0x3FB2]  }
0x2a: {  	p0 =	seq.s32 s5, $0x0;
	s5 =	sld [smem:$0x3FB3]  }
0x2b: {  	s6 =	sld [smem:$0x3FB4]  }
0x2c: {  	s7 =	sld [smem:$0x3FB5]  }
0x2d: {  	s3 =	simm.s32 $0x108;
	s8 =	sld [smem:$0x3FB6]  }
0x2e: {  	s3 =	simm.s32 @!p0 $0x1082;
	s9 =	sld [smem:$0x3FB7]  }
0x2f: {  	lr =	sadd.s32 s0, s3;
	s0 =	sld [smem:$0x3FAE]  }
0x30: {  	s3 =	sld [smem:$0x3FB1]  }
0x31: {  	[smem:$0x3FBA] =	sst s10  }
0x32: {  	s10 =	sld [smem:$0x3FB8];
	_ =	sdelay $0x3  }
0x33: {  	p0 =	seq.s32 s10, $0x1;
	s10 =	sld [smem:$0x3FBA];
	_ =	sdelay $0x3  }
0x34: {  	[smem:$0x3FBA] =	sst s10  }
0x35: {  	s10 =	sld [smem:$0x3FB9];
	_ =	sdelay $0x3  }
0x36: {  	p1 =	seq.s32 s10, $0x1;
	s10 =	sld [smem:$0x3FBA];
	_ =	sdelay $0x3  }
0x37: {  	[smem:$0x3FBA] =	sst s10  }
0x38: {  	s10 =	sld [smem:$0x3FBB]  }
0x39: {  	_ = 	snop;
	(pc) =	sbr.ind lr, $3  }
0x3a: {  	_ = 	snop  }
0x3b: {  	_ = 	snop  }
0x3c: {  	p2 =	seq.s32 s10, $0x1;
	s10 =	sld [smem:$0x3FBA]  }
0x3d: {  	_ =	shalt  }
0x3e: {  	_ =	shalt  }
0x3f: {  	_ =	shalt  }
0x40: {  	_ =	shalt  }
0x41: {  	_ =	shalt  }
0x42: {  	_ =	shalt  }
0x43: {  	_ =	shalt  }
0x44: {  	_ =	shalt  }
0x45: {  	_ =	shalt  }
0x46: {  	_ =	shalt  }
0x47: {  	_ =	shalt  }
0x48: {  	_ =	shalt  }
0x49: {  	_ =	shalt  }
0x4a: {  	_ =	shalt  }
0x4b: {  	_ =	shalt  }
0x4c: {  	_ =	shalt  }
0x4d: {  	_ =	shalt  }
0x4e: {  	_ =	shalt  }
0x4f: {  	_ =	shalt  }
0x50: {  	_ =	shalt  }
0x51: {  	_ =	shalt  }
0x52: {  	_ =	shalt  }
0x53: {  	_ =	shalt  }
0x54: {  	_ =	shalt  }
0x55: {  	_ =	shalt  }
0x56: {  	_ =	shalt  }
0x57: {  	_ =	shalt  }
0x58: {  	_ =	shalt  }
0x59: {  	_ =	shalt  }
0x5a: {  	_ =	shalt  }
0x5b: {  	_ =	shalt  }
0x5c: {  	_ =	shalt  }
0x5d: {  	_ =	shalt  }
0x5e: {  	_ =	shalt  }
0x5f: {  	_ =	shalt  }
0x60: {  	_ =	shalt  }
0x61: {  	_ =	shalt  }
0x62: {  	_ =	shalt  }
0x63: {  	_ =	shalt  }
0x64: {  	_ =	shalt  }
0x65: {  	_ =	shalt  }
0x66: {  	_ =	shalt  }
0x67: {  	_ =	shalt  }
0x68: {  	_ =	shalt  }
0x69: {  	_ =	shalt  }
0x6a: {  	_ =	shalt  }
0x6b: {  	_ =	shalt  }
0x6c: {  	_ =	shalt  }
0x6d: {  	_ =	shalt  }
0x6e: {  	_ =	shalt  }
0x6f: {  	_ =	shalt  }
0x70: {  	_ =	shalt  }
0x71: {  	_ =	shalt  }
0x72: {  	_ =	shalt  }
0x73: {  	_ =	shalt  }
0x74: {  	_ =	shalt  }
0x75: {  	_ =	shalt  }
0x76: {  	_ =	shalt  }
0x77: {  	_ =	shalt  }
0x78: {  	_ =	shalt  }
0x79: {  	_ =	shalt  }
0x7a: {  	_ =	shalt  }
0x7b: {  	_ =	shalt  }
0x7c: {  	_ =	shalt  }
0x7d: {  	_ =	shalt  }
0x7e: {  	_ =	shalt  }
0x7f: {  	_ =	shalt  }
0x80: {  	_ =	shalt  }
0x81: {  	_ =	shalt  }
0x82: {  	_ =	shalt  }
0x83: {  	_ =	shalt  }
0x84: {  	_ =	shalt  }
0x85: {  	_ =	shalt  }
0x86: {  	_ =	shalt  }
0x87: {  	_ =	shalt  }
.Lfunc_end0:
.L_simem_size_0:
called_computation_lowered:
.L_overlay_start_0:
0x88: {  	s2 =	sld [smem:$0x3FD9]  }
0x89: {  	s3 =	sld [smem:$0x3FFE];
	_ =	sdelay $0x1  }
0x8a: {  	s1 =	srdreg.scid  }
0x8b: {  	s0 =	sand.u32 $0x1, s1  }
0x8c: {  	s17 =	sshll.u32 s0, $0xA;
	s2 =	sadd.s32 s3, s2  }
0x8d: {  	s2 =	sadd.s32 s2, s17  }
0x8e: {  	[smem:$0x3FC6] =	sst s2  }
0x8f: {  	_ = 	snop  }
0x90: {  	s2 =	sld [smem:$0x3FC9]  }
0x91: {  	s18 =	sld [smem:$0x3FC8];
	(tm) =	ssettm $0x1  }
0x92: {  	s4 =	sld [smem:$0x3FFB];
	_ =	sdelay $0x3  }
0x93: {  	_ =	strace s4  }
0x94: {  	s4 =	sld [smem:$0x3FFC];
	_ =	sdelay $0x3  }
0x95: {  	_ =	strace s4  }
0x96: {  	s4 =	sld [smem:$0x3FFD];
	_ =	sdelay $0x3  }
0x97: {  	_ =	strace s4  }
0x98: {  	_ =	strace $0x8FFFFFFF  }
0x99: {  	s19 =	sld [smem:$0x3FDB];
	_ =	sdelay $0x1  }
0x9a: {  	s5 =	simm.s32 $_scs_section_size  }
0x9b: {  	s6 =	simm.s32 $_size__tile_overlayer_lowered;
	s7 =	simm.s32 $_tile_overlayer_lowered  }
0x9c: {  	s22 =	simm.s32 $0x1BFF;
	s21 =	sshll.u32 s7, $0x1;
	s4 =	sadd.s32 s5, s19  }
0x9d: {  	s8 =	simm.s32 $0x0;
	s20 =	sshll.u32 s6, $0x1;
	s6 =	sadd.s32 s21, s4  }
0x9e: {  	[timem:s8], [sflag:s22] =	dma.local [hbm:s6], s20  }
0x9f: {  	_ =	swait.ge [sflag:s22], s20  }
0xa0: {  	s5 =	ssub.s32 $0x0, s20;
	[sflag:s22] =	ssyncset.done $0x0  }
0xa1: {  	[sflag:s22] =	ssyncadd.s32 s5;
	_ =	sdelay $0x1  }
0xa2: {  	s23 =	simm.s32 $0x1B8B  }
0xa3: {  	_ =	swait.ge [sflag:s23], $0x1  }
0xa4: {  	[sflag:s23] =	ssyncset.done $0x0  }
0xa5: {  	s25 =	simm.s32 $0x1B8E;
	s24 =	sld [smem:$0x3FFE];
	[sflag:s23] =	ssyncadd.s32 $0xFFFFFFFF  }
0xa6: {  	s26 =	simm.s32 $execute0_lowered;
	[smem:$0x3FD2] =	sst s25  }
0xa7: {  	s6 =	sshll.u32 s26, $0x1;
	_ =	strace $0x80000046;
	[dreg:$0x1] =	wrdreg $0xFFFFFFFF  }
0xa8: {  	s28 =	simm.s32 $_size_execute0_lowered;
	s4 =	sadd.s32 s4, s6;
	[dreg:$0x0] =	wrdreg $0x0  }
0xa9: {  	s6 =	sshll.u32 s28, $0x1;
	[dreg:$0x2] =	wrdreg s4  }
0xaa: {  	[dreg:$0x3] =	wrdreg s6  }
0xab: {  	[dreg:$0x4] =	wrdreg $0xC0  }
0xac: {  	_ =	task [dreg:s8], $0x5FFFF  }
0xad: {  	[dreg:$0x1] =	wrdreg $0xFFFFFFFF  }
0xae: {  	[dreg:$0x0] =	wrdreg $0x60  }
0xaf: {  	[dreg:$0x2] =	wrdreg s2  }
0xb0: {  	[dreg:$0x3] =	wrdreg s18  }
0xb1: {  	[dreg:$0x4] =	wrdreg s24  }
0xb2: {  	[dreg:$0x5] =	wrdreg $0x1C0800  }
0xb3: {  	[dreg:$0x6] =	wrdreg $0x1C4300  }
0xb4: {  	[dreg:$0x7] =	wrdreg $0x1C5C00  }
0xb5: {  	[dreg:$0x8] =	wrdreg $0x9  }
0xb6: {  	_ =	task.clear_ibuf [dreg:s8], $0x9FFFF;
	_ =	strace $0x90000046  }
0xb7: {  	s29 =	simm.s32 $0x9;
	_ =	strace $0x80000048  }
0xb8: {  	_ =	swait.ge [sflag:s29], $0x1  }
0xb9: {  	[sflag:s29] =	ssyncadd.s32 $0xFFFFFFFF  }
0xba: {  	_ =	strace $0x90000048  }
0xbb: {  	_ =	sfence  }
0xbc: {  	s30 =	sld [smem:$0x0];
	_ =	sdelay $0x2  }
0xbd: {  	s31 =	sshll.u32 s1, $0xD;
	s1 =	sshrl.u32 s1, $0x2  }
0xbe: {  	s3 =	sand.u32 $0x4000, s31;
	s1 =	sadd.s32 s1, s30  }
0xbf: {  	s0 =	sor.u32 s3, s0;
	s1 =	sshll.u32 s1, $0x11  }
0xc0: {  	s0 =	sor.u32 s1, s0  }
0xc1: {  	s0 =	sadd.s32 $0x8F2B, s0  }
0xc2: {  	[sflag:s0] =	ssyncadd.remote.s32 $0x1  }
0xc3: {  	_ =	sfence.sel $0xFFFF  }
0xc4: {  	[dreg:$0x0] =	wrdreg $0xFFFFFFFF;
	(pc) =	sbr.abs _section_cstart, $3  }
0xc5: {  	[dreg:$0x1] =	wrdreg $0xFFFFFFFF  }
0xc6: {  	_ =	task.clear_ibuf [dreg:s8], $0x2FFFF;
	_ =	strace $0x9FFFFFFF  }
0xc7: {  	(tm) =	ssettm $0x7FFFFFFF  }
tec
execute0_lowered:
.L_overlay_start_1:
0x0: {  	(tag) =	ssettag $0x1  }
0x1: {  	s0 =	rddreg [dreg:$0x0]  }
0x2: {  	s1 =	rddreg [dreg:$0x1]  }
0x3: {  	s2 =	rddreg [dreg:$0x2]  }
0x4: {  	s12 =	rddreg [dreg:$0x3]  }
0x5: {  	s3 =	rddreg [dreg:$0x4]  }
0x6: {  	s14 =	rddreg [dreg:$0x5]  }
0x7: {  	s4 =	srdreg.scid;
	s13 =	stileid.u32  }
0x8: {  	s5 =	simm.s32 $0x0;
	s28 =	simm.s32 $0x6000;
	s29 =	simm.s32 $0x2000  }
0x9: {  	s30 =	simm.s32 $0x8000;
	s31 =	simm.s32 $0x40000000;
	s4 =	sand.u32 $0x1, s4  }
0xa: {  	s6 =	sshrl.u32 s13, $0x2;
	[smem:$0x7FF] =	sst s5;
	s8 =	sand.u32 $0x3, s13  }
0xb: {  	s7 =	sshll.u32 s4, $0x2;
	s4 =	ssub.s32 $0x2, s4;
	s9 =	sshll.u32 s8, $0xD  }
0xc: {  	_ =	strace $0x80000047;
	p4 =	seq.s32 s6, $0x2;
	p1 =	seq.s32 s6, $0x1  }
0xd: {  	p2 =	seq.s32 s6, $0x0;
	p0 =	sne.s32 s8, $0x0;
	s7 =	sor.u32 s6, s7  }
0xe: {  	s11 =	sshrl.u32 s4, $0x1;
	s8 =	simm.s32 @!p4 $0x0;
	s10 =	sshll.u32 s7, $0xF  }
0xf: {  	s6 =	simm.s32 $0x1C440;
	s8 =	simm.s32 @p4 $0x1;
	s9 =	sor.u32 s9, s10  }
0x10: {  	s4 =	ssub.s32 s4, s11;
	[smem:$0x7FB] =	sst s8;
	s10 =	sadd.s32 s0, s9  }
0x11: {  	s8 =	simm.s32 @!p1 $0x0;
	s19 =	sadd.s32 s1, s9;
	[dreg:$0x7] =	wrdreg s10  }
0x12: {  	s20 =	sor.u32 $0x400, s9;
	s8 =	simm.s32 @p1 $0x1;
	[dreg:$0x12] =	wrdreg s19  }
0x13: {  	s22 =	sor.u32 $0x800, s9;
	s21 =	sadd.s32 s0, s20;
	[smem:$0x7FC] =	sst s8  }
0x14: {  	s24 =	sor.u32 $0xC00, s9;
	s10 =	sadd.s32 s1, s20;
	[dreg:$0x8] =	wrdreg s21  }
0x15: {  	s26 =	sor.u32 $0x1000, s9;
	s23 =	sadd.s32 s0, s22;
	[dreg:$0x9] =	wrdreg s10  }
0x16: {  	s16 =	sor.u32 $0x1400, s9;
	s25 =	sadd.s32 s0, s24;
	[dreg:$0xa] =	wrdreg s23  }
0x17: {  	s18 =	sor.u32 $0x1800, s9;
	s15 =	sadd.s32 s0, s26;
	[dreg:$0xc] =	wrdreg s25  }
0x18: {  	s9 =	sor.u32 $0x1C00, s9;
	s17 =	sadd.s32 s0, s16;
	[dreg:$0xe] =	wrdreg s15  }
0x19: {  	s20 =	sadd.s32 s0, s18;
	s0 =	sadd.s32 s0, s9;
	[dreg:$0x10] =	wrdreg s17  }
0x1a: {  	s8 =	simm.s32 @!p2 $0x0;
	s10 =	sadd.s32 s1, s22;
	[dreg:$0x13] =	wrdreg s20  }
0x1b: {  	[dreg:$0x15] =	wrdreg s0;
	s21 =	sshll.u32 s7, $0x1;
	s22 =	smul.u32 $0xC0, s13  }
0x1c: {  	s23 =	sshll.u32 s13, $0x4;
	s8 =	simm.s32 @p2 $0x1;
	[dreg:$0xb] =	wrdreg s10  }
0x1d: {  	v0 =	vimm.f32 $2.621440000e+05;
	s15 =	simm.s32 $0xA000;
	s10 =	sadd.s32 s1, s24;
	[smem:$0x7FD] =	sst s8  }
0x1e: {  	(erf) = vrcp.f32 v0;
	s7 =	simm.s32 $0x0;
	s0 =	sadd.s32 s2, s21;
	[dreg:$0xd] =	wrdreg s10  }
0x1f: {  	s24 =	sadd.s32 s23, s3;
	s25 =	sadd.s32 s23, s14;
	[dreg:$0x17] =	wrdreg s0  }
0x20: {  	s14 =	simm.s32 $0x4000;
	s10 =	sadd.s32 s1, s26;
	[dreg:$0x19] =	wrdreg s25  }
0x21: {  	s2 =	simm.s32 $0x1;
	s26 =	smax.u32 s4, $0x1;
	[dreg:$0xf] =	wrdreg s10  }
0x22: {  	s0 =	sshrl.u32 s22, $0x2;
	s10 =	sadd.s32 s1, s16;
	[dreg:$0x1a] =	wrdreg s26  }
.Ltmp0:
0x23: {  	s0 =	sadd.s32 s0, s12;
	[dreg:$0x11] =	wrdreg s10;
	(pc) =	sbr.rel .LBB2_1-.Ltmp0, $4  }
0x24: {  	s10 =	sadd.s32 s1, s18;
	s1 =	sadd.s32 s1, s9;
	[dreg:$0x18] =	wrdreg s0  }
0x25: {  	s4 =	simm.s32 $0x2;
	[dreg:$0x16] =	wrdreg s1;
	s1 =	simm.s32 @!p0 $0x0  }
0x26: {  	s25 =	simm.s32 $0x3;
	[dreg:$0x14] =	wrdreg s10;
	s1 =	simm.s32 @p0 $0x1  }
0x27: {  	v1 =	vimm.f32 $0.0e+00;
	v2 =	vimm.s32 $0x0;
	s0 =	simm.s32 $0x1C3B0;
	v0 =	vpop (erf);
	[smem:$0x7FA] =	sst s1;
	s1 =	simm.s32 $0x4  }
.LBB2_18:
0x28: {  	s15 =	simm.s32 $0xA000  }
.LBB2_26:
0x29: {  	s8 =	sld [smem:$0x7FA];
	_ =	sdelay $0x2  }
0x2a: {  	p3 =	seq.s32 s8, $0x1  }
0x2b: {  	s10 =	rddreg [dreg:$0x17];
	[tilespmem:$0x1C6D0] =	vst @!p3 v7;
	s8 =	simm.s32 @!p3 $0x0;
	s9 =	simm.s32 @!p3 $0x1C6D0  }
0x2c: {  	[hbm4b:s10+s8] =	stream.linear.scatter @!p3 [tilespmem:s9], [sflag:$0x4], $0x10, $0x38;
	[tilespmem:$0x1C750] =	vst v63  }
0x2d: {  	s8 =	simm.s32 @!p3 $0x4  }
0x2e: {  	_ =	swait.ge @!p3 [sflag:s8], $0x10  }
0x2f: {  	s7 =	sadd.s32 $0x1, s7;
	s26 =	rddreg [dreg:$0x1a]  }
0x30: {  	p0 =	sne.s32 s7, s26  }
.Ltmp1:
0x31: {  	_ = 	snop;
	(pc) =	sbr.rel @!p0 .LBB2_27-.Ltmp1, $3  }
0x32: {  	_ =	sdelay $0x1  }
0x33: {  	[sflag:s8] =	ssyncset.done @!p3 $0x0  }
0x34: {  	s14 =	simm.s32 $0x4000;
	[sflag:s8] =	ssyncadd.s32 @!p3 $0xFFFFFFF0  }
.LBB2_1:
0x35: {  	s8 =	rddreg [dreg:$0x7]  }
0x36: {  	[tilespmem:s5], [sflag:$0x1] =	stream.linear.gather [hbm4b:s8+s5], $0x2000, $0x38;
	[tilespmem:$0x1C750] =	vst v63  }
0x37: {  	s13 =	rddreg [dreg:$0x12]  }
0x38: {  	[tilespmem:s28], [sflag:$0x1] =	stream.linear.gather [hbm4b:s13+s5], $0x2000, $0x38;
	[tilespmem:$0x1C750] =	vst v63  }
0x39: {  	s16 =	rddreg [dreg:$0x8]  }
0x3a: {  	[tilespmem:s29], [sflag:$0x2] =	stream.linear.gather [hbm4b:s16+s5], $0x2000, $0x38;
	[tilespmem:$0x1C750] =	vst v63  }
0x3b: {  	s17 =	rddreg [dreg:$0x9]  }
0x3c: {  	[tilespmem:s30], [sflag:$0x2] =	stream.linear.gather [hbm4b:s17+s5], $0x2000, $0x38;
	[tilespmem:$0x1C750] =	vst v63  }
0x3d: {  	s18 =	rddreg [dreg:$0xa]  }
0x3e: {  	[tilespmem:s14], [sflag:$0x3] =	stream.linear.gather [hbm4b:s18+s5], $0x2000, $0x38;
	[tilespmem:$0x1C750] =	vst v63  }
0x3f: {  	s19 =	rddreg [dreg:$0xb]  }
0x40: {  	[tilespmem:s15], [sflag:$0x3] =	stream.linear.gather [hbm4b:s19+s5], $0x2000, $0x38;
	[tilespmem:$0x1C750] =	vst v63  }
0x41: {  	_ =	swait.ge [sflag:s2], $0x2000  }
0x42: {  	[sflag:s2] =	ssyncset.done $0x0  }
0x43: {  	s20 =	simm.s32 $0x0;
	s9 =	sand.u32 $0xC00, s5;
	[sflag:s2] =	ssyncadd.s32 $0xFFFFE000  }
0x44: {  	s10 =	simm.s32 $0x0;
	s8 =	sand.u32 $0x1000, s20;
	_ =	swait.ge [sflag:s2], $0x2000  }
0x45: {  	s21 =	sand.u32 $0x380, s10;
	s8 =	sor.u32 s9, s8;
	[sflag:s2] =	ssyncset.done $0x0  }
0x46: {  	s8 =	sor.u32 s21, s8;
	[sflag:s2] =	ssyncadd.s32 $0xFFFFE000  }
0x47: {  	v3 =	vld [tilespmem:s8+$0x70]  }
0x48: {  	v4 =	vld [tilespmem:s8+$0x6070]  }
0x49: {  	v5 =	vld [tilespmem:s8+$0x60]  }
0x4a: {  	v6 =	vld [tilespmem:s8+$0x6060]  }
0x4b: {  	v7 =	vld [tilespmem:s8+$0x50]  }
0x4c: {  	v8 =	vld [tilespmem:s8+$0x6050]  }
0x4d: {  	v9 =	vld [tilespmem:s8+$0x40]  }
0x4e: {  	v10 =	vld [tilespmem:s8+$0x6040]  }
0x4f: {  	v11 =	vld [tilespmem:s8+$0x30]  }
0x50: {  	v12 =	vld [tilespmem:s8+$0x6030]  }
0x51: {  	v13 =	vld [tilespmem:s8+$0x6020]  }
0x52: {  	v14 =	vld [tilespmem:s8+$0x0]  }
0x53: {  	v15 =	vld [tilespmem:s8+$0x6000]  }
0x54: {  	v16 =	vld [tilespmem:s8+$0x10]  }
0x55: {  	v17 =	vld [tilespmem:s8+$0x6010]  }
0x56: {  	v18 =	vld [tilespmem:s8+$0x20];
	vm0 =	vgt.f32 v6, $0.0e+00;
	v3 =	vsub.f32 v3, v4;
	vm1 =	vgt.f32 v4, $0.0e+00  }
0x57: {  	vm3 =	vgt.f32 v10, $0.0e+00;
	vm2 =	vgt.f32 v8, $0.0e+00;
	v4 =	vsub.f32 v5, v6  }
0x58: {  	v5 =	vsub.f32 v14, v15;
	vm4 =	vgt.f32 v12, $0.0e+00;
	v6 =	vsub.f32 v7, v8  }
0x59: {  	vm5 =	vgt.f32 v13, $0.0e+00;
	v7 =	vsub.f32 v11, v12;
	v8 =	vsub.f32 v9, v10  }
0x5a: {  	vm7 =	vgt.f32 v15, $0.0e+00;
	v9 =	vsub.f32 v16, v17;
	v5 =	vmul.f32 v5, v5  }
0x5b: {  	s22 =	simm.s32 $0x80;
	s8 =	simm.s32 $0x400;
	vm6 =	vgt.f32 v17, $0.0e+00;
	v11 =	vsub.f32 v18, v13;
	v10 =	vsel vm7, $0x3F800000, v1  }
0x5c: {  	s11 =	simm.s32 $0x20;
	s9 =	sand.u32 $0x1000, s22;
	s23 =	sand.u32 $0xC00, s8;
	v10 =	vadd.f32 v10, v1;
	v9 =	vmul.f32 v9, v9;
	v12 =	vnsel vm7, $0x0, v5  }
0x5d: {  	s26 =	sand.u32 $0x380, s11;
	s9 =	sor.u32 s23, s9;
	v14 =	vsel vm6, $0x3F800000, v1;
	v13 =	vadd.f32 v5, v1;
	v12 =	vadd.f32 v12, v1  }
0x5e: {  	s11 =	sor.u32 s26, s9;
	v11 =	vmul.f32 v11, v11;
	v10 =	vadd.f32 v14, v10;
	v14 =	vnsel vm6, $0x0, v9  }
0x5f: {  	v19 =	vld [tilespmem:s11+$0x6060];
	v13 =	vadd.f32 v9, v13;
	v12 =	vadd.f32 v14, v12;
	v14 =	vsel vm5, $0x3F800000, v1  }
0x60: {  	v20 =	vld [tilespmem:s11+$0x50];
	v7 =	vmul.f32 v7, v7;
	v10 =	vadd.f32 v14, v10;
	v14 =	vnsel vm5, $0x0, v11  }
0x61: {  	v21 =	vld [tilespmem:s11+$0x6050];
	v13 =	vadd.f32 v11, v13;
	v12 =	vadd.f32 v14, v12;
	v14 =	vsel vm4, $0x3F800000, v1  }
0x62: {  	v22 =	vld [tilespmem:s11+$0x40];
	v18 =	vmul.f32 v8, v8;
	v10 =	vadd.f32 v14, v10;
	v14 =	vnsel vm4, $0x0, v7  }
0x63: {  	v23 =	vld [tilespmem:s11+$0x6040];
	v8 =	vadd.f32 v14, v12;
	v12 =	vadd.f32 v7, v13;
	v13 =	vsel vm3, $0x3F800000, v1  }
0x64: {  	v15 =	vld [tilespmem:s11+$0x70];
	v14 =	vmul.f32 v6, v6;
	v10 =	vadd.f32 v13, v10;
	v13 =	vnsel vm3, $0x0, v18  }
0x65: {  	v16 =	vld [tilespmem:s11+$0x6070];
	v6 =	vadd.f32 v13, v8;
	v8 =	vadd.f32 v18, v12;
	v12 =	vsel vm2, $0x3F800000, v1  }
0x66: {  	v24 =	vld [tilespmem:s11+$0x30];
	v4 =	vmul.f32 v4, v4;
	v10 =	vadd.f32 v12, v10;
	v12 =	vnsel vm2, $0x0, v14  }
0x67: {  	v25 =	vld [tilespmem:s11+$0x6030];
	v5 =	vsel vm7, $0xFFFFFFFF, v5;
	v6 =	vadd.f32 v12, v6;
	v12 =	vsel vm0, $0x3F800000, v1  }
0x68: {  	v17 =	vld [tilespmem:s11+$0x60];
	v8 =	vadd.f32 v14, v8;
	v10 =	vadd.f32 v12, v10;
	v12 =	vnsel vm0, $0x0, v4  }
0x69: {  	v63 =	vsel vm0, $0xFFFFFFFF, v4;
	v13 =	vmul.f32 v3, v3;
	v6 =	vadd.f32 v12, v6;
	v12 =	vld [tilespmem:s11+$0x0]  }
0x6a: {  	s9 =	simm.s32 $0xC040;
	v3 =	vsel vm1, $0x3F800000, v1;
	v8 =	vadd.f32 v4, v8;
	v4 =	vsub.f32 v15, v16;
	v15 =	vld [tilespmem:s11+$0x10]  }
0x6b: {  	[tilespmem:s9+$0xFFFFFFC0] =	vst v5;
	v9 =	vsel vm6, $0xFFFFFFFF, v9;
	v26 =	vnsel vm1, $0x0, v13;
	v3 =	vadd.f32 v3, v10;
	v10 =	vld [tilespmem:s11+$0x6000]  }
0x6c: {  	[tilespmem:s9+$0xFFFFFFD0] =	vst v9;
	v9 =	vsel vm5, $0xFFFFFFFF, v11;
	v5 =	vadd.f32 v26, v6;
	v6 =	vadd.f32 v13, v8;
	v8 =	vld [tilespmem:s11+$0x6020]  }
0x6d: {  	v11 =	vsel vm3, $0xFFFFFFFF, v18;
	[tilespmem:s9+$0xFFFFFFE0] =	vst v9;
	v18 =	vsel vm2, $0xFFFFFFFF, v14;
	v14 =	vsel vm1, $0xFFFFFFFF, v13;
	v13 =	vld [tilespmem:s11+$0x6010]  }
0x6e: {  	v9 =	vsub.f32 v20, v21;
	[tilespmem:s9+$0x0] =	vst v11;
	v11 =	vsub.f32 v22, v23;
	vm0 =	vgt.f32 v16, $0.0e+00;
	v16 =	vld [tilespmem:s11+$0x20]  }
0x6f: {  	[tilespmem:s9+$0x20] =	vst v63;
	v7 =	vsel vm4, $0xFFFFFFFF, v7;
	vm4 =	vgt.f32 v25, $0.0e+00;
	vm3 =	vgt.f32 v23, $0.0e+00  }
0x70: {  	[tilespmem:s9+$0xFFFFFFF0] =	vst v7;
	v7 =	vsub.f32 v17, v19;
	vm2 =	vgt.f32 v21, $0.0e+00;
	v17 =	vsub.f32 v12, v10  }
0x71: {  	s10 =	simm.s32 $0x8;
	[tilespmem:s9+$0x10] =	vst v18;
	vm1 =	vgt.f32 v19, $0.0e+00;
	v12 =	vsub.f32 v24, v25;
	vm5 =	vgt.f32 v8, $0.0e+00  }
.LBB2_2:
0x72: {  	s10 =	sadd.s32 $0x8, s10;
	v17 =	vmul.f32 v17, v17;
	vm6 =	vgt.f32 v10, $0.0e+00;
	v10 =	vsub.f32 v15, v13;
	[tilespmem:s9+$0x30] =	vst v14  }
0x73: {  	vm7 =	vgt.f32 v13, $0.0e+00;
	s8 =	sadd.s32 $0x400, s8;
	s11 =	sshll.u32 s10, $0x4;
	p3 =	slt.u32 s10, $0x1F8;
	v14 =	vsel vm6, $0x3F800000, v1;
	v8 =	vsub.f32 v16, v8  }
0x74: {  	s12 =	sand.u32 $0xC00, s8;
	s13 =	sshll.u32 s10, $0x2;
	s11 =	sand.u32 $0x1000, s11;
	v3 =	vadd.f32 v14, v3;
	v13 =	vnsel vm6, $0x0, v17;
	v14 =	vmul.f32 v10, v10  }
0x75: {  	v6 =	vadd.f32 v17, v6;
	v10 =	vsel vm7, $0x3F800000, v1;
	s11 =	sor.u32 s12, s11;
	s12 =	sand.u32 $0x380, s13;
	v5 =	vadd.f32 v13, v5  }
0x76: {  	v13 =	vmul.f32 v8, v8;
	s11 =	sor.u32 s12, s11;
	v3 =	vadd.f32 v10, v3;
	v10 =	vnsel vm7, $0x0, v14  }
0x77: {  	v8 =	vsel vm5, $0x3F800000, v1;
	v6 =	vadd.f32 v14, v6;
	v18 =	vld [tilespmem:s11+$0x70];
	v5 =	vadd.f32 v10, v5  }
0x78: {  	v12 =	vmul.f32 v12, v12;
	v19 =	vld [tilespmem:s11+$0x6070];
	v3 =	vadd.f32 v8, v3;
	v8 =	vnsel vm5, $0x0, v13  }
0x79: {  	v6 =	vadd.f32 v13, v6;
	v20 =	vld [tilespmem:s11+$0x60];
	v5 =	vadd.f32 v8, v5;
	v8 =	vsel vm4, $0x3F800000, v1  }
0x7a: {  	v11 =	vmul.f32 v11, v11;
	v21 =	vld [tilespmem:s11+$0x6060];
	v3 =	vadd.f32 v8, v3;
	v8 =	vnsel vm4, $0x0, v12  }
0x7b: {  	v6 =	vadd.f32 v12, v6;
	v22 =	vld [tilespmem:s11+$0x50];
	v5 =	vadd.f32 v8, v5;
	v8 =	vsel vm3, $0x3F800000, v1  }
0x7c: {  	v9 =	vmul.f32 v9, v9;
	v23 =	vld [tilespmem:s11+$0x6050];
	v3 =	vadd.f32 v8, v3;
	v8 =	vnsel vm3, $0x0, v11  }
0x7d: {  	v6 =	vadd.f32 v11, v6;
	v24 =	vld [tilespmem:s11+$0x40];
	v5 =	vadd.f32 v8, v5;
	v8 =	vsel vm2, $0x3F800000, v1  }
0x7e: {  	v7 =	vmul.f32 v7, v7;
	v25 =	vld [tilespmem:s11+$0x6040];
	v3 =	vadd.f32 v8, v3;
	v8 =	vnsel vm2, $0x0, v9  }
0x7f: {  	v6 =	vadd.f32 v9, v6;
	v26 =	vld [tilespmem:s11+$0x30];
	v5 =	vadd.f32 v8, v5;
	v8 =	vsel vm1, $0x3F800000, v1  }
0x80: {  	v4 =	vmul.f32 v4, v4;
	v10 =	vnsel vm1, $0x0, v7;
	v27 =	vld [tilespmem:s11+$0x6030];
	v3 =	vadd.f32 v8, v3  }
0x81: {  	v6 =	vadd.f32 v7, v6;
	v8 =	vld [tilespmem:s11+$0x6020];
	v5 =	vadd.f32 v10, v5;
	v10 =	vsel vm0, $0x3F800000, v1  }
0x82: {  	s9 =	sadd.s32 $0x80, s9;
	v15 =	vsel vm6, $0xFFFFFFFF, v17;
	v16 =	vnsel vm0, $0x0, v4;
	v28 =	vld [tilespmem:s11+$0x0];
	v3 =	vadd.f32 v10, v3  }
0x83: {  	v14 =	vsel vm7, $0xFFFFFFFF, v14;
	v6 =	vadd.f32 v4, v6;
	v10 =	vld [tilespmem:s11+$0x6000];
	[tilespmem:s9+$0xFFFFFFC0] =	vst v15;
	v5 =	vadd.f32 v16, v5  }
0x84: {  	v12 =	vsel vm4, $0xFFFFFFFF, v12;
	v11 =	vsel vm3, $0xFFFFFFFF, v11;
	v15 =	vld [tilespmem:s11+$0x10];
	[tilespmem:s9+$0xFFFFFFD0] =	vst v14;
	v14 =	vsel vm5, $0xFFFFFFFF, v13  }
.Ltmp2:
0x85: {  	v29 =	vsel vm2, $0xFFFFFFFF, v9;
	v30 =	vsel vm1, $0xFFFFFFFF, v7;
	v13 =	vld [tilespmem:s11+$0x6010];
	[tilespmem:s9+$0xFFFFFFE0] =	vst v14;
	v14 =	vsel vm0, $0xFFFFFFFF, v4;
	(pc) =	sbr.rel @p3 .LBB2_2-.Ltmp2, $4  }
0x86: {  	vm1 =	vgt.f32 v21, $0.0e+00;
	v4 =	vsub.f32 v18, v19;
	vm0 =	vgt.f32 v19, $0.0e+00;
	v16 =	vld [tilespmem:s11+$0x20];
	[tilespmem:s9+$0xFFFFFFF0] =	vst v12  }
0x87: {  	v7 =	vsub.f32 v20, v21;
	vm2 =	vgt.f32 v23, $0.0e+00;
	vm3 =	vgt.f32 v25, $0.0e+00;
	[tilespmem:s9+$0x0] =	vst v11  }
0x88: {  	v9 =	vsub.f32 v22, v23;
	vm4 =	vgt.f32 v27, $0.0e+00;
	v17 =	vsub.f32 v28, v10;
	[tilespmem:s9+$0x10] =	vst v29  }
0x89: {  	vm5 =	vgt.f32 v8, $0.0e+00;
	v12 =	vsub.f32 v26, v27;
	v11 =	vsub.f32 v24, v25;
	[tilespmem:s9+$0x20] =	vst v30  }
0x8a: {  	v15 =	vsub.f32 v15, v13;
	v17 =	vmul.f32 v17, v17  }
0x8b: {  	vm7 =	vgt.f32 v10, $0.0e+00;
	vm6 =	vgt.f32 v13, $0.0e+00;
	v12 =	vmul.f32 v12, v12  }
0x8c: {  	[tilespmem:s9+$0x30] =	vst v14;
	s8 =	sadd.s32 $0x80, s9;
	v8 =	vsub.f32 v16, v8;
	v10 =	vmul.f32 v15, v15;
	v13 =	vsel vm7, $0xFFFFFFFF, v17  }
0x8d: {  	v9 =	vmul.f32 v9, v9;
	[tilespmem:s8+$0xFFFFFFC0] =	vst v13;
	v14 =	vsel vm4, $0xFFFFFFFF, v12  }
0x8e: {  	v8 =	vmul.f32 v8, v8;
	v13 =	vsel vm6, $0xFFFFFFFF, v10;
	[tilespmem:s8+$0xFFFFFFF0] =	vst v14  }
0x8f: {  	v4 =	vmul.f32 v4, v4;
	v14 =	vsel vm2, $0xFFFFFFFF, v9;
	[tilespmem:s8+$0xFFFFFFD0] =	vst v13  }
0x90: {  	v11 =	vmul.f32 v11, v11;
	v13 =	vsel vm5, $0xFFFFFFFF, v8;
	[tilespmem:s8+$0x10] =	vst v14  }
0x91: {  	v7 =	vmul.f32 v7, v7;
	v14 =	vsel vm0, $0xFFFFFFFF, v4;
	[tilespmem:s8+$0xFFFFFFE0] =	vst v13  }
0x92: {  	v13 =	vsel vm3, $0xFFFFFFFF, v11;
	[tilespmem:s8+$0x30] =	vst v14  }
0x93: {  	[tilespmem:s8+$0x0] =	vst v13;
	v13 =	vsel vm1, $0xFFFFFFFF, v7  }
0x94: {  	[tilespmem:s8+$0x20] =	vst v13  }
0x95: {  	s17 =	simm.s32 $0x0;
	s18 =	rddreg [dreg:$0xc]  }
0x96: {  	[tilespmem:s17], [sflag:$0x1] =	stream.linear.gather [hbm4b:s18+s17], $0x2000, $0x38;
	[tilespmem:$0x1C750] =	vst v63  }
0x97: {  	s19 =	rddreg [dreg:$0xd]  }
0x98: {  	[tilespmem:s28], [sflag:$0x1] =	stream.linear.gather [hbm4b:s19+s17], $0x2000, $0x38;
	[tilespmem:$0x1C750] =	vst v63  }
0x99: {  	_ =	swait.ge [sflag:s4], $0x2000  }
0x9a: {  	[sflag:s4] =	ssyncset.done $0x0  }
0x9b: {  	s20 =	simm.s32 $0x0;
	s10 =	simm.s32 $0x0;
	[sflag:s4] =	ssyncadd.s32 $0xFFFFE000  }
0x9c: {  	s9 =	sand.u32 $0x1000, s20;
	s8 =	sand.u32 $0xC00, s17;
	v13 =	vsel vm7, $0x3F800000, v1;
	_ =	swait.ge [sflag:s4], $0x2000  }
0x9d: {  	s21 =	sand.u32 $0x380, s10;
	s8 =	sor.u32 s8, s9;
	v3 =	vadd.f32 v13, v3;
	v13 =	vnsel vm7, $0x0, v17;
	[sflag:s4] =	ssyncset.done $0x0  }
0x9e: {  	v6 =	vadd.f32 v17, v6;
	s8 =	sor.u32 s21, s8;
	v5 =	vadd.f32 v13, v5;
	v13 =	vsel vm6, $0x3F800000, v1;
	[sflag:s4] =	ssyncadd.s32 $0xFFFFE000  }
0x9f: {  	v3 =	vadd.f32 v13, v3;
	v13 =	vnsel vm6, $0x0, v10;
	v14 =	vld [tilespmem:s8+$0x2070]  }
0xa0: {  	v6 =	vadd.f32 v10, v6;
	v10 =	vsel vm5, $0x3F800000, v1;
	v5 =	vadd.f32 v13, v5;
	v15 =	vld [tilespmem:s8+$0x8070]  }
0xa1: {  	v3 =	vadd.f32 v10, v3;
	v10 =	vnsel vm5, $0x0, v8;
	v13 =	vld [tilespmem:s8+$0x2060]  }
0xa2: {  	v6 =	vadd.f32 v8, v6;
	v8 =	vsel vm4, $0x3F800000, v1;
	v5 =	vadd.f32 v10, v5;
	v16 =	vld [tilespmem:s8+$0x8060]  }
0xa3: {  	v3 =	vadd.f32 v8, v3;
	v8 =	vnsel vm4, $0x0, v12;
	v10 =	vld [tilespmem:s8+$0x2050]  }
0xa4: {  	v6 =	vadd.f32 v12, v6;
	v5 =	vadd.f32 v8, v5;
	v8 =	vsel vm3, $0x3F800000, v1;
	v17 =	vld [tilespmem:s8+$0x8050]  }
0xa5: {  	v3 =	vadd.f32 v8, v3;
	v8 =	vnsel vm3, $0x0, v11;
	v12 =	vld [tilespmem:s8+$0x2040]  }
0xa6: {  	v6 =	vadd.f32 v11, v6;
	v5 =	vadd.f32 v8, v5;
	v8 =	vsel vm2, $0x3F800000, v1;
	v18 =	vld [tilespmem:s8+$0x8040]  }
0xa7: {  	v11 =	vld [tilespmem:s8+$0x2030];
	v3 =	vadd.f32 v8, v3;
	v8 =	vnsel vm2, $0x0, v9  }
0xa8: {  	v6 =	vadd.f32 v9, v6;
	v19 =	vld [tilespmem:s8+$0x8030];
	v5 =	vadd.f32 v8, v5;
	v8 =	vsel vm1, $0x3F800000, v1  }
0xa9: {  	v9 =	vld [tilespmem:s8+$0x8020];
	v3 =	vadd.f32 v8, v3;
	v8 =	vnsel vm1, $0x0, v7  }
0xaa: {  	v6 =	vadd.f32 v7, v6;
	v20 =	vld [tilespmem:s8+$0x2000];
	v7 =	vsel vm0, $0x3F800000, v1;
	v5 =	vadd.f32 v8, v5  }
0xab: {  	v8 =	vld [tilespmem:s8+$0x8000];
	v3 =	vadd.f32 v7, v3;
	v7 =	vnsel vm0, $0x0, v4  }
0xac: {  	v21 =	vld [tilespmem:s8+$0x2010];
	v4 =	vadd.f32 v4, v6;
	v5 =	vadd.f32 v7, v5  }
0xad: {  	v6 =	vld [tilespmem:s8+$0x8010];
	vm0 =	vgt.f32 v16, $0.0e+00;
	v14 =	vsub.f32 v14, v15;
	vm1 =	vgt.f32 v15, $0.0e+00  }
0xae: {  	v7 =	vld [tilespmem:s8+$0x2020];
	vm3 =	vgt.f32 v18, $0.0e+00;
	v13 =	vsub.f32 v13, v16;
	v11 =	vsub.f32 v11, v19  }
0xaf: {  	vm2 =	vgt.f32 v17, $0.0e+00;
	v10 =	vsub.f32 v10, v17;
	v12 =	vsub.f32 v12, v18  }
0xb0: {  	vm4 =	vgt.f32 v19, $0.0e+00;
	v11 =	vmul.f32 v11, v11;
	v15 =	vsub.f32 v20, v8  }
0xb1: {  	vm5 =	vgt.f32 v9, $0.0e+00;
	v12 =	vmul.f32 v12, v12;
	v61 =	vmul.f32 v10, v10  }
0xb2: {  	s22 =	simm.s32 $0x80;
	s8 =	simm.s32 $0x400;
	vm7 =	vgt.f32 v8, $0.0e+00;
	v8 =	vsub.f32 v21, v6;
	v15 =	vmul.f32 v15, v15  }
0xb3: {  	s11 =	simm.s32 $0x20;
	s9 =	sand.u32 $0x1000, s22;
	s23 =	sand.u32 $0xC00, s8;
	v16 =	vsel vm7, $0x3F800000, v1;
	vm6 =	vgt.f32 v6, $0.0e+00;
	v6 =	vsub.f32 v7, v9  }
0xb4: {  	s26 =	sand.u32 $0x380, s11;
	s9 =	sor.u32 s23, s9;
	v3 =	vadd.f32 v16, v3;
	v8 =	vmul.f32 v8, v8;
	v7 =	vnsel vm7, $0x0, v15  }
0xb5: {  	s11 =	sor.u32 s26, s9;
	v4 =	vadd.f32 v15, v4;
	v5 =	vadd.f32 v7, v5;
	v7 =	vsel vm6, $0x3F800000, v1  }
0xb6: {  	v17 =	vld [tilespmem:s11+$0x2060];
	v9 =	vmul.f32 v6, v6;
	v3 =	vadd.f32 v7, v3;
	v7 =	vnsel vm6, $0x0, v8  }
0xb7: {  	v18 =	vld [tilespmem:s11+$0x8060];
	v6 =	vsel vm5, $0x3F800000, v1;
	v4 =	vadd.f32 v8, v4;
	v5 =	vadd.f32 v7, v5  }
0xb8: {  	v13 =	vmul.f32 v13, v13;
	v19 =	vld [tilespmem:s11+$0x2050];
	v3 =	vadd.f32 v6, v3;
	v6 =	vnsel vm5, $0x0, v9  }
0xb9: {  	v62 =	vld [tilespmem:s11+$0x8050];
	v4 =	vadd.f32 v9, v4;
	v5 =	vadd.f32 v6, v5;
	v6 =	vsel vm4, $0x3F800000, v1  }
0xba: {  	v14 =	vmul.f32 v14, v14;
	v22 =	vld [tilespmem:s11+$0x2040];
	v3 =	vadd.f32 v6, v3;
	v6 =	vnsel vm4, $0x0, v11  }
0xbb: {  	v23 =	vld [tilespmem:s11+$0x8040];
	v4 =	vadd.f32 v11, v4;
	v5 =	vadd.f32 v6, v5;
	v6 =	vsel vm3, $0x3F800000, v1  }
0xbc: {  	v24 =	vld [tilespmem:s11+$0x2030];
	v63 =	vsel vm0, $0xFFFFFFFF, v13;
	v3 =	vadd.f32 v6, v3;
	v6 =	vnsel vm3, $0x0, v12  }
0xbd: {  	v16 =	vld [tilespmem:s11+$0x8070];
	v4 =	vadd.f32 v12, v4;
	v5 =	vadd.f32 v6, v5;
	v6 =	vsel vm2, $0x3F800000, v1  }
0xbe: {  	v25 =	vld [tilespmem:s11+$0x8030];
	v15 =	vsel vm7, $0xFFFFFFFF, v15;
	v3 =	vadd.f32 v6, v3;
	v6 =	vnsel vm2, $0x0, v61  }
0xbf: {  	s9 =	simm.s32 $0xE070;
	v26 =	vld [tilespmem:s11+$0x2000];
	v4 =	vadd.f32 v61, v4;
	v5 =	vadd.f32 v6, v5;
	v6 =	vsel vm0, $0x3F800000, v1  }
0xc0: {  	[tilespmem:s9+$0xFFFFFF90] =	vst v15;
	v15 =	vsel vm6, $0xFFFFFFFF, v8;
	v7 =	vld [tilespmem:s11+$0x2070];
	v3 =	vadd.f32 v6, v3;
	v6 =	vnsel vm0, $0x0, v13  }
0xc1: {  	v10 =	vld [tilespmem:s11+$0x8000];
	v4 =	vadd.f32 v13, v4;
	v5 =	vadd.f32 v6, v5;
	v6 =	vsel vm1, $0x3F800000, v1  }
0xc2: {  	v8 =	vld [tilespmem:s11+$0x8020];
	vm0 =	vgt.f32 v16, $0.0e+00;
	v3 =	vadd.f32 v6, v3;
	v6 =	vnsel vm1, $0x0, v14  }
0xc3: {  	[tilespmem:s9+$0xFFFFFFA0] =	vst v15;
	v15 =	vld [tilespmem:s11+$0x2010];
	v5 =	vadd.f32 v6, v5;
	v6 =	vadd.f32 v14, v4;
	v4 =	vsel vm5, $0xFFFFFFFF, v9  }
0xc4: {  	[tilespmem:s9+$0xFFFFFFF0] =	vst v63;
	v13 =	vld [tilespmem:s11+$0x8010];
	v9 =	vsel vm4, $0xFFFFFFFF, v11;
	v11 =	vsel vm3, $0xFFFFFFFF, v12;
	v12 =	vsel vm2, $0xFFFFFFFF, v61  }
0xc5: {  	v14 =	vsel vm1, $0xFFFFFFFF, v14;
	vm1 =	vgt.f32 v18, $0.0e+00;
	[tilespmem:s9+$0xFFFFFFB0] =	vst v4;
	v4 =	vsub.f32 v7, v16;
	v16 =	vld [tilespmem:s11+$0x2020]  }
0xc6: {  	vm3 =	vgt.f32 v23, $0.0e+00;
	vm2 =	vgt.f32 v62, $0.0e+00;
	[tilespmem:s9+$0xFFFFFFC0] =	vst v9;
	v7 =	vsub.f32 v17, v18  }
0xc7: {  	vm4 =	vgt.f32 v25, $0.0e+00;
	[tilespmem:s9+$0xFFFFFFD0] =	vst v11;
	v17 =	vsub.f32 v26, v10;
	v9 =	vsub.f32 v19, v62  }
0xc8: {  	s10 =	simm.s32 $0x8;
	vm5 =	vgt.f32 v8, $0.0e+00;
	[tilespmem:s9+$0xFFFFFFE0] =	vst v12;
	v12 =	vsub.f32 v24, v25;
	v11 =	vsub.f32 v22, v23  }
.LBB2_4:
0xc9: {  	s10 =	sadd.s32 $0x8, s10;
	v17 =	vmul.f32 v17, v17;
	vm6 =	vgt.f32 v10, $0.0e+00;
	v10 =	vsub.f32 v15, v13;
	[tilespmem:s9+$0x0] =	vst v14  }
0xca: {  	vm7 =	vgt.f32 v13, $0.0e+00;
	s8 =	sadd.s32 $0x400, s8;
	s11 =	sshll.u32 s10, $0x4;
	p3 =	slt.u32 s10, $0x1F8;
	v14 =	vsel vm6, $0x3F800000, v1;
	v8 =	vsub.f32 v16, v8  }
0xcb: {  	s12 =	sand.u32 $0xC00, s8;
	s13 =	sshll.u32 s10, $0x2;
	s11 =	sand.u32 $0x1000, s11;
	v3 =	vadd.f32 v14, v3;
	v13 =	vnsel vm6, $0x0, v17;
	v14 =	vmul.f32 v10, v10  }
0xcc: {  	v6 =	vadd.f32 v17, v6;
	v10 =	vsel vm7, $0x3F800000, v1;
	s11 =	sor.u32 s12, s11;
	s12 =	sand.u32 $0x380, s13;
	v5 =	vadd.f32 v13, v5  }
0xcd: {  	v13 =	vmul.f32 v8, v8;
	s11 =	sor.u32 s12, s11;
	v3 =	vadd.f32 v10, v3;
	v10 =	vnsel vm7, $0x0, v14  }
0xce: {  	v8 =	vsel vm5, $0x3F800000, v1;
	v6 =	vadd.f32 v14, v6;
	v18 =	vld [tilespmem:s11+$0x2070];
	v5 =	vadd.f32 v10, v5  }
0xcf: {  	v12 =	vmul.f32 v12, v12;
	v19 =	vld [tilespmem:s11+$0x8070];
	v3 =	vadd.f32 v8, v3;
	v8 =	vnsel vm5, $0x0, v13  }
0xd0: {  	v6 =	vadd.f32 v13, v6;
	v20 =	vld [tilespmem:s11+$0x2060];
	v5 =	vadd.f32 v8, v5;
	v8 =	vsel vm4, $0x3F800000, v1  }
0xd1: {  	v11 =	vmul.f32 v11, v11;
	v21 =	vld [tilespmem:s11+$0x8060];
	v3 =	vadd.f32 v8, v3;
	v8 =	vnsel vm4, $0x0, v12  }
0xd2: {  	v6 =	vadd.f32 v12, v6;
	v22 =	vld [tilespmem:s11+$0x2050];
	v5 =	vadd.f32 v8, v5;
	v8 =	vsel vm3, $0x3F800000, v1  }
0xd3: {  	v9 =	vmul.f32 v9, v9;
	v23 =	vld [tilespmem:s11+$0x8050];
	v3 =	vadd.f32 v8, v3;
	v8 =	vnsel vm3, $0x0, v11  }
0xd4: {  	v6 =	vadd.f32 v11, v6;
	v24 =	vld [tilespmem:s11+$0x2040];
	v5 =	vadd.f32 v8, v5;
	v8 =	vsel vm2, $0x3F800000, v1  }
0xd5: {  	v7 =	vmul.f32 v7, v7;
	v25 =	vld [tilespmem:s11+$0x8040];
	v3 =	vadd.f32 v8, v3;
	v8 =	vnsel vm2, $0x0, v9  }
0xd6: {  	v6 =	vadd.f32 v9, v6;
	v26 =	vld [tilespmem:s11+$0x2030];
	v5 =	vadd.f32 v8, v5;
	v8 =	vsel vm1, $0x3F800000, v1  }
0xd7: {  	v4 =	vmul.f32 v4, v4;
	v10 =	vnsel vm1, $0x0, v7;
	v27 =	vld [tilespmem:s11+$0x8030];
	v3 =	vadd.f32 v8, v3  }
0xd8: {  	v6 =	vadd.f32 v7, v6;
	v8 =	vld [tilespmem:s11+$0x8020];
	v5 =	vadd.f32 v10, v5;
	v10 =	vsel vm0, $0x3F800000, v1  }
0xd9: {  	s9 =	sadd.s32 $0x80, s9;
	v15 =	vsel vm6, $0xFFFFFFFF, v17;
	v16 =	vnsel vm0, $0x0, v4;
	v28 =	vld [tilespmem:s11+$0x2000];
	v3 =	vadd.f32 v10, v3  }
0xda: {  	v14 =	vsel vm7, $0xFFFFFFFF, v14;
	v6 =	vadd.f32 v4, v6;
	v10 =	vld [tilespmem:s11+$0x8000];
	[tilespmem:s9+$0xFFFFFF90] =	vst v15;
	v5 =	vadd.f32 v16, v5  }
0xdb: {  	v12 =	vsel vm4, $0xFFFFFFFF, v12;
	v11 =	vsel vm3, $0xFFFFFFFF, v11;
	v15 =	vld [tilespmem:s11+$0x2010];
	[tilespmem:s9+$0xFFFFFFA0] =	vst v14;
	v14 =	vsel vm5, $0xFFFFFFFF, v13  }
.Ltmp3:
0xdc: {  	v29 =	vsel vm2, $0xFFFFFFFF, v9;
	v30 =	vsel vm1, $0xFFFFFFFF, v7;
	v13 =	vld [tilespmem:s11+$0x8010];
	[tilespmem:s9+$0xFFFFFFB0] =	vst v14;
	v14 =	vsel vm0, $0xFFFFFFFF, v4;
	(pc) =	sbr.rel @p3 .LBB2_4-.Ltmp3, $4  }
0xdd: {  	vm1 =	vgt.f32 v21, $0.0e+00;
	v4 =	vsub.f32 v18, v19;
	vm0 =	vgt.f32 v19, $0.0e+00;
	v16 =	vld [tilespmem:s11+$0x2020];
	[tilespmem:s9+$0xFFFFFFC0] =	vst v12  }
0xde: {  	v7 =	vsub.f32 v20, v21;
	vm2 =	vgt.f32 v23, $0.0e+00;
	vm3 =	vgt.f32 v25, $0.0e+00;
	[tilespmem:s9+$0xFFFFFFD0] =	vst v11  }
0xdf: {  	v9 =	vsub.f32 v22, v23;
	vm4 =	vgt.f32 v27, $0.0e+00;
	v17 =	vsub.f32 v28, v10;
	[tilespmem:s9+$0xFFFFFFE0] =	vst v29  }
0xe0: {  	vm5 =	vgt.f32 v8, $0.0e+00;
	v12 =	vsub.f32 v26, v27;
	v11 =	vsub.f32 v24, v25;
	[tilespmem:s9+$0xFFFFFFF0] =	vst v30  }
0xe1: {  	v15 =	vsub.f32 v15, v13;
	v17 =	vmul.f32 v17, v17  }
0xe2: {  	vm7 =	vgt.f32 v10, $0.0e+00;
	vm6 =	vgt.f32 v13, $0.0e+00;
	v12 =	vmul.f32 v12, v12  }
0xe3: {  	[tilespmem:s9+$0x0] =	vst v14;
	s8 =	sadd.s32 $0x80, s9;
	v8 =	vsub.f32 v16, v8;
	v10 =	vmul.f32 v15, v15;
	v13 =	vsel vm7, $0xFFFFFFFF, v17  }
0xe4: {  	v9 =	vmul.f32 v9, v9;
	[tilespmem:s8+$0xFFFFFF90] =	vst v13;
	v14 =	vsel vm4, $0xFFFFFFFF, v12  }
0xe5: {  	v8 =	vmul.f32 v8, v8;
	v13 =	vsel vm6, $0xFFFFFFFF, v10;
	[tilespmem:s8+$0xFFFFFFC0] =	vst v14  }
0xe6: {  	v4 =	vmul.f32 v4, v4;
	v14 =	vsel vm2, $0xFFFFFFFF, v9;
	[tilespmem:s8+$0xFFFFFFA0] =	vst v13  }
0xe7: {  	v11 =	vmul.f32 v11, v11;
	v13 =	vsel vm5, $0xFFFFFFFF, v8;
	[tilespmem:s8+$0xFFFFFFE0] =	vst v14  }
0xe8: {  	v7 =	vmul.f32 v7, v7;
	v14 =	vsel vm0, $0xFFFFFFFF, v4;
	[tilespmem:s8+$0xFFFFFFB0] =	vst v13  }
0xe9: {  	v13 =	vsel vm3, $0xFFFFFFFF, v11;
	[tilespmem:s8+$0x0] =	vst v14  }
0xea: {  	[tilespmem:s8+$0xFFFFFFD0] =	vst v13;
	v13 =	vsel vm1, $0xFFFFFFFF, v7  }
0xeb: {  	[tilespmem:s8+$0xFFFFFFF0] =	vst v13  }
0xec: {  	s17 =	simm.s32 $0x0;
	s18 =	rddreg [dreg:$0xe]  }
0xed: {  	[tilespmem:s29], [sflag:$0x2] =	stream.linear.gather [hbm4b:s18+s17], $0x2000, $0x38;
	[tilespmem:$0x1C750] =	vst v63  }
0xee: {  	s19 =	rddreg [dreg:$0xf]  }
0xef: {  	[tilespmem:s30], [sflag:$0x2] =	stream.linear.gather [hbm4b:s19+s17], $0x2000, $0x38;
	[tilespmem:$0x1C750] =	vst v63  }
0xf0: {  	_ =	swait.ge [sflag:s25], $0x2000  }
0xf1: {  	[sflag:s25] =	ssyncset.done $0x0  }
0xf2: {  	s20 =	simm.s32 $0x0;
	s10 =	simm.s32 $0x0;
	[sflag:s25] =	ssyncadd.s32 $0xFFFFE000  }
0xf3: {  	s9 =	sand.u32 $0x1000, s20;
	s8 =	sand.u32 $0xC00, s17;
	v13 =	vsel vm7, $0x3F800000, v1;
	_ =	swait.ge [sflag:s25], $0x2000  }
0xf4: {  	s21 =	sand.u32 $0x380, s10;
	s8 =	sor.u32 s8, s9;
	v3 =	vadd.f32 v13, v3;
	v13 =	vnsel vm7, $0x0, v17;
	[sflag:s25] =	ssyncset.done $0x0  }
0xf5: {  	v6 =	vadd.f32 v17, v6;
	s8 =	sor.u32 s21, s8;
	v5 =	vadd.f32 v13, v5;
	v13 =	vsel vm6, $0x3F800000, v1;
	[sflag:s25] =	ssyncadd.s32 $0xFFFFE000  }
0xf6: {  	v3 =	vadd.f32 v13, v3;
	v13 =	vnsel vm6, $0x0, v10;
	v14 =	vld [tilespmem:s8+$0x4070]  }
0xf7: {  	v6 =	vadd.f32 v10, v6;
	v10 =	vsel vm5, $0x3F800000, v1;
	v5 =	vadd.f32 v13, v5;
	v15 =	vld [tilespmem:s8+$0xA070]  }
0xf8: {  	v3 =	vadd.f32 v10, v3;
	v10 =	vnsel vm5, $0x0, v8;
	v13 =	vld [tilespmem:s8+$0x4060]  }
0xf9: {  	v6 =	vadd.f32 v8, v6;
	v8 =	vsel vm4, $0x3F800000, v1;
	v5 =	vadd.f32 v10, v5;
	v16 =	vld [tilespmem:s8+$0xA060]  }
0xfa: {  	v3 =	vadd.f32 v8, v3;
	v8 =	vnsel vm4, $0x0, v12;
	v10 =	vld [tilespmem:s8+$0x4050]  }
0xfb: {  	v6 =	vadd.f32 v12, v6;
	v5 =	vadd.f32 v8, v5;
	v8 =	vsel vm3, $0x3F800000, v1;
	v17 =	vld [tilespmem:s8+$0xA050]  }
0xfc: {  	v3 =	vadd.f32 v8, v3;
	v8 =	vnsel vm3, $0x0, v11;
	v12 =	vld [tilespmem:s8+$0x4040]  }
0xfd: {  	v6 =	vadd.f32 v11, v6;
	v5 =	vadd.f32 v8, v5;
	v8 =	vsel vm2, $0x3F800000, v1;
	v18 =	vld [tilespmem:s8+$0xA040]  }
0xfe: {  	v11 =	vld [tilespmem:s8+$0x4030];
	v3 =	vadd.f32 v8, v3;
	v8 =	vnsel vm2, $0x0, v9  }
0xff: {  	v6 =	vadd.f32 v9, v6;
	v19 =	vld [tilespmem:s8+$0xA030];
	v5 =	vadd.f32 v8, v5;
	v8 =	vsel vm1, $0x3F800000, v1  }
0x100: {  	v9 =	vld [tilespmem:s8+$0xA020];
	v3 =	vadd.f32 v8, v3;
	v8 =	vnsel vm1, $0x0, v7  }
0x101: {  	v6 =	vadd.f32 v7, v6;
	v20 =	vld [tilespmem:s8+$0x4000];
	v7 =	vsel vm0, $0x3F800000, v1;
	v5 =	vadd.f32 v8, v5  }
0x102: {  	v8 =	vld [tilespmem:s8+$0xA000];
	v3 =	vadd.f32 v7, v3;
	v7 =	vnsel vm0, $0x0, v4  }
0x103: {  	v21 =	vld [tilespmem:s8+$0x4010];
	v4 =	vadd.f32 v4, v6;
	v5 =	vadd.f32 v7, v5  }
0x104: {  	v6 =	vld [tilespmem:s8+$0xA010];
	vm0 =	vgt.f32 v16, $0.0e+00;
	v14 =	vsub.f32 v14, v15;
	vm1 =	vgt.f32 v15, $0.0e+00  }
0x105: {  	v7 =	vld [tilespmem:s8+$0x4020];
	vm3 =	vgt.f32 v18, $0.0e+00;
	v13 =	vsub.f32 v13, v16;
	v11 =	vsub.f32 v11, v19  }
0x106: {  	vm2 =	vgt.f32 v17, $0.0e+00;
	v10 =	vsub.f32 v10, v17;
	v12 =	vsub.f32 v12, v18  }
0x107: {  	vm4 =	vgt.f32 v19, $0.0e+00;
	v11 =	vmul.f32 v11, v11;
	v15 =	vsub.f32 v20, v8  }
0x108: {  	vm5 =	vgt.f32 v9, $0.0e+00;
	v12 =	vmul.f32 v12, v12;
	v61 =	vmul.f32 v10, v10  }
0x109: {  	s22 =	simm.s32 $0x80;
	s8 =	simm.s32 $0x400;
	vm7 =	vgt.f32 v8, $0.0e+00;
	v8 =	vsub.f32 v21, v6;
	v15 =	vmul.f32 v15, v15  }
0x10a: {  	s11 =	simm.s32 $0x20;
	s9 =	sand.u32 $0x1000, s22;
	s23 =	sand.u32 $0xC00, s8;
	v16 =	vsel vm7, $0x3F800000, v1;
	vm6 =	vgt.f32 v6, $0.0e+00;
	v6 =	vsub.f32 v7, v9  }
0x10b: {  	s26 =	sand.u32 $0x380, s11;
	s9 =	sor.u32 s23, s9;
	v3 =	vadd.f32 v16, v3;
	v8 =	vmul.f32 v8, v8;
	v7 =	vnsel vm7, $0x0, v15  }
0x10c: {  	s11 =	sor.u32 s26, s9;
	v4 =	vadd.f32 v15, v4;
	v5 =	vadd.f32 v7, v5;
	v7 =	vsel vm6, $0x3F800000, v1  }
0x10d: {  	v17 =	vld [tilespmem:s11+$0x4060];
	v9 =	vmul.f32 v6, v6;
	v3 =	vadd.f32 v7, v3;
	v7 =	vnsel vm6, $0x0, v8  }
0x10e: {  	v18 =	vld [tilespmem:s11+$0xA060];
	v6 =	vsel vm5, $0x3F800000, v1;
	v4 =	vadd.f32 v8, v4;
	v5 =	vadd.f32 v7, v5  }
0x10f: {  	v13 =	vmul.f32 v13, v13;
	v19 =	vld [tilespmem:s11+$0x4050];
	v3 =	vadd.f32 v6, v3;
	v6 =	vnsel vm5, $0x0, v9  }
0x110: {  	v62 =	vld [tilespmem:s11+$0xA050];
	v4 =	vadd.f32 v9, v4;
	v5 =	vadd.f32 v6, v5;
	v6 =	vsel vm4, $0x3F800000, v1  }
0x111: {  	v14 =	vmul.f32 v14, v14;
	v22 =	vld [tilespmem:s11+$0x4040];
	v3 =	vadd.f32 v6, v3;
	v6 =	vnsel vm4, $0x0, v11  }
0x112: {  	v23 =	vld [tilespmem:s11+$0xA040];
	v4 =	vadd.f32 v11, v4;
	v5 =	vadd.f32 v6, v5;
	v6 =	vsel vm3, $0x3F800000, v1  }
0x113: {  	v24 =	vld [tilespmem:s11+$0x4030];
	v63 =	vsel vm0, $0xFFFFFFFF, v13;
	v3 =	vadd.f32 v6, v3;
	v6 =	vnsel vm3, $0x0, v12  }
0x114: {  	v16 =	vld [tilespmem:s11+$0xA070];
	v4 =	vadd.f32 v12, v4;
	v5 =	vadd.f32 v6, v5;
	v6 =	vsel vm2, $0x3F800000, v1  }
0x115: {  	v25 =	vld [tilespmem:s11+$0xA030];
	v15 =	vsel vm7, $0xFFFFFFFF, v15;
	v3 =	vadd.f32 v6, v3;
	v6 =	vnsel vm2, $0x0, v61  }
0x116: {  	s9 =	simm.s32 $0x10070;
	v26 =	vld [tilespmem:s11+$0x4000];
	v4 =	vadd.f32 v61, v4;
	v5 =	vadd.f32 v6, v5;
	v6 =	vsel vm0, $0x3F800000, v1  }
0x117: {  	[tilespmem:s9+$0xFFFFFF90] =	vst v15;
	v15 =	vsel vm6, $0xFFFFFFFF, v8;
	v7 =	vld [tilespmem:s11+$0x4070];
	v3 =	vadd.f32 v6, v3;
	v6 =	vnsel vm0, $0x0, v13  }
0x118: {  	v10 =	vld [tilespmem:s11+$0xA000];
	v4 =	vadd.f32 v13, v4;
	v5 =	vadd.f32 v6, v5;
	v6 =	vsel vm1, $0x3F800000, v1  }
0x119: {  	v8 =	vld [tilespmem:s11+$0xA020];
	vm0 =	vgt.f32 v16, $0.0e+00;
	v3 =	vadd.f32 v6, v3;
	v6 =	vnsel vm1, $0x0, v14  }
0x11a: {  	[tilespmem:s9+$0xFFFFFFA0] =	vst v15;
	v15 =	vld [tilespmem:s11+$0x4010];
	v5 =	vadd.f32 v6, v5;
	v6 =	vadd.f32 v14, v4;
	v4 =	vsel vm5, $0xFFFFFFFF, v9  }
0x11b: {  	[tilespmem:s9+$0xFFFFFFF0] =	vst v63;
	v13 =	vld [tilespmem:s11+$0xA010];
	v9 =	vsel vm4, $0xFFFFFFFF, v11;
	v11 =	vsel vm3, $0xFFFFFFFF, v12;
	v12 =	vsel vm2, $0xFFFFFFFF, v61  }
0x11c: {  	v14 =	vsel vm1, $0xFFFFFFFF, v14;
	vm1 =	vgt.f32 v18, $0.0e+00;
	[tilespmem:s9+$0xFFFFFFB0] =	vst v4;
	v4 =	vsub.f32 v7, v16;
	v16 =	vld [tilespmem:s11+$0x4020]  }
0x11d: {  	vm3 =	vgt.f32 v23, $0.0e+00;
	vm2 =	vgt.f32 v62, $0.0e+00;
	[tilespmem:s9+$0xFFFFFFC0] =	vst v9;
	v7 =	vsub.f32 v17, v18  }
0x11e: {  	vm4 =	vgt.f32 v25, $0.0e+00;
	[tilespmem:s9+$0xFFFFFFD0] =	vst v11;
	v17 =	vsub.f32 v26, v10;
	v9 =	vsub.f32 v19, v62  }
0x11f: {  	s10 =	simm.s32 $0x8;
	vm5 =	vgt.f32 v8, $0.0e+00;
	[tilespmem:s9+$0xFFFFFFE0] =	vst v12;
	v12 =	vsub.f32 v24, v25;
	v11 =	vsub.f32 v22, v23  }
.LBB2_6:
0x120: {  	s10 =	sadd.s32 $0x8, s10;
	v17 =	vmul.f32 v17, v17;
	vm6 =	vgt.f32 v10, $0.0e+00;
	v10 =	vsub.f32 v15, v13;
	[tilespmem:s9+$0x0] =	vst v14  }
0x121: {  	vm7 =	vgt.f32 v13, $0.0e+00;
	s8 =	sadd.s32 $0x400, s8;
	s11 =	sshll.u32 s10, $0x4;
	p3 =	slt.u32 s10, $0x1F8;
	v14 =	vsel vm6, $0x3F800000, v1;
	v8 =	vsub.f32 v16, v8  }
0x122: {  	s12 =	sand.u32 $0xC00, s8;
	s13 =	sshll.u32 s10, $0x2;
	s11 =	sand.u32 $0x1000, s11;
	v3 =	vadd.f32 v14, v3;
	v13 =	vnsel vm6, $0x0, v17;
	v14 =	vmul.f32 v10, v10  }
0x123: {  	v6 =	vadd.f32 v17, v6;
	v10 =	vsel vm7, $0x3F800000, v1;
	s11 =	sor.u32 s12, s11;
	s12 =	sand.u32 $0x380, s13;
	v5 =	vadd.f32 v13, v5  }
0x124: {  	v13 =	vmul.f32 v8, v8;
	s11 =	sor.u32 s12, s11;
	v3 =	vadd.f32 v10, v3;
	v10 =	vnsel vm7, $0x0, v14  }
0x125: {  	v8 =	vsel vm5, $0x3F800000, v1;
	v6 =	vadd.f32 v14, v6;
	v18 =	vld [tilespmem:s11+$0x4070];
	v5 =	vadd.f32 v10, v5  }
0x126: {  	v12 =	vmul.f32 v12, v12;
	v19 =	vld [tilespmem:s11+$0xA070];
	v3 =	vadd.f32 v8, v3;
	v8 =	vnsel vm5, $0x0, v13  }
0x127: {  	v6 =	vadd.f32 v13, v6;
	v20 =	vld [tilespmem:s11+$0x4060];
	v5 =	vadd.f32 v8, v5;
	v8 =	vsel vm4, $0x3F800000, v1  }
0x128: {  	v11 =	vmul.f32 v11, v11;
	v21 =	vld [tilespmem:s11+$0xA060];
	v3 =	vadd.f32 v8, v3;
	v8 =	vnsel vm4, $0x0, v12  }
0x129: {  	v6 =	vadd.f32 v12, v6;
	v22 =	vld [tilespmem:s11+$0x4050];
	v5 =	vadd.f32 v8, v5;
	v8 =	vsel vm3, $0x3F800000, v1  }
0x12a: {  	v9 =	vmul.f32 v9, v9;
	v23 =	vld [tilespmem:s11+$0xA050];
	v3 =	vadd.f32 v8, v3;
	v8 =	vnsel vm3, $0x0, v11  }
0x12b: {  	v6 =	vadd.f32 v11, v6;
	v24 =	vld [tilespmem:s11+$0x4040];
	v5 =	vadd.f32 v8, v5;
	v8 =	vsel vm2, $0x3F800000, v1  }
0x12c: {  	v7 =	vmul.f32 v7, v7;
	v25 =	vld [tilespmem:s11+$0xA040];
	v3 =	vadd.f32 v8, v3;
	v8 =	vnsel vm2, $0x0, v9  }
0x12d: {  	v6 =	vadd.f32 v9, v6;
	v26 =	vld [tilespmem:s11+$0x4030];
	v5 =	vadd.f32 v8, v5;
	v8 =	vsel vm1, $0x3F800000, v1  }
0x12e: {  	v4 =	vmul.f32 v4, v4;
	v10 =	vnsel vm1, $0x0, v7;
	v27 =	vld [tilespmem:s11+$0xA030];
	v3 =	vadd.f32 v8, v3  }
0x12f: {  	v6 =	vadd.f32 v7, v6;
	v8 =	vld [tilespmem:s11+$0xA020];
	v5 =	vadd.f32 v10, v5;
	v10 =	vsel vm0, $0x3F800000, v1  }
0x130: {  	s9 =	sadd.s32 $0x80, s9;
	v15 =	vsel vm6, $0xFFFFFFFF, v17;
	v16 =	vnsel vm0, $0x0, v4;
	v28 =	vld [tilespmem:s11+$0x4000];
	v3 =	vadd.f32 v10, v3  }
0x131: {  	v14 =	vsel vm7, $0xFFFFFFFF, v14;
	v6 =	vadd.f32 v4, v6;
	v10 =	vld [tilespmem:s11+$0xA000];
	[tilespmem:s9+$0xFFFFFF90] =	vst v15;
	v5 =	vadd.f32 v16, v5  }
0x132: {  	v12 =	vsel vm4, $0xFFFFFFFF, v12;
	v11 =	vsel vm3, $0xFFFFFFFF, v11;
	v15 =	vld [tilespmem:s11+$0x4010];
	[tilespmem:s9+$0xFFFFFFA0] =	vst v14;
	v14 =	vsel vm5, $0xFFFFFFFF, v13  }
.Ltmp4:
0x133: {  	v29 =	vsel vm2, $0xFFFFFFFF, v9;
	v30 =	vsel vm1, $0xFFFFFFFF, v7;
	v13 =	vld [tilespmem:s11+$0xA010];
	[tilespmem:s9+$0xFFFFFFB0] =	vst v14;
	v14 =	vsel vm0, $0xFFFFFFFF, v4;
	(pc) =	sbr.rel @p3 .LBB2_6-.Ltmp4, $4  }
0x134: {  	vm1 =	vgt.f32 v21, $0.0e+00;
	v4 =	vsub.f32 v18, v19;
	vm0 =	vgt.f32 v19, $0.0e+00;
	v16 =	vld [tilespmem:s11+$0x4020];
	[tilespmem:s9+$0xFFFFFFC0] =	vst v12  }
0x135: {  	v7 =	vsub.f32 v20, v21;
	vm2 =	vgt.f32 v23, $0.0e+00;
	vm3 =	vgt.f32 v25, $0.0e+00;
	[tilespmem:s9+$0xFFFFFFD0] =	vst v11  }
0x136: {  	v9 =	vsub.f32 v22, v23;
	vm4 =	vgt.f32 v27, $0.0e+00;
	v17 =	vsub.f32 v28, v10;
	[tilespmem:s9+$0xFFFFFFE0] =	vst v29  }
0x137: {  	vm5 =	vgt.f32 v8, $0.0e+00;
	v12 =	vsub.f32 v26, v27;
	v11 =	vsub.f32 v24, v25;
	[tilespmem:s9+$0xFFFFFFF0] =	vst v30  }
0x138: {  	v15 =	vsub.f32 v15, v13;
	v17 =	vmul.f32 v17, v17  }
0x139: {  	vm7 =	vgt.f32 v10, $0.0e+00;
	vm6 =	vgt.f32 v13, $0.0e+00;
	v12 =	vmul.f32 v12, v12  }
0x13a: {  	[tilespmem:s9+$0x0] =	vst v14;
	s8 =	sadd.s32 $0x80, s9;
	v8 =	vsub.f32 v16, v8;
	v10 =	vmul.f32 v15, v15;
	v13 =	vsel vm7, $0xFFFFFFFF, v17  }
0x13b: {  	v9 =	vmul.f32 v9, v9;
	[tilespmem:s8+$0xFFFFFF90] =	vst v13;
	v14 =	vsel vm4, $0xFFFFFFFF, v12  }
0x13c: {  	v8 =	vmul.f32 v8, v8;
	v13 =	vsel vm6, $0xFFFFFFFF, v10;
	[tilespmem:s8+$0xFFFFFFC0] =	vst v14  }
0x13d: {  	v4 =	vmul.f32 v4, v4;
	v14 =	vsel vm2, $0xFFFFFFFF, v9;
	[tilespmem:s8+$0xFFFFFFA0] =	vst v13  }
0x13e: {  	v11 =	vmul.f32 v11, v11;
	v13 =	vsel vm5, $0xFFFFFFFF, v8;
	[tilespmem:s8+$0xFFFFFFE0] =	vst v14  }
0x13f: {  	v7 =	vmul.f32 v7, v7;
	v14 =	vsel vm0, $0xFFFFFFFF, v4;
	[tilespmem:s8+$0xFFFFFFB0] =	vst v13  }
0x140: {  	v13 =	vsel vm3, $0xFFFFFFFF, v11;
	[tilespmem:s8+$0x0] =	vst v14  }
0x141: {  	[tilespmem:s8+$0xFFFFFFD0] =	vst v13;
	v13 =	vsel vm1, $0xFFFFFFFF, v7  }
0x142: {  	[tilespmem:s8+$0xFFFFFFF0] =	vst v13  }
0x143: {  	s17 =	simm.s32 $0x0;
	s18 =	rddreg [dreg:$0x10]  }
0x144: {  	[tilespmem:s14], [sflag:$0x3] =	stream.linear.gather [hbm4b:s18+s17], $0x2000, $0x38;
	[tilespmem:$0x1C750] =	vst v63  }
0x145: {  	s19 =	rddreg [dreg:$0x11]  }
0x146: {  	[tilespmem:s15], [sflag:$0x3] =	stream.linear.gather [hbm4b:s19+s17], $0x2000, $0x38;
	[tilespmem:$0x1C750] =	vst v63  }
0x147: {  	_ =	swait.ge [sflag:s2], $0x2000  }
0x148: {  	[sflag:s2] =	ssyncset.done $0x0  }
0x149: {  	s20 =	simm.s32 $0x0;
	s10 =	simm.s32 $0x0;
	[sflag:s2] =	ssyncadd.s32 $0xFFFFE000  }
0x14a: {  	s9 =	sand.u32 $0x1000, s20;
	s8 =	sand.u32 $0xC00, s17;
	v13 =	vsel vm7, $0x3F800000, v1;
	_ =	swait.ge [sflag:s2], $0x2000  }
0x14b: {  	s21 =	sand.u32 $0x380, s10;
	s8 =	sor.u32 s8, s9;
	v3 =	vadd.f32 v13, v3;
	v13 =	vnsel vm7, $0x0, v17;
	[sflag:s2] =	ssyncset.done $0x0  }
0x14c: {  	v6 =	vadd.f32 v17, v6;
	s8 =	sor.u32 s21, s8;
	v5 =	vadd.f32 v13, v5;
	v13 =	vsel vm6, $0x3F800000, v1;
	[sflag:s2] =	ssyncadd.s32 $0xFFFFE000  }
0x14d: {  	v3 =	vadd.f32 v13, v3;
	v13 =	vnsel vm6, $0x0, v10;
	v14 =	vld [tilespmem:s8+$0x70]  }
0x14e: {  	v6 =	vadd.f32 v10, v6;
	v10 =	vsel vm5, $0x3F800000, v1;
	v5 =	vadd.f32 v13, v5;
	v15 =	vld [tilespmem:s8+$0x6070]  }
0x14f: {  	v3 =	vadd.f32 v10, v3;
	v10 =	vnsel vm5, $0x0, v8;
	v13 =	vld [tilespmem:s8+$0x60]  }
0x150: {  	v6 =	vadd.f32 v8, v6;
	v8 =	vsel vm4, $0x3F800000, v1;
	v5 =	vadd.f32 v10, v5;
	v16 =	vld [tilespmem:s8+$0x6060]  }
0x151: {  	v3 =	vadd.f32 v8, v3;
	v8 =	vnsel vm4, $0x0, v12;
	v10 =	vld [tilespmem:s8+$0x50]  }
0x152: {  	v6 =	vadd.f32 v12, v6;
	v5 =	vadd.f32 v8, v5;
	v8 =	vsel vm3, $0x3F800000, v1;
	v17 =	vld [tilespmem:s8+$0x6050]  }
0x153: {  	v3 =	vadd.f32 v8, v3;
	v8 =	vnsel vm3, $0x0, v11;
	v12 =	vld [tilespmem:s8+$0x40]  }
0x154: {  	v6 =	vadd.f32 v11, v6;
	v5 =	vadd.f32 v8, v5;
	v8 =	vsel vm2, $0x3F800000, v1;
	v18 =	vld [tilespmem:s8+$0x6040]  }
0x155: {  	v11 =	vld [tilespmem:s8+$0x30];
	v3 =	vadd.f32 v8, v3;
	v8 =	vnsel vm2, $0x0, v9  }
0x156: {  	v6 =	vadd.f32 v9, v6;
	v19 =	vld [tilespmem:s8+$0x6030];
	v5 =	vadd.f32 v8, v5;
	v8 =	vsel vm1, $0x3F800000, v1  }
0x157: {  	v9 =	vld [tilespmem:s8+$0x6020];
	v3 =	vadd.f32 v8, v3;
	v8 =	vnsel vm1, $0x0, v7  }
0x158: {  	v6 =	vadd.f32 v7, v6;
	v20 =	vld [tilespmem:s8+$0x0];
	v7 =	vsel vm0, $0x3F800000, v1;
	v5 =	vadd.f32 v8, v5  }
0x159: {  	v8 =	vld [tilespmem:s8+$0x6000];
	v3 =	vadd.f32 v7, v3;
	v7 =	vnsel vm0, $0x0, v4  }
0x15a: {  	v21 =	vld [tilespmem:s8+$0x10];
	v4 =	vadd.f32 v4, v6;
	v5 =	vadd.f32 v7, v5  }
0x15b: {  	v6 =	vld [tilespmem:s8+$0x6010];
	vm0 =	vgt.f32 v16, $0.0e+00;
	v14 =	vsub.f32 v14, v15;
	vm1 =	vgt.f32 v15, $0.0e+00  }
0x15c: {  	v7 =	vld [tilespmem:s8+$0x20];
	vm3 =	vgt.f32 v18, $0.0e+00;
	v13 =	vsub.f32 v13, v16;
	v11 =	vsub.f32 v11, v19  }
0x15d: {  	vm2 =	vgt.f32 v17, $0.0e+00;
	v10 =	vsub.f32 v10, v17;
	v12 =	vsub.f32 v12, v18  }
0x15e: {  	vm4 =	vgt.f32 v19, $0.0e+00;
	v11 =	vmul.f32 v11, v11;
	v15 =	vsub.f32 v20, v8  }
0x15f: {  	vm5 =	vgt.f32 v9, $0.0e+00;
	v12 =	vmul.f32 v12, v12;
	v61 =	vmul.f32 v10, v10  }
0x160: {  	s22 =	simm.s32 $0x80;
	s8 =	simm.s32 $0x400;
	vm7 =	vgt.f32 v8, $0.0e+00;
	v8 =	vsub.f32 v21, v6;
	v15 =	vmul.f32 v15, v15  }
0x161: {  	s11 =	simm.s32 $0x20;
	s9 =	sand.u32 $0x1000, s22;
	s23 =	sand.u32 $0xC00, s8;
	v16 =	vsel vm7, $0x3F800000, v1;
	vm6 =	vgt.f32 v6, $0.0e+00;
	v6 =	vsub.f32 v7, v9  }
0x162: {  	s26 =	sand.u32 $0x380, s11;
	s9 =	sor.u32 s23, s9;
	v3 =	vadd.f32 v16, v3;
	v8 =	vmul.f32 v8, v8;
	v7 =	vnsel vm7, $0x0, v15  }
0x163: {  	s11 =	sor.u32 s26, s9;
	v4 =	vadd.f32 v15, v4;
	v5 =	vadd.f32 v7, v5;
	v7 =	vsel vm6, $0x3F800000, v1  }
0x164: {  	v17 =	vld [tilespmem:s11+$0x60];
	v9 =	vmul.f32 v6, v6;
	v3 =	vadd.f32 v7, v3;
	v7 =	vnsel vm6, $0x0, v8  }
0x165: {  	v18 =	vld [tilespmem:s11+$0x6060];
	v6 =	vsel vm5, $0x3F800000, v1;
	v4 =	vadd.f32 v8, v4;
	v5 =	vadd.f32 v7, v5  }
0x166: {  	v13 =	vmul.f32 v13, v13;
	v19 =	vld [tilespmem:s11+$0x50];
	v3 =	vadd.f32 v6, v3;
	v6 =	vnsel vm5, $0x0, v9  }
0x167: {  	v62 =	vld [tilespmem:s11+$0x6050];
	v4 =	vadd.f32 v9, v4;
	v5 =	vadd.f32 v6, v5;
	v6 =	vsel vm4, $0x3F800000, v1  }
0x168: {  	v14 =	vmul.f32 v14, v14;
	v22 =	vld [tilespmem:s11+$0x40];
	v3 =	vadd.f32 v6, v3;
	v6 =	vnsel vm4, $0x0, v11  }
0x169: {  	v23 =	vld [tilespmem:s11+$0x6040];
	v4 =	vadd.f32 v11, v4;
	v5 =	vadd.f32 v6, v5;
	v6 =	vsel vm3, $0x3F800000, v1  }
0x16a: {  	v24 =	vld [tilespmem:s11+$0x30];
	v63 =	vsel vm0, $0xFFFFFFFF, v13;
	v3 =	vadd.f32 v6, v3;
	v6 =	vnsel vm3, $0x0, v12  }
0x16b: {  	v16 =	vld [tilespmem:s11+$0x6070];
	v4 =	vadd.f32 v12, v4;
	v5 =	vadd.f32 v6, v5;
	v6 =	vsel vm2, $0x3F800000, v1  }
0x16c: {  	v25 =	vld [tilespmem:s11+$0x6030];
	v15 =	vsel vm7, $0xFFFFFFFF, v15;
	v3 =	vadd.f32 v6, v3;
	v6 =	vnsel vm2, $0x0, v61  }
0x16d: {  	s9 =	simm.s32 $0x12070;
	v26 =	vld [tilespmem:s11+$0x0];
	v4 =	vadd.f32 v61, v4;
	v5 =	vadd.f32 v6, v5;
	v6 =	vsel vm0, $0x3F800000, v1  }
0x16e: {  	[tilespmem:s9+$0xFFFFFF90] =	vst v15;
	v15 =	vsel vm6, $0xFFFFFFFF, v8;
	v7 =	vld [tilespmem:s11+$0x70];
	v3 =	vadd.f32 v6, v3;
	v6 =	vnsel vm0, $0x0, v13  }
0x16f: {  	v10 =	vld [tilespmem:s11+$0x6000];
	v4 =	vadd.f32 v13, v4;
	v5 =	vadd.f32 v6, v5;
	v6 =	vsel vm1, $0x3F800000, v1  }
0x170: {  	v8 =	vld [tilespmem:s11+$0x6020];
	vm0 =	vgt.f32 v16, $0.0e+00;
	v3 =	vadd.f32 v6, v3;
	v6 =	vnsel vm1, $0x0, v14  }
0x171: {  	[tilespmem:s9+$0xFFFFFFA0] =	vst v15;
	v15 =	vld [tilespmem:s11+$0x10];
	v5 =	vadd.f32 v6, v5;
	v6 =	vadd.f32 v14, v4;
	v4 =	vsel vm5, $0xFFFFFFFF, v9  }
0x172: {  	[tilespmem:s9+$0xFFFFFFF0] =	vst v63;
	v13 =	vld [tilespmem:s11+$0x6010];
	v9 =	vsel vm4, $0xFFFFFFFF, v11;
	v11 =	vsel vm3, $0xFFFFFFFF, v12;
	v12 =	vsel vm2, $0xFFFFFFFF, v61  }
0x173: {  	v14 =	vsel vm1, $0xFFFFFFFF, v14;
	vm1 =	vgt.f32 v18, $0.0e+00;
	[tilespmem:s9+$0xFFFFFFB0] =	vst v4;
	v4 =	vsub.f32 v7, v16;
	v16 =	vld [tilespmem:s11+$0x20]  }
0x174: {  	vm3 =	vgt.f32 v23, $0.0e+00;
	vm2 =	vgt.f32 v62, $0.0e+00;
	[tilespmem:s9+$0xFFFFFFC0] =	vst v9;
	v7 =	vsub.f32 v17, v18  }
0x175: {  	vm4 =	vgt.f32 v25, $0.0e+00;
	[tilespmem:s9+$0xFFFFFFD0] =	vst v11;
	v17 =	vsub.f32 v26, v10;
	v9 =	vsub.f32 v19, v62  }
0x176: {  	s10 =	simm.s32 $0x8;
	vm5 =	vgt.f32 v8, $0.0e+00;
	[tilespmem:s9+$0xFFFFFFE0] =	vst v12;
	v12 =	vsub.f32 v24, v25;
	v11 =	vsub.f32 v22, v23  }
.LBB2_8:
0x177: {  	s10 =	sadd.s32 $0x8, s10;
	v17 =	vmul.f32 v17, v17;
	vm6 =	vgt.f32 v10, $0.0e+00;
	v10 =	vsub.f32 v15, v13;
	[tilespmem:s9+$0x0] =	vst v14  }
0x178: {  	vm7 =	vgt.f32 v13, $0.0e+00;
	s8 =	sadd.s32 $0x400, s8;
	s11 =	sshll.u32 s10, $0x4;
	p3 =	slt.u32 s10, $0x1F8;
	v14 =	vsel vm6, $0x3F800000, v1;
	v8 =	vsub.f32 v16, v8  }
0x179: {  	s12 =	sand.u32 $0xC00, s8;
	s13 =	sshll.u32 s10, $0x2;
	s11 =	sand.u32 $0x1000, s11;
	v3 =	vadd.f32 v14, v3;
	v13 =	vnsel vm6, $0x0, v17;
	v14 =	vmul.f32 v10, v10  }
0x17a: {  	v6 =	vadd.f32 v17, v6;
	v10 =	vsel vm7, $0x3F800000, v1;
	s11 =	sor.u32 s12, s11;
	s12 =	sand.u32 $0x380, s13;
	v5 =	vadd.f32 v13, v5  }
0x17b: {  	v13 =	vmul.f32 v8, v8;
	s11 =	sor.u32 s12, s11;
	v3 =	vadd.f32 v10, v3;
	v10 =	vnsel vm7, $0x0, v14  }
0x17c: {  	v8 =	vsel vm5, $0x3F800000, v1;
	v6 =	vadd.f32 v14, v6;
	v18 =	vld [tilespmem:s11+$0x70];
	v5 =	vadd.f32 v10, v5  }
0x17d: {  	v12 =	vmul.f32 v12, v12;
	v19 =	vld [tilespmem:s11+$0x6070];
	v3 =	vadd.f32 v8, v3;
	v8 =	vnsel vm5, $0x0, v13  }
0x17e: {  	v6 =	vadd.f32 v13, v6;
	v20 =	vld [tilespmem:s11+$0x60];
	v5 =	vadd.f32 v8, v5;
	v8 =	vsel vm4, $0x3F800000, v1  }
0x17f: {  	v11 =	vmul.f32 v11, v11;
	v21 =	vld [tilespmem:s11+$0x6060];
	v3 =	vadd.f32 v8, v3;
	v8 =	vnsel vm4, $0x0, v12  }
0x180: {  	v6 =	vadd.f32 v12, v6;
	v22 =	vld [tilespmem:s11+$0x50];
	v5 =	vadd.f32 v8, v5;
	v8 =	vsel vm3, $0x3F800000, v1  }
0x181: {  	v9 =	vmul.f32 v9, v9;
	v23 =	vld [tilespmem:s11+$0x6050];
	v3 =	vadd.f32 v8, v3;
	v8 =	vnsel vm3, $0x0, v11  }
0x182: {  	v6 =	vadd.f32 v11, v6;
	v24 =	vld [tilespmem:s11+$0x40];
	v5 =	vadd.f32 v8, v5;
	v8 =	vsel vm2, $0x3F800000, v1  }
0x183: {  	v7 =	vmul.f32 v7, v7;
	v25 =	vld [tilespmem:s11+$0x6040];
	v3 =	vadd.f32 v8, v3;
	v8 =	vnsel vm2, $0x0, v9  }
0x184: {  	v6 =	vadd.f32 v9, v6;
	v26 =	vld [tilespmem:s11+$0x30];
	v5 =	vadd.f32 v8, v5;
	v8 =	vsel vm1, $0x3F800000, v1  }
0x185: {  	v4 =	vmul.f32 v4, v4;
	v10 =	vnsel vm1, $0x0, v7;
	v27 =	vld [tilespmem:s11+$0x6030];
	v3 =	vadd.f32 v8, v3  }
0x186: {  	v6 =	vadd.f32 v7, v6;
	v8 =	vld [tilespmem:s11+$0x6020];
	v5 =	vadd.f32 v10, v5;
	v10 =	vsel vm0, $0x3F800000, v1  }
0x187: {  	s9 =	sadd.s32 $0x80, s9;
	v15 =	vsel vm6, $0xFFFFFFFF, v17;
	v16 =	vnsel vm0, $0x0, v4;
	v28 =	vld [tilespmem:s11+$0x0];
	v3 =	vadd.f32 v10, v3  }
0x188: {  	v14 =	vsel vm7, $0xFFFFFFFF, v14;
	v6 =	vadd.f32 v4, v6;
	v10 =	vld [tilespmem:s11+$0x6000];
	[tilespmem:s9+$0xFFFFFF90] =	vst v15;
	v5 =	vadd.f32 v16, v5  }
0x189: {  	v12 =	vsel vm4, $0xFFFFFFFF, v12;
	v11 =	vsel vm3, $0xFFFFFFFF, v11;
	v15 =	vld [tilespmem:s11+$0x10];
	[tilespmem:s9+$0xFFFFFFA0] =	vst v14;
	v14 =	vsel vm5, $0xFFFFFFFF, v13  }
.Ltmp5:
0x18a: {  	v29 =	vsel vm2, $0xFFFFFFFF, v9;
	v30 =	vsel vm1, $0xFFFFFFFF, v7;
	v13 =	vld [tilespmem:s11+$0x6010];
	[tilespmem:s9+$0xFFFFFFB0] =	vst v14;
	v14 =	vsel vm0, $0xFFFFFFFF, v4;
	(pc) =	sbr.rel @p3 .LBB2_8-.Ltmp5, $4  }
0x18b: {  	vm1 =	vgt.f32 v21, $0.0e+00;
	v4 =	vsub.f32 v18, v19;
	vm0 =	vgt.f32 v19, $0.0e+00;
	v16 =	vld [tilespmem:s11+$0x20];
	[tilespmem:s9+$0xFFFFFFC0] =	vst v12  }
0x18c: {  	v7 =	vsub.f32 v20, v21;
	vm2 =	vgt.f32 v23, $0.0e+00;
	vm3 =	vgt.f32 v25, $0.0e+00;
	[tilespmem:s9+$0xFFFFFFD0] =	vst v11  }
0x18d: {  	v9 =	vsub.f32 v22, v23;
	vm4 =	vgt.f32 v27, $0.0e+00;
	v17 =	vsub.f32 v28, v10;
	[tilespmem:s9+$0xFFFFFFE0] =	vst v29  }
0x18e: {  	vm5 =	vgt.f32 v8, $0.0e+00;
	v12 =	vsub.f32 v26, v27;
	v11 =	vsub.f32 v24, v25;
	[tilespmem:s9+$0xFFFFFFF0] =	vst v30  }
0x18f: {  	v15 =	vsub.f32 v15, v13;
	v17 =	vmul.f32 v17, v17  }
0x190: {  	vm7 =	vgt.f32 v10, $0.0e+00;
	vm6 =	vgt.f32 v13, $0.0e+00;
	v12 =	vmul.f32 v12, v12  }
0x191: {  	[tilespmem:s9+$0x0] =	vst v14;
	s8 =	sadd.s32 $0x80, s9;
	v8 =	vsub.f32 v16, v8;
	v10 =	vmul.f32 v15, v15;
	v13 =	vsel vm7, $0xFFFFFFFF, v17  }
0x192: {  	v9 =	vmul.f32 v9, v9;
	[tilespmem:s8+$0xFFFFFF90] =	vst v13;
	v14 =	vsel vm4, $0xFFFFFFFF, v12  }
0x193: {  	v8 =	vmul.f32 v8, v8;
	v13 =	vsel vm6, $0xFFFFFFFF, v10;
	[tilespmem:s8+$0xFFFFFFC0] =	vst v14  }
0x194: {  	v4 =	vmul.f32 v4, v4;
	v14 =	vsel vm2, $0xFFFFFFFF, v9;
	[tilespmem:s8+$0xFFFFFFA0] =	vst v13  }
0x195: {  	v11 =	vmul.f32 v11, v11;
	v13 =	vsel vm5, $0xFFFFFFFF, v8;
	[tilespmem:s8+$0xFFFFFFE0] =	vst v14  }
0x196: {  	v7 =	vmul.f32 v7, v7;
	v14 =	vsel vm0, $0xFFFFFFFF, v4;
	[tilespmem:s8+$0xFFFFFFB0] =	vst v13  }
0x197: {  	v13 =	vsel vm3, $0xFFFFFFFF, v11;
	[tilespmem:s8+$0x0] =	vst v14  }
0x198: {  	[tilespmem:s8+$0xFFFFFFD0] =	vst v13;
	v13 =	vsel vm1, $0xFFFFFFFF, v7  }
0x199: {  	[tilespmem:s8+$0xFFFFFFF0] =	vst v13  }
0x19a: {  	s17 =	simm.s32 $0x0;
	s18 =	rddreg [dreg:$0x13]  }
0x19b: {  	[tilespmem:s17], [sflag:$0x1] =	stream.linear.gather [hbm4b:s18+s17], $0x2000, $0x38;
	[tilespmem:$0x1C750] =	vst v63  }
0x19c: {  	s19 =	rddreg [dreg:$0x14]  }
0x19d: {  	[tilespmem:s28], [sflag:$0x1] =	stream.linear.gather [hbm4b:s19+s17], $0x2000, $0x38;
	[tilespmem:$0x1C750] =	vst v63  }
0x19e: {  	_ =	swait.ge [sflag:s4], $0x2000  }
0x19f: {  	[sflag:s4] =	ssyncset.done $0x0  }
0x1a0: {  	s20 =	simm.s32 $0x0;
	s10 =	simm.s32 $0x0;
	[sflag:s4] =	ssyncadd.s32 $0xFFFFE000  }
0x1a1: {  	s9 =	sand.u32 $0x1000, s20;
	s8 =	sand.u32 $0xC00, s17;
	v13 =	vsel vm7, $0x3F800000, v1;
	_ =	swait.ge [sflag:s4], $0x2000  }
0x1a2: {  	s21 =	sand.u32 $0x380, s10;
	s8 =	sor.u32 s8, s9;
	v3 =	vadd.f32 v13, v3;
	v13 =	vnsel vm7, $0x0, v17;
	[sflag:s4] =	ssyncset.done $0x0  }
0x1a3: {  	v6 =	vadd.f32 v17, v6;
	s8 =	sor.u32 s21, s8;
	v5 =	vadd.f32 v13, v5;
	v13 =	vsel vm6, $0x3F800000, v1;
	[sflag:s4] =	ssyncadd.s32 $0xFFFFE000  }
0x1a4: {  	v3 =	vadd.f32 v13, v3;
	v13 =	vnsel vm6, $0x0, v10;
	v14 =	vld [tilespmem:s8+$0x2070]  }
0x1a5: {  	v6 =	vadd.f32 v10, v6;
	v10 =	vsel vm5, $0x3F800000, v1;
	v5 =	vadd.f32 v13, v5;
	v15 =	vld [tilespmem:s8+$0x8070]  }
0x1a6: {  	v3 =	vadd.f32 v10, v3;
	v10 =	vnsel vm5, $0x0, v8;
	v13 =	vld [tilespmem:s8+$0x2060]  }
0x1a7: {  	v6 =	vadd.f32 v8, v6;
	v8 =	vsel vm4, $0x3F800000, v1;
	v5 =	vadd.f32 v10, v5;
	v16 =	vld [tilespmem:s8+$0x8060]  }
0x1a8: {  	v3 =	vadd.f32 v8, v3;
	v8 =	vnsel vm4, $0x0, v12;
	v10 =	vld [tilespmem:s8+$0x2050]  }
0x1a9: {  	v6 =	vadd.f32 v12, v6;
	v5 =	vadd.f32 v8, v5;
	v8 =	vsel vm3, $0x3F800000, v1;
	v17 =	vld [tilespmem:s8+$0x8050]  }
0x1aa: {  	v3 =	vadd.f32 v8, v3;
	v8 =	vnsel vm3, $0x0, v11;
	v12 =	vld [tilespmem:s8+$0x2040]  }
0x1ab: {  	v6 =	vadd.f32 v11, v6;
	v5 =	vadd.f32 v8, v5;
	v8 =	vsel vm2, $0x3F800000, v1;
	v18 =	vld [tilespmem:s8+$0x8040]  }
0x1ac: {  	v11 =	vld [tilespmem:s8+$0x2030];
	v3 =	vadd.f32 v8, v3;
	v8 =	vnsel vm2, $0x0, v9  }
0x1ad: {  	v6 =	vadd.f32 v9, v6;
	v19 =	vld [tilespmem:s8+$0x8030];
	v5 =	vadd.f32 v8, v5;
	v8 =	vsel vm1, $0x3F800000, v1  }
0x1ae: {  	v9 =	vld [tilespmem:s8+$0x8020];
	v3 =	vadd.f32 v8, v3;
	v8 =	vnsel vm1, $0x0, v7  }
0x1af: {  	v6 =	vadd.f32 v7, v6;
	v20 =	vld [tilespmem:s8+$0x2000];
	v7 =	vsel vm0, $0x3F800000, v1;
	v5 =	vadd.f32 v8, v5  }
0x1b0: {  	v8 =	vld [tilespmem:s8+$0x8000];
	v3 =	vadd.f32 v7, v3;
	v7 =	vnsel vm0, $0x0, v4  }
0x1b1: {  	v21 =	vld [tilespmem:s8+$0x2010];
	v4 =	vadd.f32 v4, v6;
	v5 =	vadd.f32 v7, v5  }
0x1b2: {  	v6 =	vld [tilespmem:s8+$0x8010];
	vm0 =	vgt.f32 v16, $0.0e+00;
	v14 =	vsub.f32 v14, v15;
	vm1 =	vgt.f32 v15, $0.0e+00  }
0x1b3: {  	v7 =	vld [tilespmem:s8+$0x2020];
	vm3 =	vgt.f32 v18, $0.0e+00;
	v13 =	vsub.f32 v13, v16;
	v11 =	vsub.f32 v11, v19  }
0x1b4: {  	vm2 =	vgt.f32 v17, $0.0e+00;
	v10 =	vsub.f32 v10, v17;
	v12 =	vsub.f32 v12, v18  }
0x1b5: {  	vm4 =	vgt.f32 v19, $0.0e+00;
	v11 =	vmul.f32 v11, v11;
	v15 =	vsub.f32 v20, v8  }
0x1b6: {  	vm5 =	vgt.f32 v9, $0.0e+00;
	v12 =	vmul.f32 v12, v12;
	v61 =	vmul.f32 v10, v10  }
0x1b7: {  	s22 =	simm.s32 $0x80;
	s8 =	simm.s32 $0x400;
	vm7 =	vgt.f32 v8, $0.0e+00;
	v8 =	vsub.f32 v21, v6;
	v15 =	vmul.f32 v15, v15  }
0x1b8: {  	s11 =	simm.s32 $0x20;
	s9 =	sand.u32 $0x1000, s22;
	s23 =	sand.u32 $0xC00, s8;
	v16 =	vsel vm7, $0x3F800000, v1;
	vm6 =	vgt.f32 v6, $0.0e+00;
	v6 =	vsub.f32 v7, v9  }
0x1b9: {  	s26 =	sand.u32 $0x380, s11;
	s9 =	sor.u32 s23, s9;
	v3 =	vadd.f32 v16, v3;
	v8 =	vmul.f32 v8, v8;
	v7 =	vnsel vm7, $0x0, v15  }
0x1ba: {  	s11 =	sor.u32 s26, s9;
	v4 =	vadd.f32 v15, v4;
	v5 =	vadd.f32 v7, v5;
	v7 =	vsel vm6, $0x3F800000, v1  }
0x1bb: {  	v17 =	vld [tilespmem:s11+$0x2060];
	v9 =	vmul.f32 v6, v6;
	v3 =	vadd.f32 v7, v3;
	v7 =	vnsel vm6, $0x0, v8  }
0x1bc: {  	v18 =	vld [tilespmem:s11+$0x8060];
	v6 =	vsel vm5, $0x3F800000, v1;
	v4 =	vadd.f32 v8, v4;
	v5 =	vadd.f32 v7, v5  }
0x1bd: {  	v13 =	vmul.f32 v13, v13;
	v19 =	vld [tilespmem:s11+$0x2050];
	v3 =	vadd.f32 v6, v3;
	v6 =	vnsel vm5, $0x0, v9  }
0x1be: {  	v62 =	vld [tilespmem:s11+$0x8050];
	v4 =	vadd.f32 v9, v4;
	v5 =	vadd.f32 v6, v5;
	v6 =	vsel vm4, $0x3F800000, v1  }
0x1bf: {  	v14 =	vmul.f32 v14, v14;
	v22 =	vld [tilespmem:s11+$0x2040];
	v3 =	vadd.f32 v6, v3;
	v6 =	vnsel vm4, $0x0, v11  }
0x1c0: {  	v23 =	vld [tilespmem:s11+$0x8040];
	v4 =	vadd.f32 v11, v4;
	v5 =	vadd.f32 v6, v5;
	v6 =	vsel vm3, $0x3F800000, v1  }
0x1c1: {  	v24 =	vld [tilespmem:s11+$0x2030];
	v63 =	vsel vm0, $0xFFFFFFFF, v13;
	v3 =	vadd.f32 v6, v3;
	v6 =	vnsel vm3, $0x0, v12  }
0x1c2: {  	v16 =	vld [tilespmem:s11+$0x8070];
	v4 =	vadd.f32 v12, v4;
	v5 =	vadd.f32 v6, v5;
	v6 =	vsel vm2, $0x3F800000, v1  }
0x1c3: {  	v25 =	vld [tilespmem:s11+$0x8030];
	v15 =	vsel vm7, $0xFFFFFFFF, v15;
	v3 =	vadd.f32 v6, v3;
	v6 =	vnsel vm2, $0x0, v61  }
0x1c4: {  	s9 =	simm.s32 $0x14070;
	v26 =	vld [tilespmem:s11+$0x2000];
	v4 =	vadd.f32 v61, v4;
	v5 =	vadd.f32 v6, v5;
	v6 =	vsel vm0, $0x3F800000, v1  }
0x1c5: {  	[tilespmem:s9+$0xFFFFFF90] =	vst v15;
	v15 =	vsel vm6, $0xFFFFFFFF, v8;
	v7 =	vld [tilespmem:s11+$0x2070];
	v3 =	vadd.f32 v6, v3;
	v6 =	vnsel vm0, $0x0, v13  }
0x1c6: {  	v10 =	vld [tilespmem:s11+$0x8000];
	v4 =	vadd.f32 v13, v4;
	v5 =	vadd.f32 v6, v5;
	v6 =	vsel vm1, $0x3F800000, v1  }
0x1c7: {  	v8 =	vld [tilespmem:s11+$0x8020];
	vm0 =	vgt.f32 v16, $0.0e+00;
	v3 =	vadd.f32 v6, v3;
	v6 =	vnsel vm1, $0x0, v14  }
0x1c8: {  	[tilespmem:s9+$0xFFFFFFA0] =	vst v15;
	v15 =	vld [tilespmem:s11+$0x2010];
	v5 =	vadd.f32 v6, v5;
	v6 =	vadd.f32 v14, v4;
	v4 =	vsel vm5, $0xFFFFFFFF, v9  }
0x1c9: {  	[tilespmem:s9+$0xFFFFFFF0] =	vst v63;
	v13 =	vld [tilespmem:s11+$0x8010];
	v9 =	vsel vm4, $0xFFFFFFFF, v11;
	v11 =	vsel vm3, $0xFFFFFFFF, v12;
	v12 =	vsel vm2, $0xFFFFFFFF, v61  }
0x1ca: {  	v14 =	vsel vm1, $0xFFFFFFFF, v14;
	vm1 =	vgt.f32 v18, $0.0e+00;
	[tilespmem:s9+$0xFFFFFFB0] =	vst v4;
	v4 =	vsub.f32 v7, v16;
	v16 =	vld [tilespmem:s11+$0x2020]  }
0x1cb: {  	vm3 =	vgt.f32 v23, $0.0e+00;
	vm2 =	vgt.f32 v62, $0.0e+00;
	[tilespmem:s9+$0xFFFFFFC0] =	vst v9;
	v7 =	vsub.f32 v17, v18  }
0x1cc: {  	vm4 =	vgt.f32 v25, $0.0e+00;
	[tilespmem:s9+$0xFFFFFFD0] =	vst v11;
	v17 =	vsub.f32 v26, v10;
	v9 =	vsub.f32 v19, v62  }
0x1cd: {  	s10 =	simm.s32 $0x8;
	vm5 =	vgt.f32 v8, $0.0e+00;
	[tilespmem:s9+$0xFFFFFFE0] =	vst v12;
	v12 =	vsub.f32 v24, v25;
	v11 =	vsub.f32 v22, v23  }
.LBB2_10:
0x1ce: {  	s10 =	sadd.s32 $0x8, s10;
	v17 =	vmul.f32 v17, v17;
	vm6 =	vgt.f32 v10, $0.0e+00;
	v10 =	vsub.f32 v15, v13;
	[tilespmem:s9+$0x0] =	vst v14  }
0x1cf: {  	vm7 =	vgt.f32 v13, $0.0e+00;
	s8 =	sadd.s32 $0x400, s8;
	s11 =	sshll.u32 s10, $0x4;
	p3 =	slt.u32 s10, $0x1F8;
	v14 =	vsel vm6, $0x3F800000, v1;
	v8 =	vsub.f32 v16, v8  }
0x1d0: {  	s12 =	sand.u32 $0xC00, s8;
	s13 =	sshll.u32 s10, $0x2;
	s11 =	sand.u32 $0x1000, s11;
	v3 =	vadd.f32 v14, v3;
	v13 =	vnsel vm6, $0x0, v17;
	v14 =	vmul.f32 v10, v10  }
0x1d1: {  	v6 =	vadd.f32 v17, v6;
	v10 =	vsel vm7, $0x3F800000, v1;
	s11 =	sor.u32 s12, s11;
	s12 =	sand.u32 $0x380, s13;
	v5 =	vadd.f32 v13, v5  }
0x1d2: {  	v13 =	vmul.f32 v8, v8;
	s11 =	sor.u32 s12, s11;
	v3 =	vadd.f32 v10, v3;
	v10 =	vnsel vm7, $0x0, v14  }
0x1d3: {  	v8 =	vsel vm5, $0x3F800000, v1;
	v6 =	vadd.f32 v14, v6;
	v18 =	vld [tilespmem:s11+$0x2070];
	v5 =	vadd.f32 v10, v5  }
0x1d4: {  	v12 =	vmul.f32 v12, v12;
	v19 =	vld [tilespmem:s11+$0x8070];
	v3 =	vadd.f32 v8, v3;
	v8 =	vnsel vm5, $0x0, v13  }
0x1d5: {  	v6 =	vadd.f32 v13, v6;
	v20 =	vld [tilespmem:s11+$0x2060];
	v5 =	vadd.f32 v8, v5;
	v8 =	vsel vm4, $0x3F800000, v1  }
0x1d6: {  	v11 =	vmul.f32 v11, v11;
	v21 =	vld [tilespmem:s11+$0x8060];
	v3 =	vadd.f32 v8, v3;
	v8 =	vnsel vm4, $0x0, v12  }
0x1d7: {  	v6 =	vadd.f32 v12, v6;
	v22 =	vld [tilespmem:s11+$0x2050];
	v5 =	vadd.f32 v8, v5;
	v8 =	vsel vm3, $0x3F800000, v1  }
0x1d8: {  	v9 =	vmul.f32 v9, v9;
	v23 =	vld [tilespmem:s11+$0x8050];
	v3 =	vadd.f32 v8, v3;
	v8 =	vnsel vm3, $0x0, v11  }
0x1d9: {  	v6 =	vadd.f32 v11, v6;
	v24 =	vld [tilespmem:s11+$0x2040];
	v5 =	vadd.f32 v8, v5;
	v8 =	vsel vm2, $0x3F800000, v1  }
0x1da: {  	v7 =	vmul.f32 v7, v7;
	v25 =	vld [tilespmem:s11+$0x8040];
	v3 =	vadd.f32 v8, v3;
	v8 =	vnsel vm2, $0x0, v9  }
0x1db: {  	v6 =	vadd.f32 v9, v6;
	v26 =	vld [tilespmem:s11+$0x2030];
	v5 =	vadd.f32 v8, v5;
	v8 =	vsel vm1, $0x3F800000, v1  }
0x1dc: {  	v4 =	vmul.f32 v4, v4;
	v10 =	vnsel vm1, $0x0, v7;
	v27 =	vld [tilespmem:s11+$0x8030];
	v3 =	vadd.f32 v8, v3  }
0x1dd: {  	v6 =	vadd.f32 v7, v6;
	v8 =	vld [tilespmem:s11+$0x8020];
	v5 =	vadd.f32 v10, v5;
	v10 =	vsel vm0, $0x3F800000, v1  }
0x1de: {  	s9 =	sadd.s32 $0x80, s9;
	v15 =	vsel vm6, $0xFFFFFFFF, v17;
	v16 =	vnsel vm0, $0x0, v4;
	v28 =	vld [tilespmem:s11+$0x2000];
	v3 =	vadd.f32 v10, v3  }
0x1df: {  	v14 =	vsel vm7, $0xFFFFFFFF, v14;
	v6 =	vadd.f32 v4, v6;
	v10 =	vld [tilespmem:s11+$0x8000];
	[tilespmem:s9+$0xFFFFFF90] =	vst v15;
	v5 =	vadd.f32 v16, v5  }
0x1e0: {  	v12 =	vsel vm4, $0xFFFFFFFF, v12;
	v11 =	vsel vm3, $0xFFFFFFFF, v11;
	v15 =	vld [tilespmem:s11+$0x2010];
	[tilespmem:s9+$0xFFFFFFA0] =	vst v14;
	v14 =	vsel vm5, $0xFFFFFFFF, v13  }
.Ltmp6:
0x1e1: {  	v29 =	vsel vm2, $0xFFFFFFFF, v9;
	v30 =	vsel vm1, $0xFFFFFFFF, v7;
	v13 =	vld [tilespmem:s11+$0x8010];
	[tilespmem:s9+$0xFFFFFFB0] =	vst v14;
	v14 =	vsel vm0, $0xFFFFFFFF, v4;
	(pc) =	sbr.rel @p3 .LBB2_10-.Ltmp6, $4  }
0x1e2: {  	vm1 =	vgt.f32 v21, $0.0e+00;
	v4 =	vsub.f32 v18, v19;
	vm0 =	vgt.f32 v19, $0.0e+00;
	v16 =	vld [tilespmem:s11+$0x2020];
	[tilespmem:s9+$0xFFFFFFC0] =	vst v12  }
0x1e3: {  	v7 =	vsub.f32 v20, v21;
	vm2 =	vgt.f32 v23, $0.0e+00;
	vm3 =	vgt.f32 v25, $0.0e+00;
	[tilespmem:s9+$0xFFFFFFD0] =	vst v11  }
0x1e4: {  	v9 =	vsub.f32 v22, v23;
	vm4 =	vgt.f32 v27, $0.0e+00;
	v17 =	vsub.f32 v28, v10;
	[tilespmem:s9+$0xFFFFFFE0] =	vst v29  }
0x1e5: {  	vm5 =	vgt.f32 v8, $0.0e+00;
	v12 =	vsub.f32 v26, v27;
	v11 =	vsub.f32 v24, v25;
	[tilespmem:s9+$0xFFFFFFF0] =	vst v30  }
0x1e6: {  	v15 =	vsub.f32 v15, v13;
	v17 =	vmul.f32 v17, v17  }
0x1e7: {  	vm7 =	vgt.f32 v10, $0.0e+00;
	vm6 =	vgt.f32 v13, $0.0e+00;
	v12 =	vmul.f32 v12, v12  }
0x1e8: {  	[tilespmem:s9+$0x0] =	vst v14;
	s8 =	sadd.s32 $0x80, s9;
	v8 =	vsub.f32 v16, v8;
	v10 =	vmul.f32 v15, v15;
	v13 =	vsel vm7, $0xFFFFFFFF, v17  }
0x1e9: {  	v9 =	vmul.f32 v9, v9;
	[tilespmem:s8+$0xFFFFFF90] =	vst v13;
	v14 =	vsel vm4, $0xFFFFFFFF, v12  }
0x1ea: {  	v8 =	vmul.f32 v8, v8;
	v13 =	vsel vm6, $0xFFFFFFFF, v10;
	[tilespmem:s8+$0xFFFFFFC0] =	vst v14  }
0x1eb: {  	v4 =	vmul.f32 v4, v4;
	v14 =	vsel vm2, $0xFFFFFFFF, v9;
	[tilespmem:s8+$0xFFFFFFA0] =	vst v13  }
0x1ec: {  	v11 =	vmul.f32 v11, v11;
	v13 =	vsel vm5, $0xFFFFFFFF, v8;
	[tilespmem:s8+$0xFFFFFFE0] =	vst v14  }
0x1ed: {  	v7 =	vmul.f32 v7, v7;
	v14 =	vsel vm0, $0xFFFFFFFF, v4;
	[tilespmem:s8+$0xFFFFFFB0] =	vst v13  }
0x1ee: {  	v13 =	vsel vm3, $0xFFFFFFFF, v11;
	[tilespmem:s8+$0x0] =	vst v14  }
0x1ef: {  	[tilespmem:s8+$0xFFFFFFD0] =	vst v13;
	v13 =	vsel vm1, $0xFFFFFFFF, v7  }
0x1f0: {  	[tilespmem:s8+$0xFFFFFFF0] =	vst v13  }
0x1f1: {  	s17 =	simm.s32 $0x0;
	s18 =	rddreg [dreg:$0x15]  }
0x1f2: {  	[tilespmem:s29], [sflag:$0x2] =	stream.linear.gather [hbm4b:s18+s17], $0x2000, $0x38;
	[tilespmem:$0x1C750] =	vst v63  }
0x1f3: {  	s19 =	rddreg [dreg:$0x16]  }
0x1f4: {  	[tilespmem:s30], [sflag:$0x2] =	stream.linear.gather [hbm4b:s19+s17], $0x2000, $0x38;
	[tilespmem:$0x1C750] =	vst v63  }
0x1f5: {  	_ =	swait.ge [sflag:s25], $0x2000  }
0x1f6: {  	[sflag:s25] =	ssyncset.done $0x0  }
0x1f7: {  	s20 =	simm.s32 $0x0;
	s10 =	simm.s32 $0x0;
	[sflag:s25] =	ssyncadd.s32 $0xFFFFE000  }
0x1f8: {  	s9 =	sand.u32 $0x1000, s20;
	s8 =	sand.u32 $0xC00, s17;
	v13 =	vsel vm7, $0x3F800000, v1;
	_ =	swait.ge [sflag:s25], $0x2000  }
0x1f9: {  	s21 =	sand.u32 $0x380, s10;
	s8 =	sor.u32 s8, s9;
	v3 =	vadd.f32 v13, v3;
	v13 =	vnsel vm7, $0x0, v17;
	[sflag:s25] =	ssyncset.done $0x0  }
0x1fa: {  	v6 =	vadd.f32 v17, v6;
	s8 =	sor.u32 s21, s8;
	v5 =	vadd.f32 v13, v5;
	v13 =	vsel vm6, $0x3F800000, v1;
	[sflag:s25] =	ssyncadd.s32 $0xFFFFE000  }
0x1fb: {  	v3 =	vadd.f32 v13, v3;
	v13 =	vnsel vm6, $0x0, v10;
	v14 =	vld [tilespmem:s8+$0x4070]  }
0x1fc: {  	v6 =	vadd.f32 v10, v6;
	v10 =	vsel vm5, $0x3F800000, v1;
	v5 =	vadd.f32 v13, v5;
	v15 =	vld [tilespmem:s8+$0xA070]  }
0x1fd: {  	v3 =	vadd.f32 v10, v3;
	v10 =	vnsel vm5, $0x0, v8;
	v13 =	vld [tilespmem:s8+$0x4060]  }
0x1fe: {  	v6 =	vadd.f32 v8, v6;
	v8 =	vsel vm4, $0x3F800000, v1;
	v5 =	vadd.f32 v10, v5;
	v16 =	vld [tilespmem:s8+$0xA060]  }
0x1ff: {  	v3 =	vadd.f32 v8, v3;
	v8 =	vnsel vm4, $0x0, v12;
	v10 =	vld [tilespmem:s8+$0x4050]  }
0x200: {  	v6 =	vadd.f32 v12, v6;
	v5 =	vadd.f32 v8, v5;
	v8 =	vsel vm3, $0x3F800000, v1;
	v17 =	vld [tilespmem:s8+$0xA050]  }
0x201: {  	v3 =	vadd.f32 v8, v3;
	v8 =	vnsel vm3, $0x0, v11;
	v12 =	vld [tilespmem:s8+$0x4040]  }
0x202: {  	v6 =	vadd.f32 v11, v6;
	v5 =	vadd.f32 v8, v5;
	v8 =	vsel vm2, $0x3F800000, v1;
	v18 =	vld [tilespmem:s8+$0xA040]  }
0x203: {  	v11 =	vld [tilespmem:s8+$0x4030];
	v3 =	vadd.f32 v8, v3;
	v8 =	vnsel vm2, $0x0, v9  }
0x204: {  	v6 =	vadd.f32 v9, v6;
	v19 =	vld [tilespmem:s8+$0xA030];
	v5 =	vadd.f32 v8, v5;
	v8 =	vsel vm1, $0x3F800000, v1  }
0x205: {  	v9 =	vld [tilespmem:s8+$0xA020];
	v3 =	vadd.f32 v8, v3;
	v8 =	vnsel vm1, $0x0, v7  }
0x206: {  	v6 =	vadd.f32 v7, v6;
	v20 =	vld [tilespmem:s8+$0x4000];
	v7 =	vsel vm0, $0x3F800000, v1;
	v5 =	vadd.f32 v8, v5  }
0x207: {  	v8 =	vld [tilespmem:s8+$0xA000];
	v3 =	vadd.f32 v7, v3;
	v7 =	vnsel vm0, $0x0, v4  }
0x208: {  	v21 =	vld [tilespmem:s8+$0x4010];
	v4 =	vadd.f32 v4, v6;
	v5 =	vadd.f32 v7, v5  }
0x209: {  	v6 =	vld [tilespmem:s8+$0xA010];
	vm0 =	vgt.f32 v16, $0.0e+00;
	v14 =	vsub.f32 v14, v15;
	vm1 =	vgt.f32 v15, $0.0e+00  }
0x20a: {  	v7 =	vld [tilespmem:s8+$0x4020];
	vm3 =	vgt.f32 v18, $0.0e+00;
	v13 =	vsub.f32 v13, v16;
	v11 =	vsub.f32 v11, v19  }
0x20b: {  	vm2 =	vgt.f32 v17, $0.0e+00;
	v10 =	vsub.f32 v10, v17;
	v12 =	vsub.f32 v12, v18  }
0x20c: {  	vm4 =	vgt.f32 v19, $0.0e+00;
	v11 =	vmul.f32 v11, v11;
	v15 =	vsub.f32 v20, v8  }
0x20d: {  	vm5 =	vgt.f32 v9, $0.0e+00;
	v12 =	vmul.f32 v12, v12;
	v61 =	vmul.f32 v10, v10  }
0x20e: {  	s22 =	simm.s32 $0x80;
	s8 =	simm.s32 $0x400;
	vm7 =	vgt.f32 v8, $0.0e+00;
	v8 =	vsub.f32 v21, v6;
	v15 =	vmul.f32 v15, v15  }
0x20f: {  	s11 =	simm.s32 $0x20;
	s9 =	sand.u32 $0x1000, s22;
	s23 =	sand.u32 $0xC00, s8;
	v16 =	vsel vm7, $0x3F800000, v1;
	vm6 =	vgt.f32 v6, $0.0e+00;
	v6 =	vsub.f32 v7, v9  }
0x210: {  	s26 =	sand.u32 $0x380, s11;
	s9 =	sor.u32 s23, s9;
	v3 =	vadd.f32 v16, v3;
	v8 =	vmul.f32 v8, v8;
	v7 =	vnsel vm7, $0x0, v15  }
0x211: {  	s11 =	sor.u32 s26, s9;
	v4 =	vadd.f32 v15, v4;
	v5 =	vadd.f32 v7, v5;
	v7 =	vsel vm6, $0x3F800000, v1  }
0x212: {  	v17 =	vld [tilespmem:s11+$0x4060];
	v9 =	vmul.f32 v6, v6;
	v3 =	vadd.f32 v7, v3;
	v7 =	vnsel vm6, $0x0, v8  }
0x213: {  	v18 =	vld [tilespmem:s11+$0xA060];
	v6 =	vsel vm5, $0x3F800000, v1;
	v4 =	vadd.f32 v8, v4;
	v5 =	vadd.f32 v7, v5  }
0x214: {  	v13 =	vmul.f32 v13, v13;
	v19 =	vld [tilespmem:s11+$0x4050];
	v3 =	vadd.f32 v6, v3;
	v6 =	vnsel vm5, $0x0, v9  }
0x215: {  	v62 =	vld [tilespmem:s11+$0xA050];
	v4 =	vadd.f32 v9, v4;
	v5 =	vadd.f32 v6, v5;
	v6 =	vsel vm4, $0x3F800000, v1  }
0x216: {  	v14 =	vmul.f32 v14, v14;
	v22 =	vld [tilespmem:s11+$0x4040];
	v3 =	vadd.f32 v6, v3;
	v6 =	vnsel vm4, $0x0, v11  }
0x217: {  	v23 =	vld [tilespmem:s11+$0xA040];
	v4 =	vadd.f32 v11, v4;
	v5 =	vadd.f32 v6, v5;
	v6 =	vsel vm3, $0x3F800000, v1  }
0x218: {  	v24 =	vld [tilespmem:s11+$0x4030];
	v63 =	vsel vm0, $0xFFFFFFFF, v13;
	v3 =	vadd.f32 v6, v3;
	v6 =	vnsel vm3, $0x0, v12  }
0x219: {  	v16 =	vld [tilespmem:s11+$0xA070];
	v4 =	vadd.f32 v12, v4;
	v5 =	vadd.f32 v6, v5;
	v6 =	vsel vm2, $0x3F800000, v1  }
0x21a: {  	v25 =	vld [tilespmem:s11+$0xA030];
	v15 =	vsel vm7, $0xFFFFFFFF, v15;
	v3 =	vadd.f32 v6, v3;
	v6 =	vnsel vm2, $0x0, v61  }
0x21b: {  	s9 =	simm.s32 $0x16070;
	v26 =	vld [tilespmem:s11+$0x4000];
	v4 =	vadd.f32 v61, v4;
	v5 =	vadd.f32 v6, v5;
	v6 =	vsel vm0, $0x3F800000, v1  }
0x21c: {  	[tilespmem:s9+$0xFFFFFF90] =	vst v15;
	v15 =	vsel vm6, $0xFFFFFFFF, v8;
	v7 =	vld [tilespmem:s11+$0x4070];
	v3 =	vadd.f32 v6, v3;
	v6 =	vnsel vm0, $0x0, v13  }
0x21d: {  	v10 =	vld [tilespmem:s11+$0xA000];
	v5 =	vadd.f32 v6, v5;
	v6 =	vadd.f32 v13, v4;
	v4 =	vsel vm1, $0x3F800000, v1  }
0x21e: {  	v8 =	vld [tilespmem:s11+$0xA020];
	vm0 =	vgt.f32 v16, $0.0e+00;
	v4 =	vadd.f32 v4, v3;
	v3 =	vnsel vm1, $0x0, v14  }
0x21f: {  	[tilespmem:s9+$0xFFFFFFA0] =	vst v15;
	v15 =	vld [tilespmem:s11+$0x4010];
	v5 =	vadd.f32 v3, v5;
	v6 =	vadd.f32 v14, v6;
	v3 =	vsel vm5, $0xFFFFFFFF, v9  }
0x220: {  	[tilespmem:s9+$0xFFFFFFF0] =	vst v63;
	v13 =	vld [tilespmem:s11+$0xA010];
	v9 =	vsel vm4, $0xFFFFFFFF, v11;
	v11 =	vsel vm3, $0xFFFFFFFF, v12;
	v12 =	vsel vm2, $0xFFFFFFFF, v61  }
0x221: {  	v14 =	vsel vm1, $0xFFFFFFFF, v14;
	vm1 =	vgt.f32 v18, $0.0e+00;
	[tilespmem:s9+$0xFFFFFFB0] =	vst v3;
	v3 =	vsub.f32 v7, v16;
	v16 =	vld [tilespmem:s11+$0x4020]  }
0x222: {  	vm3 =	vgt.f32 v23, $0.0e+00;
	vm2 =	vgt.f32 v62, $0.0e+00;
	[tilespmem:s9+$0xFFFFFFC0] =	vst v9;
	v7 =	vsub.f32 v17, v18  }
0x223: {  	vm4 =	vgt.f32 v25, $0.0e+00;
	[tilespmem:s9+$0xFFFFFFD0] =	vst v11;
	v17 =	vsub.f32 v26, v10;
	v9 =	vsub.f32 v19, v62  }
0x224: {  	s10 =	simm.s32 $0x8;
	vm5 =	vgt.f32 v8, $0.0e+00;
	[tilespmem:s9+$0xFFFFFFE0] =	vst v12;
	v12 =	vsub.f32 v24, v25;
	v11 =	vsub.f32 v22, v23  }
.LBB2_12:
0x225: {  	s10 =	sadd.s32 $0x8, s10;
	v17 =	vmul.f32 v17, v17;
	vm6 =	vgt.f32 v10, $0.0e+00;
	v10 =	vsub.f32 v15, v13;
	[tilespmem:s9+$0x0] =	vst v14  }
0x226: {  	vm7 =	vgt.f32 v13, $0.0e+00;
	s8 =	sadd.s32 $0x400, s8;
	s11 =	sshll.u32 s10, $0x4;
	p3 =	slt.u32 s10, $0x1F8;
	v14 =	vsel vm6, $0x3F800000, v1;
	v8 =	vsub.f32 v16, v8  }
0x227: {  	s12 =	sand.u32 $0xC00, s8;
	s13 =	sshll.u32 s10, $0x2;
	s11 =	sand.u32 $0x1000, s11;
	v4 =	vadd.f32 v14, v4;
	v13 =	vnsel vm6, $0x0, v17;
	v14 =	vmul.f32 v10, v10  }
0x228: {  	v6 =	vadd.f32 v17, v6;
	v10 =	vsel vm7, $0x3F800000, v1;
	s11 =	sor.u32 s12, s11;
	s12 =	sand.u32 $0x380, s13;
	v5 =	vadd.f32 v13, v5  }
0x229: {  	v13 =	vmul.f32 v8, v8;
	s11 =	sor.u32 s12, s11;
	v4 =	vadd.f32 v10, v4;
	v10 =	vnsel vm7, $0x0, v14  }
0x22a: {  	v8 =	vsel vm5, $0x3F800000, v1;
	v6 =	vadd.f32 v14, v6;
	v18 =	vld [tilespmem:s11+$0x4070];
	v5 =	vadd.f32 v10, v5  }
0x22b: {  	v12 =	vmul.f32 v12, v12;
	v19 =	vld [tilespmem:s11+$0xA070];
	v4 =	vadd.f32 v8, v4;
	v8 =	vnsel vm5, $0x0, v13  }
0x22c: {  	v6 =	vadd.f32 v13, v6;
	v20 =	vld [tilespmem:s11+$0x4060];
	v5 =	vadd.f32 v8, v5;
	v8 =	vsel vm4, $0x3F800000, v1  }
0x22d: {  	v11 =	vmul.f32 v11, v11;
	v21 =	vld [tilespmem:s11+$0xA060];
	v4 =	vadd.f32 v8, v4;
	v8 =	vnsel vm4, $0x0, v12  }
0x22e: {  	v6 =	vadd.f32 v12, v6;
	v22 =	vld [tilespmem:s11+$0x4050];
	v5 =	vadd.f32 v8, v5;
	v8 =	vsel vm3, $0x3F800000, v1  }
0x22f: {  	v9 =	vmul.f32 v9, v9;
	v23 =	vld [tilespmem:s11+$0xA050];
	v4 =	vadd.f32 v8, v4;
	v8 =	vnsel vm3, $0x0, v11  }
0x230: {  	v6 =	vadd.f32 v11, v6;
	v24 =	vld [tilespmem:s11+$0x4040];
	v5 =	vadd.f32 v8, v5;
	v8 =	vsel vm2, $0x3F800000, v1  }
0x231: {  	v7 =	vmul.f32 v7, v7;
	v25 =	vld [tilespmem:s11+$0xA040];
	v4 =	vadd.f32 v8, v4;
	v8 =	vnsel vm2, $0x0, v9  }
0x232: {  	v6 =	vadd.f32 v9, v6;
	v26 =	vld [tilespmem:s11+$0x4030];
	v5 =	vadd.f32 v8, v5;
	v8 =	vsel vm1, $0x3F800000, v1  }
0x233: {  	v3 =	vmul.f32 v3, v3;
	v10 =	vnsel vm1, $0x0, v7;
	v27 =	vld [tilespmem:s11+$0xA030];
	v4 =	vadd.f32 v8, v4  }
0x234: {  	v6 =	vadd.f32 v7, v6;
	v8 =	vld [tilespmem:s11+$0xA020];
	v5 =	vadd.f32 v10, v5;
	v10 =	vsel vm0, $0x3F800000, v1  }
0x235: {  	s9 =	sadd.s32 $0x80, s9;
	v15 =	vsel vm6, $0xFFFFFFFF, v17;
	v16 =	vnsel vm0, $0x0, v3;
	v28 =	vld [tilespmem:s11+$0x4000];
	v4 =	vadd.f32 v10, v4  }
0x236: {  	v14 =	vsel vm7, $0xFFFFFFFF, v14;
	v6 =	vadd.f32 v3, v6;
	v10 =	vld [tilespmem:s11+$0xA000];
	[tilespmem:s9+$0xFFFFFF90] =	vst v15;
	v5 =	vadd.f32 v16, v5  }
0x237: {  	v12 =	vsel vm4, $0xFFFFFFFF, v12;
	v11 =	vsel vm3, $0xFFFFFFFF, v11;
	v15 =	vld [tilespmem:s11+$0x4010];
	[tilespmem:s9+$0xFFFFFFA0] =	vst v14;
	v14 =	vsel vm5, $0xFFFFFFFF, v13  }
.Ltmp7:
0x238: {  	v29 =	vsel vm2, $0xFFFFFFFF, v9;
	v30 =	vsel vm1, $0xFFFFFFFF, v7;
	v13 =	vld [tilespmem:s11+$0xA010];
	[tilespmem:s9+$0xFFFFFFB0] =	vst v14;
	v14 =	vsel vm0, $0xFFFFFFFF, v3;
	(pc) =	sbr.rel @p3 .LBB2_12-.Ltmp7, $4  }
0x239: {  	vm1 =	vgt.f32 v21, $0.0e+00;
	v3 =	vsub.f32 v18, v19;
	vm0 =	vgt.f32 v19, $0.0e+00;
	v16 =	vld [tilespmem:s11+$0x4020];
	[tilespmem:s9+$0xFFFFFFC0] =	vst v12  }
0x23a: {  	v7 =	vsub.f32 v20, v21;
	vm2 =	vgt.f32 v23, $0.0e+00;
	vm3 =	vgt.f32 v25, $0.0e+00;
	[tilespmem:s9+$0xFFFFFFD0] =	vst v11  }
0x23b: {  	v9 =	vsub.f32 v22, v23;
	vm4 =	vgt.f32 v27, $0.0e+00;
	v17 =	vsub.f32 v28, v10;
	[tilespmem:s9+$0xFFFFFFE0] =	vst v29  }
0x23c: {  	vm5 =	vgt.f32 v8, $0.0e+00;
	v12 =	vsub.f32 v26, v27;
	v11 =	vsub.f32 v24, v25;
	[tilespmem:s9+$0xFFFFFFF0] =	vst v30  }
0x23d: {  	v15 =	vsub.f32 v15, v13;
	v17 =	vmul.f32 v17, v17  }
0x23e: {  	vm7 =	vgt.f32 v10, $0.0e+00;
	vm6 =	vgt.f32 v13, $0.0e+00;
	v12 =	vmul.f32 v12, v12  }
0x23f: {  	[tilespmem:s9+$0x0] =	vst v14;
	s8 =	sadd.s32 $0x80, s9;
	v8 =	vsub.f32 v16, v8;
	v10 =	vmul.f32 v15, v15;
	v13 =	vsel vm7, $0xFFFFFFFF, v17  }
0x240: {  	v9 =	vmul.f32 v9, v9;
	[tilespmem:s8+$0xFFFFFF90] =	vst v13;
	v14 =	vsel vm4, $0xFFFFFFFF, v12  }
0x241: {  	v8 =	vmul.f32 v8, v8;
	v13 =	vsel vm6, $0xFFFFFFFF, v10;
	[tilespmem:s8+$0xFFFFFFC0] =	vst v14  }
0x242: {  	v3 =	vmul.f32 v3, v3;
	v14 =	vsel vm2, $0xFFFFFFFF, v9;
	[tilespmem:s8+$0xFFFFFFA0] =	vst v13  }
0x243: {  	v11 =	vmul.f32 v11, v11;
	v13 =	vsel vm5, $0xFFFFFFFF, v8;
	[tilespmem:s8+$0xFFFFFFE0] =	vst v14  }
0x244: {  	v7 =	vmul.f32 v7, v7;
	v14 =	vsel vm0, $0xFFFFFFFF, v3;
	[tilespmem:s8+$0xFFFFFFB0] =	vst v13  }
0x245: {  	v13 =	vsel vm3, $0xFFFFFFFF, v11;
	[tilespmem:s8+$0x0] =	vst v14  }
0x246: {  	[tilespmem:s8+$0xFFFFFFD0] =	vst v13;
	v13 =	vsel vm1, $0xFFFFFFFF, v7  }
0x247: {  	[tilespmem:s8+$0xFFFFFFF0] =	vst v13  }
0x248: {  	_ =	swait.ge [sflag:s2], $0x2000  }
0x249: {  	s19 =	simm.s32 $0x0;
	[sflag:s2] =	ssyncset.done $0x0  }
0x24a: {  	s20 =	simm.s32 $0x0;
	s10 =	simm.s32 $0x0;
	[sflag:s2] =	ssyncadd.s32 $0xFFFFE000  }
0x24b: {  	s9 =	sand.u32 $0x1000, s20;
	s8 =	sand.u32 $0xC00, s19;
	_ =	swait.ge [sflag:s2], $0x2000  }
0x24c: {  	s21 =	sand.u32 $0x380, s10;
	v13 =	vsel vm7, $0x3F800000, v1;
	s8 =	sor.u32 s8, s9;
	[sflag:s2] =	ssyncset.done $0x0  }
0x24d: {  	v6 =	vadd.f32 v17, v6;
	v4 =	vadd.f32 v13, v4;
	v13 =	vnsel vm7, $0x0, v17;
	s8 =	sor.u32 s21, s8;
	[sflag:s2] =	ssyncadd.s32 $0xFFFFE000  }
0x24e: {  	v5 =	vadd.f32 v13, v5;
	v13 =	vsel vm6, $0x3F800000, v1;
	v14 =	vld [tilespmem:s8+$0x70]  }
0x24f: {  	v6 =	vadd.f32 v10, v6;
	v4 =	vadd.f32 v13, v4;
	v13 =	vnsel vm6, $0x0, v10;
	v15 =	vld [tilespmem:s8+$0x6070]  }
0x250: {  	v10 =	vsel vm5, $0x3F800000, v1;
	v5 =	vadd.f32 v13, v5;
	v13 =	vld [tilespmem:s8+$0x60]  }
0x251: {  	v6 =	vadd.f32 v8, v6;
	v4 =	vadd.f32 v10, v4;
	v10 =	vnsel vm5, $0x0, v8;
	v16 =	vld [tilespmem:s8+$0x6060]  }
0x252: {  	v8 =	vsel vm4, $0x3F800000, v1;
	v5 =	vadd.f32 v10, v5;
	v10 =	vld [tilespmem:s8+$0x50]  }
0x253: {  	v6 =	vadd.f32 v12, v6;
	v4 =	vadd.f32 v8, v4;
	v8 =	vnsel vm4, $0x0, v12;
	v17 =	vld [tilespmem:s8+$0x6050]  }
0x254: {  	v12 =	vld [tilespmem:s8+$0x40];
	v5 =	vadd.f32 v8, v5;
	v8 =	vsel vm3, $0x3F800000, v1  }
0x255: {  	v6 =	vadd.f32 v11, v6;
	v18 =	vld [tilespmem:s8+$0x6040];
	v4 =	vadd.f32 v8, v4;
	v8 =	vnsel vm3, $0x0, v11  }
0x256: {  	v19 =	vld [tilespmem:s8+$0x6030];
	v5 =	vadd.f32 v8, v5;
	v8 =	vsel vm2, $0x3F800000, v1  }
0x257: {  	v6 =	vadd.f32 v9, v6;
	v20 =	vld [tilespmem:s8+$0x0];
	v4 =	vadd.f32 v8, v4;
	v8 =	vnsel vm2, $0x0, v9  }
0x258: {  	v21 =	vld [tilespmem:s8+$0x10];
	v5 =	vadd.f32 v8, v5;
	v8 =	vsel vm1, $0x3F800000, v1  }
0x259: {  	v6 =	vadd.f32 v7, v6;
	v11 =	vld [tilespmem:s8+$0x30];
	v4 =	vadd.f32 v8, v4;
	v8 =	vnsel vm1, $0x0, v7  }
0x25a: {  	v14 =	vsub.f32 v14, v15;
	vm3 =	vgt.f32 v18, $0.0e+00;
	v5 =	vadd.f32 v8, v5;
	v8 =	vld [tilespmem:s8+$0x6000]  }
0x25b: {  	v9 =	vld [tilespmem:s8+$0x6020];
	v13 =	vsub.f32 v13, v16;
	v10 =	vsub.f32 v10, v17;
	v7 =	vsel vm0, $0x3F800000, v1  }
0x25c: {  	v4 =	vadd.f32 v7, v4;
	v7 =	vnsel vm0, $0x0, v3;
	v3 =	vadd.f32 v3, v6;
	v6 =	vld [tilespmem:s8+$0x6010]  }
0x25d: {  	vm2 =	vgt.f32 v17, $0.0e+00;
	v12 =	vsub.f32 v12, v18;
	v5 =	vadd.f32 v7, v5;
	v7 =	vld [tilespmem:s8+$0x20]  }
0x25e: {  	vm4 =	vgt.f32 v19, $0.0e+00;
	vm1 =	vgt.f32 v15, $0.0e+00;
	v11 =	vsub.f32 v11, v19  }
0x25f: {  	v12 =	vmul.f32 v12, v12;
	v61 =	vmul.f32 v10, v10;
	v15 =	vsub.f32 v20, v8  }
0x260: {  	v13 =	vmul.f32 v13, v13;
	vm0 =	vgt.f32 v16, $0.0e+00;
	vm5 =	vgt.f32 v9, $0.0e+00  }
0x261: {  	s22 =	simm.s32 $0x80;
	s8 =	simm.s32 $0x400;
	vm7 =	vgt.f32 v8, $0.0e+00;
	v8 =	vsub.f32 v21, v6;
	v15 =	vmul.f32 v15, v15  }
0x262: {  	s11 =	simm.s32 $0x20;
	s9 =	sand.u32 $0x1000, s22;
	s23 =	sand.u32 $0xC00, s8;
	v16 =	vsel vm7, $0x3F800000, v1;
	vm6 =	vgt.f32 v6, $0.0e+00;
	v6 =	vsub.f32 v7, v9  }
0x263: {  	s26 =	sand.u32 $0x380, s11;
	s9 =	sor.u32 s23, s9;
	v4 =	vadd.f32 v16, v4;
	v8 =	vmul.f32 v8, v8;
	v7 =	vnsel vm7, $0x0, v15  }
0x264: {  	s11 =	sor.u32 s26, s9;
	v3 =	vadd.f32 v15, v3;
	v5 =	vadd.f32 v7, v5;
	v7 =	vsel vm6, $0x3F800000, v1  }
0x265: {  	v17 =	vld [tilespmem:s11+$0x60];
	v9 =	vmul.f32 v6, v6;
	v4 =	vadd.f32 v7, v4;
	v7 =	vnsel vm6, $0x0, v8  }
0x266: {  	v18 =	vld [tilespmem:s11+$0x6060];
	v6 =	vsel vm5, $0x3F800000, v1;
	v3 =	vadd.f32 v8, v3;
	v5 =	vadd.f32 v7, v5  }
0x267: {  	v11 =	vmul.f32 v11, v11;
	v19 =	vld [tilespmem:s11+$0x50];
	v4 =	vadd.f32 v6, v4;
	v6 =	vnsel vm5, $0x0, v9  }
0x268: {  	v62 =	vld [tilespmem:s11+$0x6050];
	v3 =	vadd.f32 v9, v3;
	v5 =	vadd.f32 v6, v5;
	v6 =	vsel vm4, $0x3F800000, v1  }
0x269: {  	v14 =	vmul.f32 v14, v14;
	v22 =	vld [tilespmem:s11+$0x40];
	v4 =	vadd.f32 v6, v4;
	v6 =	vnsel vm4, $0x0, v11  }
0x26a: {  	v23 =	vld [tilespmem:s11+$0x6040];
	v3 =	vadd.f32 v11, v3;
	v5 =	vadd.f32 v6, v5;
	v6 =	vsel vm3, $0x3F800000, v1  }
0x26b: {  	v63 =	vsel vm0, $0xFFFFFFFF, v13;
	v24 =	vld [tilespmem:s11+$0x30];
	v4 =	vadd.f32 v6, v4;
	v6 =	vnsel vm3, $0x0, v12  }
0x26c: {  	v16 =	vld [tilespmem:s11+$0x6070];
	v3 =	vadd.f32 v12, v3;
	v5 =	vadd.f32 v6, v5;
	v6 =	vsel vm2, $0x3F800000, v1  }
0x26d: {  	v25 =	vld [tilespmem:s11+$0x6030];
	v15 =	vsel vm7, $0xFFFFFFFF, v15;
	v4 =	vadd.f32 v6, v4;
	v6 =	vnsel vm2, $0x0, v61  }
0x26e: {  	s9 =	simm.s32 $0x18070;
	v26 =	vld [tilespmem:s11+$0x0];
	v3 =	vadd.f32 v61, v3;
	v5 =	vadd.f32 v6, v5;
	v6 =	vsel vm0, $0x3F800000, v1  }
0x26f: {  	[tilespmem:s9+$0xFFFFFF90] =	vst v15;
	v15 =	vsel vm6, $0xFFFFFFFF, v8;
	v7 =	vld [tilespmem:s11+$0x70];
	v4 =	vadd.f32 v6, v4;
	v6 =	vnsel vm0, $0x0, v13  }
0x270: {  	v10 =	vld [tilespmem:s11+$0x6000];
	v3 =	vadd.f32 v13, v3;
	v5 =	vadd.f32 v6, v5;
	v6 =	vsel vm1, $0x3F800000, v1  }
0x271: {  	v8 =	vld [tilespmem:s11+$0x6020];
	vm0 =	vgt.f32 v16, $0.0e+00;
	v4 =	vadd.f32 v6, v4;
	v6 =	vnsel vm1, $0x0, v14  }
0x272: {  	[tilespmem:s9+$0xFFFFFFA0] =	vst v15;
	v15 =	vld [tilespmem:s11+$0x10];
	v5 =	vadd.f32 v6, v5;
	v6 =	vadd.f32 v14, v3;
	v3 =	vsel vm5, $0xFFFFFFFF, v9  }
0x273: {  	[tilespmem:s9+$0xFFFFFFF0] =	vst v63;
	v13 =	vld [tilespmem:s11+$0x6010];
	v9 =	vsel vm4, $0xFFFFFFFF, v11;
	v11 =	vsel vm3, $0xFFFFFFFF, v12;
	v12 =	vsel vm2, $0xFFFFFFFF, v61  }
0x274: {  	v14 =	vsel vm1, $0xFFFFFFFF, v14;
	vm1 =	vgt.f32 v18, $0.0e+00;
	[tilespmem:s9+$0xFFFFFFB0] =	vst v3;
	v3 =	vsub.f32 v7, v16;
	v16 =	vld [tilespmem:s11+$0x20]  }
0x275: {  	vm3 =	vgt.f32 v23, $0.0e+00;
	vm2 =	vgt.f32 v62, $0.0e+00;
	[tilespmem:s9+$0xFFFFFFC0] =	vst v9;
	v7 =	vsub.f32 v17, v18  }
0x276: {  	vm4 =	vgt.f32 v25, $0.0e+00;
	[tilespmem:s9+$0xFFFFFFD0] =	vst v11;
	v17 =	vsub.f32 v26, v10;
	v9 =	vsub.f32 v19, v62  }
0x277: {  	s10 =	simm.s32 $0x8;
	vm5 =	vgt.f32 v8, $0.0e+00;
	[tilespmem:s9+$0xFFFFFFE0] =	vst v12;
	v12 =	vsub.f32 v24, v25;
	v11 =	vsub.f32 v22, v23  }
.LBB2_14:
0x278: {  	s10 =	sadd.s32 $0x8, s10;
	v17 =	vmul.f32 v17, v17;
	vm6 =	vgt.f32 v10, $0.0e+00;
	v10 =	vsub.f32 v15, v13;
	[tilespmem:s9+$0x0] =	vst v14  }
0x279: {  	vm7 =	vgt.f32 v13, $0.0e+00;
	s8 =	sadd.s32 $0x400, s8;
	s11 =	sshll.u32 s10, $0x4;
	p3 =	slt.u32 s10, $0x1F8;
	v14 =	vsel vm6, $0x3F800000, v1;
	v8 =	vsub.f32 v16, v8  }
0x27a: {  	s12 =	sand.u32 $0xC00, s8;
	s13 =	sshll.u32 s10, $0x2;
	s11 =	sand.u32 $0x1000, s11;
	v4 =	vadd.f32 v14, v4;
	v13 =	vnsel vm6, $0x0, v17;
	v14 =	vmul.f32 v10, v10  }
0x27b: {  	v6 =	vadd.f32 v17, v6;
	v10 =	vsel vm7, $0x3F800000, v1;
	s11 =	sor.u32 s12, s11;
	s12 =	sand.u32 $0x380, s13;
	v5 =	vadd.f32 v13, v5  }
0x27c: {  	v13 =	vmul.f32 v8, v8;
	s11 =	sor.u32 s12, s11;
	v4 =	vadd.f32 v10, v4;
	v10 =	vnsel vm7, $0x0, v14  }
0x27d: {  	v8 =	vsel vm5, $0x3F800000, v1;
	v6 =	vadd.f32 v14, v6;
	v18 =	vld [tilespmem:s11+$0x70];
	v5 =	vadd.f32 v10, v5  }
0x27e: {  	v12 =	vmul.f32 v12, v12;
	v19 =	vld [tilespmem:s11+$0x6070];
	v4 =	vadd.f32 v8, v4;
	v8 =	vnsel vm5, $0x0, v13  }
0x27f: {  	v6 =	vadd.f32 v13, v6;
	v20 =	vld [tilespmem:s11+$0x60];
	v5 =	vadd.f32 v8, v5;
	v8 =	vsel vm4, $0x3F800000, v1  }
0x280: {  	v11 =	vmul.f32 v11, v11;
	v21 =	vld [tilespmem:s11+$0x6060];
	v4 =	vadd.f32 v8, v4;
	v8 =	vnsel vm4, $0x0, v12  }
0x281: {  	v6 =	vadd.f32 v12, v6;
	v22 =	vld [tilespmem:s11+$0x50];
	v5 =	vadd.f32 v8, v5;
	v8 =	vsel vm3, $0x3F800000, v1  }
0x282: {  	v9 =	vmul.f32 v9, v9;
	v23 =	vld [tilespmem:s11+$0x6050];
	v4 =	vadd.f32 v8, v4;
	v8 =	vnsel vm3, $0x0, v11  }
0x283: {  	v6 =	vadd.f32 v11, v6;
	v24 =	vld [tilespmem:s11+$0x40];
	v5 =	vadd.f32 v8, v5;
	v8 =	vsel vm2, $0x3F800000, v1  }
0x284: {  	v7 =	vmul.f32 v7, v7;
	v25 =	vld [tilespmem:s11+$0x6040];
	v4 =	vadd.f32 v8, v4;
	v8 =	vnsel vm2, $0x0, v9  }
0x285: {  	v6 =	vadd.f32 v9, v6;
	v26 =	vld [tilespmem:s11+$0x30];
	v5 =	vadd.f32 v8, v5;
	v8 =	vsel vm1, $0x3F800000, v1  }
0x286: {  	v3 =	vmul.f32 v3, v3;
	v10 =	vnsel vm1, $0x0, v7;
	v27 =	vld [tilespmem:s11+$0x6030];
	v4 =	vadd.f32 v8, v4  }
0x287: {  	v6 =	vadd.f32 v7, v6;
	v8 =	vld [tilespmem:s11+$0x6020];
	v5 =	vadd.f32 v10, v5;
	v10 =	vsel vm0, $0x3F800000, v1  }
0x288: {  	s9 =	sadd.s32 $0x80, s9;
	v15 =	vsel vm6, $0xFFFFFFFF, v17;
	v16 =	vnsel vm0, $0x0, v3;
	v28 =	vld [tilespmem:s11+$0x0];
	v4 =	vadd.f32 v10, v4  }
0x289: {  	v14 =	vsel vm7, $0xFFFFFFFF, v14;
	v6 =	vadd.f32 v3, v6;
	v10 =	vld [tilespmem:s11+$0x6000];
	[tilespmem:s9+$0xFFFFFF90] =	vst v15;
	v5 =	vadd.f32 v16, v5  }
0x28a: {  	v12 =	vsel vm4, $0xFFFFFFFF, v12;
	v11 =	vsel vm3, $0xFFFFFFFF, v11;
	v15 =	vld [tilespmem:s11+$0x10];
	[tilespmem:s9+$0xFFFFFFA0] =	vst v14;
	v14 =	vsel vm5, $0xFFFFFFFF, v13  }
.Ltmp8:
0x28b: {  	v29 =	vsel vm2, $0xFFFFFFFF, v9;
	v30 =	vsel vm1, $0xFFFFFFFF, v7;
	v13 =	vld [tilespmem:s11+$0x6010];
	[tilespmem:s9+$0xFFFFFFB0] =	vst v14;
	v14 =	vsel vm0, $0xFFFFFFFF, v3;
	(pc) =	sbr.rel @p3 .LBB2_14-.Ltmp8, $4  }
0x28c: {  	vm1 =	vgt.f32 v21, $0.0e+00;
	v3 =	vsub.f32 v18, v19;
	vm0 =	vgt.f32 v19, $0.0e+00;
	v16 =	vld [tilespmem:s11+$0x20];
	[tilespmem:s9+$0xFFFFFFC0] =	vst v12  }
0x28d: {  	v7 =	vsub.f32 v20, v21;
	vm2 =	vgt.f32 v23, $0.0e+00;
	vm3 =	vgt.f32 v25, $0.0e+00;
	[tilespmem:s9+$0xFFFFFFD0] =	vst v11  }
0x28e: {  	v9 =	vsub.f32 v22, v23;
	vm4 =	vgt.f32 v27, $0.0e+00;
	v17 =	vsub.f32 v28, v10;
	[tilespmem:s9+$0xFFFFFFE0] =	vst v29  }
0x28f: {  	vm5 =	vgt.f32 v8, $0.0e+00;
	v12 =	vsub.f32 v26, v27;
	v11 =	vsub.f32 v24, v25;
	[tilespmem:s9+$0xFFFFFFF0] =	vst v30  }
0x290: {  	v15 =	vsub.f32 v15, v13;
	v17 =	vmul.f32 v17, v17  }
0x291: {  	vm7 =	vgt.f32 v10, $0.0e+00;
	vm6 =	vgt.f32 v13, $0.0e+00;
	v12 =	vmul.f32 v12, v12  }
0x292: {  	[tilespmem:s9+$0x0] =	vst v14;
	s8 =	sadd.s32 $0x80, s9;
	v8 =	vsub.f32 v16, v8;
	v10 =	vmul.f32 v15, v15;
	v13 =	vsel vm7, $0xFFFFFFFF, v17  }
0x293: {  	v9 =	vmul.f32 v9, v9;
	[tilespmem:s8+$0xFFFFFF90] =	vst v13;
	v14 =	vsel vm4, $0xFFFFFFFF, v12  }
0x294: {  	v8 =	vmul.f32 v8, v8;
	v13 =	vsel vm6, $0xFFFFFFFF, v10;
	[tilespmem:s8+$0xFFFFFFC0] =	vst v14  }
0x295: {  	v3 =	vmul.f32 v3, v3;
	v14 =	vsel vm2, $0xFFFFFFFF, v9;
	[tilespmem:s8+$0xFFFFFFA0] =	vst v13  }
0x296: {  	v11 =	vmul.f32 v11, v11;
	v13 =	vsel vm5, $0xFFFFFFFF, v8;
	[tilespmem:s8+$0xFFFFFFE0] =	vst v14  }
0x297: {  	v7 =	vmul.f32 v7, v7;
	v14 =	vsel vm0, $0xFFFFFFFF, v3;
	[tilespmem:s8+$0xFFFFFFB0] =	vst v13  }
0x298: {  	v13 =	vsel vm3, $0xFFFFFFFF, v11;
	[tilespmem:s8+$0x0] =	vst v14  }
0x299: {  	[tilespmem:s8+$0xFFFFFFD0] =	vst v13;
	v13 =	vsel vm1, $0xFFFFFFFF, v7  }
0x29a: {  	[tilespmem:s8+$0xFFFFFFF0] =	vst v13  }
0x29b: {  	_ =	swait.ge [sflag:s4], $0x2000  }
0x29c: {  	s19 =	simm.s32 $0x0;
	[sflag:s4] =	ssyncset.done $0x0  }
0x29d: {  	s20 =	simm.s32 $0x0;
	s10 =	simm.s32 $0x0;
	[sflag:s4] =	ssyncadd.s32 $0xFFFFE000  }
0x29e: {  	s9 =	sand.u32 $0x1000, s20;
	s8 =	sand.u32 $0xC00, s19;
	_ =	swait.ge [sflag:s4], $0x2000  }
0x29f: {  	s21 =	sand.u32 $0x380, s10;
	v13 =	vsel vm7, $0x3F800000, v1;
	s8 =	sor.u32 s8, s9;
	[sflag:s4] =	ssyncset.done $0x0  }
0x2a0: {  	v6 =	vadd.f32 v17, v6;
	v4 =	vadd.f32 v13, v4;
	v13 =	vnsel vm7, $0x0, v17;
	s8 =	sor.u32 s21, s8;
	[sflag:s4] =	ssyncadd.s32 $0xFFFFE000  }
0x2a1: {  	v5 =	vadd.f32 v13, v5;
	v13 =	vsel vm6, $0x3F800000, v1;
	v14 =	vld [tilespmem:s8+$0x2070]  }
0x2a2: {  	v6 =	vadd.f32 v10, v6;
	v4 =	vadd.f32 v13, v4;
	v13 =	vnsel vm6, $0x0, v10;
	v15 =	vld [tilespmem:s8+$0x8070]  }
0x2a3: {  	v10 =	vsel vm5, $0x3F800000, v1;
	v5 =	vadd.f32 v13, v5;
	v13 =	vld [tilespmem:s8+$0x2060]  }
0x2a4: {  	v6 =	vadd.f32 v8, v6;
	v4 =	vadd.f32 v10, v4;
	v10 =	vnsel vm5, $0x0, v8;
	v16 =	vld [tilespmem:s8+$0x8060]  }
0x2a5: {  	v8 =	vsel vm4, $0x3F800000, v1;
	v5 =	vadd.f32 v10, v5;
	v10 =	vld [tilespmem:s8+$0x2050]  }
0x2a6: {  	v6 =	vadd.f32 v12, v6;
	v4 =	vadd.f32 v8, v4;
	v8 =	vnsel vm4, $0x0, v12;
	v17 =	vld [tilespmem:s8+$0x8050]  }
0x2a7: {  	v12 =	vld [tilespmem:s8+$0x2040];
	v5 =	vadd.f32 v8, v5;
	v8 =	vsel vm3, $0x3F800000, v1  }
0x2a8: {  	v6 =	vadd.f32 v11, v6;
	v18 =	vld [tilespmem:s8+$0x8040];
	v4 =	vadd.f32 v8, v4;
	v8 =	vnsel vm3, $0x0, v11  }
0x2a9: {  	v19 =	vld [tilespmem:s8+$0x8030];
	v5 =	vadd.f32 v8, v5;
	v8 =	vsel vm2, $0x3F800000, v1  }
0x2aa: {  	v6 =	vadd.f32 v9, v6;
	v20 =	vld [tilespmem:s8+$0x2000];
	v4 =	vadd.f32 v8, v4;
	v8 =	vnsel vm2, $0x0, v9  }
0x2ab: {  	v21 =	vld [tilespmem:s8+$0x2010];
	v5 =	vadd.f32 v8, v5;
	v8 =	vsel vm1, $0x3F800000, v1  }
0x2ac: {  	v6 =	vadd.f32 v7, v6;
	v11 =	vld [tilespmem:s8+$0x2030];
	v4 =	vadd.f32 v8, v4;
	v8 =	vnsel vm1, $0x0, v7  }
0x2ad: {  	v14 =	vsub.f32 v14, v15;
	vm3 =	vgt.f32 v18, $0.0e+00;
	v5 =	vadd.f32 v8, v5;
	v8 =	vld [tilespmem:s8+$0x8000]  }
0x2ae: {  	v9 =	vld [tilespmem:s8+$0x8020];
	v13 =	vsub.f32 v13, v16;
	v10 =	vsub.f32 v10, v17;
	v7 =	vsel vm0, $0x3F800000, v1  }
0x2af: {  	v4 =	vadd.f32 v7, v4;
	v7 =	vnsel vm0, $0x0, v3;
	v3 =	vadd.f32 v3, v6;
	v6 =	vld [tilespmem:s8+$0x8010]  }
0x2b0: {  	vm2 =	vgt.f32 v17, $0.0e+00;
	v12 =	vsub.f32 v12, v18;
	v5 =	vadd.f32 v7, v5;
	v7 =	vld [tilespmem:s8+$0x2020]  }
0x2b1: {  	vm4 =	vgt.f32 v19, $0.0e+00;
	vm1 =	vgt.f32 v15, $0.0e+00;
	v11 =	vsub.f32 v11, v19  }
0x2b2: {  	v61 =	vmul.f32 v12, v12;
	v10 =	vmul.f32 v10, v10;
	v15 =	vsub.f32 v20, v8  }
0x2b3: {  	v13 =	vmul.f32 v13, v13;
	vm0 =	vgt.f32 v16, $0.0e+00;
	vm5 =	vgt.f32 v9, $0.0e+00  }
0x2b4: {  	s22 =	simm.s32 $0x80;
	s8 =	simm.s32 $0x400;
	vm7 =	vgt.f32 v8, $0.0e+00;
	v8 =	vsub.f32 v21, v6;
	v15 =	vmul.f32 v15, v15  }
0x2b5: {  	s11 =	simm.s32 $0x20;
	s9 =	sand.u32 $0x1000, s22;
	s23 =	sand.u32 $0xC00, s8;
	v16 =	vsel vm7, $0x3F800000, v1;
	vm6 =	vgt.f32 v6, $0.0e+00;
	v6 =	vsub.f32 v7, v9  }
0x2b6: {  	s26 =	sand.u32 $0x380, s11;
	s9 =	sor.u32 s23, s9;
	v4 =	vadd.f32 v16, v4;
	v8 =	vmul.f32 v8, v8;
	v7 =	vnsel vm7, $0x0, v15  }
0x2b7: {  	s11 =	sor.u32 s26, s9;
	v3 =	vadd.f32 v15, v3;
	v5 =	vadd.f32 v7, v5;
	v7 =	vsel vm6, $0x3F800000, v1  }
0x2b8: {  	v17 =	vld [tilespmem:s11+$0x2070];
	v16 =	vmul.f32 v6, v6;
	v4 =	vadd.f32 v7, v4;
	v7 =	vnsel vm6, $0x0, v8  }
0x2b9: {  	v18 =	vld [tilespmem:s11+$0x8070];
	v6 =	vsel vm5, $0x3F800000, v1;
	v3 =	vadd.f32 v8, v3;
	v5 =	vadd.f32 v7, v5  }
0x2ba: {  	v11 =	vmul.f32 v11, v11;
	v19 =	vld [tilespmem:s11+$0x2060];
	v4 =	vadd.f32 v6, v4;
	v6 =	vnsel vm5, $0x0, v16  }
0x2bb: {  	v62 =	vld [tilespmem:s11+$0x8060];
	v3 =	vadd.f32 v16, v3;
	v5 =	vadd.f32 v6, v5;
	v6 =	vsel vm4, $0x3F800000, v1  }
0x2bc: {  	v14 =	vmul.f32 v14, v14;
	v22 =	vld [tilespmem:s11+$0x2050];
	v4 =	vadd.f32 v6, v4;
	v6 =	vnsel vm4, $0x0, v11  }
0x2bd: {  	v23 =	vld [tilespmem:s11+$0x8050];
	v3 =	vadd.f32 v11, v3;
	v5 =	vadd.f32 v6, v5;
	v6 =	vsel vm3, $0x3F800000, v1  }
0x2be: {  	v63 =	vsel vm0, $0xFFFFFFFF, v13;
	v24 =	vld [tilespmem:s11+$0x2040];
	v4 =	vadd.f32 v6, v4;
	v6 =	vnsel vm3, $0x0, v61  }
0x2bf: {  	v25 =	vld [tilespmem:s11+$0x8040];
	v3 =	vadd.f32 v61, v3;
	v5 =	vadd.f32 v6, v5;
	v6 =	vsel vm2, $0x3F800000, v1  }
0x2c0: {  	v26 =	vld [tilespmem:s11+$0x2030];
	v7 =	vsel vm7, $0xFFFFFFFF, v15;
	v4 =	vadd.f32 v6, v4;
	v6 =	vnsel vm2, $0x0, v10  }
0x2c1: {  	v27 =	vld [tilespmem:s11+$0x8030];
	v3 =	vadd.f32 v10, v3;
	v5 =	vadd.f32 v6, v5;
	v6 =	vsel vm0, $0x3F800000, v1  }
0x2c2: {  	v9 =	vld [tilespmem:s11+$0x8020];
	v15 =	vsel vm6, $0xFFFFFFFF, v8;
	v4 =	vadd.f32 v6, v4;
	v6 =	vnsel vm0, $0x0, v13  }
0x2c3: {  	s9 =	simm.s32 $0x1A070;
	v28 =	vld [tilespmem:s11+$0x2000];
	v3 =	vadd.f32 v13, v3;
	v5 =	vadd.f32 v6, v5;
	v6 =	vsel vm1, $0x3F800000, v1  }
0x2c4: {  	v12 =	vld [tilespmem:s11+$0x8000];
	[tilespmem:s9+$0xFFFFFF90] =	vst v7;
	vm0 =	vgt.f32 v18, $0.0e+00;
	v6 =	vadd.f32 v6, v4;
	v4 =	vnsel vm1, $0x0, v14  }
0x2c5: {  	[tilespmem:s9+$0xFFFFFFA0] =	vst v15;
	v15 =	vld [tilespmem:s11+$0x8010];
	v8 =	vadd.f32 v14, v3;
	v3 =	vsel vm5, $0xFFFFFFFF, v16;
	v7 =	vadd.f32 v4, v5  }
0x2c6: {  	[tilespmem:s9+$0xFFFFFFF0] =	vst v63;
	v4 =	vsel vm4, $0xFFFFFFFF, v11;
	v11 =	vsel vm2, $0xFFFFFFFF, v10;
	v10 =	vsel vm1, $0xFFFFFFFF, v14;
	v14 =	vld [tilespmem:s11+$0x2010]  }
0x2c7: {  	v13 =	vsub.f32 v26, v27;
	v16 =	vld [tilespmem:s11+$0x2020];
	vm5 =	vgt.f32 v9, $0.0e+00;
	v5 =	vsel vm3, $0xFFFFFFFF, v61;
	[tilespmem:s9+$0xFFFFFFB0] =	vst v3  }
0x2c8: {  	vm1 =	vgt.f32 v62, $0.0e+00;
	v3 =	vsub.f32 v17, v18;
	vm3 =	vgt.f32 v25, $0.0e+00;
	[tilespmem:s9+$0xFFFFFFC0] =	vst v4  }
0x2c9: {  	vm2 =	vgt.f32 v23, $0.0e+00;
	v17 =	vsub.f32 v28, v12;
	v4 =	vsub.f32 v19, v62;
	[tilespmem:s9+$0xFFFFFFD0] =	vst v5  }
0x2ca: {  	s10 =	simm.s32 $0x8;
	vm4 =	vgt.f32 v27, $0.0e+00;
	v5 =	vsub.f32 v22, v23;
	[tilespmem:s9+$0xFFFFFFE0] =	vst v11;
	v11 =	vsub.f32 v24, v25  }
.LBB2_16:
0x2cb: {  	s10 =	sadd.s32 $0x8, s10;
	v17 =	vmul.f32 v17, v17;
	vm6 =	vgt.f32 v12, $0.0e+00;
	v12 =	vsub.f32 v14, v15;
	[tilespmem:s9+$0x0] =	vst v10  }
0x2cc: {  	vm7 =	vgt.f32 v15, $0.0e+00;
	s8 =	sadd.s32 $0x400, s8;
	s11 =	sshll.u32 s10, $0x4;
	p3 =	slt.u32 s10, $0x1F8;
	v10 =	vsel vm6, $0x3F800000, v1;
	v9 =	vsub.f32 v16, v9  }
0x2cd: {  	s12 =	sand.u32 $0xC00, s8;
	s13 =	sshll.u32 s10, $0x2;
	s11 =	sand.u32 $0x1000, s11;
	v6 =	vadd.f32 v10, v6;
	v10 =	vnsel vm6, $0x0, v17;
	v14 =	vmul.f32 v12, v12  }
0x2ce: {  	v8 =	vadd.f32 v17, v8;
	s11 =	sor.u32 s12, s11;
	s12 =	sand.u32 $0x380, s13;
	v7 =	vadd.f32 v10, v7;
	v10 =	vsel vm7, $0x3F800000, v1  }
0x2cf: {  	v15 =	vmul.f32 v9, v9;
	s11 =	sor.u32 s12, s11;
	v6 =	vadd.f32 v10, v6;
	v10 =	vnsel vm7, $0x0, v14  }
0x2d0: {  	v9 =	vsel vm5, $0x3F800000, v1;
	v8 =	vadd.f32 v14, v8;
	v18 =	vld [tilespmem:s11+$0x2070];
	v7 =	vadd.f32 v10, v7  }
0x2d1: {  	v10 =	vmul.f32 v13, v13;
	v19 =	vld [tilespmem:s11+$0x8070];
	v6 =	vadd.f32 v9, v6;
	v9 =	vnsel vm5, $0x0, v15  }
0x2d2: {  	v8 =	vadd.f32 v15, v8;
	v13 =	vld [tilespmem:s11+$0x2060];
	v7 =	vadd.f32 v9, v7;
	v9 =	vsel vm4, $0x3F800000, v1  }
0x2d3: {  	v11 =	vmul.f32 v11, v11;
	v20 =	vld [tilespmem:s11+$0x8060];
	v6 =	vadd.f32 v9, v6;
	v9 =	vnsel vm4, $0x0, v10  }
0x2d4: {  	v8 =	vadd.f32 v10, v8;
	v21 =	vld [tilespmem:s11+$0x2050];
	v7 =	vadd.f32 v9, v7;
	v9 =	vsel vm3, $0x3F800000, v1  }
0x2d5: {  	v5 =	vmul.f32 v5, v5;
	v22 =	vld [tilespmem:s11+$0x8050];
	v6 =	vadd.f32 v9, v6;
	v9 =	vnsel vm3, $0x0, v11  }
0x2d6: {  	v8 =	vadd.f32 v11, v8;
	v23 =	vld [tilespmem:s11+$0x2040];
	v7 =	vadd.f32 v9, v7;
	v9 =	vsel vm2, $0x3F800000, v1  }
0x2d7: {  	v4 =	vmul.f32 v4, v4;
	v24 =	vld [tilespmem:s11+$0x8040];
	v6 =	vadd.f32 v9, v6;
	v9 =	vnsel vm2, $0x0, v5  }
0x2d8: {  	v8 =	vadd.f32 v5, v8;
	v25 =	vld [tilespmem:s11+$0x2030];
	v7 =	vadd.f32 v9, v7;
	v9 =	vsel vm1, $0x3F800000, v1  }
0x2d9: {  	v3 =	vmul.f32 v3, v3;
	v12 =	vnsel vm1, $0x0, v4;
	v26 =	vld [tilespmem:s11+$0x8030];
	v6 =	vadd.f32 v9, v6  }
0x2da: {  	v8 =	vadd.f32 v4, v8;
	v9 =	vld [tilespmem:s11+$0x8020];
	v7 =	vadd.f32 v12, v7;
	v12 =	vsel vm0, $0x3F800000, v1  }
0x2db: {  	s9 =	sadd.s32 $0x80, s9;
	v16 =	vsel vm6, $0xFFFFFFFF, v17;
	v17 =	vnsel vm0, $0x0, v3;
	v27 =	vld [tilespmem:s11+$0x2000];
	v6 =	vadd.f32 v12, v6  }
0x2dc: {  	v8 =	vadd.f32 v3, v8;
	v12 =	vld [tilespmem:s11+$0x8000];
	[tilespmem:s9+$0xFFFFFF90] =	vst v16;
	v16 =	vsel vm7, $0xFFFFFFFF, v14;
	v7 =	vadd.f32 v17, v7  }
0x2dd: {  	v11 =	vsel vm3, $0xFFFFFFFF, v11;
	v17 =	vsel vm4, $0xFFFFFFFF, v10;
	v14 =	vld [tilespmem:s11+$0x2010];
	[tilespmem:s9+$0xFFFFFFA0] =	vst v16;
	v16 =	vsel vm5, $0xFFFFFFFF, v15  }
.Ltmp9:
0x2de: {  	v28 =	vsel vm2, $0xFFFFFFFF, v5;
	v29 =	vsel vm1, $0xFFFFFFFF, v4;
	v10 =	vsel vm0, $0xFFFFFFFF, v3;
	v15 =	vld [tilespmem:s11+$0x8010];
	[tilespmem:s9+$0xFFFFFFB0] =	vst v16;
	(pc) =	sbr.rel @p3 .LBB2_16-.Ltmp9, $4  }
0x2df: {  	vm1 =	vgt.f32 v20, $0.0e+00;
	v3 =	vsub.f32 v18, v19;
	vm0 =	vgt.f32 v19, $0.0e+00;
	v16 =	vld [tilespmem:s11+$0x2020];
	[tilespmem:s9+$0xFFFFFFC0] =	vst v17  }
0x2e0: {  	v4 =	vsub.f32 v13, v20;
	vm2 =	vgt.f32 v22, $0.0e+00;
	vm3 =	vgt.f32 v24, $0.0e+00;
	[tilespmem:s9+$0xFFFFFFD0] =	vst v11  }
0x2e1: {  	v5 =	vsub.f32 v21, v22;
	vm4 =	vgt.f32 v26, $0.0e+00;
	v17 =	vsub.f32 v27, v12;
	[tilespmem:s9+$0xFFFFFFE0] =	vst v28  }
0x2e2: {  	v13 =	vsub.f32 v25, v26;
	vm5 =	vgt.f32 v9, $0.0e+00;
	v11 =	vsub.f32 v23, v24;
	[tilespmem:s9+$0xFFFFFFF0] =	vst v29  }
0x2e3: {  	v17 =	vmul.f32 v17, v17;
	vm7 =	vgt.f32 v12, $0.0e+00;
	v42 =	vsub.f32 v14, v15  }
0x2e4: {  	vm6 =	vgt.f32 v15, $0.0e+00;
	v47 =	vsel vm5, $0x3F800000, v1;
	v49 =	vsel vm4, $0x3F800000, v1  }
0x2e5: {  	v51 =	vsel vm3, $0x3F800000, v1;
	v5 =	vmul.f32 v5, v5;
	v53 =	vsel vm2, $0x3F800000, v1  }
0x2e6: {  	v4 =	vmul.f32 v4, v4;
	v56 =	vsel vm1, $0x3F800000, v1;
	v43 =	vsel vm7, $0x3F800000, v1  }
0x2e7: {  	v9 =	vsub.f32 v16, v9;
	v45 =	vsel vm6, $0x3F800000, v1;
	v6 =	vadd.f32 v43, v6  }
0x2e8: {  	v44 =	vnsel vm7, $0x0, v17;
	v12 =	vmul.f32 v42, v42;
	v8 =	vadd.f32 v17, v8  }
0x2e9: {  	v3 =	vmul.f32 v3, v3;
	v7 =	vadd.f32 v44, v7;
	v6 =	vadd.f32 v45, v6  }
0x2ea: {  	v9 =	vmul.f32 v9, v9;
	v46 =	vnsel vm6, $0x0, v12;
	v8 =	vadd.f32 v12, v8  }
0x2eb: {  	v60 =	vsel vm0, $0x3F800000, v1;
	v7 =	vadd.f32 v46, v7;
	v6 =	vadd.f32 v47, v6  }
0x2ec: {  	v13 =	vmul.f32 v13, v13;
	v48 =	vnsel vm5, $0x0, v9;
	v8 =	vadd.f32 v9, v8  }
0x2ed: {  	v11 =	vmul.f32 v11, v11;
	v7 =	vadd.f32 v48, v7;
	v6 =	vadd.f32 v49, v6  }
0x2ee: {  	[tilespmem:s9+$0x0] =	vst v10;
	s8 =	sadd.s32 $0x80, s9;
	v54 =	vsel vm7, $0xFFFFFFFF, v17;
	v50 =	vnsel vm4, $0x0, v13;
	v8 =	vadd.f32 v13, v8  }
0x2ef: {  	v61 =	vsel vm0, $0xFFFFFFFF, v3;
	[tilespmem:s8+$0xFFFFFF90] =	vst v54;
	v7 =	vadd.f32 v50, v7;
	v6 =	vadd.f32 v51, v6  }
0x2f0: {  	v52 =	vnsel vm3, $0x0, v11;
	v57 =	vsel vm4, $0xFFFFFFFF, v13;
	[tilespmem:s8+$0x0] =	vst v61;
	v8 =	vadd.f32 v11, v8  }
0x2f1: {  	v59 =	vsel vm3, $0xFFFFFFFF, v11;
	[tilespmem:s8+$0xFFFFFFC0] =	vst v57;
	v7 =	vadd.f32 v52, v7;
	v6 =	vadd.f32 v53, v6  }
0x2f2: {  	v55 =	vnsel vm2, $0x0, v5;
	v12 =	vsel vm6, $0xFFFFFFFF, v12;
	[tilespmem:s8+$0xFFFFFFD0] =	vst v59;
	v8 =	vadd.f32 v5, v8  }
0x2f3: {  	[tilespmem:s8+$0xFFFFFFA0] =	vst v12;
	v9 =	vsel vm5, $0xFFFFFFFF, v9;
	v7 =	vadd.f32 v55, v7;
	v6 =	vadd.f32 v56, v6  }
0x2f4: {  	v58 =	vnsel vm1, $0x0, v4;
	[tilespmem:s8+$0xFFFFFFB0] =	vst v9;
	v5 =	vsel vm2, $0xFFFFFFFF, v5;
	v8 =	vadd.f32 v4, v8  }
0x2f5: {  	[tilespmem:s8+$0xFFFFFFE0] =	vst v5;
	v4 =	vsel vm1, $0xFFFFFFFF, v4;
	v7 =	vadd.f32 v58, v7;
	v5 =	vadd.f32 v60, v6  }
0x2f6: {  	[tilespmem:s8+$0xFFFFFFF0] =	vst v4;
	v6 =	vnsel vm0, $0x0, v3;
	v3 =	vadd.f32 v3, v8  }
0x2f7: {  	v4 =	vadd.f32 v6, v7;
	[tilespmem:$0x1C000] =	vst v5  }
0x2f8: {  	[tilespmem:$0x1C020] =	vst v3  }
0x2f9: {  	s11 =	simm.s32 $0x1C000;
	s8 =	rddreg [dreg:$0x18];
	[tilespmem:$0x1C010] =	vst v4  }
0x2fa: {  	[spmem:s8] =	stream.linear.scatter [tilespmem:s11], [sflag:$0x4], $0x30, $0x38;
	[tilespmem:$0x1C750] =	vst v63  }
0x2fb: {  	_ =	swait.ge [sflag:s1], $0x30  }
0x2fc: {  	[sflag:s1] =	ssyncset.done $0x0  }
0x2fd: {  	[sflag:s1] =	ssyncadd.s32 $0xFFFFFFD0  }
0x2fe: {  	[bflag:$0x0] =	sbarrier.arrive $0xFFFF  }
0x2ff: {  	s13 =	simm.s32 $0x1C0B0;
	s12 =	rddreg [dreg:$0x3]  }
0x300: {  	[tilespmem:s13], [sflag:$0x4] =	stream.linear.gather [spmem:s12], $0x300, $0x38;
	[tilespmem:$0x1C750] =	vst v63  }
0x301: {  	_ =	swait.ge [sflag:s1], $0x300  }
0x302: {  	[sflag:s1] =	ssyncset.done $0x0  }
0x303: {  	[sflag:s1] =	ssyncadd.s32 $0xFFFFFD00  }
0x304: {  	v3 =	vld [tilespmem:$0x1C0B0]  }
0x305: {  	v4 =	vld [tilespmem:$0x1C0C0]  }
0x306: {  	v5 =	vld [tilespmem:$0x1C0D0]  }
0x307: {  	v6 =	vld [tilespmem:$0x1C0E0]  }
0x308: {  	v7 =	vld [tilespmem:$0x1C0F0]  }
0x309: {  	v8 =	vld [tilespmem:$0x1C100]  }
0x30a: {  	v62 =	vld [tilespmem:$0x1C110]  }
0x30b: {  	v63 =	vld [tilespmem:$0x1C120]  }
0x30c: {  	v28 =	vld [tilespmem:$0x1C130]  }
0x30d: {  	v29 =	vld [tilespmem:$0x1C140]  }
0x30e: {  	v30 =	vld [tilespmem:$0x1C150]  }
0x30f: {  	v31 =	vld [tilespmem:$0x1C160]  }
0x310: {  	v32 =	vld [tilespmem:$0x1C170]  }
0x311: {  	v33 =	vld [tilespmem:$0x1C180]  }
0x312: {  	v34 =	vld [tilespmem:$0x1C190]  }
0x313: {  	v18 =	vld [tilespmem:$0x1C1A0]  }
0x314: {  	v19 =	vld [tilespmem:$0x1C1B0]  }
0x315: {  	v20 =	vld [tilespmem:$0x1C1C0]  }
0x316: {  	v21 =	vld [tilespmem:$0x1C1D0]  }
0x317: {  	v22 =	vld [tilespmem:$0x1C1E0]  }
0x318: {  	v23 =	vld [tilespmem:$0x1C1F0]  }
0x319: {  	v45 =	vld [tilespmem:$0x1C2F0]  }
0x31a: {  	v24 =	vld [tilespmem:$0x1C200]  }
0x31b: {  	v25 =	vld [tilespmem:$0x1C210];
	v3 =	vadd.f32 $0.0e+00, v3;
	v4 =	vadd.f32 $0.0e+00, v4  }
0x31c: {  	v26 =	vld [tilespmem:$0x1C220];
	v5 =	vadd.f32 $0.0e+00, v5;
	v36 =	vadd.f32 $0.0e+00, v32  }
0x31d: {  	v35 =	vld [tilespmem:$0x1C260];
	v38 =	vadd.f32 $0.0e+00, v33;
	v39 =	vadd.f32 $0.0e+00, v34  }
0x31e: {  	v37 =	vld [tilespmem:$0x1C270];
	v48 =	vadd.f32 $0.0e+00, v45;
	v3 =	vadd.f32 v6, v3  }
0x31f: {  	v40 =	vld [tilespmem:$0x1C280];
	v4 =	vadd.f32 v7, v4;
	v5 =	vadd.f32 v8, v5  }
0x320: {  	v6 =	vld [tilespmem:$0x1C230];
	v10 =	vadd.f32 v18, v36;
	v12 =	vadd.f32 v19, v38  }
0x321: {  	v41 =	vld [tilespmem:$0x1C290];
	v15 =	vadd.f32 v20, v39;
	v3 =	vadd.f32 v62, v3  }
0x322: {  	v7 =	vld [tilespmem:$0x1C240];
	v4 =	vadd.f32 v63, v4;
	v5 =	vadd.f32 v28, v5  }
0x323: {  	v8 =	vld [tilespmem:$0x1C250];
	v10 =	vadd.f32 v21, v10;
	v12 =	vadd.f32 v22, v12  }
0x324: {  	v42 =	vld [tilespmem:$0x1C2A0];
	v15 =	vadd.f32 v23, v15;
	v3 =	vadd.f32 v29, v3  }
0x325: {  	v43 =	vld [tilespmem:$0x1C2B0];
	v4 =	vadd.f32 v30, v4;
	v6 =	vadd.f32 $0.0e+00, v6  }
0x326: {  	v44 =	vld [tilespmem:$0x1C2C0];
	v5 =	vadd.f32 v31, v5;
	v10 =	vadd.f32 v24, v10  }
0x327: {  	v46 =	vld [tilespmem:$0x1C2D0];
	v7 =	vadd.f32 $0.0e+00, v7;
	(xrf2) =	vadd.scan.msk.f32 $0xffff, v3;
	v6 =	vadd.f32 v35, v6  }
0x328: {  	v12 =	vadd.f32 v25, v12;
	v3 =	vadd.f32 $0.0e+00, v8;
	v8 =	vld [tilespmem:$0x1C320];
	(xrf2) =	vadd.scan.msk.f32 $0xffff, v4  }
0x329: {  	v47 =	vld [tilespmem:$0x1C2E0];
	v7 =	vadd.f32 v37, v7;
	(xrf2) =	vadd.scan.msk.f32 $0xffff, v5;
	v5 =	vadd.f32 v41, v6  }
0x32a: {  	v4 =	vadd.f32 v26, v15;
	v3 =	vadd.f32 v40, v3;
	v6 =	vld [tilespmem:$0x1C350];
	(xrf2) =	vadd.scan.msk.f32 $0xffff, v10  }
0x32b: {  	v7 =	vadd.f32 v42, v7;
	(xrf2) =	vadd.scan.msk.f32 $0xffff, v12;
	v5 =	vadd.f32 v44, v5  }
0x32c: {  	v49 =	vld [tilespmem:$0x1C380];
	v3 =	vadd.f32 v43, v3;
	(xrf2) =	vadd.scan.msk.f32 $0xffff, v4  }
0x32d: {  	v4 =	vadd.f32 v46, v7;
	v7 =	vadd.f32 v8, v48;
	(xrf2) =	vadd.scan.msk.f32 $0xffff, v5;
	v5 =	vld [tilespmem:$0x1C300];
	_ =	sdelay $0x1  }
0x32e: {  	v3 =	vadd.f32 v47, v3;
	(xrf2) =	vadd.scan.msk.f32 $0xffff, v4;
	v4 =	vadd.f32 v6, v7;
	v6 =	vld [tilespmem:$0x1C330];
	_ =	sdelay $0x1  }
0x32f: {  	(xrf2) =	vadd.scan.msk.f32 $0xffff, v3;
	v3 =	vadd.f32 v49, v4  }
0x330: {  	v8 =	vld [tilespmem:$0x1C310];
	v5 =	vadd.f32 $0.0e+00, v5  }
0x331: {  	v7 =	vld [tilespmem:$0x1C360];
	v4, _, _ =	vpop (xrf2);
	(xrf2) =	vadd.scan.msk.f32 $0xffff, v3  }
0x332: {  	v5 =	vadd.f32 v6, v5;
	v6 =	vld [tilespmem:$0x1C340]  }
0x333: {  	v3 =	vld [tilespmem:$0x1C390];
	(v2sf) =	vpush v4, $0xF;
	v4, _, _ =	vpop (xrf2)  }
0x334: {  	v50, _, _ =	vpop (xrf2);
	(v2sf) =	vpush v4, $0xF  }
0x335: {  	v8 =	vadd.f32 $0.0e+00, v8;
	v51, _, _ =	vpop (xrf2);
	(v2sf) =	vpush v50, $0xF  }
0x336: {  	v52, _, _ =	vpop (xrf2);
	(v2sf) =	vpush v51, $0xF;
	v5 =	vadd.f32 v7, v5;
	v7 =	vld [tilespmem:$0x1C370]  }
0x337: {  	v53, _, _ =	vpop (xrf2);
	(v2sf) =	vpush v52, $0xF;
	v6 =	vadd.f32 v6, v8  }
0x338: {  	v54, _, _ =	vpop (xrf2);
	(v2sf) =	vpush v53, $0xF;
	v3 =	vadd.f32 v3, v5;
	v5 =	vld [tilespmem:$0x1C3A0]  }
0x339: {  	v55, _, _ =	vpop (xrf2);
	(v2sf) =	vpush v54, $0xF  }
0x33a: {  	(v2sf) =	vpush v55, $0xF;
	v8, _, _ =	vpop (xrf2)  }
0x33b: {  	(xrf2) =	vadd.scan.msk.f32 $0xffff, v3;
	(v2sf) =	vpush v8, $0xF;
	v3 =	vadd.f32 v7, v6;
	v6, _, _ =	vpop (xrf2)  }
0x33c: {  	(v2sf) =	vpush v6, $0xF  }
0x33d: {  	v3 =	vadd.f32 v5, v3;
	_ =	sdelay $0x1  }
0x33e: {  	(xrf2) =	vadd.scan.msk.f32 $0xffff, v3;
	_ =	sdelay $0x2  }
0x33f: {  	s14 =	spop (v2sf)  }
0x340: {  	s17 =	spop (v2sf)  }
0x341: {  	s8 =	scvt.f32.s32 s14;
	s18 =	spop (v2sf)  }
0x342: {  	v5, _, _ =	vpop (xrf2);
	s15 =	spop (v2sf)  }
0x343: {  	(v2sf) =	vpush v5, $0xF;
	s16 =	scvt.s32.f32 s8;
	s10 =	spop (v2sf)  }
0x344: {  	s20 =	ssub.s32 $0x40000, s8;
	s14 =	scvt.f32.s32 s15;
	s12 =	spop (v2sf)  }
0x345: {  	s13 =	scvt.s32.f32 s20;
	s11 =	spop (v2sf)  }
0x346: {  	s9 =	scvt.s32.f32 s14;
	s19 =	spop (v2sf);
	v7, _, _ =	vpop (xrf2)  }
0x347: {  	v3 =	vmov s16;
	s15 =	ssub.s32 $0x40000, s14;
	s22 =	scvt.f32.s32 s11;
	s21 =	spop (v2sf);
	(v2sf) =	vpush v7, $0xF  }
0x348: {  	(erf) = vrcp.f32 v3;
	v3 =	vmov s13;
	s26 =	scvt.s32.f32 s15;
	s23 =	spop (v2sf)  }
0x349: {  	(erf) = vrcp.f32 v3;
	v3 =	vmov s9;
	s16 =	ssub.s32 $0x40000, s22;
	s11 =	scvt.s32.f32 s22;
	s23 =	scvt.f32.s32 s23  }
0x34a: {  	(erf) = vrcp.f32 v3;
	v3 =	vmov s26;
	s26 =	scvt.s32.f32 s16  }
0x34b: {  	(erf) = vrcp.f32 v3;
	v3 =	vmov s11;
	s13 =	ssub.s32 $0x40000, s23;
	s9 =	scvt.s32.f32 s23  }
0x34c: {  	(erf) = vrcp.f32 v3;
	v3 =	vmov s26;
	s26 =	scvt.s32.f32 s13  }
0x34d: {  	s17 =	ssub.f32 s18, s17;
	(erf) = vrcp.f32 v3;
	v3 =	vmov s9  }
0x34e: {  	s10 =	ssub.f32 s12, s10;
	s11 =	smul.u32 $0x3, s14;
	s14 =	sshll.u32 s14, $0x2;
	(erf) = vrcp.f32 v3;
	v3 =	vmov s26  }
0x34f: {  	s19 =	ssub.f32 s21, s19;
	p4 =	sgt.s32 s14, $0x40000;
	(erf) = vrcp.f32 v3  }
0x350: {  	s14 =	smul.u32 $0x3, s22;
	s22 =	sshll.u32 s22, $0x2;
	s11 =	smov.u32 @p4 s15  }
0x351: {  	p1 =	sgt.s32 s11, $0x9;
	s9 =	smul.u32 $0x3, s8;
	s8 =	sshll.u32 s8, $0x2;
	v3 =	vpop (erf)  }
0x352: {  	p3 =	sgt.s32 s8, $0x40000;
	s8 =	smul.u32 $0x3, s23;
	s26 =	spop (v2sf);
	v56 =	vpop (erf)  }
0x353: {  	v4 =	vbroadcast v4, $0xF;
	s9 =	smov.u32 @p3 s20;
	p3 =	sgt.s32 s22, $0x40000;
	s22 =	sshll.u32 s23, $0x2;
	v6 =	vpop (erf)  }
0x354: {  	v11 =	vbroadcast v52, $0xF;
	v10 =	vbroadcast v53, $0xF;
	s14 =	smov.u32 @p3 s16;
	p6 =	sgt.s32 s9, $0x9;
	p0 =	slt.s32 s9, s20;
	v57 =	vpop (erf)  }
0x355: {  	v8 =	vbroadcast v8, $0xF;
	p5 =	sgt.s32 s22, $0x40000;
	s22 =	sld [smem:$0x7FB];
	p3 =	por !p6, !p0;
	v3 =	vmul.f32 v3, v4;
	v58 =	vpop (erf)  }
0x356: {  	s8 =	smov.u32 @p5 s13;
	p0 =	slt.s32 s11, $0xA;
	s23 =	spop (v2sf);
	v4 =	vmul.f32 v6, v11;
	v6 =	vbroadcast v55, $0xF;
	v59 =	vpop (erf)  }
0x357: {  	v60 =	vbroadcast v5, $0xF;
	v7 =	vbroadcast v7, $0xF;
	p6 =	slt.s32 s11, s15;
	p2 =	sgt.s32 s14, $0x9;
	s20 =	ssub.f32 s23, s26;
	v61 =	vpop (erf)  }
0x358: {  	p4 =	slt.s32 s14, s16;
	p3 =	por !p3, !p3;
	s12 =	simm.s32 @!p0 $0x0;
	v5 =	vmul.f32 v58, v6;
	v11 =	vmul.f32 s19, v59;
	v62 =	vpop (erf)  }
0x359: {  	p5 =	por !p1, !p6;
	p1 =	slt.s32 s14, $0xA;
	s12 =	simm.s32 @p0 $0x1;
	v6 =	vmul.f32 v61, v60;
	v13 =	vmul.f32 s20, v62  }
0x35a: {  	v8 =	vmul.f32 v8, v0;
	v7 =	vmul.f32 v7, v0;
	p6 =	slt.s32 s8, $0xA;
	p5 =	por !p5, !p5;
	[smem:$0x7F9] =	sst s12  }
0x35b: {  	p0 =	por !p2, !p4;
	v14 =	vmul.f32 s10, v57;
	s10 =	simm.s32 @!p3 $0x0;
	s21 =	sld [smem:$0x7F9];
	v11 =	vadd.f32 v11, v5;
	v13 =	vadd.f32 v13, v6  }
0x35c: {  	v10 =	vmul.f32 v10, v0;
	p2 =	sgt.s32 s8, $0x9;
	p4 =	slt.s32 s8, s13;
	s10 =	simm.s32 @p3 $0x1  }
0x35d: {  	v14 =	vadd.f32 v14, v4;
	v8 =	vpsel p1, v8, v11;
	p1 =	por p3, p5;
	v7 =	vpsel p6, v7, v13;
	p6 =	por !p0, !p0;
	p0 =	por !p2, !p4  }
0x35e: {  	p4 =	seq.s32 s21, $0x1;
	p3 =	por !p0, !p0;
	p0 =	seq.s32 s22, $0x1  }
0x35f: {  	v10 =	vpsel p4, v10, v14;
	p4 =	por p0, p0;
	v7 =	vpsel p0, v8, v7;
	p0 =	por p1, p6  }
0x360: {  	v9 =	vbroadcast v50, $0xF;
	v12 =	vmul.f32 s17, v56;
	s23 =	sld [smem:$0x7FC];
	p0 =	por p0, p3  }
.Ltmp10:
0x361: {  	s26 =	sld [smem:$0x7FD];
	(pc) =	sbr.rel @!p0 .LBB2_18-.Ltmp10, $4  }
0x362: {  	v9 =	vmul.f32 v9, v0;
	v63 =	vadd.f32 v12, v3  }
0x363: {  	p2 =	slt.s32 s9, $0xA;
	p1 =	seq.s32 s23, $0x1  }
0x364: {  	v8 =	vpsel p2, v9, v63;
	p2 =	seq.s32 s26, $0x1;
	v7 =	vpsel p1, v10, v7  }
0x365: {  	[smem:$0x7F8] =	sst s10;
	v7 =	vpsel p2, v8, v7  }
0x366: {  	s8 =	smov.u32 @p4 s14  }
0x367: {  	s8 =	smov.u32 @p1 s11  }
0x368: {  	s10 =	simm.s32 $0x0;
	s8 =	smov.u32 @p2 s9;
	s9 =	simm.s32 $0x0  }
.LBB2_20:
0x369: {  	s11 =	sshrl.u32 s31, s10;
	s13 =	simm.s32 $0x0  }
0x36a: {  	s11 =	sor.u32 s11, s9;
	v10 =	vld [tilespmem:s13+$0xC000]  }
0x36b: {  	v8 =	vimm.s32 $0x0;
	s12 =	simm.s32 $0x40;
	v9 =	vmov s11  }
.LBB2_21:
0x36c: {  	p0 =	sne.s32 s12, $0x3FFC0  }
.Ltmp11:
0x36d: {  	_ = 	snop;
	(pc) =	sbr.rel @p0 .LBB2_21-.Ltmp11, $4  }
0x36e: {  	_ = 	snop  }
0x36f: {  	s13 =	sshra.s32 s12, $0x2;
	s12 =	sadd.s32 $0x40, s12;
	vm0 =	vge.s32 v10, v9  }
0x370: {  	v10 =	vld [tilespmem:s13+$0xC000];
	v11 =	vsel vm0, $0x1, v2  }
0x371: {  	v8 =	vadd.s32 v11, v8  }
0x372: {  	_ =	sdelay $0x2  }
0x373: {  	vm0 =	vge.s32 v10, v9  }
0x374: {  	v9 =	vsel vm0, $0x1, v2  }
0x375: {  	v8 =	vadd.s32 v9, v8  }
0x376: {  	[tilespmem:$0x1C3B0] =	vst v8  }
0x377: {  	[spmem:s24] =	stream.linear.scatter [tilespmem:s0], [sflag:$0x4], $0x10, $0x38;
	[tilespmem:$0x1C750] =	vst v63  }
0x378: {  	_ =	swait.ge [sflag:s1], $0x10  }
0x379: {  	[sflag:s1] =	ssyncset.done $0x0  }
0x37a: {  	[sflag:s1] =	ssyncadd.s32 $0xFFFFFFF0  }
0x37b: {  	[bflag:$0x0] =	sbarrier.arrive $0xFFFF  }
0x37c: {  	[tilespmem:s6], [sflag:$0x4] =	stream.linear.gather [spmem:s3], $0x100, $0x38;
	[tilespmem:$0x1C750] =	vst v63  }
0x37d: {  	_ =	swait.ge [sflag:s1], $0x100  }
0x37e: {  	[sflag:s1] =	ssyncset.done $0x0  }
0x37f: {  	[sflag:s1] =	ssyncadd.s32 $0xFFFFFF00  }
0x380: {  	[bflag:$0x0] =	sbarrier.arrive $0xFFFF  }
0x381: {  	v8 =	vld [tilespmem:$0x1C440]  }
0x382: {  	v55 =	vld [tilespmem:$0x1C450]  }
0x383: {  	v56 =	vld [tilespmem:$0x1C460]  }
0x384: {  	v11 =	vld [tilespmem:$0x1C470]  }
0x385: {  	v12 =	vld [tilespmem:$0x1C480]  }
0x386: {  	v13 =	vld [tilespmem:$0x1C490]  }
0x387: {  	v14 =	vld [tilespmem:$0x1C4A0]  }
0x388: {  	v15 =	vld [tilespmem:$0x1C4B0]  }
0x389: {  	v16 =	vld [tilespmem:$0x1C4C0]  }
0x38a: {  	v17 =	vld [tilespmem:$0x1C4D0]  }
0x38b: {  	v18 =	vld [tilespmem:$0x1C4E0]  }
0x38c: {  	v19 =	vld [tilespmem:$0x1C4F0]  }
0x38d: {  	v20 =	vld [tilespmem:$0x1C500]  }
0x38e: {  	v21 =	vld [tilespmem:$0x1C510]  }
0x38f: {  	v22 =	vld [tilespmem:$0x1C520]  }
0x390: {  	v57 =	vld [tilespmem:$0x1C530];
	v8 =	vadd.s32 v8, v55  }
0x391: {  	v58 =	vadd.s32 v12, v13;
	v8 =	vadd.s32 v56, v8  }
0x392: {  	v59 =	vadd.s32 v16, v17;
	v10 =	vadd.s32 v14, v58;
	v8 =	vadd.s32 v11, v8  }
0x393: {  	v61 =	vadd.s32 v20, v21;
	v60 =	vadd.s32 v18, v59;
	(xrf0) =	vadd.scan.msk.s32 $0xffff, v8;
	v8 =	vadd.s32 v15, v10  }
0x394: {  	v62 =	vadd.s32 v22, v61;
	(xrf0) =	vadd.scan.msk.s32 $0xffff, v8;
	v8 =	vadd.s32 v19, v60  }
0x395: {  	(xrf0) =	vadd.scan.msk.s32 $0xffff, v8;
	v8 =	vadd.s32 v57, v62  }
0x396: {  	(xrf0) =	vadd.scan.msk.s32 $0xffff, v8;
	_ =	sdelay $0x2  }
0x397: {  	v8, _, _ =	vpop (xrf0)  }
0x398: {  	v63, _, _ =	vpop (xrf0);
	(v2sf) =	vpush v8, $0xF  }
0x399: {  	v8, _, _ =	vpop (xrf0);
	(v2sf) =	vpush v63, $0xF  }
0x39a: {  	(v2sf) =	vpush v8, $0xF;
	v8, _, _ =	vpop (xrf0)  }
0x39b: {  	(v2sf) =	vpush v8, $0xF;
	_ =	sdelay $0xb  }
0x39c: {  	s12 =	spop (v2sf)  }
0x39d: {  	s13 =	spop (v2sf)  }
0x39e: {  	s14 =	spop (v2sf)  }
0x39f: {  	s15 =	spop (v2sf)  }
0x3a0: {  	s15 =	smov.u32 @p4 s14  }
0x3a1: {  	s15 =	smov.u32 @p1 s13  }
0x3a2: {  	s15 =	smov.u32 @p2 s12  }
0x3a3: {  	s10 =	sadd.s32 $0x1, s10;
	p0 =	slt.s32 s15, s8  }
0x3a4: {  	s11 =	smov.u32 @p0 s9;
	p0 =	sne.s32 s10, $0x1F  }
.Ltmp12:
0x3a5: {  	_ = 	snop;
	(pc) =	sbr.rel @p0 .LBB2_20-.Ltmp12, $2  }
0x3a6: {  	_ =	sdelay $0x2  }
0x3a7: {  	s9 =	smov.u32 s11  }
0x3a8: {  	s10 =	simm.s32 $0x0  }
0x3a9: {  	v11 =	vld [tilespmem:s10+$0xC000]  }
0x3aa: {  	v10 =	vmov s11;
	v8 =	vimm.s32 $0x0;
	v9 =	vimm.f32 $0.0e+00;
	s9 =	simm.s32 $0x40  }
.LBB2_24:
0x3ab: {  	p0 =	sne.s32 s9, $0x3FFC0  }
.Ltmp13:
0x3ac: {  	_ = 	snop;
	(pc) =	sbr.rel @p0 .LBB2_24-.Ltmp13, $4  }
0x3ad: {  	_ = 	snop  }
0x3ae: {  	s10 =	sshra.s32 s9, $0x2;
	s9 =	sadd.s32 $0x40, s9;
	vm0 =	vgt.s32 v11, v10  }
0x3af: {  	v12 =	vsel vm0, $0x1, v2;
	v13 =	vnsel vm0, $0x0, v11;
	v11 =	vld [tilespmem:s10+$0xC000]  }
0x3b0: {  	v8 =	vadd.s32 v12, v8;
	v9 =	vadd.f32 v13, v9  }
0x3b1: {  	_ =	sdelay $0x2  }
0x3b2: {  	vm0 =	vgt.s32 v11, v10  }
0x3b3: {  	v10 =	vsel vm0, $0x1, v2;
	v11 =	vnsel vm0, $0x0, v11  }
0x3b4: {  	v8 =	vadd.s32 v10, v8;
	v9 =	vadd.f32 v11, v9  }
0x3b5: {  	[tilespmem:$0x1C3B0] =	vst v8  }
0x3b6: {  	[tilespmem:$0x1C540] =	vst v9  }
0x3b7: {  	[spmem:s24] =	stream.linear.scatter [tilespmem:s0], [sflag:$0x4], $0x10, $0x38;
	[tilespmem:$0x1C750] =	vst v63  }
0x3b8: {  	_ =	swait.ge [sflag:s1], $0x10  }
0x3b9: {  	[sflag:s1] =	ssyncset.done $0x0  }
0x3ba: {  	s10 =	simm.s32 $0x1C540;
	s9 =	rddreg [dreg:$0x19];
	[sflag:s1] =	ssyncadd.s32 $0xFFFFFFF0  }
0x3bb: {  	[spmem:s9] =	stream.linear.scatter [tilespmem:s10], [sflag:$0x4], $0x10, $0x38;
	[tilespmem:$0x1C750] =	vst v63  }
0x3bc: {  	_ =	swait.ge [sflag:s1], $0x10  }
0x3bd: {  	[sflag:s1] =	ssyncset.done $0x0  }
0x3be: {  	[sflag:s1] =	ssyncadd.s32 $0xFFFFFFF0  }
0x3bf: {  	[bflag:$0x0] =	sbarrier.arrive $0xFFFF  }
0x3c0: {  	[tilespmem:s6], [sflag:$0x4] =	stream.linear.gather [spmem:s3], $0x100, $0x38;
	[tilespmem:$0x1C750] =	vst v63  }
0x3c1: {  	_ =	swait.ge [sflag:s1], $0x100  }
0x3c2: {  	[sflag:s1] =	ssyncset.done $0x0  }
0x3c3: {  	[sflag:s1] =	ssyncadd.s32 $0xFFFFFF00  }
0x3c4: {  	s23 =	simm.s32 $0x1C5D0;
	s22 =	rddreg [dreg:$0x5]  }
0x3c5: {  	[tilespmem:s23], [sflag:$0x4] =	stream.linear.gather [spmem:s22], $0x100, $0x38;
	[tilespmem:$0x1C750] =	vst v63  }
0x3c6: {  	_ =	swait.ge [sflag:s1], $0x100  }
0x3c7: {  	[sflag:s1] =	ssyncset.done $0x0  }
0x3c8: {  	[sflag:s1] =	ssyncadd.s32 $0xFFFFFF00  }
0x3c9: {  	v8 =	vld [tilespmem:$0x1C440]  }
0x3ca: {  	v38 =	vld [tilespmem:$0x1C5D0]  }
0x3cb: {  	v39 =	vld [tilespmem:$0x1C450]  }
0x3cc: {  	v40 =	vld [tilespmem:$0x1C5E0]  }
0x3cd: {  	v12 =	vld [tilespmem:$0x1C460]  }
0x3ce: {  	v13 =	vld [tilespmem:$0x1C5F0]  }
0x3cf: {  	v14 =	vld [tilespmem:$0x1C470]  }
0x3d0: {  	v15 =	vld [tilespmem:$0x1C600]  }
0x3d1: {  	v16 =	vld [tilespmem:$0x1C480]  }
0x3d2: {  	v17 =	vld [tilespmem:$0x1C610]  }
0x3d3: {  	v18 =	vld [tilespmem:$0x1C490]  }
0x3d4: {  	v19 =	vld [tilespmem:$0x1C620]  }
0x3d5: {  	v20 =	vld [tilespmem:$0x1C4A0]  }
0x3d6: {  	v21 =	vld [tilespmem:$0x1C630]  }
0x3d7: {  	v22 =	vld [tilespmem:$0x1C4B0]  }
0x3d8: {  	v23 =	vld [tilespmem:$0x1C640]  }
0x3d9: {  	v24 =	vld [tilespmem:$0x1C4C0]  }
0x3da: {  	v25 =	vld [tilespmem:$0x1C650]  }
0x3db: {  	v26 =	vld [tilespmem:$0x1C4D0]  }
0x3dc: {  	v27 =	vld [tilespmem:$0x1C660]  }
0x3dd: {  	v41 =	vld [tilespmem:$0x1C4E0];
	v9 =	vadd.f32 $0.0e+00, v38  }
0x3de: {  	v28 =	vld [tilespmem:$0x1C670]  }
0x3df: {  	v42 =	vld [tilespmem:$0x1C4F0];
	v17 =	vadd.f32 $0.0e+00, v17;
	v9 =	vadd.f32 v40, v9  }
0x3e0: {  	v44 =	vld [tilespmem:$0x1C680];
	v43 =	vadd.f32 $0.0e+00, v25  }
0x3e1: {  	v45 =	vld [tilespmem:$0x1C500];
	v17 =	vadd.f32 v19, v17;
	v9 =	vadd.f32 v13, v9  }
0x3e2: {  	v46 =	vld [tilespmem:$0x1C690];
	v19 =	vadd.f32 v27, v43  }
0x3e3: {  	v47 =	vld [tilespmem:$0x1C510];
	v8 =	vadd.s32 v8, v39;
	v17 =	vadd.f32 v21, v17;
	v9 =	vadd.f32 v15, v9  }
0x3e4: {  	v50 =	vld [tilespmem:$0x1C6A0];
	v52 =	vadd.s32 v16, v18;
	v8 =	vadd.s32 v12, v8  }
0x3e5: {  	v51 =	vld [tilespmem:$0x1C520];
	v8 =	vadd.s32 v14, v8;
	v49 =	vadd.f32 v28, v19;
	v48 =	vadd.f32 v23, v17;
	(xrf2) =	vadd.scan.msk.f32 $0xffff, v9  }
0x3e6: {  	v54 =	vld [tilespmem:$0x1C6B0];
	(xrf0) =	vadd.scan.msk.s32 $0xffff, v8;
	v8 =	vadd.s32 v20, v52  }
0x3e7: {  	v56 =	vld [tilespmem:$0x1C530];
	v8 =	vadd.s32 v22, v8;
	v53 =	vadd.f32 v44, v49;
	(xrf2) =	vadd.scan.msk.f32 $0xffff, v48  }
0x3e8: {  	v55 =	vadd.f32 $0.0e+00, v46;
	v57 =	vadd.s32 v24, v26;
	(xrf0) =	vadd.scan.msk.s32 $0xffff, v8  }
0x3e9: {  	v58 =	vld [tilespmem:$0x1C6C0];
	v8 =	vadd.s32 v41, v57;
	(xrf2) =	vadd.scan.msk.f32 $0xffff, v53  }
0x3ea: {  	v60 =	vadd.s32 v45, v47;
	v59 =	vadd.f32 v50, v55;
	v8 =	vadd.s32 v42, v8  }
0x3eb: {  	(xrf0) =	vadd.scan.msk.s32 $0xffff, v8;
	v8 =	vadd.s32 v51, v60  }
0x3ec: {  	v10 =	vadd.f32 v54, v59;
	v8 =	vadd.s32 v56, v8;
	_ =	sdelay $0x1  }
0x3ed: {  	v9 =	vadd.f32 v58, v10;
	v61, _, _ =	vpop (xrf0);
	(xrf0) =	vadd.scan.msk.s32 $0xffff, v8  }
0x3ee: {  	(v2sf) =	vpush v61, $0xF;
	v8, _, _ =	vpop (xrf2)  }
0x3ef: {  	v62, _, _ =	vpop (xrf0);
	(xrf2) =	vadd.scan.msk.f32 $0xffff, v9;
	(v2sf) =	vpush v8, $0xF  }
0x3f0: {  	v8, _, _ =	vpop (xrf2);
	(v2sf) =	vpush v62, $0xF  }
0x3f1: {  	v63, _, _ =	vpop (xrf0);
	(v2sf) =	vpush v8, $0xF  }
0x3f2: {  	v8, _, _ =	vpop (xrf2);
	(v2sf) =	vpush v63, $0xF  }
0x3f3: {  	(v2sf) =	vpush v8, $0xF;
	v8, _, _ =	vpop (xrf0)  }
0x3f4: {  	(v2sf) =	vpush v8, $0xF;
	_ =	sdelay $0x4  }
0x3f5: {  	v8, _, _ =	vpop (xrf2)  }
0x3f6: {  	(v2sf) =	vpush v8, $0xF;
	_ =	sdelay $0x2  }
0x3f7: {  	s9 =	spop (v2sf)  }
0x3f8: {  	s10 =	spop (v2sf)  }
0x3f9: {  	s12 =	spop (v2sf)  }
0x3fa: {  	s13 =	spop (v2sf)  }
0x3fb: {  	s14 =	spop (v2sf)  }
0x3fc: {  	s8 =	scvt.s32.f32 s8;
	s15 =	spop (v2sf)  }
0x3fd: {  	s16 =	spop (v2sf)  }
0x3fe: {  	v8 =	vmov s8;
	s16 =	smov.u32 @p4 s14  }
0x3ff: {  	(erf) = vrcp.f32 v8;
	s16 =	smov.u32 @p1 s12  }
0x400: {  	s16 =	smov.u32 @p2 s9  }
0x401: {  	s9 =	scvt.s32.f32 s16;
	_ =	sdelay $0x1  }
0x402: {  	s12 =	spop (v2sf);
	s8 =	ssub.f32 s8, s9  }
0x403: {  	s12 =	smov.u32 @p4 s15  }
0x404: {  	s12 =	smov.u32 @p1 s13;
	s8 =	smul.f32 s11, s8  }
0x405: {  	s12 =	smov.u32 @p2 s10  }
0x406: {  	s8 =	sadd.f32 s8, s12  }
0x407: {  	v5 =	vpsel p4, v5, v6;
	s26 =	sld [smem:$0x7F8];
	v6 =	vpop (erf)  }
.Ltmp14:
0x408: {  	v4 =	vpsel p1, v4, v5;
	v5 =	vmul.f32 s8, v6;
	(pc) =	sbr.rel .LBB2_26-.Ltmp14, $4  }
0x409: {  	p6 =	por @!p4 p3, p3;
	v3 =	vpsel p2, v3, v4  }
0x40a: {  	p5 =	por @!p1 p6, p6;
	p0 =	seq.s32 s26, $0x1;
	v3 =	vadd.f32 v5, v3  }
0x40b: {  	p0 =	por @!p2 p5, p5  }
0x40c: {  	s15 =	simm.s32 $0xA000;
	v7 =	vpsel p0, v3, v7  }
.LBB2_27:
0x40d: {  	_ =	sfence.sel $0x180000  }
0x40e: {  	[bflag:$0x0] =	sbarrier.arrive $0xFFFF  }
0x40f: {  	_ =	strace $0x90000047  }
0x410: {  	s0 =	stileid.u32;
	[bflag:$0x2] =	sbarrier.arrive $0xFFFF  }
0x411: {  	p0 =	sne.s32 s0, $0x0;
	s0 =	rddreg [dreg:$0x6]  }
0x412: {  	s0 =	sadd.s32 @!p0 $0x100000, s0  }
0x413: {  	[sflag:s0] =	ssyncadd.tile.s32 @!p0 $0x1;
	_ =	shalt  }
.Lfunc_end2:
_tile_overlayer_lowered:
.L_overlay_start_2:
0x414: {  	(tag) =	ssettag $0x2  }
0x415: {  	s0 =	rddreg [dreg:$0x0];
	s2 =	stileid.u32  }
0x416: {  	s1 =	rddreg [dreg:$0x1];
	p0 =	sne.s32 s2, $0x0  }
0x417: {  	s3 =	rddreg [dreg:$0x2];
	[bflag:$0x3] =	sbarrier.arrive $0xFFFF;
	s2 =	simm.s32 @!p0 $0x1C04  }
0x418: {  	[timem:s3], [sflag:s2] =	dma.local @!p0 [hbm:s0], s1  }
0x419: {  	s0 =	simm.s32 @!p0 $0x4  }
0x41a: {  	_ =	swait.ge @!p0 [sflag:s0], s1  }
0x41b: {  	s1 =	ssub.s32 @!p0 $0x0, s1;
	[sflag:s0] =	ssyncset.done @!p0 $0x0  }
0x41c: {  	[sflag:s0] =	ssyncadd.s32 @!p0 s1  }
0x41d: {  	[bflag:$0x3] =	sbarrier.arrive $0xFFFF  }
0x41e: {  	_ =	shalt  }

</sc_bundles>
